<compile_context>
chip_gen: v7x
topology: tpu7x:2x2x1
jax: 0.10.2.dev20260603
libtpu: 0.0.44.dev20260713+nightly
codegen_flags: <defaults>
</compile_context>

<pallas_src>
import functools

import jax
import jax.numpy as jnp
from jax import lax
from jax.experimental import pallas as pl
from jax.experimental.pallas import tpu as pltpu
from jax.experimental.pallas import tpu_sc as plsc

_NUM_CORES = 2
_NUM_SUBCORES = 16
_NUM_WORKERS = _NUM_CORES * _NUM_SUBCORES
_CHUNK = 256
_L = 16


def _emb_lookup(ids2_t, w2, b, h, d):
    span = b // _NUM_WORKERS
    nsub = span // _CHUNK
    niter = h * nsub
    assert niter % 4 == 0 and d == 64 and _CHUNK % 128 == 0
    mesh = plsc.VectorSubcoreMesh(core_axis_name="c", subcore_axis_name="s")

    @functools.partial(
        pl.kernel,
        out_type=jax.ShapeDtypeStruct((h, d // 8, b // 128, 8, 128), jnp.float32),
        mesh=mesh,
        scratch_types=[
            pltpu.VMEM((4, _CHUNK), jnp.int32),
            pltpu.VMEM((2, _CHUNK, d), jnp.float32),
            pltpu.VMEM((2, d // 8, _CHUNK // 128, 8, 129), jnp.float32),
            pltpu.SemaphoreType.DMA((4,)),
            pltpu.SemaphoreType.DMA((2,)),
            pltpu.SemaphoreType.DMA((2,)),
        ],
        compiler_params=pltpu.CompilerParams(
            use_tc_tiling_on_sc=False, needs_layout_passes=False
        ),
    )
    def emb(ids_hbm, w_hbm, out_hbm, idx_v, rows_v, rt_v, isem, gsem, ssem):
        wid = lax.axis_index("s") * _NUM_CORES + lax.axis_index("c")
        base = wid * span

        def ids_slice(it):
            return ids_hbm.at[
                it // nsub, pl.ds(base + (it % nsub) * _CHUNK, _CHUNK)
            ]

        def start_idx(it, s):
            pltpu.async_copy(ids_slice(it), idx_v.at[s], isem.at[s])

        def wait_idx(s):
            pltpu.make_async_copy(ids_slice(0), idx_v.at[s], isem.at[s]).wait()

        def start_gather(s, p):
            pltpu.async_copy(w_hbm.at[idx_v.at[s]], rows_v.at[p], gsem.at[p])

        def wait_gather(p):
            pltpu.make_async_copy(
                w_hbm.at[idx_v.at[0]], rows_v.at[p], gsem.at[p]
            ).wait()

        def out_slice(it):
            tc = base // 128 + (it % nsub) * (_CHUNK // 128)
            return out_hbm.at[it // nsub, :, pl.ds(tc, _CHUNK // 128), :, :]

        def rt_view(p):
            return rt_v.at[p, :, :, :, pl.ds(0, 128)]

        def start_store(it, p):
            pltpu.async_copy(rt_view(p), out_slice(it), ssem.at[p])

        def wait_store(it, p):
            pltpu.make_async_copy(rt_view(p), out_slice(it), ssem.at[p]).wait()

        lanes = jnp.arange(_L, dtype=jnp.int32)
        dhi = lanes // 8
        dlo = lanes % 8

        def transpose(p):
            rows = rows_v.at[p]
            rt = rt_v.at[p]

            @plsc.parallel_loop(0, _CHUNK, unroll=4)
            def _(v):
                cvec = jnp.full((_L,), v // 128, jnp.int32)
                vvec = jnp.full((_L,), v % 128, jnp.int32)
                for g in range(d // _L):
                    vals = rows[v, pl.ds(g * _L, _L)]
                    plsc.store_scatter(rt, [2 * g + dhi, cvec, dlo, vvec], vals)

        for s in range(4):
            start_idx(s, s)
        wait_idx(0)
        start_gather(0, 0)
        wait_idx(1)
        start_gather(1, 1)

        @pl.loop(0, niter, step=4)
        def _(t):
            for p in range(4):
                it = t + p
                bb = p % 2
                wait_gather(bb)

                @pl.when(it >= 2)
                def _():
                    wait_store(it - 2, bb)

                transpose(bb)
                start_store(it, bb)

                @pl.when(it + 2 < niter)
                def _():
                    wait_idx((p + 2) % 4)
                    start_gather((p + 2) % 4, bb)

                @pl.when(it + 4 < niter)
                def _():
                    start_idx(it + 4, p)

        wait_store(niter - 2, 0)
        wait_store(niter - 1, 1)

    return emb(ids2_t, w2)


def kernel(ids, weight):
    b, h = ids.shape
    v, d = weight.shape
    w2 = jnp.pad(weight, ((0, 0), (0, 128 - d))).reshape(2 * v, d)
    ids2_t = jnp.transpose(ids).astype(jnp.int32) * 2
    out5 = _emb_lookup(ids2_t, w2, b, h, d)
    out = out5.transpose(0, 1, 3, 2, 4).reshape(h, d, b)
    return jnp.transpose(out, (2, 0, 1))

# --- scband reference (transcript-rebuilt; emitter-appended) ---
"""Pipeline reference for scband-parallel-embedding-12000138625730 (READ-ONLY COPY).

The authoritative reference and input builder live on the scoring server;
editing this copy changes nothing except your own understanding.
"""

import jax, jax.numpy as jnp
import numpy as np

NUM_EMBEDDINGS = 1000000
EMBEDDING_DIM = 64
BATCH = 16384
HIST = 50


def setup_inputs(seed: int = 0) -> dict:
    key = jax.random.key(seed)
    k_ids, k_w = jax.random.split(key)
    ids = jax.random.randint(k_ids, (BATCH, HIST), 0, NUM_EMBEDDINGS, dtype=jnp.int64 if jax.config.jax_enable_x64 else jnp.int32)
    weight = jax.random.normal(k_w, (NUM_EMBEDDINGS, EMBEDDING_DIM), dtype=jnp.float32) * 0.02
    return {"ids": ids, "weight": weight}


def reference(ids, weight):
    # ParallelEmbedding with world_size=1: plain embedding lookup.
    # padding_idx=-1 and max_norm=0 mean no padding zeroing and no renorm in PMX semantics.
    out = jnp.take(weight, ids, axis=0)
    return out

if __name__ == "__main__":
    import jax
    _d = setup_inputs()
    print(jax.jit(kernel)(*tuple(_d.values())))

</pallas_src>

<mosaic_0001>
#map = affine_map<(d0, d1) -> (0, 0)>
#map1 = affine_map<(d0, d1) -> (0, 0, 0, 0, 0)>
module attributes {stable_mosaic.version = 14 : i64} {
  func.func @emb(%arg0: i32, %arg1: i32, %arg2: memref<50x16384xi32, #tpu.memory_space<hbm>>, %arg3: memref<2000000x64xf32, #tpu.memory_space<hbm>>, %arg4: memref<50x8x128x8x128xf32, #tpu.memory_space<hbm>>, %arg5: memref<4x256xi32, #tpu.memory_space<vmem>>, %arg6: memref<2x256x64xf32, #tpu.memory_space<vmem>>, %arg7: memref<2x8x2x8x129xf32, #tpu.memory_space<vmem>>, %arg8: memref<4x!tpu.dma_semaphore, #tpu.memory_space<semaphore_mem>>, %arg9: memref<2x!tpu.dma_semaphore, #tpu.memory_space<semaphore_mem>>, %arg10: memref<2x!tpu.dma_semaphore, #tpu.memory_space<semaphore_mem>>) attributes {dimension_semantics = [#tpu.dimension_semantics<core_parallel>, #tpu.dimension_semantics<subcore_parallel>], iteration_bounds = array<i64: 2, 16>, scalar_prefetch = 0 : i64, scratch_operands = 6 : i64, tpu.core_type = #tpu.core_type<sc_vector_subcore>, window_params = [{transform_indices = #map}, {transform_indices = #map}, {transform_indices = #map1}]} {
    %mul3A = arith.constant 2 : i32
    %mul3A_0 = arith.muli %arg1, %mul3A : i32
    %add3A = arith.addi %mul3A_0, %arg0 : i32
    %mul3A_1 = arith.constant 512 : i32
    %mul3A_2 = arith.muli %add3A, %mul3A_1 : i32
    %iota3A = tpu.iota {dimensions = array<i32: 0>} : vector<16xi32>
    %jit3A = arith.constant 8 : i32
    %div3A = vector.broadcast %jit3A : i32 to vector<16xi32>
    %div3A_3 = arith.divsi %iota3A, %div3A : vector<16xi32>
    %sign3A = arith.constant 0 : i32
    %sign3A_4 = vector.broadcast %sign3A : i32 to vector<16xi32>
    %sign3A_5 = arith.cmpi sgt, %iota3A, %sign3A_4 : vector<16xi32>
    %sign3A_6 = arith.extui %sign3A_5 : vector<16xi1> to vector<16xi32>
    %sign3A_7 = arith.constant 0 : i32
    %sign3A_8 = vector.broadcast %sign3A_7 : i32 to vector<16xi32>
    %sign3A_9 = arith.cmpi slt, %iota3A, %sign3A_8 : vector<16xi32>
    %sign3A_10 = arith.extui %sign3A_9 : vector<16xi1> to vector<16xi32>
    %sign3A_11 = arith.subi %sign3A_6, %sign3A_10 : vector<16xi32>
    %sign3A_12 = arith.constant 0 : i32
    %sign3A_13 = arith.cmpi sgt, %jit3A, %sign3A_12 : i32
    %sign3A_14 = arith.extui %sign3A_13 : i1 to i32
    %sign3A_15 = arith.constant 0 : i32
    %sign3A_16 = arith.cmpi slt, %jit3A, %sign3A_15 : i32
    %sign3A_17 = arith.extui %sign3A_16 : i1 to i32
    %sign3A_18 = arith.subi %sign3A_14, %sign3A_17 : i32
    %ne3A = vector.broadcast %sign3A_18 : i32 to vector<16xi32>
    %ne3A_19 = arith.cmpi ne, %sign3A_11, %ne3A : vector<16xi32>
    %rem3A = vector.broadcast %jit3A : i32 to vector<16xi32>
    %rem3A_20 = arith.remsi %iota3A, %rem3A : vector<16xi32>
    %ne3A_21 = arith.constant 0 : i32
    %ne3A_22 = vector.broadcast %ne3A_21 : i32 to vector<16xi32>
    %ne3A_23 = arith.cmpi ne, %rem3A_20, %ne3A_22 : vector<16xi32>
    %and3A = arith.andi %ne3A_19, %ne3A_23 : vector<16xi1>
    %sub3A = arith.constant 1 : i32
    %sub3A_24 = vector.broadcast %sub3A : i32 to vector<16xi32>
    %sub3A_25 = arith.subi %div3A_3, %sub3A_24 : vector<16xi32>
    %select_n3A = arith.select %and3A, %sub3A_25, %div3A_3 : vector<16xi1>, vector<16xi32>
    %jit3A_26 = arith.constant 8 : i32
    %eq3A = arith.constant 0 : i32
    %eq3A_27 = arith.cmpi eq, %jit3A_26, %eq3A : i32
    %jit3A_28 = arith.constant 1 : i32
    %select_n3A_29 = arith.select %eq3A_27, %jit3A_28, %jit3A_26 : i32
    %rem3A_30 = vector.broadcast %select_n3A_29 : i32 to vector<16xi32>
    %rem3A_31 = arith.remsi %iota3A, %rem3A_30 : vector<16xi32>
    %ne3A_32 = arith.constant 0 : i32
    %ne3A_33 = vector.broadcast %ne3A_32 : i32 to vector<16xi32>
    %ne3A_34 = arith.cmpi ne, %rem3A_31, %ne3A_33 : vector<16xi32>
    %lt3A = arith.constant 0 : i32
    %lt3A_35 = vector.broadcast %lt3A : i32 to vector<16xi32>
    %lt3A_36 = arith.cmpi slt, %rem3A_31, %lt3A_35 : vector<16xi32>
    %lt3A_37 = arith.constant 0 : i32
    %lt3A_38 = arith.cmpi slt, %select_n3A_29, %lt3A_37 : i32
    %ne3A_39 = vector.broadcast %lt3A_38 : i1 to vector<16xi1>
    %ne3A_40 = vector.broadcast %ne3A_39 : vector<16xi1> to vector<16xi1>
    %ne3A_41 = arith.xori %lt3A_36, %ne3A_40 : vector<16xi1>
    %and3A_42 = arith.andi %ne3A_41, %ne3A_34 : vector<16xi1>
    %add3A_43 = vector.broadcast %select_n3A_29 : i32 to vector<16xi32>
    %add3A_44 = arith.addi %rem3A_31, %add3A_43 : vector<16xi32>
    %select_n3A_45 = arith.select %and3A_42, %add3A_44, %rem3A_31 : vector<16xi1>, vector<16xi32>
    %add3A_46 = arith.constant 0 : i32
    %add3A_47 = arith.addi %mul3A_2, %add3A_46 : i32
    %dma_start3A = arith.constant 0 : i32
    %dma_start3A_48 = arith.constant 0 : i32
    %dma_start3A_49 = arith.constant 0 : i32
    %dma_start3A_50 = arith.constant 0 : i32
    %dma_start3A_51 = tpu.memref_slice %arg5[%dma_start3A_48, %dma_start3A_50] : memref<4x256xi32, #tpu.memory_space<vmem>> -> memref<1x256xi32, #tpu.memory_space<vmem>>
    %dma_start3A_52 = tpu.memref_squeeze %dma_start3A_51 : memref<1x256xi32, #tpu.memory_space<vmem>> -> memref<256xi32, #tpu.memory_space<vmem>>
    %dma_start3A_53 = tpu.memref_slice %arg2[%dma_start3A, %add3A_47] : memref<50x16384xi32, #tpu.memory_space<hbm>> -> memref<1x256xi32, #tpu.memory_space<hbm>>
    %dma_start3A_54 = tpu.memref_squeeze %dma_start3A_53 : memref<1x256xi32, #tpu.memory_space<hbm>> -> memref<256xi32, #tpu.memory_space<hbm>>
    %dma_start3A_55 = tpu.memref_slice %arg8[%dma_start3A_49] : memref<4x!tpu.dma_semaphore, #tpu.memory_space<semaphore_mem>> -> memref<1x!tpu.dma_semaphore, #tpu.memory_space<semaphore_mem>>
    %dma_start3A_56 = tpu.memref_squeeze %dma_start3A_55 : memref<1x!tpu.dma_semaphore, #tpu.memory_space<semaphore_mem>> -> memref<!tpu.dma_semaphore, #tpu.memory_space<semaphore_mem>>
    %dma_start3A_57 = arith.constant 0 : i32
    %dma_start3A_58 = tpu.memref_slice %arg5[%dma_start3A_48, %dma_start3A_57] : memref<4x256xi32, #tpu.memory_space<vmem>> -> memref<1x256xi32, #tpu.memory_space<vmem>>
    %dma_start3A_59 = tpu.memref_squeeze %dma_start3A_58 : memref<1x256xi32, #tpu.memory_space<vmem>> -> memref<256xi32, #tpu.memory_space<vmem>>
    %dma_start3A_60 = tpu.memref_slice %arg2[%dma_start3A, %add3A_47] : memref<50x16384xi32, #tpu.memory_space<hbm>> -> memref<1x256xi32, #tpu.memory_space<hbm>>
    %dma_start3A_61 = tpu.memref_squeeze %dma_start3A_60 : memref<1x256xi32, #tpu.memory_space<hbm>> -> memref<256xi32, #tpu.memory_space<hbm>>
    tpu.enqueue_dma source(%dma_start3A_61 : memref<256xi32, #tpu.memory_space<hbm>>) target(%dma_start3A_59 : memref<256xi32, #tpu.memory_space<vmem>>) target_semaphore(%dma_start3A_56 : memref<!tpu.dma_semaphore, #tpu.memory_space<semaphore_mem>>)
    %add3A_62 = arith.constant 256 : i32
    %add3A_63 = arith.addi %mul3A_2, %add3A_62 : i32
    %dma_start3A_64 = arith.constant 0 : i32
    %dma_start3A_65 = arith.constant 1 : i32
    %dma_start3A_66 = arith.constant 1 : i32
    %dma_start3A_67 = arith.constant 0 : i32
    %dma_start3A_68 = tpu.memref_slice %arg5[%dma_start3A_65, %dma_start3A_67] : memref<4x256xi32, #tpu.memory_space<vmem>> -> memref<1x256xi32, #tpu.memory_space<vmem>>
    %dma_start3A_69 = tpu.memref_squeeze %dma_start3A_68 : memref<1x256xi32, #tpu.memory_space<vmem>> -> memref<256xi32, #tpu.memory_space<vmem>>
    %dma_start3A_70 = tpu.memref_slice %arg2[%dma_start3A_64, %add3A_63] : memref<50x16384xi32, #tpu.memory_space<hbm>> -> memref<1x256xi32, #tpu.memory_space<hbm>>
    %dma_start3A_71 = tpu.memref_squeeze %dma_start3A_70 : memref<1x256xi32, #tpu.memory_space<hbm>> -> memref<256xi32, #tpu.memory_space<hbm>>
    %dma_start3A_72 = tpu.memref_slice %arg8[%dma_start3A_66] : memref<4x!tpu.dma_semaphore, #tpu.memory_space<semaphore_mem>> -> memref<1x!tpu.dma_semaphore, #tpu.memory_space<semaphore_mem>>
    %dma_start3A_73 = tpu.memref_squeeze %dma_start3A_72 : memref<1x!tpu.dma_semaphore, #tpu.memory_space<semaphore_mem>> -> memref<!tpu.dma_semaphore, #tpu.memory_space<semaphore_mem>>
    %dma_start3A_74 = arith.constant 0 : i32
    %dma_start3A_75 = tpu.memref_slice %arg5[%dma_start3A_65, %dma_start3A_74] : memref<4x256xi32, #tpu.memory_space<vmem>> -> memref<1x256xi32, #tpu.memory_space<vmem>>
    %dma_start3A_76 = tpu.memref_squeeze %dma_start3A_75 : memref<1x256xi32, #tpu.memory_space<vmem>> -> memref<256xi32, #tpu.memory_space<vmem>>
    %dma_start3A_77 = tpu.memref_slice %arg2[%dma_start3A_64, %add3A_63] : memref<50x16384xi32, #tpu.memory_space<hbm>> -> memref<1x256xi32, #tpu.memory_space<hbm>>
    %dma_start3A_78 = tpu.memref_squeeze %dma_start3A_77 : memref<1x256xi32, #tpu.memory_space<hbm>> -> memref<256xi32, #tpu.memory_space<hbm>>
    tpu.enqueue_dma source(%dma_start3A_78 : memref<256xi32, #tpu.memory_space<hbm>>) target(%dma_start3A_76 : memref<256xi32, #tpu.memory_space<vmem>>) target_semaphore(%dma_start3A_73 : memref<!tpu.dma_semaphore, #tpu.memory_space<semaphore_mem>>)
    %add3A_79 = arith.constant 0 : i32
    %add3A_80 = arith.addi %mul3A_2, %add3A_79 : i32
    %dma_start3A_81 = arith.constant 1 : i32
    %dma_start3A_82 = arith.constant 2 : i32
    %dma_start3A_83 = arith.constant 2 : i32
    %dma_start3A_84 = arith.constant 0 : i32
    %dma_start3A_85 = tpu.memref_slice %arg5[%dma_start3A_82, %dma_start3A_84] : memref<4x256xi32, #tpu.memory_space<vmem>> -> memref<1x256xi32, #tpu.memory_space<vmem>>
    %dma_start3A_86 = tpu.memref_squeeze %dma_start3A_85 : memref<1x256xi32, #tpu.memory_space<vmem>> -> memref<256xi32, #tpu.memory_space<vmem>>
    %dma_start3A_87 = tpu.memref_slice %arg2[%dma_start3A_81, %add3A_80] : memref<50x16384xi32, #tpu.memory_space<hbm>> -> memref<1x256xi32, #tpu.memory_space<hbm>>
    %dma_start3A_88 = tpu.memref_squeeze %dma_start3A_87 : memref<1x256xi32, #tpu.memory_space<hbm>> -> memref<256xi32, #tpu.memory_space<hbm>>
    %dma_start3A_89 = tpu.memref_slice %arg8[%dma_start3A_83] : memref<4x!tpu.dma_semaphore, #tpu.memory_space<semaphore_mem>> -> memref<1x!tpu.dma_semaphore, #tpu.memory_space<semaphore_mem>>
    %dma_start3A_90 = tpu.memref_squeeze %dma_start3A_89 : memref<1x!tpu.dma_semaphore, #tpu.memory_space<semaphore_mem>> -> memref<!tpu.dma_semaphore, #tpu.memory_space<semaphore_mem>>
    %dma_start3A_91 = arith.constant 0 : i32
    %dma_start3A_92 = tpu.memref_slice %arg5[%dma_start3A_82, %dma_start3A_91] : memref<4x256xi32, #tpu.memory_space<vmem>> -> memref<1x256xi32, #tpu.memory_space<vmem>>
    %dma_start3A_93 = tpu.memref_squeeze %dma_start3A_92 : memref<1x256xi32, #tpu.memory_space<vmem>> -> memref<256xi32, #tpu.memory_space<vmem>>
    %dma_start3A_94 = tpu.memref_slice %arg2[%dma_start3A_81, %add3A_80] : memref<50x16384xi32, #tpu.memory_space<hbm>> -> memref<1x256xi32, #tpu.memory_space<hbm>>
    %dma_start3A_95 = tpu.memref_squeeze %dma_start3A_94 : memref<1x256xi32, #tpu.memory_space<hbm>> -> memref<256xi32, #tpu.memory_space<hbm>>
    tpu.enqueue_dma source(%dma_start3A_95 : memref<256xi32, #tpu.memory_space<hbm>>) target(%dma_start3A_93 : memref<256xi32, #tpu.memory_space<vmem>>) target_semaphore(%dma_start3A_90 : memref<!tpu.dma_semaphore, #tpu.memory_space<semaphore_mem>>)
    %add3A_96 = arith.constant 256 : i32
    %add3A_97 = arith.addi %mul3A_2, %add3A_96 : i32
    %dma_start3A_98 = arith.constant 1 : i32
    %dma_start3A_99 = arith.constant 3 : i32
    %dma_start3A_100 = arith.constant 3 : i32
    %dma_start3A_101 = arith.constant 0 : i32
    %dma_start3A_102 = tpu.memref_slice %arg5[%dma_start3A_99, %dma_start3A_101] : memref<4x256xi32, #tpu.memory_space<vmem>> -> memref<1x256xi32, #tpu.memory_space<vmem>>
    %dma_start3A_103 = tpu.memref_squeeze %dma_start3A_102 : memref<1x256xi32, #tpu.memory_space<vmem>> -> memref<256xi32, #tpu.memory_space<vmem>>
    %dma_start3A_104 = tpu.memref_slice %arg2[%dma_start3A_98, %add3A_97] : memref<50x16384xi32, #tpu.memory_space<hbm>> -> memref<1x256xi32, #tpu.memory_space<hbm>>
    %dma_start3A_105 = tpu.memref_squeeze %dma_start3A_104 : memref<1x256xi32, #tpu.memory_space<hbm>> -> memref<256xi32, #tpu.memory_space<hbm>>
    %dma_start3A_106 = tpu.memref_slice %arg8[%dma_start3A_100] : memref<4x!tpu.dma_semaphore, #tpu.memory_space<semaphore_mem>> -> memref<1x!tpu.dma_semaphore, #tpu.memory_space<semaphore_mem>>
    %dma_start3A_107 = tpu.memref_squeeze %dma_start3A_106 : memref<1x!tpu.dma_semaphore, #tpu.memory_space<semaphore_mem>> -> memref<!tpu.dma_semaphore, #tpu.memory_space<semaphore_mem>>
    %dma_start3A_108 = arith.constant 0 : i32
    %dma_start3A_109 = tpu.memref_slice %arg5[%dma_start3A_99, %dma_start3A_108] : memref<4x256xi32, #tpu.memory_space<vmem>> -> memref<1x256xi32, #tpu.memory_space<vmem>>
    %dma_start3A_110 = tpu.memref_squeeze %dma_start3A_109 : memref<1x256xi32, #tpu.memory_space<vmem>> -> memref<256xi32, #tpu.memory_space<vmem>>
    %dma_start3A_111 = tpu.memref_slice %arg2[%dma_start3A_98, %add3A_97] : memref<50x16384xi32, #tpu.memory_space<hbm>> -> memref<1x256xi32, #tpu.memory_space<hbm>>
    %dma_start3A_112 = tpu.memref_squeeze %dma_start3A_111 : memref<1x256xi32, #tpu.memory_space<hbm>> -> memref<256xi32, #tpu.memory_space<hbm>>
    tpu.enqueue_dma source(%dma_start3A_112 : memref<256xi32, #tpu.memory_space<hbm>>) target(%dma_start3A_110 : memref<256xi32, #tpu.memory_space<vmem>>) target_semaphore(%dma_start3A_107 : memref<!tpu.dma_semaphore, #tpu.memory_space<semaphore_mem>>)
    %add3A_113 = arith.constant 0 : i32
    %add3A_114 = arith.addi %mul3A_2, %add3A_113 : i32
    %dma_wait3A = arith.constant 0 : i32
    %dma_wait3A_115 = arith.constant 0 : i32
    %dma_wait3A_116 = arith.constant 0 : i32
    %dma_wait3A_117 = arith.constant 0 : i32
    %dma_wait3A_118 = tpu.memref_slice %arg5[%dma_wait3A_115, %dma_wait3A_117] : memref<4x256xi32, #tpu.memory_space<vmem>> -> memref<1x256xi32, #tpu.memory_space<vmem>>
    %dma_wait3A_119 = tpu.memref_squeeze %dma_wait3A_118 : memref<1x256xi32, #tpu.memory_space<vmem>> -> memref<256xi32, #tpu.memory_space<vmem>>
    %dma_wait3A_120 = tpu.memref_slice %arg2[%dma_wait3A, %add3A_114] : memref<50x16384xi32, #tpu.memory_space<hbm>> -> memref<1x256xi32, #tpu.memory_space<hbm>>
    %dma_wait3A_121 = tpu.memref_squeeze %dma_wait3A_120 : memref<1x256xi32, #tpu.memory_space<hbm>> -> memref<256xi32, #tpu.memory_space<hbm>>
    %dma_wait3A_122 = tpu.memref_slice %arg8[%dma_wait3A_116] : memref<4x!tpu.dma_semaphore, #tpu.memory_space<semaphore_mem>> -> memref<1x!tpu.dma_semaphore, #tpu.memory_space<semaphore_mem>>
    %dma_wait3A_123 = tpu.memref_squeeze %dma_wait3A_122 : memref<1x!tpu.dma_semaphore, #tpu.memory_space<semaphore_mem>> -> memref<!tpu.dma_semaphore, #tpu.memory_space<semaphore_mem>>
    %dma_wait3A_124 = arith.constant 0 : i32
    %dma_wait3A_125 = tpu.memref_slice %arg5[%dma_wait3A_115, %dma_wait3A_124] : memref<4x256xi32, #tpu.memory_space<vmem>> -> memref<1x256xi32, #tpu.memory_space<vmem>>
    %dma_wait3A_126 = tpu.memref_squeeze %dma_wait3A_125 : memref<1x256xi32, #tpu.memory_space<vmem>> -> memref<256xi32, #tpu.memory_space<vmem>>
    %dma_wait3A_127 = tpu.memref_slice %arg2[%dma_wait3A, %add3A_114] : memref<50x16384xi32, #tpu.memory_space<hbm>> -> memref<1x256xi32, #tpu.memory_space<hbm>>
    %dma_wait3A_128 = tpu.memref_squeeze %dma_wait3A_127 : memref<1x256xi32, #tpu.memory_space<hbm>> -> memref<256xi32, #tpu.memory_space<hbm>>
    tpu.wait_dma2 semaphore(%dma_wait3A_123 : memref<!tpu.dma_semaphore, #tpu.memory_space<semaphore_mem>>) src(%dma_wait3A_128 : memref<256xi32, #tpu.memory_space<hbm>>) dst(%dma_wait3A_126 : memref<256xi32, #tpu.memory_space<vmem>>)
    %dma_start3A_129 = arith.constant 0 : i32
    %dma_start3A_130 = arith.constant 0 : i32
    %dma_start3A_131 = arith.constant 0 : i32
    %dma_start3A_132 = arith.constant 0 : i32
    %dma_start3A_133 = arith.constant 0 : i32
    %dma_start3A_134 = tpu.memref_slice %arg6[%dma_start3A_130, %dma_start3A_132, %dma_start3A_133] : memref<2x256x64xf32, #tpu.memory_space<vmem>> -> memref<1x256x64xf32, #tpu.memory_space<vmem>>
    %dma_start3A_135 = tpu.memref_squeeze %dma_start3A_134 : memref<1x256x64xf32, #tpu.memory_space<vmem>> -> memref<256x64xf32, #tpu.memory_space<vmem>>
    %dma_start3A_136 = arith.constant 0 : i32
    %dma_start3A_137 = tpu.memref_slice %arg5[%dma_start3A_129, %dma_start3A_136] : memref<4x256xi32, #tpu.memory_space<vmem>> -> memref<1x256xi32, #tpu.memory_space<vmem>>
    %dma_start3A_138 = tpu.memref_squeeze %dma_start3A_137 : memref<1x256xi32, #tpu.memory_space<vmem>> -> memref<256xi32, #tpu.memory_space<vmem>>
    %dma_start3A_139 = arith.constant 0 : i32
    %dma_start3A_140 = arith.constant 0 : i32
    %dma_start3A_141 = tpu.memref_slice %arg3[%dma_start3A_139, %dma_start3A_140] : memref<2000000x64xf32, #tpu.memory_space<hbm>> -> memref<2000000x64xf32, #tpu.memory_space<hbm>>
    %dma_start3A_142 = tpu.memref_slice %arg9[%dma_start3A_131] : memref<2x!tpu.dma_semaphore, #tpu.memory_space<semaphore_mem>> -> memref<1x!tpu.dma_semaphore, #tpu.memory_space<semaphore_mem>>
    %dma_start3A_143 = tpu.memref_squeeze %dma_start3A_142 : memref<1x!tpu.dma_semaphore, #tpu.memory_space<semaphore_mem>> -> memref<!tpu.dma_semaphore, #tpu.memory_space<semaphore_mem>>
    tpu.enqueue_indirect_dma source(%dma_start3A_141 : memref<2000000x64xf32, #tpu.memory_space<hbm>>) target(%dma_start3A_135 : memref<256x64xf32, #tpu.memory_space<vmem>>) offsets(%dma_start3A_138 : memref<256xi32, #tpu.memory_space<vmem>>) semaphore(%dma_start3A_143 : memref<!tpu.dma_semaphore, #tpu.memory_space<semaphore_mem>>)
    %add3A_144 = arith.constant 0 : i32
    %add3A_145 = arith.addi %mul3A_2, %add3A_144 : i32
    %dma_wait3A_146 = arith.constant 0 : i32
    %dma_wait3A_147 = arith.constant 1 : i32
    %dma_wait3A_148 = arith.constant 1 : i32
    %dma_wait3A_149 = arith.constant 0 : i32
    %dma_wait3A_150 = tpu.memref_slice %arg5[%dma_wait3A_147, %dma_wait3A_149] : memref<4x256xi32, #tpu.memory_space<vmem>> -> memref<1x256xi32, #tpu.memory_space<vmem>>
    %dma_wait3A_151 = tpu.memref_squeeze %dma_wait3A_150 : memref<1x256xi32, #tpu.memory_space<vmem>> -> memref<256xi32, #tpu.memory_space<vmem>>
    %dma_wait3A_152 = tpu.memref_slice %arg2[%dma_wait3A_146, %add3A_145] : memref<50x16384xi32, #tpu.memory_space<hbm>> -> memref<1x256xi32, #tpu.memory_space<hbm>>
    %dma_wait3A_153 = tpu.memref_squeeze %dma_wait3A_152 : memref<1x256xi32, #tpu.memory_space<hbm>> -> memref<256xi32, #tpu.memory_space<hbm>>
    %dma_wait3A_154 = tpu.memref_slice %arg8[%dma_wait3A_148] : memref<4x!tpu.dma_semaphore, #tpu.memory_space<semaphore_mem>> -> memref<1x!tpu.dma_semaphore, #tpu.memory_space<semaphore_mem>>
    %dma_wait3A_155 = tpu.memref_squeeze %dma_wait3A_154 : memref<1x!tpu.dma_semaphore, #tpu.memory_space<semaphore_mem>> -> memref<!tpu.dma_semaphore, #tpu.memory_space<semaphore_mem>>
    %dma_wait3A_156 = arith.constant 0 : i32
    %dma_wait3A_157 = tpu.memref_slice %arg5[%dma_wait3A_147, %dma_wait3A_156] : memref<4x256xi32, #tpu.memory_space<vmem>> -> memref<1x256xi32, #tpu.memory_space<vmem>>
    %dma_wait3A_158 = tpu.memref_squeeze %dma_wait3A_157 : memref<1x256xi32, #tpu.memory_space<vmem>> -> memref<256xi32, #tpu.memory_space<vmem>>
    %dma_wait3A_159 = tpu.memref_slice %arg2[%dma_wait3A_146, %add3A_145] : memref<50x16384xi32, #tpu.memory_space<hbm>> -> memref<1x256xi32, #tpu.memory_space<hbm>>
    %dma_wait3A_160 = tpu.memref_squeeze %dma_wait3A_159 : memref<1x256xi32, #tpu.memory_space<hbm>> -> memref<256xi32, #tpu.memory_space<hbm>>
    tpu.wait_dma2 semaphore(%dma_wait3A_155 : memref<!tpu.dma_semaphore, #tpu.memory_space<semaphore_mem>>) src(%dma_wait3A_160 : memref<256xi32, #tpu.memory_space<hbm>>) dst(%dma_wait3A_158 : memref<256xi32, #tpu.memory_space<vmem>>)
    %dma_start3A_161 = arith.constant 1 : i32
    %dma_start3A_162 = arith.constant 1 : i32
    %dma_start3A_163 = arith.constant 1 : i32
    %dma_start3A_164 = arith.constant 0 : i32
    %dma_start3A_165 = arith.constant 0 : i32
    %dma_start3A_166 = tpu.memref_slice %arg6[%dma_start3A_162, %dma_start3A_164, %dma_start3A_165] : memref<2x256x64xf32, #tpu.memory_space<vmem>> -> memref<1x256x64xf32, #tpu.memory_space<vmem>>
    %dma_start3A_167 = tpu.memref_squeeze %dma_start3A_166 : memref<1x256x64xf32, #tpu.memory_space<vmem>> -> memref<256x64xf32, #tpu.memory_space<vmem>>
    %dma_start3A_168 = arith.constant 0 : i32
    %dma_start3A_169 = tpu.memref_slice %arg5[%dma_start3A_161, %dma_start3A_168] : memref<4x256xi32, #tpu.memory_space<vmem>> -> memref<1x256xi32, #tpu.memory_space<vmem>>
    %dma_start3A_170 = tpu.memref_squeeze %dma_start3A_169 : memref<1x256xi32, #tpu.memory_space<vmem>> -> memref<256xi32, #tpu.memory_space<vmem>>
    %dma_start3A_171 = arith.constant 0 : i32
    %dma_start3A_172 = arith.constant 0 : i32
    %dma_start3A_173 = tpu.memref_slice %arg3[%dma_start3A_171, %dma_start3A_172] : memref<2000000x64xf32, #tpu.memory_space<hbm>> -> memref<2000000x64xf32, #tpu.memory_space<hbm>>
    %dma_start3A_174 = tpu.memref_slice %arg9[%dma_start3A_163] : memref<2x!tpu.dma_semaphore, #tpu.memory_space<semaphore_mem>> -> memref<1x!tpu.dma_semaphore, #tpu.memory_space<semaphore_mem>>
    %dma_start3A_175 = tpu.memref_squeeze %dma_start3A_174 : memref<1x!tpu.dma_semaphore, #tpu.memory_space<semaphore_mem>> -> memref<!tpu.dma_semaphore, #tpu.memory_space<semaphore_mem>>
    tpu.enqueue_indirect_dma source(%dma_start3A_173 : memref<2000000x64xf32, #tpu.memory_space<hbm>>) target(%dma_start3A_167 : memref<256x64xf32, #tpu.memory_space<vmem>>) offsets(%dma_start3A_170 : memref<256xi32, #tpu.memory_space<vmem>>) semaphore(%dma_start3A_175 : memref<!tpu.dma_semaphore, #tpu.memory_space<semaphore_mem>>)
    %scan3A = arith.constant 0 : i32
    %scan3A_176 = arith.constant 25 : i32
    %scan3A_177 = arith.addi %scan3A, %scan3A_176 : i32
    %scan3A_178 = arith.constant 1 : i32
    scf.for %scan3A_286 = %scan3A to %scan3A_177 step %scan3A_178  : i32 {
      %mul3A_287 = arith.constant 4 : i32
      %mul3A_288 = arith.muli %scan3A_286, %mul3A_287 : i32
      %add3A_289 = arith.constant 0 : i32
      %add3A_290 = arith.addi %add3A_289, %mul3A_288 : i32
      %add3A_291 = arith.constant 0 : i32
      %add3A_292 = arith.addi %add3A_290, %add3A_291 : i32
      %dma_wait3A_293 = arith.constant 0 : i32
      %dma_wait3A_294 = arith.constant 0 : i32
      %dma_wait3A_295 = arith.constant 0 : i32
      %dma_wait3A_296 = arith.constant 0 : i32
      %dma_wait3A_297 = arith.constant 0 : i32
      %dma_wait3A_298 = tpu.memref_slice %arg6[%dma_wait3A_294, %dma_wait3A_296, %dma_wait3A_297] : memref<2x256x64xf32, #tpu.memory_space<vmem>> -> memref<1x256x64xf32, #tpu.memory_space<vmem>>
      %dma_wait3A_299 = tpu.memref_squeeze %dma_wait3A_298 : memref<1x256x64xf32, #tpu.memory_space<vmem>> -> memref<256x64xf32, #tpu.memory_space<vmem>>
      %dma_wait3A_300 = arith.constant 0 : i32
      %dma_wait3A_301 = tpu.memref_slice %arg5[%dma_wait3A_293, %dma_wait3A_300] : memref<4x256xi32, #tpu.memory_space<vmem>> -> memref<1x256xi32, #tpu.memory_space<vmem>>
      %dma_wait3A_302 = tpu.memref_squeeze %dma_wait3A_301 : memref<1x256xi32, #tpu.memory_space<vmem>> -> memref<256xi32, #tpu.memory_space<vmem>>
      %dma_wait3A_303 = arith.constant 0 : i32
      %dma_wait3A_304 = arith.constant 0 : i32
      %dma_wait3A_305 = tpu.memref_slice %arg3[%dma_wait3A_303, %dma_wait3A_304] : memref<2000000x64xf32, #tpu.memory_space<hbm>> -> memref<2000000x64xf32, #tpu.memory_space<hbm>>
      %dma_wait3A_306 = tpu.memref_slice %arg9[%dma_wait3A_295] : memref<2x!tpu.dma_semaphore, #tpu.memory_space<semaphore_mem>> -> memref<1x!tpu.dma_semaphore, #tpu.memory_space<semaphore_mem>>
      %dma_wait3A_307 = tpu.memref_squeeze %dma_wait3A_306 : memref<1x!tpu.dma_semaphore, #tpu.memory_space<semaphore_mem>> -> memref<!tpu.dma_semaphore, #tpu.memory_space<semaphore_mem>>
      tpu.wait_indirect_dma semaphore(%dma_wait3A_307 : memref<!tpu.dma_semaphore, #tpu.memory_space<semaphore_mem>>) src(%dma_wait3A_305 : memref<2000000x64xf32, #tpu.memory_space<hbm>>) dst(%dma_wait3A_299 : memref<256x64xf32, #tpu.memory_space<vmem>>)
      %ge3A = arith.constant 2 : i32
      %ge3A_308 = arith.cmpi sge, %add3A_292, %ge3A : i32
      %convert_element_type3A = arith.extui %ge3A_308 : i1 to i32
      %cond3A = arith.constant 0 : i32
      %cond3A_309 = arith.cmpi ne, %convert_element_type3A, %cond3A : i32
      scf.if %cond3A_309 {
        %sub3A_823 = arith.constant 2 : i32
        %sub3A_824 = arith.subi %add3A_292, %sub3A_823 : i32
        %jit3A_825 = arith.constant 128 : i32
        %div3A_826 = arith.divsi %mul3A_2, %jit3A_825 : i32
        %sign3A_827 = arith.constant 0 : i32
        %sign3A_828 = arith.cmpi sgt, %mul3A_2, %sign3A_827 : i32
        %sign3A_829 = arith.extui %sign3A_828 : i1 to i32
        %sign3A_830 = arith.constant 0 : i32
        %sign3A_831 = arith.cmpi slt, %mul3A_2, %sign3A_830 : i32
        %sign3A_832 = arith.extui %sign3A_831 : i1 to i32
        %sign3A_833 = arith.subi %sign3A_829, %sign3A_832 : i32
        %sign3A_834 = arith.constant 0 : i32
        %sign3A_835 = arith.cmpi sgt, %jit3A_825, %sign3A_834 : i32
        %sign3A_836 = arith.extui %sign3A_835 : i1 to i32
        %sign3A_837 = arith.constant 0 : i32
        %sign3A_838 = arith.cmpi slt, %jit3A_825, %sign3A_837 : i32
        %sign3A_839 = arith.extui %sign3A_838 : i1 to i32
        %sign3A_840 = arith.subi %sign3A_836, %sign3A_839 : i32
        %ne3A_841 = arith.cmpi ne, %sign3A_833, %sign3A_840 : i32
        %rem3A_842 = arith.remsi %mul3A_2, %jit3A_825 : i32
        %ne3A_843 = arith.constant 0 : i32
        %ne3A_844 = arith.cmpi ne, %rem3A_842, %ne3A_843 : i32
        %and3A_845 = arith.andi %ne3A_841, %ne3A_844 : i1
        %sub3A_846 = arith.constant 1 : i32
        %sub3A_847 = arith.subi %div3A_826, %sub3A_846 : i32
        %select_n3A_848 = arith.select %and3A_845, %sub3A_847, %div3A_826 : i32
        %jit3A_849 = arith.constant 2 : i32
        %eq3A_850 = arith.constant 0 : i32
        %eq3A_851 = arith.cmpi eq, %jit3A_849, %eq3A_850 : i32
        %jit3A_852 = arith.constant 1 : i32
        %select_n3A_853 = arith.select %eq3A_851, %jit3A_852, %jit3A_849 : i32
        %rem3A_854 = arith.remsi %sub3A_824, %select_n3A_853 : i32
        %ne3A_855 = arith.constant 0 : i32
        %ne3A_856 = arith.cmpi ne, %rem3A_854, %ne3A_855 : i32
        %lt3A_857 = arith.constant 0 : i32
        %lt3A_858 = arith.cmpi slt, %rem3A_854, %lt3A_857 : i32
        %lt3A_859 = arith.constant 0 : i32
        %lt3A_860 = arith.cmpi slt, %select_n3A_853, %lt3A_859 : i32
        %ne3A_861 = arith.xori %lt3A_858, %lt3A_860 : i1
        %and3A_862 = arith.andi %ne3A_861, %ne3A_856 : i1
        %add3A_863 = arith.addi %rem3A_854, %select_n3A_853 : i32
        %select_n3A_864 = arith.select %and3A_862, %add3A_863, %rem3A_854 : i32
        %mul3A_865 = arith.constant 2 : i32
        %mul3A_866 = arith.muli %select_n3A_864, %mul3A_865 : i32
        %add3A_867 = arith.addi %select_n3A_848, %mul3A_866 : i32
        %jit3A_868 = arith.constant 2 : i32
        %div3A_869 = arith.divsi %sub3A_824, %jit3A_868 : i32
        %sign3A_870 = arith.constant 0 : i32
        %sign3A_871 = arith.cmpi sgt, %sub3A_824, %sign3A_870 : i32
        %sign3A_872 = arith.extui %sign3A_871 : i1 to i32
        %sign3A_873 = arith.constant 0 : i32
        %sign3A_874 = arith.cmpi slt, %sub3A_824, %sign3A_873 : i32
        %sign3A_875 = arith.extui %sign3A_874 : i1 to i32
        %sign3A_876 = arith.subi %sign3A_872, %sign3A_875 : i32
        %sign3A_877 = arith.constant 0 : i32
        %sign3A_878 = arith.cmpi sgt, %jit3A_868, %sign3A_877 : i32
        %sign3A_879 = arith.extui %sign3A_878 : i1 to i32
        %sign3A_880 = arith.constant 0 : i32
        %sign3A_881 = arith.cmpi slt, %jit3A_868, %sign3A_880 : i32
        %sign3A_882 = arith.extui %sign3A_881 : i1 to i32
        %sign3A_883 = arith.subi %sign3A_879, %sign3A_882 : i32
        %ne3A_884 = arith.cmpi ne, %sign3A_876, %sign3A_883 : i32
        %rem3A_885 = arith.remsi %sub3A_824, %jit3A_868 : i32
        %ne3A_886 = arith.constant 0 : i32
        %ne3A_887 = arith.cmpi ne, %rem3A_885, %ne3A_886 : i32
        %and3A_888 = arith.andi %ne3A_884, %ne3A_887 : i1
        %sub3A_889 = arith.constant 1 : i32
        %sub3A_890 = arith.subi %div3A_869, %sub3A_889 : i32
        %select_n3A_891 = arith.select %and3A_888, %sub3A_890, %div3A_869 : i32
        %dma_wait3A_892 = arith.constant 0 : i32
        %dma_wait3A_893 = arith.constant 0 : i32
        %dma_wait3A_894 = arith.constant 0 : i32
        %dma_wait3A_895 = arith.constant 0 : i32
        %dma_wait3A_896 = arith.constant 0 : i32
        %dma_wait3A_897 = arith.constant 0 : i32
        %dma_wait3A_898 = tpu.memref_slice %arg7[%dma_wait3A_892, %dma_wait3A_894, %dma_wait3A_895, %dma_wait3A_896, %dma_wait3A_897] : memref<2x8x2x8x129xf32, #tpu.memory_space<vmem>> -> memref<1x8x2x8x128xf32, #tpu.memory_space<vmem>>
        %dma_wait3A_899 = tpu.memref_squeeze %dma_wait3A_898 : memref<1x8x2x8x128xf32, #tpu.memory_space<vmem>> -> memref<8x2x8x128xf32, #tpu.memory_space<vmem>>
        %dma_wait3A_900 = arith.constant 0 : i32
        %dma_wait3A_901 = arith.constant 0 : i32
        %dma_wait3A_902 = arith.constant 0 : i32
        %dma_wait3A_903 = tpu.memref_slice %arg4[%select_n3A_891, %dma_wait3A_900, %add3A_867, %dma_wait3A_901, %dma_wait3A_902] : memref<50x8x128x8x128xf32, #tpu.memory_space<hbm>> -> memref<1x8x2x8x128xf32, #tpu.memory_space<hbm>>
        %dma_wait3A_904 = tpu.memref_squeeze %dma_wait3A_903 : memref<1x8x2x8x128xf32, #tpu.memory_space<hbm>> -> memref<8x2x8x128xf32, #tpu.memory_space<hbm>>
        %dma_wait3A_905 = tpu.memref_slice %arg10[%dma_wait3A_893] : memref<2x!tpu.dma_semaphore, #tpu.memory_space<semaphore_mem>> -> memref<1x!tpu.dma_semaphore, #tpu.memory_space<semaphore_mem>>
        %dma_wait3A_906 = tpu.memref_squeeze %dma_wait3A_905 : memref<1x!tpu.dma_semaphore, #tpu.memory_space<semaphore_mem>> -> memref<!tpu.dma_semaphore, #tpu.memory_space<semaphore_mem>>
        %dma_wait3A_907 = arith.constant 0 : i32
        %dma_wait3A_908 = arith.constant 0 : i32
        %dma_wait3A_909 = arith.constant 0 : i32
        %dma_wait3A_910 = tpu.memref_slice %arg4[%select_n3A_891, %dma_wait3A_907, %add3A_867, %dma_wait3A_908, %dma_wait3A_909] : memref<50x8x128x8x128xf32, #tpu.memory_space<hbm>> -> memref<1x8x2x8x128xf32, #tpu.memory_space<hbm>>
        %dma_wait3A_911 = tpu.memref_squeeze %dma_wait3A_910 : memref<1x8x2x8x128xf32, #tpu.memory_space<hbm>> -> memref<8x2x8x128xf32, #tpu.memory_space<hbm>>
        %dma_wait3A_912 = arith.constant 0 : i32
        %dma_wait3A_913 = arith.constant 0 : i32
        %dma_wait3A_914 = arith.constant 0 : i32
        %dma_wait3A_915 = arith.constant 0 : i32
        %dma_wait3A_916 = tpu.memref_slice %arg7[%dma_wait3A_892, %dma_wait3A_912, %dma_wait3A_913, %dma_wait3A_914, %dma_wait3A_915] : memref<2x8x2x8x129xf32, #tpu.memory_space<vmem>> -> memref<1x8x2x8x128xf32, #tpu.memory_space<vmem>>
        %dma_wait3A_917 = tpu.memref_squeeze %dma_wait3A_916 : memref<1x8x2x8x128xf32, #tpu.memory_space<vmem>> -> memref<8x2x8x128xf32, #tpu.memory_space<vmem>>
        tpu.wait_dma2 semaphore(%dma_wait3A_906 : memref<!tpu.dma_semaphore, #tpu.memory_space<semaphore_mem>>) src(%dma_wait3A_917 : memref<8x2x8x128xf32, #tpu.memory_space<vmem>>) dst(%dma_wait3A_911 : memref<8x2x8x128xf32, #tpu.memory_space<hbm>>)
      } else {
      }
      %parallel_loop3A = arith.constant 0 : i32
      %parallel_loop3A_310 = arith.constant 256 : i32
      %parallel_loop3A_311 = arith.constant 1 : i32
      %parallel_loop3A_312 = arith.constant 0 : i32
      %parallel_loop3A_313 = arith.constant 0 : i32
      scf.for %parallel_loop3A_823 = %parallel_loop3A to %parallel_loop3A_310 step %parallel_loop3A_311  : i32 {
        %parallel_loop3A_824 = arith.constant 128 : i32
        %parallel_loop3A_825 = arith.divsi %parallel_loop3A_823, %parallel_loop3A_824 : i32
        %parallel_loop3A_826 = arith.constant 0 : i32
        %parallel_loop3A_827 = arith.cmpi sgt, %parallel_loop3A_823, %parallel_loop3A_826 : i32
        %parallel_loop3A_828 = arith.extui %parallel_loop3A_827 : i1 to i32
        %parallel_loop3A_829 = arith.constant 0 : i32
        %parallel_loop3A_830 = arith.cmpi slt, %parallel_loop3A_823, %parallel_loop3A_829 : i32
        %parallel_loop3A_831 = arith.extui %parallel_loop3A_830 : i1 to i32
        %parallel_loop3A_832 = arith.subi %parallel_loop3A_828, %parallel_loop3A_831 : i32
        %parallel_loop3A_833 = arith.constant 0 : i32
        %parallel_loop3A_834 = arith.cmpi sgt, %parallel_loop3A_824, %parallel_loop3A_833 : i32
        %parallel_loop3A_835 = arith.extui %parallel_loop3A_834 : i1 to i32
        %parallel_loop3A_836 = arith.constant 0 : i32
        %parallel_loop3A_837 = arith.cmpi slt, %parallel_loop3A_824, %parallel_loop3A_836 : i32
        %parallel_loop3A_838 = arith.extui %parallel_loop3A_837 : i1 to i32
        %parallel_loop3A_839 = arith.subi %parallel_loop3A_835, %parallel_loop3A_838 : i32
        %parallel_loop3A_840 = arith.cmpi ne, %parallel_loop3A_832, %parallel_loop3A_839 : i32
        %parallel_loop3A_841 = arith.remsi %parallel_loop3A_823, %parallel_loop3A_824 : i32
        %parallel_loop3A_842 = arith.constant 0 : i32
        %parallel_loop3A_843 = arith.cmpi ne, %parallel_loop3A_841, %parallel_loop3A_842 : i32
        %parallel_loop3A_844 = arith.andi %parallel_loop3A_840, %parallel_loop3A_843 : i1
        %parallel_loop3A_845 = arith.constant 1 : i32
        %parallel_loop3A_846 = arith.subi %parallel_loop3A_825, %parallel_loop3A_845 : i32
        %parallel_loop3A_847 = arith.select %parallel_loop3A_844, %parallel_loop3A_846, %parallel_loop3A_825 : i32
        %parallel_loop3A_848 = vector.broadcast %parallel_loop3A_847 : i32 to vector<16xi32>
        %parallel_loop3A_849 = arith.constant 128 : i32
        %parallel_loop3A_850 = arith.constant 0 : i32
        %parallel_loop3A_851 = arith.cmpi eq, %parallel_loop3A_849, %parallel_loop3A_850 : i32
        %parallel_loop3A_852 = arith.constant 1 : i32
        %parallel_loop3A_853 = arith.select %parallel_loop3A_851, %parallel_loop3A_852, %parallel_loop3A_849 : i32
        %parallel_loop3A_854 = arith.remsi %parallel_loop3A_823, %parallel_loop3A_853 : i32
        %parallel_loop3A_855 = arith.constant 0 : i32
        %parallel_loop3A_856 = arith.cmpi ne, %parallel_loop3A_854, %parallel_loop3A_855 : i32
        %parallel_loop3A_857 = arith.constant 0 : i32
        %parallel_loop3A_858 = arith.cmpi slt, %parallel_loop3A_854, %parallel_loop3A_857 : i32
        %parallel_loop3A_859 = arith.constant 0 : i32
        %parallel_loop3A_860 = arith.cmpi slt, %parallel_loop3A_853, %parallel_loop3A_859 : i32
        %parallel_loop3A_861 = arith.xori %parallel_loop3A_858, %parallel_loop3A_860 : i1
        %parallel_loop3A_862 = arith.andi %parallel_loop3A_861, %parallel_loop3A_856 : i1
        %parallel_loop3A_863 = arith.addi %parallel_loop3A_854, %parallel_loop3A_853 : i32
        %parallel_loop3A_864 = arith.select %parallel_loop3A_862, %parallel_loop3A_863, %parallel_loop3A_854 : i32
        %parallel_loop3A_865 = vector.broadcast %parallel_loop3A_864 : i32 to vector<16xi32>
        %parallel_loop3A_866 = arith.constant 0 : i32
        %parallel_loop3A_867 = arith.constant 0 : i32
        %parallel_loop3A_868 = tpu.memref_slice %arg6[%parallel_loop3A_312, %parallel_loop3A_866, %parallel_loop3A_867] : memref<2x256x64xf32, #tpu.memory_space<vmem>> -> memref<1x256x64xf32, #tpu.memory_space<vmem>>
        %parallel_loop3A_869 = tpu.memref_squeeze %parallel_loop3A_868 : memref<1x256x64xf32, #tpu.memory_space<vmem>> -> memref<256x64xf32, #tpu.memory_space<vmem>>
        %parallel_loop3A_870 = arith.index_cast %parallel_loop3A_823 : i32 to index
        %parallel_loop3A_871 = arith.constant 0 : index
        %parallel_loop3A_872 = tpu.vector_load %parallel_loop3A_869[%parallel_loop3A_870, %parallel_loop3A_871] {strides = array<i32>} : memref<256x64xf32, #tpu.memory_space<vmem>>, vector<16xf32>,
        %parallel_loop3A_873 = arith.constant 0 : i32
        %parallel_loop3A_874 = vector.broadcast %parallel_loop3A_873 : i32 to vector<16xi32>
        %parallel_loop3A_875 = arith.addi %parallel_loop3A_874, %select_n3A : vector<16xi32>
        %parallel_loop3A_876 = arith.constant 0 : i32
        %parallel_loop3A_877 = arith.constant 0 : i32
        %parallel_loop3A_878 = arith.constant 0 : i32
        %parallel_loop3A_879 = arith.constant 0 : i32
        %parallel_loop3A_880 = tpu.memref_slice %arg7[%parallel_loop3A_313, %parallel_loop3A_876, %parallel_loop3A_877, %parallel_loop3A_878, %parallel_loop3A_879] : memref<2x8x2x8x129xf32, #tpu.memory_space<vmem>> -> memref<1x8x2x8x129xf32, #tpu.memory_space<vmem>>
        %parallel_loop3A_881 = tpu.memref_squeeze %parallel_loop3A_880 : memref<1x8x2x8x129xf32, #tpu.memory_space<vmem>> -> memref<8x2x8x129xf32, #tpu.memory_space<vmem>>
        tpu.vector_store_idx %parallel_loop3A_881[%parallel_loop3A_875, %parallel_loop3A_848, %select_n3A_45, %parallel_loop3A_865], %parallel_loop3A_872 : memref<8x2x8x129xf32, #tpu.memory_space<vmem>>[vector<16xi32>, vector<16xi32>, vector<16xi32>, vector<16xi32>], vector<16xf32>,
        %parallel_loop3A_882 = arith.constant 0 : i32
        %parallel_loop3A_883 = arith.constant 0 : i32
        %parallel_loop3A_884 = tpu.memref_slice %arg6[%parallel_loop3A_312, %parallel_loop3A_882, %parallel_loop3A_883] : memref<2x256x64xf32, #tpu.memory_space<vmem>> -> memref<1x256x64xf32, #tpu.memory_space<vmem>>
        %parallel_loop3A_885 = tpu.memref_squeeze %parallel_loop3A_884 : memref<1x256x64xf32, #tpu.memory_space<vmem>> -> memref<256x64xf32, #tpu.memory_space<vmem>>
        %parallel_loop3A_886 = arith.index_cast %parallel_loop3A_823 : i32 to index
        %parallel_loop3A_887 = arith.constant 16 : index
        %parallel_loop3A_888 = tpu.vector_load %parallel_loop3A_885[%parallel_loop3A_886, %parallel_loop3A_887] {strides = array<i32>} : memref<256x64xf32, #tpu.memory_space<vmem>>, vector<16xf32>,
        %parallel_loop3A_889 = arith.constant 2 : i32
        %parallel_loop3A_890 = vector.broadcast %parallel_loop3A_889 : i32 to vector<16xi32>
        %parallel_loop3A_891 = arith.addi %parallel_loop3A_890, %select_n3A : vector<16xi32>
        %parallel_loop3A_892 = arith.constant 0 : i32
        %parallel_loop3A_893 = arith.constant 0 : i32
        %parallel_loop3A_894 = arith.constant 0 : i32
        %parallel_loop3A_895 = arith.constant 0 : i32
        %parallel_loop3A_896 = tpu.memref_slice %arg7[%parallel_loop3A_313, %parallel_loop3A_892, %parallel_loop3A_893, %parallel_loop3A_894, %parallel_loop3A_895] : memref<2x8x2x8x129xf32, #tpu.memory_space<vmem>> -> memref<1x8x2x8x129xf32, #tpu.memory_space<vmem>>
        %parallel_loop3A_897 = tpu.memref_squeeze %parallel_loop3A_896 : memref<1x8x2x8x129xf32, #tpu.memory_space<vmem>> -> memref<8x2x8x129xf32, #tpu.memory_space<vmem>>
        tpu.vector_store_idx %parallel_loop3A_897[%parallel_loop3A_891, %parallel_loop3A_848, %select_n3A_45, %parallel_loop3A_865], %parallel_loop3A_888 : memref<8x2x8x129xf32, #tpu.memory_space<vmem>>[vector<16xi32>, vector<16xi32>, vector<16xi32>, vector<16xi32>], vector<16xf32>,
        %parallel_loop3A_898 = arith.constant 0 : i32
        %parallel_loop3A_899 = arith.constant 0 : i32
        %parallel_loop3A_900 = tpu.memref_slice %arg6[%parallel_loop3A_312, %parallel_loop3A_898, %parallel_loop3A_899] : memref<2x256x64xf32, #tpu.memory_space<vmem>> -> memref<1x256x64xf32, #tpu.memory_space<vmem>>
        %parallel_loop3A_901 = tpu.memref_squeeze %parallel_loop3A_900 : memref<1x256x64xf32, #tpu.memory_space<vmem>> -> memref<256x64xf32, #tpu.memory_space<vmem>>
        %parallel_loop3A_902 = arith.index_cast %parallel_loop3A_823 : i32 to index
        %parallel_loop3A_903 = arith.constant 32 : index
        %parallel_loop3A_904 = tpu.vector_load %parallel_loop3A_901[%parallel_loop3A_902, %parallel_loop3A_903] {strides = array<i32>} : memref<256x64xf32, #tpu.memory_space<vmem>>, vector<16xf32>,
        %parallel_loop3A_905 = arith.constant 4 : i32
        %parallel_loop3A_906 = vector.broadcast %parallel_loop3A_905 : i32 to vector<16xi32>
        %parallel_loop3A_907 = arith.addi %parallel_loop3A_906, %select_n3A : vector<16xi32>
        %parallel_loop3A_908 = arith.constant 0 : i32
        %parallel_loop3A_909 = arith.constant 0 : i32
        %parallel_loop3A_910 = arith.constant 0 : i32
        %parallel_loop3A_911 = arith.constant 0 : i32
        %parallel_loop3A_912 = tpu.memref_slice %arg7[%parallel_loop3A_313, %parallel_loop3A_908, %parallel_loop3A_909, %parallel_loop3A_910, %parallel_loop3A_911] : memref<2x8x2x8x129xf32, #tpu.memory_space<vmem>> -> memref<1x8x2x8x129xf32, #tpu.memory_space<vmem>>
        %parallel_loop3A_913 = tpu.memref_squeeze %parallel_loop3A_912 : memref<1x8x2x8x129xf32, #tpu.memory_space<vmem>> -> memref<8x2x8x129xf32, #tpu.memory_space<vmem>>
        tpu.vector_store_idx %parallel_loop3A_913[%parallel_loop3A_907, %parallel_loop3A_848, %select_n3A_45, %parallel_loop3A_865], %parallel_loop3A_904 : memref<8x2x8x129xf32, #tpu.memory_space<vmem>>[vector<16xi32>, vector<16xi32>, vector<16xi32>, vector<16xi32>], vector<16xf32>,
        %parallel_loop3A_914 = arith.constant 0 : i32
        %parallel_loop3A_915 = arith.constant 0 : i32
        %parallel_loop3A_916 = tpu.memref_slice %arg6[%parallel_loop3A_312, %parallel_loop3A_914, %parallel_loop3A_915] : memref<2x256x64xf32, #tpu.memory_space<vmem>> -> memref<1x256x64xf32, #tpu.memory_space<vmem>>
        %parallel_loop3A_917 = tpu.memref_squeeze %parallel_loop3A_916 : memref<1x256x64xf32, #tpu.memory_space<vmem>> -> memref<256x64xf32, #tpu.memory_space<vmem>>
        %parallel_loop3A_918 = arith.index_cast %parallel_loop3A_823 : i32 to index
        %parallel_loop3A_919 = arith.constant 48 : index
        %parallel_loop3A_920 = tpu.vector_load %parallel_loop3A_917[%parallel_loop3A_918, %parallel_loop3A_919] {strides = array<i32>} : memref<256x64xf32, #tpu.memory_space<vmem>>, vector<16xf32>,
        %parallel_loop3A_921 = arith.constant 6 : i32
        %parallel_loop3A_922 = vector.broadcast %parallel_loop3A_921 : i32 to vector<16xi32>
        %parallel_loop3A_923 = arith.addi %parallel_loop3A_922, %select_n3A : vector<16xi32>
        %parallel_loop3A_924 = arith.constant 0 : i32
        %parallel_loop3A_925 = arith.constant 0 : i32
        %parallel_loop3A_926 = arith.constant 0 : i32
        %parallel_loop3A_927 = arith.constant 0 : i32
        %parallel_loop3A_928 = tpu.memref_slice %arg7[%parallel_loop3A_313, %parallel_loop3A_924, %parallel_loop3A_925, %parallel_loop3A_926, %parallel_loop3A_927] : memref<2x8x2x8x129xf32, #tpu.memory_space<vmem>> -> memref<1x8x2x8x129xf32, #tpu.memory_space<vmem>>
        %parallel_loop3A_929 = tpu.memref_squeeze %parallel_loop3A_928 : memref<1x8x2x8x129xf32, #tpu.memory_space<vmem>> -> memref<8x2x8x129xf32, #tpu.memory_space<vmem>>
        tpu.vector_store_idx %parallel_loop3A_929[%parallel_loop3A_923, %parallel_loop3A_848, %select_n3A_45, %parallel_loop3A_865], %parallel_loop3A_920 : memref<8x2x8x129xf32, #tpu.memory_space<vmem>>[vector<16xi32>, vector<16xi32>, vector<16xi32>, vector<16xi32>], vector<16xf32>,
      } {sc.loop_unroll_factor = 4 : i64, sc.parallel_access}
      %jit3A_314 = arith.constant 128 : i32
      %div3A_315 = arith.divsi %mul3A_2, %jit3A_314 : i32
      %sign3A_316 = arith.constant 0 : i32
      %sign3A_317 = arith.cmpi sgt, %mul3A_2, %sign3A_316 : i32
      %sign3A_318 = arith.extui %sign3A_317 : i1 to i32
      %sign3A_319 = arith.constant 0 : i32
      %sign3A_320 = arith.cmpi slt, %mul3A_2, %sign3A_319 : i32
      %sign3A_321 = arith.extui %sign3A_320 : i1 to i32
      %sign3A_322 = arith.subi %sign3A_318, %sign3A_321 : i32
      %sign3A_323 = arith.constant 0 : i32
      %sign3A_324 = arith.cmpi sgt, %jit3A_314, %sign3A_323 : i32
      %sign3A_325 = arith.extui %sign3A_324 : i1 to i32
      %sign3A_326 = arith.constant 0 : i32
      %sign3A_327 = arith.cmpi slt, %jit3A_314, %sign3A_326 : i32
      %sign3A_328 = arith.extui %sign3A_327 : i1 to i32
      %sign3A_329 = arith.subi %sign3A_325, %sign3A_328 : i32
      %ne3A_330 = arith.cmpi ne, %sign3A_322, %sign3A_329 : i32
      %rem3A_331 = arith.remsi %mul3A_2, %jit3A_314 : i32
      %ne3A_332 = arith.constant 0 : i32
      %ne3A_333 = arith.cmpi ne, %rem3A_331, %ne3A_332 : i32
      %and3A_334 = arith.andi %ne3A_330, %ne3A_333 : i1
      %sub3A_335 = arith.constant 1 : i32
      %sub3A_336 = arith.subi %div3A_315, %sub3A_335 : i32
      %select_n3A_337 = arith.select %and3A_334, %sub3A_336, %div3A_315 : i32
      %jit3A_338 = arith.constant 2 : i32
      %eq3A_339 = arith.constant 0 : i32
      %eq3A_340 = arith.cmpi eq, %jit3A_338, %eq3A_339 : i32
      %jit3A_341 = arith.constant 1 : i32
      %select_n3A_342 = arith.select %eq3A_340, %jit3A_341, %jit3A_338 : i32
      %rem3A_343 = arith.remsi %add3A_292, %select_n3A_342 : i32
      %ne3A_344 = arith.constant 0 : i32
      %ne3A_345 = arith.cmpi ne, %rem3A_343, %ne3A_344 : i32
      %lt3A_346 = arith.constant 0 : i32
      %lt3A_347 = arith.cmpi slt, %rem3A_343, %lt3A_346 : i32
      %lt3A_348 = arith.constant 0 : i32
      %lt3A_349 = arith.cmpi slt, %select_n3A_342, %lt3A_348 : i32
      %ne3A_350 = arith.xori %lt3A_347, %lt3A_349 : i1
      %and3A_351 = arith.andi %ne3A_350, %ne3A_345 : i1
      %add3A_352 = arith.addi %rem3A_343, %select_n3A_342 : i32
      %select_n3A_353 = arith.select %and3A_351, %add3A_352, %rem3A_343 : i32
      %mul3A_354 = arith.constant 2 : i32
      %mul3A_355 = arith.muli %select_n3A_353, %mul3A_354 : i32
      %add3A_356 = arith.addi %select_n3A_337, %mul3A_355 : i32
      %jit3A_357 = arith.constant 2 : i32
      %div3A_358 = arith.divsi %add3A_292, %jit3A_357 : i32
      %sign3A_359 = arith.constant 0 : i32
      %sign3A_360 = arith.cmpi sgt, %add3A_292, %sign3A_359 : i32
      %sign3A_361 = arith.extui %sign3A_360 : i1 to i32
      %sign3A_362 = arith.constant 0 : i32
      %sign3A_363 = arith.cmpi slt, %add3A_292, %sign3A_362 : i32
      %sign3A_364 = arith.extui %sign3A_363 : i1 to i32
      %sign3A_365 = arith.subi %sign3A_361, %sign3A_364 : i32
      %sign3A_366 = arith.constant 0 : i32
      %sign3A_367 = arith.cmpi sgt, %jit3A_357, %sign3A_366 : i32
      %sign3A_368 = arith.extui %sign3A_367 : i1 to i32
      %sign3A_369 = arith.constant 0 : i32
      %sign3A_370 = arith.cmpi slt, %jit3A_357, %sign3A_369 : i32
      %sign3A_371 = arith.extui %sign3A_370 : i1 to i32
      %sign3A_372 = arith.subi %sign3A_368, %sign3A_371 : i32
      %ne3A_373 = arith.cmpi ne, %sign3A_365, %sign3A_372 : i32
      %rem3A_374 = arith.remsi %add3A_292, %jit3A_357 : i32
      %ne3A_375 = arith.constant 0 : i32
      %ne3A_376 = arith.cmpi ne, %rem3A_374, %ne3A_375 : i32
      %and3A_377 = arith.andi %ne3A_373, %ne3A_376 : i1
      %sub3A_378 = arith.constant 1 : i32
      %sub3A_379 = arith.subi %div3A_358, %sub3A_378 : i32
      %select_n3A_380 = arith.select %and3A_377, %sub3A_379, %div3A_358 : i32
      %dma_start3A_381 = arith.constant 0 : i32
      %dma_start3A_382 = arith.constant 0 : i32
      %dma_start3A_383 = arith.constant 0 : i32
      %dma_start3A_384 = arith.constant 0 : i32
      %dma_start3A_385 = arith.constant 0 : i32
      %dma_start3A_386 = arith.constant 0 : i32
      %dma_start3A_387 = tpu.memref_slice %arg7[%dma_start3A_381, %dma_start3A_383, %dma_start3A_384, %dma_start3A_385, %dma_start3A_386] : memref<2x8x2x8x129xf32, #tpu.memory_space<vmem>> -> memref<1x8x2x8x128xf32, #tpu.memory_space<vmem>>
      %dma_start3A_388 = tpu.memref_squeeze %dma_start3A_387 : memref<1x8x2x8x128xf32, #tpu.memory_space<vmem>> -> memref<8x2x8x128xf32, #tpu.memory_space<vmem>>
      %dma_start3A_389 = arith.constant 0 : i32
      %dma_start3A_390 = arith.constant 0 : i32
      %dma_start3A_391 = arith.constant 0 : i32
      %dma_start3A_392 = tpu.memref_slice %arg4[%select_n3A_380, %dma_start3A_389, %add3A_356, %dma_start3A_390, %dma_start3A_391] : memref<50x8x128x8x128xf32, #tpu.memory_space<hbm>> -> memref<1x8x2x8x128xf32, #tpu.memory_space<hbm>>
      %dma_start3A_393 = tpu.memref_squeeze %dma_start3A_392 : memref<1x8x2x8x128xf32, #tpu.memory_space<hbm>> -> memref<8x2x8x128xf32, #tpu.memory_space<hbm>>
      %dma_start3A_394 = tpu.memref_slice %arg10[%dma_start3A_382] : memref<2x!tpu.dma_semaphore, #tpu.memory_space<semaphore_mem>> -> memref<1x!tpu.dma_semaphore, #tpu.memory_space<semaphore_mem>>
      %dma_start3A_395 = tpu.memref_squeeze %dma_start3A_394 : memref<1x!tpu.dma_semaphore, #tpu.memory_space<semaphore_mem>> -> memref<!tpu.dma_semaphore, #tpu.memory_space<semaphore_mem>>
      %dma_start3A_396 = arith.constant 0 : i32
      %dma_start3A_397 = arith.constant 0 : i32
      %dma_start3A_398 = arith.constant 0 : i32
      %dma_start3A_399 = tpu.memref_slice %arg4[%select_n3A_380, %dma_start3A_396, %add3A_356, %dma_start3A_397, %dma_start3A_398] : memref<50x8x128x8x128xf32, #tpu.memory_space<hbm>> -> memref<1x8x2x8x128xf32, #tpu.memory_space<hbm>>
      %dma_start3A_400 = tpu.memref_squeeze %dma_start3A_399 : memref<1x8x2x8x128xf32, #tpu.memory_space<hbm>> -> memref<8x2x8x128xf32, #tpu.memory_space<hbm>>
      %dma_start3A_401 = arith.constant 0 : i32
      %dma_start3A_402 = arith.constant 0 : i32
      %dma_start3A_403 = arith.constant 0 : i32
      %dma_start3A_404 = arith.constant 0 : i32
      %dma_start3A_405 = tpu.memref_slice %arg7[%dma_start3A_381, %dma_start3A_401, %dma_start3A_402, %dma_start3A_403, %dma_start3A_404] : memref<2x8x2x8x129xf32, #tpu.memory_space<vmem>> -> memref<1x8x2x8x128xf32, #tpu.memory_space<vmem>>
      %dma_start3A_406 = tpu.memref_squeeze %dma_start3A_405 : memref<1x8x2x8x128xf32, #tpu.memory_space<vmem>> -> memref<8x2x8x128xf32, #tpu.memory_space<vmem>>
      tpu.enqueue_dma source(%dma_start3A_406 : memref<8x2x8x128xf32, #tpu.memory_space<vmem>>) target(%dma_start3A_400 : memref<8x2x8x128xf32, #tpu.memory_space<hbm>>) target_semaphore(%dma_start3A_395 : memref<!tpu.dma_semaphore, #tpu.memory_space<semaphore_mem>>)
      %add3A_407 = arith.constant 2 : i32
      %add3A_408 = arith.addi %add3A_292, %add3A_407 : i32
      %lt3A_409 = arith.constant 100 : i32
      %lt3A_410 = arith.cmpi slt, %add3A_408, %lt3A_409 : i32
      %convert_element_type3A_411 = arith.extui %lt3A_410 : i1 to i32
      %cond3A_412 = arith.constant 0 : i32
      %cond3A_413 = arith.cmpi ne, %convert_element_type3A_411, %cond3A_412 : i32
      scf.if %cond3A_413 {
        %add3A_823 = arith.constant 0 : i32
        %add3A_824 = arith.addi %mul3A_2, %add3A_823 : i32
        %dma_wait3A_825 = arith.constant 0 : i32
        %dma_wait3A_826 = arith.constant 2 : i32
        %dma_wait3A_827 = arith.constant 2 : i32
        %dma_wait3A_828 = arith.constant 0 : i32
        %dma_wait3A_829 = tpu.memref_slice %arg5[%dma_wait3A_826, %dma_wait3A_828] : memref<4x256xi32, #tpu.memory_space<vmem>> -> memref<1x256xi32, #tpu.memory_space<vmem>>
        %dma_wait3A_830 = tpu.memref_squeeze %dma_wait3A_829 : memref<1x256xi32, #tpu.memory_space<vmem>> -> memref<256xi32, #tpu.memory_space<vmem>>
        %dma_wait3A_831 = tpu.memref_slice %arg2[%dma_wait3A_825, %add3A_824] : memref<50x16384xi32, #tpu.memory_space<hbm>> -> memref<1x256xi32, #tpu.memory_space<hbm>>
        %dma_wait3A_832 = tpu.memref_squeeze %dma_wait3A_831 : memref<1x256xi32, #tpu.memory_space<hbm>> -> memref<256xi32, #tpu.memory_space<hbm>>
        %dma_wait3A_833 = tpu.memref_slice %arg8[%dma_wait3A_827] : memref<4x!tpu.dma_semaphore, #tpu.memory_space<semaphore_mem>> -> memref<1x!tpu.dma_semaphore, #tpu.memory_space<semaphore_mem>>
        %dma_wait3A_834 = tpu.memref_squeeze %dma_wait3A_833 : memref<1x!tpu.dma_semaphore, #tpu.memory_space<semaphore_mem>> -> memref<!tpu.dma_semaphore, #tpu.memory_space<semaphore_mem>>
        %dma_wait3A_835 = arith.constant 0 : i32
        %dma_wait3A_836 = tpu.memref_slice %arg5[%dma_wait3A_826, %dma_wait3A_835] : memref<4x256xi32, #tpu.memory_space<vmem>> -> memref<1x256xi32, #tpu.memory_space<vmem>>
        %dma_wait3A_837 = tpu.memref_squeeze %dma_wait3A_836 : memref<1x256xi32, #tpu.memory_space<vmem>> -> memref<256xi32, #tpu.memory_space<vmem>>
        %dma_wait3A_838 = tpu.memref_slice %arg2[%dma_wait3A_825, %add3A_824] : memref<50x16384xi32, #tpu.memory_space<hbm>> -> memref<1x256xi32, #tpu.memory_space<hbm>>
        %dma_wait3A_839 = tpu.memref_squeeze %dma_wait3A_838 : memref<1x256xi32, #tpu.memory_space<hbm>> -> memref<256xi32, #tpu.memory_space<hbm>>
        tpu.wait_dma2 semaphore(%dma_wait3A_834 : memref<!tpu.dma_semaphore, #tpu.memory_space<semaphore_mem>>) src(%dma_wait3A_839 : memref<256xi32, #tpu.memory_space<hbm>>) dst(%dma_wait3A_837 : memref<256xi32, #tpu.memory_space<vmem>>)
        %dma_start3A_840 = arith.constant 2 : i32
        %dma_start3A_841 = arith.constant 0 : i32
        %dma_start3A_842 = arith.constant 0 : i32
        %dma_start3A_843 = arith.constant 0 : i32
        %dma_start3A_844 = arith.constant 0 : i32
        %dma_start3A_845 = tpu.memref_slice %arg6[%dma_start3A_841, %dma_start3A_843, %dma_start3A_844] : memref<2x256x64xf32, #tpu.memory_space<vmem>> -> memref<1x256x64xf32, #tpu.memory_space<vmem>>
        %dma_start3A_846 = tpu.memref_squeeze %dma_start3A_845 : memref<1x256x64xf32, #tpu.memory_space<vmem>> -> memref<256x64xf32, #tpu.memory_space<vmem>>
        %dma_start3A_847 = arith.constant 0 : i32
        %dma_start3A_848 = tpu.memref_slice %arg5[%dma_start3A_840, %dma_start3A_847] : memref<4x256xi32, #tpu.memory_space<vmem>> -> memref<1x256xi32, #tpu.memory_space<vmem>>
        %dma_start3A_849 = tpu.memref_squeeze %dma_start3A_848 : memref<1x256xi32, #tpu.memory_space<vmem>> -> memref<256xi32, #tpu.memory_space<vmem>>
        %dma_start3A_850 = arith.constant 0 : i32
        %dma_start3A_851 = arith.constant 0 : i32
        %dma_start3A_852 = tpu.memref_slice %arg3[%dma_start3A_850, %dma_start3A_851] : memref<2000000x64xf32, #tpu.memory_space<hbm>> -> memref<2000000x64xf32, #tpu.memory_space<hbm>>
        %dma_start3A_853 = tpu.memref_slice %arg9[%dma_start3A_842] : memref<2x!tpu.dma_semaphore, #tpu.memory_space<semaphore_mem>> -> memref<1x!tpu.dma_semaphore, #tpu.memory_space<semaphore_mem>>
        %dma_start3A_854 = tpu.memref_squeeze %dma_start3A_853 : memref<1x!tpu.dma_semaphore, #tpu.memory_space<semaphore_mem>> -> memref<!tpu.dma_semaphore, #tpu.memory_space<semaphore_mem>>
        tpu.enqueue_indirect_dma source(%dma_start3A_852 : memref<2000000x64xf32, #tpu.memory_space<hbm>>) target(%dma_start3A_846 : memref<256x64xf32, #tpu.memory_space<vmem>>) offsets(%dma_start3A_849 : memref<256xi32, #tpu.memory_space<vmem>>) semaphore(%dma_start3A_854 : memref<!tpu.dma_semaphore, #tpu.memory_space<semaphore_mem>>)
      } else {
      }
      %add3A_414 = arith.constant 4 : i32
      %add3A_415 = arith.addi %add3A_292, %add3A_414 : i32
      %lt3A_416 = arith.constant 100 : i32
      %lt3A_417 = arith.cmpi slt, %add3A_415, %lt3A_416 : i32
      %convert_element_type3A_418 = arith.extui %lt3A_417 : i1 to i32
      %cond3A_419 = arith.constant 0 : i32
      %cond3A_420 = arith.cmpi ne, %convert_element_type3A_418, %cond3A_419 : i32
      scf.if %cond3A_420 {
        %add3A_823 = arith.constant 4 : i32
        %add3A_824 = arith.addi %add3A_292, %add3A_823 : i32
        %jit3A_825 = arith.constant 2 : i32
        %div3A_826 = arith.divsi %add3A_824, %jit3A_825 : i32
        %sign3A_827 = arith.constant 0 : i32
        %sign3A_828 = arith.cmpi sgt, %add3A_824, %sign3A_827 : i32
        %sign3A_829 = arith.extui %sign3A_828 : i1 to i32
        %sign3A_830 = arith.constant 0 : i32
        %sign3A_831 = arith.cmpi slt, %add3A_824, %sign3A_830 : i32
        %sign3A_832 = arith.extui %sign3A_831 : i1 to i32
        %sign3A_833 = arith.subi %sign3A_829, %sign3A_832 : i32
        %sign3A_834 = arith.constant 0 : i32
        %sign3A_835 = arith.cmpi sgt, %jit3A_825, %sign3A_834 : i32
        %sign3A_836 = arith.extui %sign3A_835 : i1 to i32
        %sign3A_837 = arith.constant 0 : i32
        %sign3A_838 = arith.cmpi slt, %jit3A_825, %sign3A_837 : i32
        %sign3A_839 = arith.extui %sign3A_838 : i1 to i32
        %sign3A_840 = arith.subi %sign3A_836, %sign3A_839 : i32
        %ne3A_841 = arith.cmpi ne, %sign3A_833, %sign3A_840 : i32
        %rem3A_842 = arith.remsi %add3A_824, %jit3A_825 : i32
        %ne3A_843 = arith.constant 0 : i32
        %ne3A_844 = arith.cmpi ne, %rem3A_842, %ne3A_843 : i32
        %and3A_845 = arith.andi %ne3A_841, %ne3A_844 : i1
        %sub3A_846 = arith.constant 1 : i32
        %sub3A_847 = arith.subi %div3A_826, %sub3A_846 : i32
        %select_n3A_848 = arith.select %and3A_845, %sub3A_847, %div3A_826 : i32
        %jit3A_849 = arith.constant 2 : i32
        %eq3A_850 = arith.constant 0 : i32
        %eq3A_851 = arith.cmpi eq, %jit3A_849, %eq3A_850 : i32
        %jit3A_852 = arith.constant 1 : i32
        %select_n3A_853 = arith.select %eq3A_851, %jit3A_852, %jit3A_849 : i32
        %rem3A_854 = arith.remsi %add3A_824, %select_n3A_853 : i32
        %ne3A_855 = arith.constant 0 : i32
        %ne3A_856 = arith.cmpi ne, %rem3A_854, %ne3A_855 : i32
        %lt3A_857 = arith.constant 0 : i32
        %lt3A_858 = arith.cmpi slt, %rem3A_854, %lt3A_857 : i32
        %lt3A_859 = arith.constant 0 : i32
        %lt3A_860 = arith.cmpi slt, %select_n3A_853, %lt3A_859 : i32
        %ne3A_861 = arith.xori %lt3A_858, %lt3A_860 : i1
        %and3A_862 = arith.andi %ne3A_861, %ne3A_856 : i1
        %add3A_863 = arith.addi %rem3A_854, %select_n3A_853 : i32
        %select_n3A_864 = arith.select %and3A_862, %add3A_863, %rem3A_854 : i32
        %mul3A_865 = arith.constant 256 : i32
        %mul3A_866 = arith.muli %select_n3A_864, %mul3A_865 : i32
        %add3A_867 = arith.addi %mul3A_2, %mul3A_866 : i32
        %dma_start3A_868 = arith.constant 0 : i32
        %dma_start3A_869 = arith.constant 0 : i32
        %dma_start3A_870 = arith.constant 0 : i32
        %dma_start3A_871 = tpu.memref_slice %arg5[%dma_start3A_868, %dma_start3A_870] : memref<4x256xi32, #tpu.memory_space<vmem>> -> memref<1x256xi32, #tpu.memory_space<vmem>>
        %dma_start3A_872 = tpu.memref_squeeze %dma_start3A_871 : memref<1x256xi32, #tpu.memory_space<vmem>> -> memref<256xi32, #tpu.memory_space<vmem>>
        %dma_start3A_873 = tpu.memref_slice %arg2[%select_n3A_848, %add3A_867] : memref<50x16384xi32, #tpu.memory_space<hbm>> -> memref<1x256xi32, #tpu.memory_space<hbm>>
        %dma_start3A_874 = tpu.memref_squeeze %dma_start3A_873 : memref<1x256xi32, #tpu.memory_space<hbm>> -> memref<256xi32, #tpu.memory_space<hbm>>
        %dma_start3A_875 = tpu.memref_slice %arg8[%dma_start3A_869] : memref<4x!tpu.dma_semaphore, #tpu.memory_space<semaphore_mem>> -> memref<1x!tpu.dma_semaphore, #tpu.memory_space<semaphore_mem>>
        %dma_start3A_876 = tpu.memref_squeeze %dma_start3A_875 : memref<1x!tpu.dma_semaphore, #tpu.memory_space<semaphore_mem>> -> memref<!tpu.dma_semaphore, #tpu.memory_space<semaphore_mem>>
        %dma_start3A_877 = arith.constant 0 : i32
        %dma_start3A_878 = tpu.memref_slice %arg5[%dma_start3A_868, %dma_start3A_877] : memref<4x256xi32, #tpu.memory_space<vmem>> -> memref<1x256xi32, #tpu.memory_space<vmem>>
        %dma_start3A_879 = tpu.memref_squeeze %dma_start3A_878 : memref<1x256xi32, #tpu.memory_space<vmem>> -> memref<256xi32, #tpu.memory_space<vmem>>
        %dma_start3A_880 = tpu.memref_slice %arg2[%select_n3A_848, %add3A_867] : memref<50x16384xi32, #tpu.memory_space<hbm>> -> memref<1x256xi32, #tpu.memory_space<hbm>>
        %dma_start3A_881 = tpu.memref_squeeze %dma_start3A_880 : memref<1x256xi32, #tpu.memory_space<hbm>> -> memref<256xi32, #tpu.memory_space<hbm>>
        tpu.enqueue_dma source(%dma_start3A_881 : memref<256xi32, #tpu.memory_space<hbm>>) target(%dma_start3A_879 : memref<256xi32, #tpu.memory_space<vmem>>) target_semaphore(%dma_start3A_876 : memref<!tpu.dma_semaphore, #tpu.memory_space<semaphore_mem>>)
      } else {
      }
      %add3A_421 = arith.constant 1 : i32
      %add3A_422 = arith.addi %add3A_290, %add3A_421 : i32
      %dma_wait3A_423 = arith.constant 0 : i32
      %dma_wait3A_424 = arith.constant 1 : i32
      %dma_wait3A_425 = arith.constant 1 : i32
      %dma_wait3A_426 = arith.constant 0 : i32
      %dma_wait3A_427 = arith.constant 0 : i32
      %dma_wait3A_428 = tpu.memref_slice %arg6[%dma_wait3A_424, %dma_wait3A_426, %dma_wait3A_427] : memref<2x256x64xf32, #tpu.memory_space<vmem>> -> memref<1x256x64xf32, #tpu.memory_space<vmem>>
      %dma_wait3A_429 = tpu.memref_squeeze %dma_wait3A_428 : memref<1x256x64xf32, #tpu.memory_space<vmem>> -> memref<256x64xf32, #tpu.memory_space<vmem>>
      %dma_wait3A_430 = arith.constant 0 : i32
      %dma_wait3A_431 = tpu.memref_slice %arg5[%dma_wait3A_423, %dma_wait3A_430] : memref<4x256xi32, #tpu.memory_space<vmem>> -> memref<1x256xi32, #tpu.memory_space<vmem>>
      %dma_wait3A_432 = tpu.memref_squeeze %dma_wait3A_431 : memref<1x256xi32, #tpu.memory_space<vmem>> -> memref<256xi32, #tpu.memory_space<vmem>>
      %dma_wait3A_433 = arith.constant 0 : i32
      %dma_wait3A_434 = arith.constant 0 : i32
      %dma_wait3A_435 = tpu.memref_slice %arg3[%dma_wait3A_433, %dma_wait3A_434] : memref<2000000x64xf32, #tpu.memory_space<hbm>> -> memref<2000000x64xf32, #tpu.memory_space<hbm>>
      %dma_wait3A_436 = tpu.memref_slice %arg9[%dma_wait3A_425] : memref<2x!tpu.dma_semaphore, #tpu.memory_space<semaphore_mem>> -> memref<1x!tpu.dma_semaphore, #tpu.memory_space<semaphore_mem>>
      %dma_wait3A_437 = tpu.memref_squeeze %dma_wait3A_436 : memref<1x!tpu.dma_semaphore, #tpu.memory_space<semaphore_mem>> -> memref<!tpu.dma_semaphore, #tpu.memory_space<semaphore_mem>>
      tpu.wait_indirect_dma semaphore(%dma_wait3A_437 : memref<!tpu.dma_semaphore, #tpu.memory_space<semaphore_mem>>) src(%dma_wait3A_435 : memref<2000000x64xf32, #tpu.memory_space<hbm>>) dst(%dma_wait3A_429 : memref<256x64xf32, #tpu.memory_space<vmem>>)
      %ge3A_438 = arith.constant 2 : i32
      %ge3A_439 = arith.cmpi sge, %add3A_422, %ge3A_438 : i32
      %convert_element_type3A_440 = arith.extui %ge3A_439 : i1 to i32
      %cond3A_441 = arith.constant 0 : i32
      %cond3A_442 = arith.cmpi ne, %convert_element_type3A_440, %cond3A_441 : i32
      scf.if %cond3A_442 {
        %sub3A_823 = arith.constant 2 : i32
        %sub3A_824 = arith.subi %add3A_422, %sub3A_823 : i32
        %jit3A_825 = arith.constant 128 : i32
        %div3A_826 = arith.divsi %mul3A_2, %jit3A_825 : i32
        %sign3A_827 = arith.constant 0 : i32
        %sign3A_828 = arith.cmpi sgt, %mul3A_2, %sign3A_827 : i32
        %sign3A_829 = arith.extui %sign3A_828 : i1 to i32
        %sign3A_830 = arith.constant 0 : i32
        %sign3A_831 = arith.cmpi slt, %mul3A_2, %sign3A_830 : i32
        %sign3A_832 = arith.extui %sign3A_831 : i1 to i32
        %sign3A_833 = arith.subi %sign3A_829, %sign3A_832 : i32
        %sign3A_834 = arith.constant 0 : i32
        %sign3A_835 = arith.cmpi sgt, %jit3A_825, %sign3A_834 : i32
        %sign3A_836 = arith.extui %sign3A_835 : i1 to i32
        %sign3A_837 = arith.constant 0 : i32
        %sign3A_838 = arith.cmpi slt, %jit3A_825, %sign3A_837 : i32
        %sign3A_839 = arith.extui %sign3A_838 : i1 to i32
        %sign3A_840 = arith.subi %sign3A_836, %sign3A_839 : i32
        %ne3A_841 = arith.cmpi ne, %sign3A_833, %sign3A_840 : i32
        %rem3A_842 = arith.remsi %mul3A_2, %jit3A_825 : i32
        %ne3A_843 = arith.constant 0 : i32
        %ne3A_844 = arith.cmpi ne, %rem3A_842, %ne3A_843 : i32
        %and3A_845 = arith.andi %ne3A_841, %ne3A_844 : i1
        %sub3A_846 = arith.constant 1 : i32
        %sub3A_847 = arith.subi %div3A_826, %sub3A_846 : i32
        %select_n3A_848 = arith.select %and3A_845, %sub3A_847, %div3A_826 : i32
        %jit3A_849 = arith.constant 2 : i32
        %eq3A_850 = arith.constant 0 : i32
        %eq3A_851 = arith.cmpi eq, %jit3A_849, %eq3A_850 : i32
        %jit3A_852 = arith.constant 1 : i32
        %select_n3A_853 = arith.select %eq3A_851, %jit3A_852, %jit3A_849 : i32
        %rem3A_854 = arith.remsi %sub3A_824, %select_n3A_853 : i32
        %ne3A_855 = arith.constant 0 : i32
        %ne3A_856 = arith.cmpi ne, %rem3A_854, %ne3A_855 : i32
        %lt3A_857 = arith.constant 0 : i32
        %lt3A_858 = arith.cmpi slt, %rem3A_854, %lt3A_857 : i32
        %lt3A_859 = arith.constant 0 : i32
        %lt3A_860 = arith.cmpi slt, %select_n3A_853, %lt3A_859 : i32
        %ne3A_861 = arith.xori %lt3A_858, %lt3A_860 : i1
        %and3A_862 = arith.andi %ne3A_861, %ne3A_856 : i1
        %add3A_863 = arith.addi %rem3A_854, %select_n3A_853 : i32
        %select_n3A_864 = arith.select %and3A_862, %add3A_863, %rem3A_854 : i32
        %mul3A_865 = arith.constant 2 : i32
        %mul3A_866 = arith.muli %select_n3A_864, %mul3A_865 : i32
        %add3A_867 = arith.addi %select_n3A_848, %mul3A_866 : i32
        %jit3A_868 = arith.constant 2 : i32
        %div3A_869 = arith.divsi %sub3A_824, %jit3A_868 : i32
        %sign3A_870 = arith.constant 0 : i32
        %sign3A_871 = arith.cmpi sgt, %sub3A_824, %sign3A_870 : i32
        %sign3A_872 = arith.extui %sign3A_871 : i1 to i32
        %sign3A_873 = arith.constant 0 : i32
        %sign3A_874 = arith.cmpi slt, %sub3A_824, %sign3A_873 : i32
        %sign3A_875 = arith.extui %sign3A_874 : i1 to i32
        %sign3A_876 = arith.subi %sign3A_872, %sign3A_875 : i32
        %sign3A_877 = arith.constant 0 : i32
        %sign3A_878 = arith.cmpi sgt, %jit3A_868, %sign3A_877 : i32
        %sign3A_879 = arith.extui %sign3A_878 : i1 to i32
        %sign3A_880 = arith.constant 0 : i32
        %sign3A_881 = arith.cmpi slt, %jit3A_868, %sign3A_880 : i32
        %sign3A_882 = arith.extui %sign3A_881 : i1 to i32
        %sign3A_883 = arith.subi %sign3A_879, %sign3A_882 : i32
        %ne3A_884 = arith.cmpi ne, %sign3A_876, %sign3A_883 : i32
        %rem3A_885 = arith.remsi %sub3A_824, %jit3A_868 : i32
        %ne3A_886 = arith.constant 0 : i32
        %ne3A_887 = arith.cmpi ne, %rem3A_885, %ne3A_886 : i32
        %and3A_888 = arith.andi %ne3A_884, %ne3A_887 : i1
        %sub3A_889 = arith.constant 1 : i32
        %sub3A_890 = arith.subi %div3A_869, %sub3A_889 : i32
        %select_n3A_891 = arith.select %and3A_888, %sub3A_890, %div3A_869 : i32
        %dma_wait3A_892 = arith.constant 1 : i32
        %dma_wait3A_893 = arith.constant 1 : i32
        %dma_wait3A_894 = arith.constant 0 : i32
        %dma_wait3A_895 = arith.constant 0 : i32
        %dma_wait3A_896 = arith.constant 0 : i32
        %dma_wait3A_897 = arith.constant 0 : i32
        %dma_wait3A_898 = tpu.memref_slice %arg7[%dma_wait3A_892, %dma_wait3A_894, %dma_wait3A_895, %dma_wait3A_896, %dma_wait3A_897] : memref<2x8x2x8x129xf32, #tpu.memory_space<vmem>> -> memref<1x8x2x8x128xf32, #tpu.memory_space<vmem>>
        %dma_wait3A_899 = tpu.memref_squeeze %dma_wait3A_898 : memref<1x8x2x8x128xf32, #tpu.memory_space<vmem>> -> memref<8x2x8x128xf32, #tpu.memory_space<vmem>>
        %dma_wait3A_900 = arith.constant 0 : i32
        %dma_wait3A_901 = arith.constant 0 : i32
        %dma_wait3A_902 = arith.constant 0 : i32
        %dma_wait3A_903 = tpu.memref_slice %arg4[%select_n3A_891, %dma_wait3A_900, %add3A_867, %dma_wait3A_901, %dma_wait3A_902] : memref<50x8x128x8x128xf32, #tpu.memory_space<hbm>> -> memref<1x8x2x8x128xf32, #tpu.memory_space<hbm>>
        %dma_wait3A_904 = tpu.memref_squeeze %dma_wait3A_903 : memref<1x8x2x8x128xf32, #tpu.memory_space<hbm>> -> memref<8x2x8x128xf32, #tpu.memory_space<hbm>>
        %dma_wait3A_905 = tpu.memref_slice %arg10[%dma_wait3A_893] : memref<2x!tpu.dma_semaphore, #tpu.memory_space<semaphore_mem>> -> memref<1x!tpu.dma_semaphore, #tpu.memory_space<semaphore_mem>>
        %dma_wait3A_906 = tpu.memref_squeeze %dma_wait3A_905 : memref<1x!tpu.dma_semaphore, #tpu.memory_space<semaphore_mem>> -> memref<!tpu.dma_semaphore, #tpu.memory_space<semaphore_mem>>
        %dma_wait3A_907 = arith.constant 0 : i32
        %dma_wait3A_908 = arith.constant 0 : i32
        %dma_wait3A_909 = arith.constant 0 : i32
        %dma_wait3A_910 = tpu.memref_slice %arg4[%select_n3A_891, %dma_wait3A_907, %add3A_867, %dma_wait3A_908, %dma_wait3A_909] : memref<50x8x128x8x128xf32, #tpu.memory_space<hbm>> -> memref<1x8x2x8x128xf32, #tpu.memory_space<hbm>>
        %dma_wait3A_911 = tpu.memref_squeeze %dma_wait3A_910 : memref<1x8x2x8x128xf32, #tpu.memory_space<hbm>> -> memref<8x2x8x128xf32, #tpu.memory_space<hbm>>
        %dma_wait3A_912 = arith.constant 0 : i32
        %dma_wait3A_913 = arith.constant 0 : i32
        %dma_wait3A_914 = arith.constant 0 : i32
        %dma_wait3A_915 = arith.constant 0 : i32
        %dma_wait3A_916 = tpu.memref_slice %arg7[%dma_wait3A_892, %dma_wait3A_912, %dma_wait3A_913, %dma_wait3A_914, %dma_wait3A_915] : memref<2x8x2x8x129xf32, #tpu.memory_space<vmem>> -> memref<1x8x2x8x128xf32, #tpu.memory_space<vmem>>
        %dma_wait3A_917 = tpu.memref_squeeze %dma_wait3A_916 : memref<1x8x2x8x128xf32, #tpu.memory_space<vmem>> -> memref<8x2x8x128xf32, #tpu.memory_space<vmem>>
        tpu.wait_dma2 semaphore(%dma_wait3A_906 : memref<!tpu.dma_semaphore, #tpu.memory_space<semaphore_mem>>) src(%dma_wait3A_917 : memref<8x2x8x128xf32, #tpu.memory_space<vmem>>) dst(%dma_wait3A_911 : memref<8x2x8x128xf32, #tpu.memory_space<hbm>>)
      } else {
      }
      %parallel_loop3A_443 = arith.constant 0 : i32
      %parallel_loop3A_444 = arith.constant 256 : i32
      %parallel_loop3A_445 = arith.constant 1 : i32
      %parallel_loop3A_446 = arith.constant 1 : i32
      %parallel_loop3A_447 = arith.constant 1 : i32
      scf.for %parallel_loop3A_823 = %parallel_loop3A_443 to %parallel_loop3A_444 step %parallel_loop3A_445  : i32 {
        %parallel_loop3A_824 = arith.constant 128 : i32
        %parallel_loop3A_825 = arith.divsi %parallel_loop3A_823, %parallel_loop3A_824 : i32
        %parallel_loop3A_826 = arith.constant 0 : i32
        %parallel_loop3A_827 = arith.cmpi sgt, %parallel_loop3A_823, %parallel_loop3A_826 : i32
        %parallel_loop3A_828 = arith.extui %parallel_loop3A_827 : i1 to i32
        %parallel_loop3A_829 = arith.constant 0 : i32
        %parallel_loop3A_830 = arith.cmpi slt, %parallel_loop3A_823, %parallel_loop3A_829 : i32
        %parallel_loop3A_831 = arith.extui %parallel_loop3A_830 : i1 to i32
        %parallel_loop3A_832 = arith.subi %parallel_loop3A_828, %parallel_loop3A_831 : i32
        %parallel_loop3A_833 = arith.constant 0 : i32
        %parallel_loop3A_834 = arith.cmpi sgt, %parallel_loop3A_824, %parallel_loop3A_833 : i32
        %parallel_loop3A_835 = arith.extui %parallel_loop3A_834 : i1 to i32
        %parallel_loop3A_836 = arith.constant 0 : i32
        %parallel_loop3A_837 = arith.cmpi slt, %parallel_loop3A_824, %parallel_loop3A_836 : i32
        %parallel_loop3A_838 = arith.extui %parallel_loop3A_837 : i1 to i32
        %parallel_loop3A_839 = arith.subi %parallel_loop3A_835, %parallel_loop3A_838 : i32
        %parallel_loop3A_840 = arith.cmpi ne, %parallel_loop3A_832, %parallel_loop3A_839 : i32
        %parallel_loop3A_841 = arith.remsi %parallel_loop3A_823, %parallel_loop3A_824 : i32
        %parallel_loop3A_842 = arith.constant 0 : i32
        %parallel_loop3A_843 = arith.cmpi ne, %parallel_loop3A_841, %parallel_loop3A_842 : i32
        %parallel_loop3A_844 = arith.andi %parallel_loop3A_840, %parallel_loop3A_843 : i1
        %parallel_loop3A_845 = arith.constant 1 : i32
        %parallel_loop3A_846 = arith.subi %parallel_loop3A_825, %parallel_loop3A_845 : i32
        %parallel_loop3A_847 = arith.select %parallel_loop3A_844, %parallel_loop3A_846, %parallel_loop3A_825 : i32
        %parallel_loop3A_848 = vector.broadcast %parallel_loop3A_847 : i32 to vector<16xi32>
        %parallel_loop3A_849 = arith.constant 128 : i32
        %parallel_loop3A_850 = arith.constant 0 : i32
        %parallel_loop3A_851 = arith.cmpi eq, %parallel_loop3A_849, %parallel_loop3A_850 : i32
        %parallel_loop3A_852 = arith.constant 1 : i32
        %parallel_loop3A_853 = arith.select %parallel_loop3A_851, %parallel_loop3A_852, %parallel_loop3A_849 : i32
        %parallel_loop3A_854 = arith.remsi %parallel_loop3A_823, %parallel_loop3A_853 : i32
        %parallel_loop3A_855 = arith.constant 0 : i32
        %parallel_loop3A_856 = arith.cmpi ne, %parallel_loop3A_854, %parallel_loop3A_855 : i32
        %parallel_loop3A_857 = arith.constant 0 : i32
        %parallel_loop3A_858 = arith.cmpi slt, %parallel_loop3A_854, %parallel_loop3A_857 : i32
        %parallel_loop3A_859 = arith.constant 0 : i32
        %parallel_loop3A_860 = arith.cmpi slt, %parallel_loop3A_853, %parallel_loop3A_859 : i32
        %parallel_loop3A_861 = arith.xori %parallel_loop3A_858, %parallel_loop3A_860 : i1
        %parallel_loop3A_862 = arith.andi %parallel_loop3A_861, %parallel_loop3A_856 : i1
        %parallel_loop3A_863 = arith.addi %parallel_loop3A_854, %parallel_loop3A_853 : i32
        %parallel_loop3A_864 = arith.select %parallel_loop3A_862, %parallel_loop3A_863, %parallel_loop3A_854 : i32
        %parallel_loop3A_865 = vector.broadcast %parallel_loop3A_864 : i32 to vector<16xi32>
        %parallel_loop3A_866 = arith.constant 0 : i32
        %parallel_loop3A_867 = arith.constant 0 : i32
        %parallel_loop3A_868 = tpu.memref_slice %arg6[%parallel_loop3A_446, %parallel_loop3A_866, %parallel_loop3A_867] : memref<2x256x64xf32, #tpu.memory_space<vmem>> -> memref<1x256x64xf32, #tpu.memory_space<vmem>>
        %parallel_loop3A_869 = tpu.memref_squeeze %parallel_loop3A_868 : memref<1x256x64xf32, #tpu.memory_space<vmem>> -> memref<256x64xf32, #tpu.memory_space<vmem>>
        %parallel_loop3A_870 = arith.index_cast %parallel_loop3A_823 : i32 to index
        %parallel_loop3A_871 = arith.constant 0 : index
        %parallel_loop3A_872 = tpu.vector_load %parallel_loop3A_869[%parallel_loop3A_870, %parallel_loop3A_871] {strides = array<i32>} : memref<256x64xf32, #tpu.memory_space<vmem>>, vector<16xf32>,
        %parallel_loop3A_873 = arith.constant 0 : i32
        %parallel_loop3A_874 = vector.broadcast %parallel_loop3A_873 : i32 to vector<16xi32>
        %parallel_loop3A_875 = arith.addi %parallel_loop3A_874, %select_n3A : vector<16xi32>
        %parallel_loop3A_876 = arith.constant 0 : i32
        %parallel_loop3A_877 = arith.constant 0 : i32
        %parallel_loop3A_878 = arith.constant 0 : i32
        %parallel_loop3A_879 = arith.constant 0 : i32
        %parallel_loop3A_880 = tpu.memref_slice %arg7[%parallel_loop3A_447, %parallel_loop3A_876, %parallel_loop3A_877, %parallel_loop3A_878, %parallel_loop3A_879] : memref<2x8x2x8x129xf32, #tpu.memory_space<vmem>> -> memref<1x8x2x8x129xf32, #tpu.memory_space<vmem>>
        %parallel_loop3A_881 = tpu.memref_squeeze %parallel_loop3A_880 : memref<1x8x2x8x129xf32, #tpu.memory_space<vmem>> -> memref<8x2x8x129xf32, #tpu.memory_space<vmem>>
        tpu.vector_store_idx %parallel_loop3A_881[%parallel_loop3A_875, %parallel_loop3A_848, %select_n3A_45, %parallel_loop3A_865], %parallel_loop3A_872 : memref<8x2x8x129xf32, #tpu.memory_space<vmem>>[vector<16xi32>, vector<16xi32>, vector<16xi32>, vector<16xi32>], vector<16xf32>,
        %parallel_loop3A_882 = arith.constant 0 : i32
        %parallel_loop3A_883 = arith.constant 0 : i32
        %parallel_loop3A_884 = tpu.memref_slice %arg6[%parallel_loop3A_446, %parallel_loop3A_882, %parallel_loop3A_883] : memref<2x256x64xf32, #tpu.memory_space<vmem>> -> memref<1x256x64xf32, #tpu.memory_space<vmem>>
        %parallel_loop3A_885 = tpu.memref_squeeze %parallel_loop3A_884 : memref<1x256x64xf32, #tpu.memory_space<vmem>> -> memref<256x64xf32, #tpu.memory_space<vmem>>
        %parallel_loop3A_886 = arith.index_cast %parallel_loop3A_823 : i32 to index
        %parallel_loop3A_887 = arith.constant 16 : index
        %parallel_loop3A_888 = tpu.vector_load %parallel_loop3A_885[%parallel_loop3A_886, %parallel_loop3A_887] {strides = array<i32>} : memref<256x64xf32, #tpu.memory_space<vmem>>, vector<16xf32>,
        %parallel_loop3A_889 = arith.constant 2 : i32
        %parallel_loop3A_890 = vector.broadcast %parallel_loop3A_889 : i32 to vector<16xi32>
        %parallel_loop3A_891 = arith.addi %parallel_loop3A_890, %select_n3A : vector<16xi32>
        %parallel_loop3A_892 = arith.constant 0 : i32
        %parallel_loop3A_893 = arith.constant 0 : i32
        %parallel_loop3A_894 = arith.constant 0 : i32
        %parallel_loop3A_895 = arith.constant 0 : i32
        %parallel_loop3A_896 = tpu.memref_slice %arg7[%parallel_loop3A_447, %parallel_loop3A_892, %parallel_loop3A_893, %parallel_loop3A_894, %parallel_loop3A_895] : memref<2x8x2x8x129xf32, #tpu.memory_space<vmem>> -> memref<1x8x2x8x129xf32, #tpu.memory_space<vmem>>
        %parallel_loop3A_897 = tpu.memref_squeeze %parallel_loop3A_896 : memref<1x8x2x8x129xf32, #tpu.memory_space<vmem>> -> memref<8x2x8x129xf32, #tpu.memory_space<vmem>>
        tpu.vector_store_idx %parallel_loop3A_897[%parallel_loop3A_891, %parallel_loop3A_848, %select_n3A_45, %parallel_loop3A_865], %parallel_loop3A_888 : memref<8x2x8x129xf32, #tpu.memory_space<vmem>>[vector<16xi32>, vector<16xi32>, vector<16xi32>, vector<16xi32>], vector<16xf32>,
        %parallel_loop3A_898 = arith.constant 0 : i32
        %parallel_loop3A_899 = arith.constant 0 : i32
        %parallel_loop3A_900 = tpu.memref_slice %arg6[%parallel_loop3A_446, %parallel_loop3A_898, %parallel_loop3A_899] : memref<2x256x64xf32, #tpu.memory_space<vmem>> -> memref<1x256x64xf32, #tpu.memory_space<vmem>>
        %parallel_loop3A_901 = tpu.memref_squeeze %parallel_loop3A_900 : memref<1x256x64xf32, #tpu.memory_space<vmem>> -> memref<256x64xf32, #tpu.memory_space<vmem>>
        %parallel_loop3A_902 = arith.index_cast %parallel_loop3A_823 : i32 to index
        %parallel_loop3A_903 = arith.constant 32 : index
        %parallel_loop3A_904 = tpu.vector_load %parallel_loop3A_901[%parallel_loop3A_902, %parallel_loop3A_903] {strides = array<i32>} : memref<256x64xf32, #tpu.memory_space<vmem>>, vector<16xf32>,
        %parallel_loop3A_905 = arith.constant 4 : i32
        %parallel_loop3A_906 = vector.broadcast %parallel_loop3A_905 : i32 to vector<16xi32>
        %parallel_loop3A_907 = arith.addi %parallel_loop3A_906, %select_n3A : vector<16xi32>
        %parallel_loop3A_908 = arith.constant 0 : i32
        %parallel_loop3A_909 = arith.constant 0 : i32
        %parallel_loop3A_910 = arith.constant 0 : i32
        %parallel_loop3A_911 = arith.constant 0 : i32
        %parallel_loop3A_912 = tpu.memref_slice %arg7[%parallel_loop3A_447, %parallel_loop3A_908, %parallel_loop3A_909, %parallel_loop3A_910, %parallel_loop3A_911] : memref<2x8x2x8x129xf32, #tpu.memory_space<vmem>> -> memref<1x8x2x8x129xf32, #tpu.memory_space<vmem>>
        %parallel_loop3A_913 = tpu.memref_squeeze %parallel_loop3A_912 : memref<1x8x2x8x129xf32, #tpu.memory_space<vmem>> -> memref<8x2x8x129xf32, #tpu.memory_space<vmem>>
        tpu.vector_store_idx %parallel_loop3A_913[%parallel_loop3A_907, %parallel_loop3A_848, %select_n3A_45, %parallel_loop3A_865], %parallel_loop3A_904 : memref<8x2x8x129xf32, #tpu.memory_space<vmem>>[vector<16xi32>, vector<16xi32>, vector<16xi32>, vector<16xi32>], vector<16xf32>,
        %parallel_loop3A_914 = arith.constant 0 : i32
        %parallel_loop3A_915 = arith.constant 0 : i32
        %parallel_loop3A_916 = tpu.memref_slice %arg6[%parallel_loop3A_446, %parallel_loop3A_914, %parallel_loop3A_915] : memref<2x256x64xf32, #tpu.memory_space<vmem>> -> memref<1x256x64xf32, #tpu.memory_space<vmem>>
        %parallel_loop3A_917 = tpu.memref_squeeze %parallel_loop3A_916 : memref<1x256x64xf32, #tpu.memory_space<vmem>> -> memref<256x64xf32, #tpu.memory_space<vmem>>
        %parallel_loop3A_918 = arith.index_cast %parallel_loop3A_823 : i32 to index
        %parallel_loop3A_919 = arith.constant 48 : index
        %parallel_loop3A_920 = tpu.vector_load %parallel_loop3A_917[%parallel_loop3A_918, %parallel_loop3A_919] {strides = array<i32>} : memref<256x64xf32, #tpu.memory_space<vmem>>, vector<16xf32>,
        %parallel_loop3A_921 = arith.constant 6 : i32
        %parallel_loop3A_922 = vector.broadcast %parallel_loop3A_921 : i32 to vector<16xi32>
        %parallel_loop3A_923 = arith.addi %parallel_loop3A_922, %select_n3A : vector<16xi32>
        %parallel_loop3A_924 = arith.constant 0 : i32
        %parallel_loop3A_925 = arith.constant 0 : i32
        %parallel_loop3A_926 = arith.constant 0 : i32
        %parallel_loop3A_927 = arith.constant 0 : i32
        %parallel_loop3A_928 = tpu.memref_slice %arg7[%parallel_loop3A_447, %parallel_loop3A_924, %parallel_loop3A_925, %parallel_loop3A_926, %parallel_loop3A_927] : memref<2x8x2x8x129xf32, #tpu.memory_space<vmem>> -> memref<1x8x2x8x129xf32, #tpu.memory_space<vmem>>
        %parallel_loop3A_929 = tpu.memref_squeeze %parallel_loop3A_928 : memref<1x8x2x8x129xf32, #tpu.memory_space<vmem>> -> memref<8x2x8x129xf32, #tpu.memory_space<vmem>>
        tpu.vector_store_idx %parallel_loop3A_929[%parallel_loop3A_923, %parallel_loop3A_848, %select_n3A_45, %parallel_loop3A_865], %parallel_loop3A_920 : memref<8x2x8x129xf32, #tpu.memory_space<vmem>>[vector<16xi32>, vector<16xi32>, vector<16xi32>, vector<16xi32>], vector<16xf32>,
      } {sc.loop_unroll_factor = 4 : i64, sc.parallel_access}
      %jit3A_448 = arith.constant 128 : i32
      %div3A_449 = arith.divsi %mul3A_2, %jit3A_448 : i32
      %sign3A_450 = arith.constant 0 : i32
      %sign3A_451 = arith.cmpi sgt, %mul3A_2, %sign3A_450 : i32
      %sign3A_452 = arith.extui %sign3A_451 : i1 to i32
      %sign3A_453 = arith.constant 0 : i32
      %sign3A_454 = arith.cmpi slt, %mul3A_2, %sign3A_453 : i32
      %sign3A_455 = arith.extui %sign3A_454 : i1 to i32
      %sign3A_456 = arith.subi %sign3A_452, %sign3A_455 : i32
      %sign3A_457 = arith.constant 0 : i32
      %sign3A_458 = arith.cmpi sgt, %jit3A_448, %sign3A_457 : i32
      %sign3A_459 = arith.extui %sign3A_458 : i1 to i32
      %sign3A_460 = arith.constant 0 : i32
      %sign3A_461 = arith.cmpi slt, %jit3A_448, %sign3A_460 : i32
      %sign3A_462 = arith.extui %sign3A_461 : i1 to i32
      %sign3A_463 = arith.subi %sign3A_459, %sign3A_462 : i32
      %ne3A_464 = arith.cmpi ne, %sign3A_456, %sign3A_463 : i32
      %rem3A_465 = arith.remsi %mul3A_2, %jit3A_448 : i32
      %ne3A_466 = arith.constant 0 : i32
      %ne3A_467 = arith.cmpi ne, %rem3A_465, %ne3A_466 : i32
      %and3A_468 = arith.andi %ne3A_464, %ne3A_467 : i1
      %sub3A_469 = arith.constant 1 : i32
      %sub3A_470 = arith.subi %div3A_449, %sub3A_469 : i32
      %select_n3A_471 = arith.select %and3A_468, %sub3A_470, %div3A_449 : i32
      %jit3A_472 = arith.constant 2 : i32
      %eq3A_473 = arith.constant 0 : i32
      %eq3A_474 = arith.cmpi eq, %jit3A_472, %eq3A_473 : i32
      %jit3A_475 = arith.constant 1 : i32
      %select_n3A_476 = arith.select %eq3A_474, %jit3A_475, %jit3A_472 : i32
      %rem3A_477 = arith.remsi %add3A_422, %select_n3A_476 : i32
      %ne3A_478 = arith.constant 0 : i32
      %ne3A_479 = arith.cmpi ne, %rem3A_477, %ne3A_478 : i32
      %lt3A_480 = arith.constant 0 : i32
      %lt3A_481 = arith.cmpi slt, %rem3A_477, %lt3A_480 : i32
      %lt3A_482 = arith.constant 0 : i32
      %lt3A_483 = arith.cmpi slt, %select_n3A_476, %lt3A_482 : i32
      %ne3A_484 = arith.xori %lt3A_481, %lt3A_483 : i1
      %and3A_485 = arith.andi %ne3A_484, %ne3A_479 : i1
      %add3A_486 = arith.addi %rem3A_477, %select_n3A_476 : i32
      %select_n3A_487 = arith.select %and3A_485, %add3A_486, %rem3A_477 : i32
      %mul3A_488 = arith.constant 2 : i32
      %mul3A_489 = arith.muli %select_n3A_487, %mul3A_488 : i32
      %add3A_490 = arith.addi %select_n3A_471, %mul3A_489 : i32
      %jit3A_491 = arith.constant 2 : i32
      %div3A_492 = arith.divsi %add3A_422, %jit3A_491 : i32
      %sign3A_493 = arith.constant 0 : i32
      %sign3A_494 = arith.cmpi sgt, %add3A_422, %sign3A_493 : i32
      %sign3A_495 = arith.extui %sign3A_494 : i1 to i32
      %sign3A_496 = arith.constant 0 : i32
      %sign3A_497 = arith.cmpi slt, %add3A_422, %sign3A_496 : i32
      %sign3A_498 = arith.extui %sign3A_497 : i1 to i32
      %sign3A_499 = arith.subi %sign3A_495, %sign3A_498 : i32
      %sign3A_500 = arith.constant 0 : i32
      %sign3A_501 = arith.cmpi sgt, %jit3A_491, %sign3A_500 : i32
      %sign3A_502 = arith.extui %sign3A_501 : i1 to i32
      %sign3A_503 = arith.constant 0 : i32
      %sign3A_504 = arith.cmpi slt, %jit3A_491, %sign3A_503 : i32
      %sign3A_505 = arith.extui %sign3A_504 : i1 to i32
      %sign3A_506 = arith.subi %sign3A_502, %sign3A_505 : i32
      %ne3A_507 = arith.cmpi ne, %sign3A_499, %sign3A_506 : i32
      %rem3A_508 = arith.remsi %add3A_422, %jit3A_491 : i32
      %ne3A_509 = arith.constant 0 : i32
      %ne3A_510 = arith.cmpi ne, %rem3A_508, %ne3A_509 : i32
      %and3A_511 = arith.andi %ne3A_507, %ne3A_510 : i1
      %sub3A_512 = arith.constant 1 : i32
      %sub3A_513 = arith.subi %div3A_492, %sub3A_512 : i32
      %select_n3A_514 = arith.select %and3A_511, %sub3A_513, %div3A_492 : i32
      %dma_start3A_515 = arith.constant 1 : i32
      %dma_start3A_516 = arith.constant 1 : i32
      %dma_start3A_517 = arith.constant 0 : i32
      %dma_start3A_518 = arith.constant 0 : i32
      %dma_start3A_519 = arith.constant 0 : i32
      %dma_start3A_520 = arith.constant 0 : i32
      %dma_start3A_521 = tpu.memref_slice %arg7[%dma_start3A_515, %dma_start3A_517, %dma_start3A_518, %dma_start3A_519, %dma_start3A_520] : memref<2x8x2x8x129xf32, #tpu.memory_space<vmem>> -> memref<1x8x2x8x128xf32, #tpu.memory_space<vmem>>
      %dma_start3A_522 = tpu.memref_squeeze %dma_start3A_521 : memref<1x8x2x8x128xf32, #tpu.memory_space<vmem>> -> memref<8x2x8x128xf32, #tpu.memory_space<vmem>>
      %dma_start3A_523 = arith.constant 0 : i32
      %dma_start3A_524 = arith.constant 0 : i32
      %dma_start3A_525 = arith.constant 0 : i32
      %dma_start3A_526 = tpu.memref_slice %arg4[%select_n3A_514, %dma_start3A_523, %add3A_490, %dma_start3A_524, %dma_start3A_525] : memref<50x8x128x8x128xf32, #tpu.memory_space<hbm>> -> memref<1x8x2x8x128xf32, #tpu.memory_space<hbm>>
      %dma_start3A_527 = tpu.memref_squeeze %dma_start3A_526 : memref<1x8x2x8x128xf32, #tpu.memory_space<hbm>> -> memref<8x2x8x128xf32, #tpu.memory_space<hbm>>
      %dma_start3A_528 = tpu.memref_slice %arg10[%dma_start3A_516] : memref<2x!tpu.dma_semaphore, #tpu.memory_space<semaphore_mem>> -> memref<1x!tpu.dma_semaphore, #tpu.memory_space<semaphore_mem>>
      %dma_start3A_529 = tpu.memref_squeeze %dma_start3A_528 : memref<1x!tpu.dma_semaphore, #tpu.memory_space<semaphore_mem>> -> memref<!tpu.dma_semaphore, #tpu.memory_space<semaphore_mem>>
      %dma_start3A_530 = arith.constant 0 : i32
      %dma_start3A_531 = arith.constant 0 : i32
      %dma_start3A_532 = arith.constant 0 : i32
      %dma_start3A_533 = tpu.memref_slice %arg4[%select_n3A_514, %dma_start3A_530, %add3A_490, %dma_start3A_531, %dma_start3A_532] : memref<50x8x128x8x128xf32, #tpu.memory_space<hbm>> -> memref<1x8x2x8x128xf32, #tpu.memory_space<hbm>>
      %dma_start3A_534 = tpu.memref_squeeze %dma_start3A_533 : memref<1x8x2x8x128xf32, #tpu.memory_space<hbm>> -> memref<8x2x8x128xf32, #tpu.memory_space<hbm>>
      %dma_start3A_535 = arith.constant 0 : i32
      %dma_start3A_536 = arith.constant 0 : i32
      %dma_start3A_537 = arith.constant 0 : i32
      %dma_start3A_538 = arith.constant 0 : i32
      %dma_start3A_539 = tpu.memref_slice %arg7[%dma_start3A_515, %dma_start3A_535, %dma_start3A_536, %dma_start3A_537, %dma_start3A_538] : memref<2x8x2x8x129xf32, #tpu.memory_space<vmem>> -> memref<1x8x2x8x128xf32, #tpu.memory_space<vmem>>
      %dma_start3A_540 = tpu.memref_squeeze %dma_start3A_539 : memref<1x8x2x8x128xf32, #tpu.memory_space<vmem>> -> memref<8x2x8x128xf32, #tpu.memory_space<vmem>>
      tpu.enqueue_dma source(%dma_start3A_540 : memref<8x2x8x128xf32, #tpu.memory_space<vmem>>) target(%dma_start3A_534 : memref<8x2x8x128xf32, #tpu.memory_space<hbm>>) target_semaphore(%dma_start3A_529 : memref<!tpu.dma_semaphore, #tpu.memory_space<semaphore_mem>>)
      %add3A_541 = arith.constant 2 : i32
      %add3A_542 = arith.addi %add3A_422, %add3A_541 : i32
      %lt3A_543 = arith.constant 100 : i32
      %lt3A_544 = arith.cmpi slt, %add3A_542, %lt3A_543 : i32
      %convert_element_type3A_545 = arith.extui %lt3A_544 : i1 to i32
      %cond3A_546 = arith.constant 0 : i32
      %cond3A_547 = arith.cmpi ne, %convert_element_type3A_545, %cond3A_546 : i32
      scf.if %cond3A_547 {
        %add3A_823 = arith.constant 0 : i32
        %add3A_824 = arith.addi %mul3A_2, %add3A_823 : i32
        %dma_wait3A_825 = arith.constant 0 : i32
        %dma_wait3A_826 = arith.constant 3 : i32
        %dma_wait3A_827 = arith.constant 3 : i32
        %dma_wait3A_828 = arith.constant 0 : i32
        %dma_wait3A_829 = tpu.memref_slice %arg5[%dma_wait3A_826, %dma_wait3A_828] : memref<4x256xi32, #tpu.memory_space<vmem>> -> memref<1x256xi32, #tpu.memory_space<vmem>>
        %dma_wait3A_830 = tpu.memref_squeeze %dma_wait3A_829 : memref<1x256xi32, #tpu.memory_space<vmem>> -> memref<256xi32, #tpu.memory_space<vmem>>
        %dma_wait3A_831 = tpu.memref_slice %arg2[%dma_wait3A_825, %add3A_824] : memref<50x16384xi32, #tpu.memory_space<hbm>> -> memref<1x256xi32, #tpu.memory_space<hbm>>
        %dma_wait3A_832 = tpu.memref_squeeze %dma_wait3A_831 : memref<1x256xi32, #tpu.memory_space<hbm>> -> memref<256xi32, #tpu.memory_space<hbm>>
        %dma_wait3A_833 = tpu.memref_slice %arg8[%dma_wait3A_827] : memref<4x!tpu.dma_semaphore, #tpu.memory_space<semaphore_mem>> -> memref<1x!tpu.dma_semaphore, #tpu.memory_space<semaphore_mem>>
        %dma_wait3A_834 = tpu.memref_squeeze %dma_wait3A_833 : memref<1x!tpu.dma_semaphore, #tpu.memory_space<semaphore_mem>> -> memref<!tpu.dma_semaphore, #tpu.memory_space<semaphore_mem>>
        %dma_wait3A_835 = arith.constant 0 : i32
        %dma_wait3A_836 = tpu.memref_slice %arg5[%dma_wait3A_826, %dma_wait3A_835] : memref<4x256xi32, #tpu.memory_space<vmem>> -> memref<1x256xi32, #tpu.memory_space<vmem>>
        %dma_wait3A_837 = tpu.memref_squeeze %dma_wait3A_836 : memref<1x256xi32, #tpu.memory_space<vmem>> -> memref<256xi32, #tpu.memory_space<vmem>>
        %dma_wait3A_838 = tpu.memref_slice %arg2[%dma_wait3A_825, %add3A_824] : memref<50x16384xi32, #tpu.memory_space<hbm>> -> memref<1x256xi32, #tpu.memory_space<hbm>>
        %dma_wait3A_839 = tpu.memref_squeeze %dma_wait3A_838 : memref<1x256xi32, #tpu.memory_space<hbm>> -> memref<256xi32, #tpu.memory_space<hbm>>
        tpu.wait_dma2 semaphore(%dma_wait3A_834 : memref<!tpu.dma_semaphore, #tpu.memory_space<semaphore_mem>>) src(%dma_wait3A_839 : memref<256xi32, #tpu.memory_space<hbm>>) dst(%dma_wait3A_837 : memref<256xi32, #tpu.memory_space<vmem>>)
        %dma_start3A_840 = arith.constant 3 : i32
        %dma_start3A_841 = arith.constant 1 : i32
        %dma_start3A_842 = arith.constant 1 : i32
        %dma_start3A_843 = arith.constant 0 : i32
        %dma_start3A_844 = arith.constant 0 : i32
        %dma_start3A_845 = tpu.memref_slice %arg6[%dma_start3A_841, %dma_start3A_843, %dma_start3A_844] : memref<2x256x64xf32, #tpu.memory_space<vmem>> -> memref<1x256x64xf32, #tpu.memory_space<vmem>>
        %dma_start3A_846 = tpu.memref_squeeze %dma_start3A_845 : memref<1x256x64xf32, #tpu.memory_space<vmem>> -> memref<256x64xf32, #tpu.memory_space<vmem>>
        %dma_start3A_847 = arith.constant 0 : i32
        %dma_start3A_848 = tpu.memref_slice %arg5[%dma_start3A_840, %dma_start3A_847] : memref<4x256xi32, #tpu.memory_space<vmem>> -> memref<1x256xi32, #tpu.memory_space<vmem>>
        %dma_start3A_849 = tpu.memref_squeeze %dma_start3A_848 : memref<1x256xi32, #tpu.memory_space<vmem>> -> memref<256xi32, #tpu.memory_space<vmem>>
        %dma_start3A_850 = arith.constant 0 : i32
        %dma_start3A_851 = arith.constant 0 : i32
        %dma_start3A_852 = tpu.memref_slice %arg3[%dma_start3A_850, %dma_start3A_851] : memref<2000000x64xf32, #tpu.memory_space<hbm>> -> memref<2000000x64xf32, #tpu.memory_space<hbm>>
        %dma_start3A_853 = tpu.memref_slice %arg9[%dma_start3A_842] : memref<2x!tpu.dma_semaphore, #tpu.memory_space<semaphore_mem>> -> memref<1x!tpu.dma_semaphore, #tpu.memory_space<semaphore_mem>>
        %dma_start3A_854 = tpu.memref_squeeze %dma_start3A_853 : memref<1x!tpu.dma_semaphore, #tpu.memory_space<semaphore_mem>> -> memref<!tpu.dma_semaphore, #tpu.memory_space<semaphore_mem>>
        tpu.enqueue_indirect_dma source(%dma_start3A_852 : memref<2000000x64xf32, #tpu.memory_space<hbm>>) target(%dma_start3A_846 : memref<256x64xf32, #tpu.memory_space<vmem>>) offsets(%dma_start3A_849 : memref<256xi32, #tpu.memory_space<vmem>>) semaphore(%dma_start3A_854 : memref<!tpu.dma_semaphore, #tpu.memory_space<semaphore_mem>>)
      } else {
      }
      %add3A_548 = arith.constant 4 : i32
      %add3A_549 = arith.addi %add3A_422, %add3A_548 : i32
      %lt3A_550 = arith.constant 100 : i32
      %lt3A_551 = arith.cmpi slt, %add3A_549, %lt3A_550 : i32
      %convert_element_type3A_552 = arith.extui %lt3A_551 : i1 to i32
      %cond3A_553 = arith.constant 0 : i32
      %cond3A_554 = arith.cmpi ne, %convert_element_type3A_552, %cond3A_553 : i32
      scf.if %cond3A_554 {
        %add3A_823 = arith.constant 4 : i32
        %add3A_824 = arith.addi %add3A_422, %add3A_823 : i32
        %jit3A_825 = arith.constant 2 : i32
        %div3A_826 = arith.divsi %add3A_824, %jit3A_825 : i32
        %sign3A_827 = arith.constant 0 : i32
        %sign3A_828 = arith.cmpi sgt, %add3A_824, %sign3A_827 : i32
        %sign3A_829 = arith.extui %sign3A_828 : i1 to i32
        %sign3A_830 = arith.constant 0 : i32
        %sign3A_831 = arith.cmpi slt, %add3A_824, %sign3A_830 : i32
        %sign3A_832 = arith.extui %sign3A_831 : i1 to i32
        %sign3A_833 = arith.subi %sign3A_829, %sign3A_832 : i32
        %sign3A_834 = arith.constant 0 : i32
        %sign3A_835 = arith.cmpi sgt, %jit3A_825, %sign3A_834 : i32
        %sign3A_836 = arith.extui %sign3A_835 : i1 to i32
        %sign3A_837 = arith.constant 0 : i32
        %sign3A_838 = arith.cmpi slt, %jit3A_825, %sign3A_837 : i32
        %sign3A_839 = arith.extui %sign3A_838 : i1 to i32
        %sign3A_840 = arith.subi %sign3A_836, %sign3A_839 : i32
        %ne3A_841 = arith.cmpi ne, %sign3A_833, %sign3A_840 : i32
        %rem3A_842 = arith.remsi %add3A_824, %jit3A_825 : i32
        %ne3A_843 = arith.constant 0 : i32
        %ne3A_844 = arith.cmpi ne, %rem3A_842, %ne3A_843 : i32
        %and3A_845 = arith.andi %ne3A_841, %ne3A_844 : i1
        %sub3A_846 = arith.constant 1 : i32
        %sub3A_847 = arith.subi %div3A_826, %sub3A_846 : i32
        %select_n3A_848 = arith.select %and3A_845, %sub3A_847, %div3A_826 : i32
        %jit3A_849 = arith.constant 2 : i32
        %eq3A_850 = arith.constant 0 : i32
        %eq3A_851 = arith.cmpi eq, %jit3A_849, %eq3A_850 : i32
        %jit3A_852 = arith.constant 1 : i32
        %select_n3A_853 = arith.select %eq3A_851, %jit3A_852, %jit3A_849 : i32
        %rem3A_854 = arith.remsi %add3A_824, %select_n3A_853 : i32
        %ne3A_855 = arith.constant 0 : i32
        %ne3A_856 = arith.cmpi ne, %rem3A_854, %ne3A_855 : i32
        %lt3A_857 = arith.constant 0 : i32
        %lt3A_858 = arith.cmpi slt, %rem3A_854, %lt3A_857 : i32
        %lt3A_859 = arith.constant 0 : i32
        %lt3A_860 = arith.cmpi slt, %select_n3A_853, %lt3A_859 : i32
        %ne3A_861 = arith.xori %lt3A_858, %lt3A_860 : i1
        %and3A_862 = arith.andi %ne3A_861, %ne3A_856 : i1
        %add3A_863 = arith.addi %rem3A_854, %select_n3A_853 : i32
        %select_n3A_864 = arith.select %and3A_862, %add3A_863, %rem3A_854 : i32
        %mul3A_865 = arith.constant 256 : i32
        %mul3A_866 = arith.muli %select_n3A_864, %mul3A_865 : i32
        %add3A_867 = arith.addi %mul3A_2, %mul3A_866 : i32
        %dma_start3A_868 = arith.constant 1 : i32
        %dma_start3A_869 = arith.constant 1 : i32
        %dma_start3A_870 = arith.constant 0 : i32
        %dma_start3A_871 = tpu.memref_slice %arg5[%dma_start3A_868, %dma_start3A_870] : memref<4x256xi32, #tpu.memory_space<vmem>> -> memref<1x256xi32, #tpu.memory_space<vmem>>
        %dma_start3A_872 = tpu.memref_squeeze %dma_start3A_871 : memref<1x256xi32, #tpu.memory_space<vmem>> -> memref<256xi32, #tpu.memory_space<vmem>>
        %dma_start3A_873 = tpu.memref_slice %arg2[%select_n3A_848, %add3A_867] : memref<50x16384xi32, #tpu.memory_space<hbm>> -> memref<1x256xi32, #tpu.memory_space<hbm>>
        %dma_start3A_874 = tpu.memref_squeeze %dma_start3A_873 : memref<1x256xi32, #tpu.memory_space<hbm>> -> memref<256xi32, #tpu.memory_space<hbm>>
        %dma_start3A_875 = tpu.memref_slice %arg8[%dma_start3A_869] : memref<4x!tpu.dma_semaphore, #tpu.memory_space<semaphore_mem>> -> memref<1x!tpu.dma_semaphore, #tpu.memory_space<semaphore_mem>>
        %dma_start3A_876 = tpu.memref_squeeze %dma_start3A_875 : memref<1x!tpu.dma_semaphore, #tpu.memory_space<semaphore_mem>> -> memref<!tpu.dma_semaphore, #tpu.memory_space<semaphore_mem>>
        %dma_start3A_877 = arith.constant 0 : i32
        %dma_start3A_878 = tpu.memref_slice %arg5[%dma_start3A_868, %dma_start3A_877] : memref<4x256xi32, #tpu.memory_space<vmem>> -> memref<1x256xi32, #tpu.memory_space<vmem>>
        %dma_start3A_879 = tpu.memref_squeeze %dma_start3A_878 : memref<1x256xi32, #tpu.memory_space<vmem>> -> memref<256xi32, #tpu.memory_space<vmem>>
        %dma_start3A_880 = tpu.memref_slice %arg2[%select_n3A_848, %add3A_867] : memref<50x16384xi32, #tpu.memory_space<hbm>> -> memref<1x256xi32, #tpu.memory_space<hbm>>
        %dma_start3A_881 = tpu.memref_squeeze %dma_start3A_880 : memref<1x256xi32, #tpu.memory_space<hbm>> -> memref<256xi32, #tpu.memory_space<hbm>>
        tpu.enqueue_dma source(%dma_start3A_881 : memref<256xi32, #tpu.memory_space<hbm>>) target(%dma_start3A_879 : memref<256xi32, #tpu.memory_space<vmem>>) target_semaphore(%dma_start3A_876 : memref<!tpu.dma_semaphore, #tpu.memory_space<semaphore_mem>>)
      } else {
      }
      %add3A_555 = arith.constant 2 : i32
      %add3A_556 = arith.addi %add3A_290, %add3A_555 : i32
      %dma_wait3A_557 = arith.constant 0 : i32
      %dma_wait3A_558 = arith.constant 0 : i32
      %dma_wait3A_559 = arith.constant 0 : i32
      %dma_wait3A_560 = arith.constant 0 : i32
      %dma_wait3A_561 = arith.constant 0 : i32
      %dma_wait3A_562 = tpu.memref_slice %arg6[%dma_wait3A_558, %dma_wait3A_560, %dma_wait3A_561] : memref<2x256x64xf32, #tpu.memory_space<vmem>> -> memref<1x256x64xf32, #tpu.memory_space<vmem>>
      %dma_wait3A_563 = tpu.memref_squeeze %dma_wait3A_562 : memref<1x256x64xf32, #tpu.memory_space<vmem>> -> memref<256x64xf32, #tpu.memory_space<vmem>>
      %dma_wait3A_564 = arith.constant 0 : i32
      %dma_wait3A_565 = tpu.memref_slice %arg5[%dma_wait3A_557, %dma_wait3A_564] : memref<4x256xi32, #tpu.memory_space<vmem>> -> memref<1x256xi32, #tpu.memory_space<vmem>>
      %dma_wait3A_566 = tpu.memref_squeeze %dma_wait3A_565 : memref<1x256xi32, #tpu.memory_space<vmem>> -> memref<256xi32, #tpu.memory_space<vmem>>
      %dma_wait3A_567 = arith.constant 0 : i32
      %dma_wait3A_568 = arith.constant 0 : i32
      %dma_wait3A_569 = tpu.memref_slice %arg3[%dma_wait3A_567, %dma_wait3A_568] : memref<2000000x64xf32, #tpu.memory_space<hbm>> -> memref<2000000x64xf32, #tpu.memory_space<hbm>>
      %dma_wait3A_570 = tpu.memref_slice %arg9[%dma_wait3A_559] : memref<2x!tpu.dma_semaphore, #tpu.memory_space<semaphore_mem>> -> memref<1x!tpu.dma_semaphore, #tpu.memory_space<semaphore_mem>>
      %dma_wait3A_571 = tpu.memref_squeeze %dma_wait3A_570 : memref<1x!tpu.dma_semaphore, #tpu.memory_space<semaphore_mem>> -> memref<!tpu.dma_semaphore, #tpu.memory_space<semaphore_mem>>
      tpu.wait_indirect_dma semaphore(%dma_wait3A_571 : memref<!tpu.dma_semaphore, #tpu.memory_space<semaphore_mem>>) src(%dma_wait3A_569 : memref<2000000x64xf32, #tpu.memory_space<hbm>>) dst(%dma_wait3A_563 : memref<256x64xf32, #tpu.memory_space<vmem>>)
      %ge3A_572 = arith.constant 2 : i32
      %ge3A_573 = arith.cmpi sge, %add3A_556, %ge3A_572 : i32
      %convert_element_type3A_574 = arith.extui %ge3A_573 : i1 to i32
      %cond3A_575 = arith.constant 0 : i32
      %cond3A_576 = arith.cmpi ne, %convert_element_type3A_574, %cond3A_575 : i32
      scf.if %cond3A_576 {
        %sub3A_823 = arith.constant 2 : i32
        %sub3A_824 = arith.subi %add3A_556, %sub3A_823 : i32
        %jit3A_825 = arith.constant 128 : i32
        %div3A_826 = arith.divsi %mul3A_2, %jit3A_825 : i32
        %sign3A_827 = arith.constant 0 : i32
        %sign3A_828 = arith.cmpi sgt, %mul3A_2, %sign3A_827 : i32
        %sign3A_829 = arith.extui %sign3A_828 : i1 to i32
        %sign3A_830 = arith.constant 0 : i32
        %sign3A_831 = arith.cmpi slt, %mul3A_2, %sign3A_830 : i32
        %sign3A_832 = arith.extui %sign3A_831 : i1 to i32
        %sign3A_833 = arith.subi %sign3A_829, %sign3A_832 : i32
        %sign3A_834 = arith.constant 0 : i32
        %sign3A_835 = arith.cmpi sgt, %jit3A_825, %sign3A_834 : i32
        %sign3A_836 = arith.extui %sign3A_835 : i1 to i32
        %sign3A_837 = arith.constant 0 : i32
        %sign3A_838 = arith.cmpi slt, %jit3A_825, %sign3A_837 : i32
        %sign3A_839 = arith.extui %sign3A_838 : i1 to i32
        %sign3A_840 = arith.subi %sign3A_836, %sign3A_839 : i32
        %ne3A_841 = arith.cmpi ne, %sign3A_833, %sign3A_840 : i32
        %rem3A_842 = arith.remsi %mul3A_2, %jit3A_825 : i32
        %ne3A_843 = arith.constant 0 : i32
        %ne3A_844 = arith.cmpi ne, %rem3A_842, %ne3A_843 : i32
        %and3A_845 = arith.andi %ne3A_841, %ne3A_844 : i1
        %sub3A_846 = arith.constant 1 : i32
        %sub3A_847 = arith.subi %div3A_826, %sub3A_846 : i32
        %select_n3A_848 = arith.select %and3A_845, %sub3A_847, %div3A_826 : i32
        %jit3A_849 = arith.constant 2 : i32
        %eq3A_850 = arith.constant 0 : i32
        %eq3A_851 = arith.cmpi eq, %jit3A_849, %eq3A_850 : i32
        %jit3A_852 = arith.constant 1 : i32
        %select_n3A_853 = arith.select %eq3A_851, %jit3A_852, %jit3A_849 : i32
        %rem3A_854 = arith.remsi %sub3A_824, %select_n3A_853 : i32
        %ne3A_855 = arith.constant 0 : i32
        %ne3A_856 = arith.cmpi ne, %rem3A_854, %ne3A_855 : i32
        %lt3A_857 = arith.constant 0 : i32
        %lt3A_858 = arith.cmpi slt, %rem3A_854, %lt3A_857 : i32
        %lt3A_859 = arith.constant 0 : i32
        %lt3A_860 = arith.cmpi slt, %select_n3A_853, %lt3A_859 : i32
        %ne3A_861 = arith.xori %lt3A_858, %lt3A_860 : i1
        %and3A_862 = arith.andi %ne3A_861, %ne3A_856 : i1
        %add3A_863 = arith.addi %rem3A_854, %select_n3A_853 : i32
        %select_n3A_864 = arith.select %and3A_862, %add3A_863, %rem3A_854 : i32
        %mul3A_865 = arith.constant 2 : i32
        %mul3A_866 = arith.muli %select_n3A_864, %mul3A_865 : i32
        %add3A_867 = arith.addi %select_n3A_848, %mul3A_866 : i32
        %jit3A_868 = arith.constant 2 : i32
        %div3A_869 = arith.divsi %sub3A_824, %jit3A_868 : i32
        %sign3A_870 = arith.constant 0 : i32
        %sign3A_871 = arith.cmpi sgt, %sub3A_824, %sign3A_870 : i32
        %sign3A_872 = arith.extui %sign3A_871 : i1 to i32
        %sign3A_873 = arith.constant 0 : i32
        %sign3A_874 = arith.cmpi slt, %sub3A_824, %sign3A_873 : i32
        %sign3A_875 = arith.extui %sign3A_874 : i1 to i32
        %sign3A_876 = arith.subi %sign3A_872, %sign3A_875 : i32
        %sign3A_877 = arith.constant 0 : i32
        %sign3A_878 = arith.cmpi sgt, %jit3A_868, %sign3A_877 : i32
        %sign3A_879 = arith.extui %sign3A_878 : i1 to i32
        %sign3A_880 = arith.constant 0 : i32
        %sign3A_881 = arith.cmpi slt, %jit3A_868, %sign3A_880 : i32
        %sign3A_882 = arith.extui %sign3A_881 : i1 to i32
        %sign3A_883 = arith.subi %sign3A_879, %sign3A_882 : i32
        %ne3A_884 = arith.cmpi ne, %sign3A_876, %sign3A_883 : i32
        %rem3A_885 = arith.remsi %sub3A_824, %jit3A_868 : i32
        %ne3A_886 = arith.constant 0 : i32
        %ne3A_887 = arith.cmpi ne, %rem3A_885, %ne3A_886 : i32
        %and3A_888 = arith.andi %ne3A_884, %ne3A_887 : i1
        %sub3A_889 = arith.constant 1 : i32
        %sub3A_890 = arith.subi %div3A_869, %sub3A_889 : i32
        %select_n3A_891 = arith.select %and3A_888, %sub3A_890, %div3A_869 : i32
        %dma_wait3A_892 = arith.constant 0 : i32
        %dma_wait3A_893 = arith.constant 0 : i32
        %dma_wait3A_894 = arith.constant 0 : i32
        %dma_wait3A_895 = arith.constant 0 : i32
        %dma_wait3A_896 = arith.constant 0 : i32
        %dma_wait3A_897 = arith.constant 0 : i32
        %dma_wait3A_898 = tpu.memref_slice %arg7[%dma_wait3A_892, %dma_wait3A_894, %dma_wait3A_895, %dma_wait3A_896, %dma_wait3A_897] : memref<2x8x2x8x129xf32, #tpu.memory_space<vmem>> -> memref<1x8x2x8x128xf32, #tpu.memory_space<vmem>>
        %dma_wait3A_899 = tpu.memref_squeeze %dma_wait3A_898 : memref<1x8x2x8x128xf32, #tpu.memory_space<vmem>> -> memref<8x2x8x128xf32, #tpu.memory_space<vmem>>
        %dma_wait3A_900 = arith.constant 0 : i32
        %dma_wait3A_901 = arith.constant 0 : i32
        %dma_wait3A_902 = arith.constant 0 : i32
        %dma_wait3A_903 = tpu.memref_slice %arg4[%select_n3A_891, %dma_wait3A_900, %add3A_867, %dma_wait3A_901, %dma_wait3A_902] : memref<50x8x128x8x128xf32, #tpu.memory_space<hbm>> -> memref<1x8x2x8x128xf32, #tpu.memory_space<hbm>>
        %dma_wait3A_904 = tpu.memref_squeeze %dma_wait3A_903 : memref<1x8x2x8x128xf32, #tpu.memory_space<hbm>> -> memref<8x2x8x128xf32, #tpu.memory_space<hbm>>
        %dma_wait3A_905 = tpu.memref_slice %arg10[%dma_wait3A_893] : memref<2x!tpu.dma_semaphore, #tpu.memory_space<semaphore_mem>> -> memref<1x!tpu.dma_semaphore, #tpu.memory_space<semaphore_mem>>
        %dma_wait3A_906 = tpu.memref_squeeze %dma_wait3A_905 : memref<1x!tpu.dma_semaphore, #tpu.memory_space<semaphore_mem>> -> memref<!tpu.dma_semaphore, #tpu.memory_space<semaphore_mem>>
        %dma_wait3A_907 = arith.constant 0 : i32
        %dma_wait3A_908 = arith.constant 0 : i32
        %dma_wait3A_909 = arith.constant 0 : i32
        %dma_wait3A_910 = tpu.memref_slice %arg4[%select_n3A_891, %dma_wait3A_907, %add3A_867, %dma_wait3A_908, %dma_wait3A_909] : memref<50x8x128x8x128xf32, #tpu.memory_space<hbm>> -> memref<1x8x2x8x128xf32, #tpu.memory_space<hbm>>
        %dma_wait3A_911 = tpu.memref_squeeze %dma_wait3A_910 : memref<1x8x2x8x128xf32, #tpu.memory_space<hbm>> -> memref<8x2x8x128xf32, #tpu.memory_space<hbm>>
        %dma_wait3A_912 = arith.constant 0 : i32
        %dma_wait3A_913 = arith.constant 0 : i32
        %dma_wait3A_914 = arith.constant 0 : i32
        %dma_wait3A_915 = arith.constant 0 : i32
        %dma_wait3A_916 = tpu.memref_slice %arg7[%dma_wait3A_892, %dma_wait3A_912, %dma_wait3A_913, %dma_wait3A_914, %dma_wait3A_915] : memref<2x8x2x8x129xf32, #tpu.memory_space<vmem>> -> memref<1x8x2x8x128xf32, #tpu.memory_space<vmem>>
        %dma_wait3A_917 = tpu.memref_squeeze %dma_wait3A_916 : memref<1x8x2x8x128xf32, #tpu.memory_space<vmem>> -> memref<8x2x8x128xf32, #tpu.memory_space<vmem>>
        tpu.wait_dma2 semaphore(%dma_wait3A_906 : memref<!tpu.dma_semaphore, #tpu.memory_space<semaphore_mem>>) src(%dma_wait3A_917 : memref<8x2x8x128xf32, #tpu.memory_space<vmem>>) dst(%dma_wait3A_911 : memref<8x2x8x128xf32, #tpu.memory_space<hbm>>)
      } else {
      }
      %parallel_loop3A_577 = arith.constant 0 : i32
      %parallel_loop3A_578 = arith.constant 256 : i32
      %parallel_loop3A_579 = arith.constant 1 : i32
      %parallel_loop3A_580 = arith.constant 0 : i32
      %parallel_loop3A_581 = arith.constant 0 : i32
      scf.for %parallel_loop3A_823 = %parallel_loop3A_577 to %parallel_loop3A_578 step %parallel_loop3A_579  : i32 {
        %parallel_loop3A_824 = arith.constant 128 : i32
        %parallel_loop3A_825 = arith.divsi %parallel_loop3A_823, %parallel_loop3A_824 : i32
        %parallel_loop3A_826 = arith.constant 0 : i32
        %parallel_loop3A_827 = arith.cmpi sgt, %parallel_loop3A_823, %parallel_loop3A_826 : i32
        %parallel_loop3A_828 = arith.extui %parallel_loop3A_827 : i1 to i32
        %parallel_loop3A_829 = arith.constant 0 : i32
        %parallel_loop3A_830 = arith.cmpi slt, %parallel_loop3A_823, %parallel_loop3A_829 : i32
        %parallel_loop3A_831 = arith.extui %parallel_loop3A_830 : i1 to i32
        %parallel_loop3A_832 = arith.subi %parallel_loop3A_828, %parallel_loop3A_831 : i32
        %parallel_loop3A_833 = arith.constant 0 : i32
        %parallel_loop3A_834 = arith.cmpi sgt, %parallel_loop3A_824, %parallel_loop3A_833 : i32
        %parallel_loop3A_835 = arith.extui %parallel_loop3A_834 : i1 to i32
        %parallel_loop3A_836 = arith.constant 0 : i32
        %parallel_loop3A_837 = arith.cmpi slt, %parallel_loop3A_824, %parallel_loop3A_836 : i32
        %parallel_loop3A_838 = arith.extui %parallel_loop3A_837 : i1 to i32
        %parallel_loop3A_839 = arith.subi %parallel_loop3A_835, %parallel_loop3A_838 : i32
        %parallel_loop3A_840 = arith.cmpi ne, %parallel_loop3A_832, %parallel_loop3A_839 : i32
        %parallel_loop3A_841 = arith.remsi %parallel_loop3A_823, %parallel_loop3A_824 : i32
        %parallel_loop3A_842 = arith.constant 0 : i32
        %parallel_loop3A_843 = arith.cmpi ne, %parallel_loop3A_841, %parallel_loop3A_842 : i32
        %parallel_loop3A_844 = arith.andi %parallel_loop3A_840, %parallel_loop3A_843 : i1
        %parallel_loop3A_845 = arith.constant 1 : i32
        %parallel_loop3A_846 = arith.subi %parallel_loop3A_825, %parallel_loop3A_845 : i32
        %parallel_loop3A_847 = arith.select %parallel_loop3A_844, %parallel_loop3A_846, %parallel_loop3A_825 : i32
        %parallel_loop3A_848 = vector.broadcast %parallel_loop3A_847 : i32 to vector<16xi32>
        %parallel_loop3A_849 = arith.constant 128 : i32
        %parallel_loop3A_850 = arith.constant 0 : i32
        %parallel_loop3A_851 = arith.cmpi eq, %parallel_loop3A_849, %parallel_loop3A_850 : i32
        %parallel_loop3A_852 = arith.constant 1 : i32
        %parallel_loop3A_853 = arith.select %parallel_loop3A_851, %parallel_loop3A_852, %parallel_loop3A_849 : i32
        %parallel_loop3A_854 = arith.remsi %parallel_loop3A_823, %parallel_loop3A_853 : i32
        %parallel_loop3A_855 = arith.constant 0 : i32
        %parallel_loop3A_856 = arith.cmpi ne, %parallel_loop3A_854, %parallel_loop3A_855 : i32
        %parallel_loop3A_857 = arith.constant 0 : i32
        %parallel_loop3A_858 = arith.cmpi slt, %parallel_loop3A_854, %parallel_loop3A_857 : i32
        %parallel_loop3A_859 = arith.constant 0 : i32
        %parallel_loop3A_860 = arith.cmpi slt, %parallel_loop3A_853, %parallel_loop3A_859 : i32
        %parallel_loop3A_861 = arith.xori %parallel_loop3A_858, %parallel_loop3A_860 : i1
        %parallel_loop3A_862 = arith.andi %parallel_loop3A_861, %parallel_loop3A_856 : i1
        %parallel_loop3A_863 = arith.addi %parallel_loop3A_854, %parallel_loop3A_853 : i32
        %parallel_loop3A_864 = arith.select %parallel_loop3A_862, %parallel_loop3A_863, %parallel_loop3A_854 : i32
        %parallel_loop3A_865 = vector.broadcast %parallel_loop3A_864 : i32 to vector<16xi32>
        %parallel_loop3A_866 = arith.constant 0 : i32
        %parallel_loop3A_867 = arith.constant 0 : i32
        %parallel_loop3A_868 = tpu.memref_slice %arg6[%parallel_loop3A_580, %parallel_loop3A_866, %parallel_loop3A_867] : memref<2x256x64xf32, #tpu.memory_space<vmem>> -> memref<1x256x64xf32, #tpu.memory_space<vmem>>
        %parallel_loop3A_869 = tpu.memref_squeeze %parallel_loop3A_868 : memref<1x256x64xf32, #tpu.memory_space<vmem>> -> memref<256x64xf32, #tpu.memory_space<vmem>>
        %parallel_loop3A_870 = arith.index_cast %parallel_loop3A_823 : i32 to index
        %parallel_loop3A_871 = arith.constant 0 : index
        %parallel_loop3A_872 = tpu.vector_load %parallel_loop3A_869[%parallel_loop3A_870, %parallel_loop3A_871] {strides = array<i32>} : memref<256x64xf32, #tpu.memory_space<vmem>>, vector<16xf32>,
        %parallel_loop3A_873 = arith.constant 0 : i32
        %parallel_loop3A_874 = vector.broadcast %parallel_loop3A_873 : i32 to vector<16xi32>
        %parallel_loop3A_875 = arith.addi %parallel_loop3A_874, %select_n3A : vector<16xi32>
        %parallel_loop3A_876 = arith.constant 0 : i32
        %parallel_loop3A_877 = arith.constant 0 : i32
        %parallel_loop3A_878 = arith.constant 0 : i32
        %parallel_loop3A_879 = arith.constant 0 : i32
        %parallel_loop3A_880 = tpu.memref_slice %arg7[%parallel_loop3A_581, %parallel_loop3A_876, %parallel_loop3A_877, %parallel_loop3A_878, %parallel_loop3A_879] : memref<2x8x2x8x129xf32, #tpu.memory_space<vmem>> -> memref<1x8x2x8x129xf32, #tpu.memory_space<vmem>>
        %parallel_loop3A_881 = tpu.memref_squeeze %parallel_loop3A_880 : memref<1x8x2x8x129xf32, #tpu.memory_space<vmem>> -> memref<8x2x8x129xf32, #tpu.memory_space<vmem>>
        tpu.vector_store_idx %parallel_loop3A_881[%parallel_loop3A_875, %parallel_loop3A_848, %select_n3A_45, %parallel_loop3A_865], %parallel_loop3A_872 : memref<8x2x8x129xf32, #tpu.memory_space<vmem>>[vector<16xi32>, vector<16xi32>, vector<16xi32>, vector<16xi32>], vector<16xf32>,
        %parallel_loop3A_882 = arith.constant 0 : i32
        %parallel_loop3A_883 = arith.constant 0 : i32
        %parallel_loop3A_884 = tpu.memref_slice %arg6[%parallel_loop3A_580, %parallel_loop3A_882, %parallel_loop3A_883] : memref<2x256x64xf32, #tpu.memory_space<vmem>> -> memref<1x256x64xf32, #tpu.memory_space<vmem>>
        %parallel_loop3A_885 = tpu.memref_squeeze %parallel_loop3A_884 : memref<1x256x64xf32, #tpu.memory_space<vmem>> -> memref<256x64xf32, #tpu.memory_space<vmem>>
        %parallel_loop3A_886 = arith.index_cast %parallel_loop3A_823 : i32 to index
        %parallel_loop3A_887 = arith.constant 16 : index
        %parallel_loop3A_888 = tpu.vector_load %parallel_loop3A_885[%parallel_loop3A_886, %parallel_loop3A_887] {strides = array<i32>} : memref<256x64xf32, #tpu.memory_space<vmem>>, vector<16xf32>,
        %parallel_loop3A_889 = arith.constant 2 : i32
        %parallel_loop3A_890 = vector.broadcast %parallel_loop3A_889 : i32 to vector<16xi32>
        %parallel_loop3A_891 = arith.addi %parallel_loop3A_890, %select_n3A : vector<16xi32>
        %parallel_loop3A_892 = arith.constant 0 : i32
        %parallel_loop3A_893 = arith.constant 0 : i32
        %parallel_loop3A_894 = arith.constant 0 : i32
        %parallel_loop3A_895 = arith.constant 0 : i32
        %parallel_loop3A_896 = tpu.memref_slice %arg7[%parallel_loop3A_581, %parallel_loop3A_892, %parallel_loop3A_893, %parallel_loop3A_894, %parallel_loop3A_895] : memref<2x8x2x8x129xf32, #tpu.memory_space<vmem>> -> memref<1x8x2x8x129xf32, #tpu.memory_space<vmem>>
        %parallel_loop3A_897 = tpu.memref_squeeze %parallel_loop3A_896 : memref<1x8x2x8x129xf32, #tpu.memory_space<vmem>> -> memref<8x2x8x129xf32, #tpu.memory_space<vmem>>
        tpu.vector_store_idx %parallel_loop3A_897[%parallel_loop3A_891, %parallel_loop3A_848, %select_n3A_45, %parallel_loop3A_865], %parallel_loop3A_888 : memref<8x2x8x129xf32, #tpu.memory_space<vmem>>[vector<16xi32>, vector<16xi32>, vector<16xi32>, vector<16xi32>], vector<16xf32>,
        %parallel_loop3A_898 = arith.constant 0 : i32
        %parallel_loop3A_899 = arith.constant 0 : i32
        %parallel_loop3A_900 = tpu.memref_slice %arg6[%parallel_loop3A_580, %parallel_loop3A_898, %parallel_loop3A_899] : memref<2x256x64xf32, #tpu.memory_space<vmem>> -> memref<1x256x64xf32, #tpu.memory_space<vmem>>
        %parallel_loop3A_901 = tpu.memref_squeeze %parallel_loop3A_900 : memref<1x256x64xf32, #tpu.memory_space<vmem>> -> memref<256x64xf32, #tpu.memory_space<vmem>>
        %parallel_loop3A_902 = arith.index_cast %parallel_loop3A_823 : i32 to index
        %parallel_loop3A_903 = arith.constant 32 : index
        %parallel_loop3A_904 = tpu.vector_load %parallel_loop3A_901[%parallel_loop3A_902, %parallel_loop3A_903] {strides = array<i32>} : memref<256x64xf32, #tpu.memory_space<vmem>>, vector<16xf32>,
        %parallel_loop3A_905 = arith.constant 4 : i32
        %parallel_loop3A_906 = vector.broadcast %parallel_loop3A_905 : i32 to vector<16xi32>
        %parallel_loop3A_907 = arith.addi %parallel_loop3A_906, %select_n3A : vector<16xi32>
        %parallel_loop3A_908 = arith.constant 0 : i32
        %parallel_loop3A_909 = arith.constant 0 : i32
        %parallel_loop3A_910 = arith.constant 0 : i32
        %parallel_loop3A_911 = arith.constant 0 : i32
        %parallel_loop3A_912 = tpu.memref_slice %arg7[%parallel_loop3A_581, %parallel_loop3A_908, %parallel_loop3A_909, %parallel_loop3A_910, %parallel_loop3A_911] : memref<2x8x2x8x129xf32, #tpu.memory_space<vmem>> -> memref<1x8x2x8x129xf32, #tpu.memory_space<vmem>>
        %parallel_loop3A_913 = tpu.memref_squeeze %parallel_loop3A_912 : memref<1x8x2x8x129xf32, #tpu.memory_space<vmem>> -> memref<8x2x8x129xf32, #tpu.memory_space<vmem>>
        tpu.vector_store_idx %parallel_loop3A_913[%parallel_loop3A_907, %parallel_loop3A_848, %select_n3A_45, %parallel_loop3A_865], %parallel_loop3A_904 : memref<8x2x8x129xf32, #tpu.memory_space<vmem>>[vector<16xi32>, vector<16xi32>, vector<16xi32>, vector<16xi32>], vector<16xf32>,
        %parallel_loop3A_914 = arith.constant 0 : i32
        %parallel_loop3A_915 = arith.constant 0 : i32
        %parallel_loop3A_916 = tpu.memref_slice %arg6[%parallel_loop3A_580, %parallel_loop3A_914, %parallel_loop3A_915] : memref<2x256x64xf32, #tpu.memory_space<vmem>> -> memref<1x256x64xf32, #tpu.memory_space<vmem>>
        %parallel_loop3A_917 = tpu.memref_squeeze %parallel_loop3A_916 : memref<1x256x64xf32, #tpu.memory_space<vmem>> -> memref<256x64xf32, #tpu.memory_space<vmem>>
        %parallel_loop3A_918 = arith.index_cast %parallel_loop3A_823 : i32 to index
        %parallel_loop3A_919 = arith.constant 48 : index
        %parallel_loop3A_920 = tpu.vector_load %parallel_loop3A_917[%parallel_loop3A_918, %parallel_loop3A_919] {strides = array<i32>} : memref<256x64xf32, #tpu.memory_space<vmem>>, vector<16xf32>,
        %parallel_loop3A_921 = arith.constant 6 : i32
        %parallel_loop3A_922 = vector.broadcast %parallel_loop3A_921 : i32 to vector<16xi32>
        %parallel_loop3A_923 = arith.addi %parallel_loop3A_922, %select_n3A : vector<16xi32>
        %parallel_loop3A_924 = arith.constant 0 : i32
        %parallel_loop3A_925 = arith.constant 0 : i32
        %parallel_loop3A_926 = arith.constant 0 : i32
        %parallel_loop3A_927 = arith.constant 0 : i32
        %parallel_loop3A_928 = tpu.memref_slice %arg7[%parallel_loop3A_581, %parallel_loop3A_924, %parallel_loop3A_925, %parallel_loop3A_926, %parallel_loop3A_927] : memref<2x8x2x8x129xf32, #tpu.memory_space<vmem>> -> memref<1x8x2x8x129xf32, #tpu.memory_space<vmem>>
        %parallel_loop3A_929 = tpu.memref_squeeze %parallel_loop3A_928 : memref<1x8x2x8x129xf32, #tpu.memory_space<vmem>> -> memref<8x2x8x129xf32, #tpu.memory_space<vmem>>
        tpu.vector_store_idx %parallel_loop3A_929[%parallel_loop3A_923, %parallel_loop3A_848, %select_n3A_45, %parallel_loop3A_865], %parallel_loop3A_920 : memref<8x2x8x129xf32, #tpu.memory_space<vmem>>[vector<16xi32>, vector<16xi32>, vector<16xi32>, vector<16xi32>], vector<16xf32>,
      } {sc.loop_unroll_factor = 4 : i64, sc.parallel_access}
      %jit3A_582 = arith.constant 128 : i32
      %div3A_583 = arith.divsi %mul3A_2, %jit3A_582 : i32
      %sign3A_584 = arith.constant 0 : i32
      %sign3A_585 = arith.cmpi sgt, %mul3A_2, %sign3A_584 : i32
      %sign3A_586 = arith.extui %sign3A_585 : i1 to i32
      %sign3A_587 = arith.constant 0 : i32
      %sign3A_588 = arith.cmpi slt, %mul3A_2, %sign3A_587 : i32
      %sign3A_589 = arith.extui %sign3A_588 : i1 to i32
      %sign3A_590 = arith.subi %sign3A_586, %sign3A_589 : i32
      %sign3A_591 = arith.constant 0 : i32
      %sign3A_592 = arith.cmpi sgt, %jit3A_582, %sign3A_591 : i32
      %sign3A_593 = arith.extui %sign3A_592 : i1 to i32
      %sign3A_594 = arith.constant 0 : i32
      %sign3A_595 = arith.cmpi slt, %jit3A_582, %sign3A_594 : i32
      %sign3A_596 = arith.extui %sign3A_595 : i1 to i32
      %sign3A_597 = arith.subi %sign3A_593, %sign3A_596 : i32
      %ne3A_598 = arith.cmpi ne, %sign3A_590, %sign3A_597 : i32
      %rem3A_599 = arith.remsi %mul3A_2, %jit3A_582 : i32
      %ne3A_600 = arith.constant 0 : i32
      %ne3A_601 = arith.cmpi ne, %rem3A_599, %ne3A_600 : i32
      %and3A_602 = arith.andi %ne3A_598, %ne3A_601 : i1
      %sub3A_603 = arith.constant 1 : i32
      %sub3A_604 = arith.subi %div3A_583, %sub3A_603 : i32
      %select_n3A_605 = arith.select %and3A_602, %sub3A_604, %div3A_583 : i32
      %jit3A_606 = arith.constant 2 : i32
      %eq3A_607 = arith.constant 0 : i32
      %eq3A_608 = arith.cmpi eq, %jit3A_606, %eq3A_607 : i32
      %jit3A_609 = arith.constant 1 : i32
      %select_n3A_610 = arith.select %eq3A_608, %jit3A_609, %jit3A_606 : i32
      %rem3A_611 = arith.remsi %add3A_556, %select_n3A_610 : i32
      %ne3A_612 = arith.constant 0 : i32
      %ne3A_613 = arith.cmpi ne, %rem3A_611, %ne3A_612 : i32
      %lt3A_614 = arith.constant 0 : i32
      %lt3A_615 = arith.cmpi slt, %rem3A_611, %lt3A_614 : i32
      %lt3A_616 = arith.constant 0 : i32
      %lt3A_617 = arith.cmpi slt, %select_n3A_610, %lt3A_616 : i32
      %ne3A_618 = arith.xori %lt3A_615, %lt3A_617 : i1
      %and3A_619 = arith.andi %ne3A_618, %ne3A_613 : i1
      %add3A_620 = arith.addi %rem3A_611, %select_n3A_610 : i32
      %select_n3A_621 = arith.select %and3A_619, %add3A_620, %rem3A_611 : i32
      %mul3A_622 = arith.constant 2 : i32
      %mul3A_623 = arith.muli %select_n3A_621, %mul3A_622 : i32
      %add3A_624 = arith.addi %select_n3A_605, %mul3A_623 : i32
      %jit3A_625 = arith.constant 2 : i32
      %div3A_626 = arith.divsi %add3A_556, %jit3A_625 : i32
      %sign3A_627 = arith.constant 0 : i32
      %sign3A_628 = arith.cmpi sgt, %add3A_556, %sign3A_627 : i32
      %sign3A_629 = arith.extui %sign3A_628 : i1 to i32
      %sign3A_630 = arith.constant 0 : i32
      %sign3A_631 = arith.cmpi slt, %add3A_556, %sign3A_630 : i32
      %sign3A_632 = arith.extui %sign3A_631 : i1 to i32
      %sign3A_633 = arith.subi %sign3A_629, %sign3A_632 : i32
      %sign3A_634 = arith.constant 0 : i32
      %sign3A_635 = arith.cmpi sgt, %jit3A_625, %sign3A_634 : i32
      %sign3A_636 = arith.extui %sign3A_635 : i1 to i32
      %sign3A_637 = arith.constant 0 : i32
      %sign3A_638 = arith.cmpi slt, %jit3A_625, %sign3A_637 : i32
      %sign3A_639 = arith.extui %sign3A_638 : i1 to i32
      %sign3A_640 = arith.subi %sign3A_636, %sign3A_639 : i32
      %ne3A_641 = arith.cmpi ne, %sign3A_633, %sign3A_640 : i32
      %rem3A_642 = arith.remsi %add3A_556, %jit3A_625 : i32
      %ne3A_643 = arith.constant 0 : i32
      %ne3A_644 = arith.cmpi ne, %rem3A_642, %ne3A_643 : i32
      %and3A_645 = arith.andi %ne3A_641, %ne3A_644 : i1
      %sub3A_646 = arith.constant 1 : i32
      %sub3A_647 = arith.subi %div3A_626, %sub3A_646 : i32
      %select_n3A_648 = arith.select %and3A_645, %sub3A_647, %div3A_626 : i32
      %dma_start3A_649 = arith.constant 0 : i32
      %dma_start3A_650 = arith.constant 0 : i32
      %dma_start3A_651 = arith.constant 0 : i32
      %dma_start3A_652 = arith.constant 0 : i32
      %dma_start3A_653 = arith.constant 0 : i32
      %dma_start3A_654 = arith.constant 0 : i32
      %dma_start3A_655 = tpu.memref_slice %arg7[%dma_start3A_649, %dma_start3A_651, %dma_start3A_652, %dma_start3A_653, %dma_start3A_654] : memref<2x8x2x8x129xf32, #tpu.memory_space<vmem>> -> memref<1x8x2x8x128xf32, #tpu.memory_space<vmem>>
      %dma_start3A_656 = tpu.memref_squeeze %dma_start3A_655 : memref<1x8x2x8x128xf32, #tpu.memory_space<vmem>> -> memref<8x2x8x128xf32, #tpu.memory_space<vmem>>
      %dma_start3A_657 = arith.constant 0 : i32
      %dma_start3A_658 = arith.constant 0 : i32
      %dma_start3A_659 = arith.constant 0 : i32
      %dma_start3A_660 = tpu.memref_slice %arg4[%select_n3A_648, %dma_start3A_657, %add3A_624, %dma_start3A_658, %dma_start3A_659] : memref<50x8x128x8x128xf32, #tpu.memory_space<hbm>> -> memref<1x8x2x8x128xf32, #tpu.memory_space<hbm>>
      %dma_start3A_661 = tpu.memref_squeeze %dma_start3A_660 : memref<1x8x2x8x128xf32, #tpu.memory_space<hbm>> -> memref<8x2x8x128xf32, #tpu.memory_space<hbm>>
      %dma_start3A_662 = tpu.memref_slice %arg10[%dma_start3A_650] : memref<2x!tpu.dma_semaphore, #tpu.memory_space<semaphore_mem>> -> memref<1x!tpu.dma_semaphore, #tpu.memory_space<semaphore_mem>>
      %dma_start3A_663 = tpu.memref_squeeze %dma_start3A_662 : memref<1x!tpu.dma_semaphore, #tpu.memory_space<semaphore_mem>> -> memref<!tpu.dma_semaphore, #tpu.memory_space<semaphore_mem>>
      %dma_start3A_664 = arith.constant 0 : i32
      %dma_start3A_665 = arith.constant 0 : i32
      %dma_start3A_666 = arith.constant 0 : i32
      %dma_start3A_667 = tpu.memref_slice %arg4[%select_n3A_648, %dma_start3A_664, %add3A_624, %dma_start3A_665, %dma_start3A_666] : memref<50x8x128x8x128xf32, #tpu.memory_space<hbm>> -> memref<1x8x2x8x128xf32, #tpu.memory_space<hbm>>
      %dma_start3A_668 = tpu.memref_squeeze %dma_start3A_667 : memref<1x8x2x8x128xf32, #tpu.memory_space<hbm>> -> memref<8x2x8x128xf32, #tpu.memory_space<hbm>>
      %dma_start3A_669 = arith.constant 0 : i32
      %dma_start3A_670 = arith.constant 0 : i32
      %dma_start3A_671 = arith.constant 0 : i32
      %dma_start3A_672 = arith.constant 0 : i32
      %dma_start3A_673 = tpu.memref_slice %arg7[%dma_start3A_649, %dma_start3A_669, %dma_start3A_670, %dma_start3A_671, %dma_start3A_672] : memref<2x8x2x8x129xf32, #tpu.memory_space<vmem>> -> memref<1x8x2x8x128xf32, #tpu.memory_space<vmem>>
      %dma_start3A_674 = tpu.memref_squeeze %dma_start3A_673 : memref<1x8x2x8x128xf32, #tpu.memory_space<vmem>> -> memref<8x2x8x128xf32, #tpu.memory_space<vmem>>
      tpu.enqueue_dma source(%dma_start3A_674 : memref<8x2x8x128xf32, #tpu.memory_space<vmem>>) target(%dma_start3A_668 : memref<8x2x8x128xf32, #tpu.memory_space<hbm>>) target_semaphore(%dma_start3A_663 : memref<!tpu.dma_semaphore, #tpu.memory_space<semaphore_mem>>)
      %add3A_675 = arith.constant 2 : i32
      %add3A_676 = arith.addi %add3A_556, %add3A_675 : i32
      %lt3A_677 = arith.constant 100 : i32
      %lt3A_678 = arith.cmpi slt, %add3A_676, %lt3A_677 : i32
      %convert_element_type3A_679 = arith.extui %lt3A_678 : i1 to i32
      %cond3A_680 = arith.constant 0 : i32
      %cond3A_681 = arith.cmpi ne, %convert_element_type3A_679, %cond3A_680 : i32
      scf.if %cond3A_681 {
        %add3A_823 = arith.constant 0 : i32
        %add3A_824 = arith.addi %mul3A_2, %add3A_823 : i32
        %dma_wait3A_825 = arith.constant 0 : i32
        %dma_wait3A_826 = arith.constant 0 : i32
        %dma_wait3A_827 = arith.constant 0 : i32
        %dma_wait3A_828 = arith.constant 0 : i32
        %dma_wait3A_829 = tpu.memref_slice %arg5[%dma_wait3A_826, %dma_wait3A_828] : memref<4x256xi32, #tpu.memory_space<vmem>> -> memref<1x256xi32, #tpu.memory_space<vmem>>
        %dma_wait3A_830 = tpu.memref_squeeze %dma_wait3A_829 : memref<1x256xi32, #tpu.memory_space<vmem>> -> memref<256xi32, #tpu.memory_space<vmem>>
        %dma_wait3A_831 = tpu.memref_slice %arg2[%dma_wait3A_825, %add3A_824] : memref<50x16384xi32, #tpu.memory_space<hbm>> -> memref<1x256xi32, #tpu.memory_space<hbm>>
        %dma_wait3A_832 = tpu.memref_squeeze %dma_wait3A_831 : memref<1x256xi32, #tpu.memory_space<hbm>> -> memref<256xi32, #tpu.memory_space<hbm>>
        %dma_wait3A_833 = tpu.memref_slice %arg8[%dma_wait3A_827] : memref<4x!tpu.dma_semaphore, #tpu.memory_space<semaphore_mem>> -> memref<1x!tpu.dma_semaphore, #tpu.memory_space<semaphore_mem>>
        %dma_wait3A_834 = tpu.memref_squeeze %dma_wait3A_833 : memref<1x!tpu.dma_semaphore, #tpu.memory_space<semaphore_mem>> -> memref<!tpu.dma_semaphore, #tpu.memory_space<semaphore_mem>>
        %dma_wait3A_835 = arith.constant 0 : i32
        %dma_wait3A_836 = tpu.memref_slice %arg5[%dma_wait3A_826, %dma_wait3A_835] : memref<4x256xi32, #tpu.memory_space<vmem>> -> memref<1x256xi32, #tpu.memory_space<vmem>>
        %dma_wait3A_837 = tpu.memref_squeeze %dma_wait3A_836 : memref<1x256xi32, #tpu.memory_space<vmem>> -> memref<256xi32, #tpu.memory_space<vmem>>
        %dma_wait3A_838 = tpu.memref_slice %arg2[%dma_wait3A_825, %add3A_824] : memref<50x16384xi32, #tpu.memory_space<hbm>> -> memref<1x256xi32, #tpu.memory_space<hbm>>
        %dma_wait3A_839 = tpu.memref_squeeze %dma_wait3A_838 : memref<1x256xi32, #tpu.memory_space<hbm>> -> memref<256xi32, #tpu.memory_space<hbm>>
        tpu.wait_dma2 semaphore(%dma_wait3A_834 : memref<!tpu.dma_semaphore, #tpu.memory_space<semaphore_mem>>) src(%dma_wait3A_839 : memref<256xi32, #tpu.memory_space<hbm>>) dst(%dma_wait3A_837 : memref<256xi32, #tpu.memory_space<vmem>>)
        %dma_start3A_840 = arith.constant 0 : i32
        %dma_start3A_841 = arith.constant 0 : i32
        %dma_start3A_842 = arith.constant 0 : i32
        %dma_start3A_843 = arith.constant 0 : i32
        %dma_start3A_844 = arith.constant 0 : i32
        %dma_start3A_845 = tpu.memref_slice %arg6[%dma_start3A_841, %dma_start3A_843, %dma_start3A_844] : memref<2x256x64xf32, #tpu.memory_space<vmem>> -> memref<1x256x64xf32, #tpu.memory_space<vmem>>
        %dma_start3A_846 = tpu.memref_squeeze %dma_start3A_845 : memref<1x256x64xf32, #tpu.memory_space<vmem>> -> memref<256x64xf32, #tpu.memory_space<vmem>>
        %dma_start3A_847 = arith.constant 0 : i32
        %dma_start3A_848 = tpu.memref_slice %arg5[%dma_start3A_840, %dma_start3A_847] : memref<4x256xi32, #tpu.memory_space<vmem>> -> memref<1x256xi32, #tpu.memory_space<vmem>>
        %dma_start3A_849 = tpu.memref_squeeze %dma_start3A_848 : memref<1x256xi32, #tpu.memory_space<vmem>> -> memref<256xi32, #tpu.memory_space<vmem>>
        %dma_start3A_850 = arith.constant 0 : i32
        %dma_start3A_851 = arith.constant 0 : i32
        %dma_start3A_852 = tpu.memref_slice %arg3[%dma_start3A_850, %dma_start3A_851] : memref<2000000x64xf32, #tpu.memory_space<hbm>> -> memref<2000000x64xf32, #tpu.memory_space<hbm>>
        %dma_start3A_853 = tpu.memref_slice %arg9[%dma_start3A_842] : memref<2x!tpu.dma_semaphore, #tpu.memory_space<semaphore_mem>> -> memref<1x!tpu.dma_semaphore, #tpu.memory_space<semaphore_mem>>
        %dma_start3A_854 = tpu.memref_squeeze %dma_start3A_853 : memref<1x!tpu.dma_semaphore, #tpu.memory_space<semaphore_mem>> -> memref<!tpu.dma_semaphore, #tpu.memory_space<semaphore_mem>>
        tpu.enqueue_indirect_dma source(%dma_start3A_852 : memref<2000000x64xf32, #tpu.memory_space<hbm>>) target(%dma_start3A_846 : memref<256x64xf32, #tpu.memory_space<vmem>>) offsets(%dma_start3A_849 : memref<256xi32, #tpu.memory_space<vmem>>) semaphore(%dma_start3A_854 : memref<!tpu.dma_semaphore, #tpu.memory_space<semaphore_mem>>)
      } else {
      }
      %add3A_682 = arith.constant 4 : i32
      %add3A_683 = arith.addi %add3A_556, %add3A_682 : i32
      %lt3A_684 = arith.constant 100 : i32
      %lt3A_685 = arith.cmpi slt, %add3A_683, %lt3A_684 : i32
      %convert_element_type3A_686 = arith.extui %lt3A_685 : i1 to i32
      %cond3A_687 = arith.constant 0 : i32
      %cond3A_688 = arith.cmpi ne, %convert_element_type3A_686, %cond3A_687 : i32
      scf.if %cond3A_688 {
        %add3A_823 = arith.constant 4 : i32
        %add3A_824 = arith.addi %add3A_556, %add3A_823 : i32
        %jit3A_825 = arith.constant 2 : i32
        %div3A_826 = arith.divsi %add3A_824, %jit3A_825 : i32
        %sign3A_827 = arith.constant 0 : i32
        %sign3A_828 = arith.cmpi sgt, %add3A_824, %sign3A_827 : i32
        %sign3A_829 = arith.extui %sign3A_828 : i1 to i32
        %sign3A_830 = arith.constant 0 : i32
        %sign3A_831 = arith.cmpi slt, %add3A_824, %sign3A_830 : i32
        %sign3A_832 = arith.extui %sign3A_831 : i1 to i32
        %sign3A_833 = arith.subi %sign3A_829, %sign3A_832 : i32
        %sign3A_834 = arith.constant 0 : i32
        %sign3A_835 = arith.cmpi sgt, %jit3A_825, %sign3A_834 : i32
        %sign3A_836 = arith.extui %sign3A_835 : i1 to i32
        %sign3A_837 = arith.constant 0 : i32
        %sign3A_838 = arith.cmpi slt, %jit3A_825, %sign3A_837 : i32
        %sign3A_839 = arith.extui %sign3A_838 : i1 to i32
        %sign3A_840 = arith.subi %sign3A_836, %sign3A_839 : i32
        %ne3A_841 = arith.cmpi ne, %sign3A_833, %sign3A_840 : i32
        %rem3A_842 = arith.remsi %add3A_824, %jit3A_825 : i32
        %ne3A_843 = arith.constant 0 : i32
        %ne3A_844 = arith.cmpi ne, %rem3A_842, %ne3A_843 : i32
        %and3A_845 = arith.andi %ne3A_841, %ne3A_844 : i1
        %sub3A_846 = arith.constant 1 : i32
        %sub3A_847 = arith.subi %div3A_826, %sub3A_846 : i32
        %select_n3A_848 = arith.select %and3A_845, %sub3A_847, %div3A_826 : i32
        %jit3A_849 = arith.constant 2 : i32
        %eq3A_850 = arith.constant 0 : i32
        %eq3A_851 = arith.cmpi eq, %jit3A_849, %eq3A_850 : i32
        %jit3A_852 = arith.constant 1 : i32
        %select_n3A_853 = arith.select %eq3A_851, %jit3A_852, %jit3A_849 : i32
        %rem3A_854 = arith.remsi %add3A_824, %select_n3A_853 : i32
        %ne3A_855 = arith.constant 0 : i32
        %ne3A_856 = arith.cmpi ne, %rem3A_854, %ne3A_855 : i32
        %lt3A_857 = arith.constant 0 : i32
        %lt3A_858 = arith.cmpi slt, %rem3A_854, %lt3A_857 : i32
        %lt3A_859 = arith.constant 0 : i32
        %lt3A_860 = arith.cmpi slt, %select_n3A_853, %lt3A_859 : i32
        %ne3A_861 = arith.xori %lt3A_858, %lt3A_860 : i1
        %and3A_862 = arith.andi %ne3A_861, %ne3A_856 : i1
        %add3A_863 = arith.addi %rem3A_854, %select_n3A_853 : i32
        %select_n3A_864 = arith.select %and3A_862, %add3A_863, %rem3A_854 : i32
        %mul3A_865 = arith.constant 256 : i32
        %mul3A_866 = arith.muli %select_n3A_864, %mul3A_865 : i32
        %add3A_867 = arith.addi %mul3A_2, %mul3A_866 : i32
        %dma_start3A_868 = arith.constant 2 : i32
        %dma_start3A_869 = arith.constant 2 : i32
        %dma_start3A_870 = arith.constant 0 : i32
        %dma_start3A_871 = tpu.memref_slice %arg5[%dma_start3A_868, %dma_start3A_870] : memref<4x256xi32, #tpu.memory_space<vmem>> -> memref<1x256xi32, #tpu.memory_space<vmem>>
        %dma_start3A_872 = tpu.memref_squeeze %dma_start3A_871 : memref<1x256xi32, #tpu.memory_space<vmem>> -> memref<256xi32, #tpu.memory_space<vmem>>
        %dma_start3A_873 = tpu.memref_slice %arg2[%select_n3A_848, %add3A_867] : memref<50x16384xi32, #tpu.memory_space<hbm>> -> memref<1x256xi32, #tpu.memory_space<hbm>>
        %dma_start3A_874 = tpu.memref_squeeze %dma_start3A_873 : memref<1x256xi32, #tpu.memory_space<hbm>> -> memref<256xi32, #tpu.memory_space<hbm>>
        %dma_start3A_875 = tpu.memref_slice %arg8[%dma_start3A_869] : memref<4x!tpu.dma_semaphore, #tpu.memory_space<semaphore_mem>> -> memref<1x!tpu.dma_semaphore, #tpu.memory_space<semaphore_mem>>
        %dma_start3A_876 = tpu.memref_squeeze %dma_start3A_875 : memref<1x!tpu.dma_semaphore, #tpu.memory_space<semaphore_mem>> -> memref<!tpu.dma_semaphore, #tpu.memory_space<semaphore_mem>>
        %dma_start3A_877 = arith.constant 0 : i32
        %dma_start3A_878 = tpu.memref_slice %arg5[%dma_start3A_868, %dma_start3A_877] : memref<4x256xi32, #tpu.memory_space<vmem>> -> memref<1x256xi32, #tpu.memory_space<vmem>>
        %dma_start3A_879 = tpu.memref_squeeze %dma_start3A_878 : memref<1x256xi32, #tpu.memory_space<vmem>> -> memref<256xi32, #tpu.memory_space<vmem>>
        %dma_start3A_880 = tpu.memref_slice %arg2[%select_n3A_848, %add3A_867] : memref<50x16384xi32, #tpu.memory_space<hbm>> -> memref<1x256xi32, #tpu.memory_space<hbm>>
        %dma_start3A_881 = tpu.memref_squeeze %dma_start3A_880 : memref<1x256xi32, #tpu.memory_space<hbm>> -> memref<256xi32, #tpu.memory_space<hbm>>
        tpu.enqueue_dma source(%dma_start3A_881 : memref<256xi32, #tpu.memory_space<hbm>>) target(%dma_start3A_879 : memref<256xi32, #tpu.memory_space<vmem>>) target_semaphore(%dma_start3A_876 : memref<!tpu.dma_semaphore, #tpu.memory_space<semaphore_mem>>)
      } else {
      }
      %add3A_689 = arith.constant 3 : i32
      %add3A_690 = arith.addi %add3A_290, %add3A_689 : i32
      %dma_wait3A_691 = arith.constant 0 : i32
      %dma_wait3A_692 = arith.constant 1 : i32
      %dma_wait3A_693 = arith.constant 1 : i32
      %dma_wait3A_694 = arith.constant 0 : i32
      %dma_wait3A_695 = arith.constant 0 : i32
      %dma_wait3A_696 = tpu.memref_slice %arg6[%dma_wait3A_692, %dma_wait3A_694, %dma_wait3A_695] : memref<2x256x64xf32, #tpu.memory_space<vmem>> -> memref<1x256x64xf32, #tpu.memory_space<vmem>>
      %dma_wait3A_697 = tpu.memref_squeeze %dma_wait3A_696 : memref<1x256x64xf32, #tpu.memory_space<vmem>> -> memref<256x64xf32, #tpu.memory_space<vmem>>
      %dma_wait3A_698 = arith.constant 0 : i32
      %dma_wait3A_699 = tpu.memref_slice %arg5[%dma_wait3A_691, %dma_wait3A_698] : memref<4x256xi32, #tpu.memory_space<vmem>> -> memref<1x256xi32, #tpu.memory_space<vmem>>
      %dma_wait3A_700 = tpu.memref_squeeze %dma_wait3A_699 : memref<1x256xi32, #tpu.memory_space<vmem>> -> memref<256xi32, #tpu.memory_space<vmem>>
      %dma_wait3A_701 = arith.constant 0 : i32
      %dma_wait3A_702 = arith.constant 0 : i32
      %dma_wait3A_703 = tpu.memref_slice %arg3[%dma_wait3A_701, %dma_wait3A_702] : memref<2000000x64xf32, #tpu.memory_space<hbm>> -> memref<2000000x64xf32, #tpu.memory_space<hbm>>
      %dma_wait3A_704 = tpu.memref_slice %arg9[%dma_wait3A_693] : memref<2x!tpu.dma_semaphore, #tpu.memory_space<semaphore_mem>> -> memref<1x!tpu.dma_semaphore, #tpu.memory_space<semaphore_mem>>
      %dma_wait3A_705 = tpu.memref_squeeze %dma_wait3A_704 : memref<1x!tpu.dma_semaphore, #tpu.memory_space<semaphore_mem>> -> memref<!tpu.dma_semaphore, #tpu.memory_space<semaphore_mem>>
      tpu.wait_indirect_dma semaphore(%dma_wait3A_705 : memref<!tpu.dma_semaphore, #tpu.memory_space<semaphore_mem>>) src(%dma_wait3A_703 : memref<2000000x64xf32, #tpu.memory_space<hbm>>) dst(%dma_wait3A_697 : memref<256x64xf32, #tpu.memory_space<vmem>>)
      %ge3A_706 = arith.constant 2 : i32
      %ge3A_707 = arith.cmpi sge, %add3A_690, %ge3A_706 : i32
      %convert_element_type3A_708 = arith.extui %ge3A_707 : i1 to i32
      %cond3A_709 = arith.constant 0 : i32
      %cond3A_710 = arith.cmpi ne, %convert_element_type3A_708, %cond3A_709 : i32
      scf.if %cond3A_710 {
        %sub3A_823 = arith.constant 2 : i32
        %sub3A_824 = arith.subi %add3A_690, %sub3A_823 : i32
        %jit3A_825 = arith.constant 128 : i32
        %div3A_826 = arith.divsi %mul3A_2, %jit3A_825 : i32
        %sign3A_827 = arith.constant 0 : i32
        %sign3A_828 = arith.cmpi sgt, %mul3A_2, %sign3A_827 : i32
        %sign3A_829 = arith.extui %sign3A_828 : i1 to i32
        %sign3A_830 = arith.constant 0 : i32
        %sign3A_831 = arith.cmpi slt, %mul3A_2, %sign3A_830 : i32
        %sign3A_832 = arith.extui %sign3A_831 : i1 to i32
        %sign3A_833 = arith.subi %sign3A_829, %sign3A_832 : i32
        %sign3A_834 = arith.constant 0 : i32
        %sign3A_835 = arith.cmpi sgt, %jit3A_825, %sign3A_834 : i32
        %sign3A_836 = arith.extui %sign3A_835 : i1 to i32
        %sign3A_837 = arith.constant 0 : i32
        %sign3A_838 = arith.cmpi slt, %jit3A_825, %sign3A_837 : i32
        %sign3A_839 = arith.extui %sign3A_838 : i1 to i32
        %sign3A_840 = arith.subi %sign3A_836, %sign3A_839 : i32
        %ne3A_841 = arith.cmpi ne, %sign3A_833, %sign3A_840 : i32
        %rem3A_842 = arith.remsi %mul3A_2, %jit3A_825 : i32
        %ne3A_843 = arith.constant 0 : i32
        %ne3A_844 = arith.cmpi ne, %rem3A_842, %ne3A_843 : i32
        %and3A_845 = arith.andi %ne3A_841, %ne3A_844 : i1
        %sub3A_846 = arith.constant 1 : i32
        %sub3A_847 = arith.subi %div3A_826, %sub3A_846 : i32
        %select_n3A_848 = arith.select %and3A_845, %sub3A_847, %div3A_826 : i32
        %jit3A_849 = arith.constant 2 : i32
        %eq3A_850 = arith.constant 0 : i32
        %eq3A_851 = arith.cmpi eq, %jit3A_849, %eq3A_850 : i32
        %jit3A_852 = arith.constant 1 : i32
        %select_n3A_853 = arith.select %eq3A_851, %jit3A_852, %jit3A_849 : i32
        %rem3A_854 = arith.remsi %sub3A_824, %select_n3A_853 : i32
        %ne3A_855 = arith.constant 0 : i32
        %ne3A_856 = arith.cmpi ne, %rem3A_854, %ne3A_855 : i32
        %lt3A_857 = arith.constant 0 : i32
        %lt3A_858 = arith.cmpi slt, %rem3A_854, %lt3A_857 : i32
        %lt3A_859 = arith.constant 0 : i32
        %lt3A_860 = arith.cmpi slt, %select_n3A_853, %lt3A_859 : i32
        %ne3A_861 = arith.xori %lt3A_858, %lt3A_860 : i1
        %and3A_862 = arith.andi %ne3A_861, %ne3A_856 : i1
        %add3A_863 = arith.addi %rem3A_854, %select_n3A_853 : i32
        %select_n3A_864 = arith.select %and3A_862, %add3A_863, %rem3A_854 : i32
        %mul3A_865 = arith.constant 2 : i32
        %mul3A_866 = arith.muli %select_n3A_864, %mul3A_865 : i32
        %add3A_867 = arith.addi %select_n3A_848, %mul3A_866 : i32
        %jit3A_868 = arith.constant 2 : i32
        %div3A_869 = arith.divsi %sub3A_824, %jit3A_868 : i32
        %sign3A_870 = arith.constant 0 : i32
        %sign3A_871 = arith.cmpi sgt, %sub3A_824, %sign3A_870 : i32
        %sign3A_872 = arith.extui %sign3A_871 : i1 to i32
        %sign3A_873 = arith.constant 0 : i32
        %sign3A_874 = arith.cmpi slt, %sub3A_824, %sign3A_873 : i32
        %sign3A_875 = arith.extui %sign3A_874 : i1 to i32
        %sign3A_876 = arith.subi %sign3A_872, %sign3A_875 : i32
        %sign3A_877 = arith.constant 0 : i32
        %sign3A_878 = arith.cmpi sgt, %jit3A_868, %sign3A_877 : i32
        %sign3A_879 = arith.extui %sign3A_878 : i1 to i32
        %sign3A_880 = arith.constant 0 : i32
        %sign3A_881 = arith.cmpi slt, %jit3A_868, %sign3A_880 : i32
        %sign3A_882 = arith.extui %sign3A_881 : i1 to i32
        %sign3A_883 = arith.subi %sign3A_879, %sign3A_882 : i32
        %ne3A_884 = arith.cmpi ne, %sign3A_876, %sign3A_883 : i32
        %rem3A_885 = arith.remsi %sub3A_824, %jit3A_868 : i32
        %ne3A_886 = arith.constant 0 : i32
        %ne3A_887 = arith.cmpi ne, %rem3A_885, %ne3A_886 : i32
        %and3A_888 = arith.andi %ne3A_884, %ne3A_887 : i1
        %sub3A_889 = arith.constant 1 : i32
        %sub3A_890 = arith.subi %div3A_869, %sub3A_889 : i32
        %select_n3A_891 = arith.select %and3A_888, %sub3A_890, %div3A_869 : i32
        %dma_wait3A_892 = arith.constant 1 : i32
        %dma_wait3A_893 = arith.constant 1 : i32
        %dma_wait3A_894 = arith.constant 0 : i32
        %dma_wait3A_895 = arith.constant 0 : i32
        %dma_wait3A_896 = arith.constant 0 : i32
        %dma_wait3A_897 = arith.constant 0 : i32
        %dma_wait3A_898 = tpu.memref_slice %arg7[%dma_wait3A_892, %dma_wait3A_894, %dma_wait3A_895, %dma_wait3A_896, %dma_wait3A_897] : memref<2x8x2x8x129xf32, #tpu.memory_space<vmem>> -> memref<1x8x2x8x128xf32, #tpu.memory_space<vmem>>
        %dma_wait3A_899 = tpu.memref_squeeze %dma_wait3A_898 : memref<1x8x2x8x128xf32, #tpu.memory_space<vmem>> -> memref<8x2x8x128xf32, #tpu.memory_space<vmem>>
        %dma_wait3A_900 = arith.constant 0 : i32
        %dma_wait3A_901 = arith.constant 0 : i32
        %dma_wait3A_902 = arith.constant 0 : i32
        %dma_wait3A_903 = tpu.memref_slice %arg4[%select_n3A_891, %dma_wait3A_900, %add3A_867, %dma_wait3A_901, %dma_wait3A_902] : memref<50x8x128x8x128xf32, #tpu.memory_space<hbm>> -> memref<1x8x2x8x128xf32, #tpu.memory_space<hbm>>
        %dma_wait3A_904 = tpu.memref_squeeze %dma_wait3A_903 : memref<1x8x2x8x128xf32, #tpu.memory_space<hbm>> -> memref<8x2x8x128xf32, #tpu.memory_space<hbm>>
        %dma_wait3A_905 = tpu.memref_slice %arg10[%dma_wait3A_893] : memref<2x!tpu.dma_semaphore, #tpu.memory_space<semaphore_mem>> -> memref<1x!tpu.dma_semaphore, #tpu.memory_space<semaphore_mem>>
        %dma_wait3A_906 = tpu.memref_squeeze %dma_wait3A_905 : memref<1x!tpu.dma_semaphore, #tpu.memory_space<semaphore_mem>> -> memref<!tpu.dma_semaphore, #tpu.memory_space<semaphore_mem>>
        %dma_wait3A_907 = arith.constant 0 : i32
        %dma_wait3A_908 = arith.constant 0 : i32
        %dma_wait3A_909 = arith.constant 0 : i32
        %dma_wait3A_910 = tpu.memref_slice %arg4[%select_n3A_891, %dma_wait3A_907, %add3A_867, %dma_wait3A_908, %dma_wait3A_909] : memref<50x8x128x8x128xf32, #tpu.memory_space<hbm>> -> memref<1x8x2x8x128xf32, #tpu.memory_space<hbm>>
        %dma_wait3A_911 = tpu.memref_squeeze %dma_wait3A_910 : memref<1x8x2x8x128xf32, #tpu.memory_space<hbm>> -> memref<8x2x8x128xf32, #tpu.memory_space<hbm>>
        %dma_wait3A_912 = arith.constant 0 : i32
        %dma_wait3A_913 = arith.constant 0 : i32
        %dma_wait3A_914 = arith.constant 0 : i32
        %dma_wait3A_915 = arith.constant 0 : i32
        %dma_wait3A_916 = tpu.memref_slice %arg7[%dma_wait3A_892, %dma_wait3A_912, %dma_wait3A_913, %dma_wait3A_914, %dma_wait3A_915] : memref<2x8x2x8x129xf32, #tpu.memory_space<vmem>> -> memref<1x8x2x8x128xf32, #tpu.memory_space<vmem>>
        %dma_wait3A_917 = tpu.memref_squeeze %dma_wait3A_916 : memref<1x8x2x8x128xf32, #tpu.memory_space<vmem>> -> memref<8x2x8x128xf32, #tpu.memory_space<vmem>>
        tpu.wait_dma2 semaphore(%dma_wait3A_906 : memref<!tpu.dma_semaphore, #tpu.memory_space<semaphore_mem>>) src(%dma_wait3A_917 : memref<8x2x8x128xf32, #tpu.memory_space<vmem>>) dst(%dma_wait3A_911 : memref<8x2x8x128xf32, #tpu.memory_space<hbm>>)
      } else {
      }
      %parallel_loop3A_711 = arith.constant 0 : i32
      %parallel_loop3A_712 = arith.constant 256 : i32
      %parallel_loop3A_713 = arith.constant 1 : i32
      %parallel_loop3A_714 = arith.constant 1 : i32
      %parallel_loop3A_715 = arith.constant 1 : i32
      scf.for %parallel_loop3A_823 = %parallel_loop3A_711 to %parallel_loop3A_712 step %parallel_loop3A_713  : i32 {
        %parallel_loop3A_824 = arith.constant 128 : i32
        %parallel_loop3A_825 = arith.divsi %parallel_loop3A_823, %parallel_loop3A_824 : i32
        %parallel_loop3A_826 = arith.constant 0 : i32
        %parallel_loop3A_827 = arith.cmpi sgt, %parallel_loop3A_823, %parallel_loop3A_826 : i32
        %parallel_loop3A_828 = arith.extui %parallel_loop3A_827 : i1 to i32
        %parallel_loop3A_829 = arith.constant 0 : i32
        %parallel_loop3A_830 = arith.cmpi slt, %parallel_loop3A_823, %parallel_loop3A_829 : i32
        %parallel_loop3A_831 = arith.extui %parallel_loop3A_830 : i1 to i32
        %parallel_loop3A_832 = arith.subi %parallel_loop3A_828, %parallel_loop3A_831 : i32
        %parallel_loop3A_833 = arith.constant 0 : i32
        %parallel_loop3A_834 = arith.cmpi sgt, %parallel_loop3A_824, %parallel_loop3A_833 : i32
        %parallel_loop3A_835 = arith.extui %parallel_loop3A_834 : i1 to i32
        %parallel_loop3A_836 = arith.constant 0 : i32
        %parallel_loop3A_837 = arith.cmpi slt, %parallel_loop3A_824, %parallel_loop3A_836 : i32
        %parallel_loop3A_838 = arith.extui %parallel_loop3A_837 : i1 to i32
        %parallel_loop3A_839 = arith.subi %parallel_loop3A_835, %parallel_loop3A_838 : i32
        %parallel_loop3A_840 = arith.cmpi ne, %parallel_loop3A_832, %parallel_loop3A_839 : i32
        %parallel_loop3A_841 = arith.remsi %parallel_loop3A_823, %parallel_loop3A_824 : i32
        %parallel_loop3A_842 = arith.constant 0 : i32
        %parallel_loop3A_843 = arith.cmpi ne, %parallel_loop3A_841, %parallel_loop3A_842 : i32
        %parallel_loop3A_844 = arith.andi %parallel_loop3A_840, %parallel_loop3A_843 : i1
        %parallel_loop3A_845 = arith.constant 1 : i32
        %parallel_loop3A_846 = arith.subi %parallel_loop3A_825, %parallel_loop3A_845 : i32
        %parallel_loop3A_847 = arith.select %parallel_loop3A_844, %parallel_loop3A_846, %parallel_loop3A_825 : i32
        %parallel_loop3A_848 = vector.broadcast %parallel_loop3A_847 : i32 to vector<16xi32>
        %parallel_loop3A_849 = arith.constant 128 : i32
        %parallel_loop3A_850 = arith.constant 0 : i32
        %parallel_loop3A_851 = arith.cmpi eq, %parallel_loop3A_849, %parallel_loop3A_850 : i32
        %parallel_loop3A_852 = arith.constant 1 : i32
        %parallel_loop3A_853 = arith.select %parallel_loop3A_851, %parallel_loop3A_852, %parallel_loop3A_849 : i32
        %parallel_loop3A_854 = arith.remsi %parallel_loop3A_823, %parallel_loop3A_853 : i32
        %parallel_loop3A_855 = arith.constant 0 : i32
        %parallel_loop3A_856 = arith.cmpi ne, %parallel_loop3A_854, %parallel_loop3A_855 : i32
        %parallel_loop3A_857 = arith.constant 0 : i32
        %parallel_loop3A_858 = arith.cmpi slt, %parallel_loop3A_854, %parallel_loop3A_857 : i32
        %parallel_loop3A_859 = arith.constant 0 : i32
        %parallel_loop3A_860 = arith.cmpi slt, %parallel_loop3A_853, %parallel_loop3A_859 : i32
        %parallel_loop3A_861 = arith.xori %parallel_loop3A_858, %parallel_loop3A_860 : i1
        %parallel_loop3A_862 = arith.andi %parallel_loop3A_861, %parallel_loop3A_856 : i1
        %parallel_loop3A_863 = arith.addi %parallel_loop3A_854, %parallel_loop3A_853 : i32
        %parallel_loop3A_864 = arith.select %parallel_loop3A_862, %parallel_loop3A_863, %parallel_loop3A_854 : i32
        %parallel_loop3A_865 = vector.broadcast %parallel_loop3A_864 : i32 to vector<16xi32>
        %parallel_loop3A_866 = arith.constant 0 : i32
        %parallel_loop3A_867 = arith.constant 0 : i32
        %parallel_loop3A_868 = tpu.memref_slice %arg6[%parallel_loop3A_714, %parallel_loop3A_866, %parallel_loop3A_867] : memref<2x256x64xf32, #tpu.memory_space<vmem>> -> memref<1x256x64xf32, #tpu.memory_space<vmem>>
        %parallel_loop3A_869 = tpu.memref_squeeze %parallel_loop3A_868 : memref<1x256x64xf32, #tpu.memory_space<vmem>> -> memref<256x64xf32, #tpu.memory_space<vmem>>
        %parallel_loop3A_870 = arith.index_cast %parallel_loop3A_823 : i32 to index
        %parallel_loop3A_871 = arith.constant 0 : index
        %parallel_loop3A_872 = tpu.vector_load %parallel_loop3A_869[%parallel_loop3A_870, %parallel_loop3A_871] {strides = array<i32>} : memref<256x64xf32, #tpu.memory_space<vmem>>, vector<16xf32>,
        %parallel_loop3A_873 = arith.constant 0 : i32
        %parallel_loop3A_874 = vector.broadcast %parallel_loop3A_873 : i32 to vector<16xi32>
        %parallel_loop3A_875 = arith.addi %parallel_loop3A_874, %select_n3A : vector<16xi32>
        %parallel_loop3A_876 = arith.constant 0 : i32
        %parallel_loop3A_877 = arith.constant 0 : i32
        %parallel_loop3A_878 = arith.constant 0 : i32
        %parallel_loop3A_879 = arith.constant 0 : i32
        %parallel_loop3A_880 = tpu.memref_slice %arg7[%parallel_loop3A_715, %parallel_loop3A_876, %parallel_loop3A_877, %parallel_loop3A_878, %parallel_loop3A_879] : memref<2x8x2x8x129xf32, #tpu.memory_space<vmem>> -> memref<1x8x2x8x129xf32, #tpu.memory_space<vmem>>
        %parallel_loop3A_881 = tpu.memref_squeeze %parallel_loop3A_880 : memref<1x8x2x8x129xf32, #tpu.memory_space<vmem>> -> memref<8x2x8x129xf32, #tpu.memory_space<vmem>>
        tpu.vector_store_idx %parallel_loop3A_881[%parallel_loop3A_875, %parallel_loop3A_848, %select_n3A_45, %parallel_loop3A_865], %parallel_loop3A_872 : memref<8x2x8x129xf32, #tpu.memory_space<vmem>>[vector<16xi32>, vector<16xi32>, vector<16xi32>, vector<16xi32>], vector<16xf32>,
        %parallel_loop3A_882 = arith.constant 0 : i32
        %parallel_loop3A_883 = arith.constant 0 : i32
        %parallel_loop3A_884 = tpu.memref_slice %arg6[%parallel_loop3A_714, %parallel_loop3A_882, %parallel_loop3A_883] : memref<2x256x64xf32, #tpu.memory_space<vmem>> -> memref<1x256x64xf32, #tpu.memory_space<vmem>>
        %parallel_loop3A_885 = tpu.memref_squeeze %parallel_loop3A_884 : memref<1x256x64xf32, #tpu.memory_space<vmem>> -> memref<256x64xf32, #tpu.memory_space<vmem>>
        %parallel_loop3A_886 = arith.index_cast %parallel_loop3A_823 : i32 to index
        %parallel_loop3A_887 = arith.constant 16 : index
        %parallel_loop3A_888 = tpu.vector_load %parallel_loop3A_885[%parallel_loop3A_886, %parallel_loop3A_887] {strides = array<i32>} : memref<256x64xf32, #tpu.memory_space<vmem>>, vector<16xf32>,
        %parallel_loop3A_889 = arith.constant 2 : i32
        %parallel_loop3A_890 = vector.broadcast %parallel_loop3A_889 : i32 to vector<16xi32>
        %parallel_loop3A_891 = arith.addi %parallel_loop3A_890, %select_n3A : vector<16xi32>
        %parallel_loop3A_892 = arith.constant 0 : i32
        %parallel_loop3A_893 = arith.constant 0 : i32
        %parallel_loop3A_894 = arith.constant 0 : i32
        %parallel_loop3A_895 = arith.constant 0 : i32
        %parallel_loop3A_896 = tpu.memref_slice %arg7[%parallel_loop3A_715, %parallel_loop3A_892, %parallel_loop3A_893, %parallel_loop3A_894, %parallel_loop3A_895] : memref<2x8x2x8x129xf32, #tpu.memory_space<vmem>> -> memref<1x8x2x8x129xf32, #tpu.memory_space<vmem>>
        %parallel_loop3A_897 = tpu.memref_squeeze %parallel_loop3A_896 : memref<1x8x2x8x129xf32, #tpu.memory_space<vmem>> -> memref<8x2x8x129xf32, #tpu.memory_space<vmem>>
        tpu.vector_store_idx %parallel_loop3A_897[%parallel_loop3A_891, %parallel_loop3A_848, %select_n3A_45, %parallel_loop3A_865], %parallel_loop3A_888 : memref<8x2x8x129xf32, #tpu.memory_space<vmem>>[vector<16xi32>, vector<16xi32>, vector<16xi32>, vector<16xi32>], vector<16xf32>,
        %parallel_loop3A_898 = arith.constant 0 : i32
        %parallel_loop3A_899 = arith.constant 0 : i32
        %parallel_loop3A_900 = tpu.memref_slice %arg6[%parallel_loop3A_714, %parallel_loop3A_898, %parallel_loop3A_899] : memref<2x256x64xf32, #tpu.memory_space<vmem>> -> memref<1x256x64xf32, #tpu.memory_space<vmem>>
        %parallel_loop3A_901 = tpu.memref_squeeze %parallel_loop3A_900 : memref<1x256x64xf32, #tpu.memory_space<vmem>> -> memref<256x64xf32, #tpu.memory_space<vmem>>
        %parallel_loop3A_902 = arith.index_cast %parallel_loop3A_823 : i32 to index
        %parallel_loop3A_903 = arith.constant 32 : index
        %parallel_loop3A_904 = tpu.vector_load %parallel_loop3A_901[%parallel_loop3A_902, %parallel_loop3A_903] {strides = array<i32>} : memref<256x64xf32, #tpu.memory_space<vmem>>, vector<16xf32>,
        %parallel_loop3A_905 = arith.constant 4 : i32
        %parallel_loop3A_906 = vector.broadcast %parallel_loop3A_905 : i32 to vector<16xi32>
        %parallel_loop3A_907 = arith.addi %parallel_loop3A_906, %select_n3A : vector<16xi32>
        %parallel_loop3A_908 = arith.constant 0 : i32
        %parallel_loop3A_909 = arith.constant 0 : i32
        %parallel_loop3A_910 = arith.constant 0 : i32
        %parallel_loop3A_911 = arith.constant 0 : i32
        %parallel_loop3A_912 = tpu.memref_slice %arg7[%parallel_loop3A_715, %parallel_loop3A_908, %parallel_loop3A_909, %parallel_loop3A_910, %parallel_loop3A_911] : memref<2x8x2x8x129xf32, #tpu.memory_space<vmem>> -> memref<1x8x2x8x129xf32, #tpu.memory_space<vmem>>
        %parallel_loop3A_913 = tpu.memref_squeeze %parallel_loop3A_912 : memref<1x8x2x8x129xf32, #tpu.memory_space<vmem>> -> memref<8x2x8x129xf32, #tpu.memory_space<vmem>>
        tpu.vector_store_idx %parallel_loop3A_913[%parallel_loop3A_907, %parallel_loop3A_848, %select_n3A_45, %parallel_loop3A_865], %parallel_loop3A_904 : memref<8x2x8x129xf32, #tpu.memory_space<vmem>>[vector<16xi32>, vector<16xi32>, vector<16xi32>, vector<16xi32>], vector<16xf32>,
        %parallel_loop3A_914 = arith.constant 0 : i32
        %parallel_loop3A_915 = arith.constant 0 : i32
        %parallel_loop3A_916 = tpu.memref_slice %arg6[%parallel_loop3A_714, %parallel_loop3A_914, %parallel_loop3A_915] : memref<2x256x64xf32, #tpu.memory_space<vmem>> -> memref<1x256x64xf32, #tpu.memory_space<vmem>>
        %parallel_loop3A_917 = tpu.memref_squeeze %parallel_loop3A_916 : memref<1x256x64xf32, #tpu.memory_space<vmem>> -> memref<256x64xf32, #tpu.memory_space<vmem>>
        %parallel_loop3A_918 = arith.index_cast %parallel_loop3A_823 : i32 to index
        %parallel_loop3A_919 = arith.constant 48 : index
        %parallel_loop3A_920 = tpu.vector_load %parallel_loop3A_917[%parallel_loop3A_918, %parallel_loop3A_919] {strides = array<i32>} : memref<256x64xf32, #tpu.memory_space<vmem>>, vector<16xf32>,
        %parallel_loop3A_921 = arith.constant 6 : i32
        %parallel_loop3A_922 = vector.broadcast %parallel_loop3A_921 : i32 to vector<16xi32>
        %parallel_loop3A_923 = arith.addi %parallel_loop3A_922, %select_n3A : vector<16xi32>
        %parallel_loop3A_924 = arith.constant 0 : i32
        %parallel_loop3A_925 = arith.constant 0 : i32
        %parallel_loop3A_926 = arith.constant 0 : i32
        %parallel_loop3A_927 = arith.constant 0 : i32
        %parallel_loop3A_928 = tpu.memref_slice %arg7[%parallel_loop3A_715, %parallel_loop3A_924, %parallel_loop3A_925, %parallel_loop3A_926, %parallel_loop3A_927] : memref<2x8x2x8x129xf32, #tpu.memory_space<vmem>> -> memref<1x8x2x8x129xf32, #tpu.memory_space<vmem>>
        %parallel_loop3A_929 = tpu.memref_squeeze %parallel_loop3A_928 : memref<1x8x2x8x129xf32, #tpu.memory_space<vmem>> -> memref<8x2x8x129xf32, #tpu.memory_space<vmem>>
        tpu.vector_store_idx %parallel_loop3A_929[%parallel_loop3A_923, %parallel_loop3A_848, %select_n3A_45, %parallel_loop3A_865], %parallel_loop3A_920 : memref<8x2x8x129xf32, #tpu.memory_space<vmem>>[vector<16xi32>, vector<16xi32>, vector<16xi32>, vector<16xi32>], vector<16xf32>,
      } {sc.loop_unroll_factor = 4 : i64, sc.parallel_access}
      %jit3A_716 = arith.constant 128 : i32
      %div3A_717 = arith.divsi %mul3A_2, %jit3A_716 : i32
      %sign3A_718 = arith.constant 0 : i32
      %sign3A_719 = arith.cmpi sgt, %mul3A_2, %sign3A_718 : i32
      %sign3A_720 = arith.extui %sign3A_719 : i1 to i32
      %sign3A_721 = arith.constant 0 : i32
      %sign3A_722 = arith.cmpi slt, %mul3A_2, %sign3A_721 : i32
      %sign3A_723 = arith.extui %sign3A_722 : i1 to i32
      %sign3A_724 = arith.subi %sign3A_720, %sign3A_723 : i32
      %sign3A_725 = arith.constant 0 : i32
      %sign3A_726 = arith.cmpi sgt, %jit3A_716, %sign3A_725 : i32
      %sign3A_727 = arith.extui %sign3A_726 : i1 to i32
      %sign3A_728 = arith.constant 0 : i32
      %sign3A_729 = arith.cmpi slt, %jit3A_716, %sign3A_728 : i32
      %sign3A_730 = arith.extui %sign3A_729 : i1 to i32
      %sign3A_731 = arith.subi %sign3A_727, %sign3A_730 : i32
      %ne3A_732 = arith.cmpi ne, %sign3A_724, %sign3A_731 : i32
      %rem3A_733 = arith.remsi %mul3A_2, %jit3A_716 : i32
      %ne3A_734 = arith.constant 0 : i32
      %ne3A_735 = arith.cmpi ne, %rem3A_733, %ne3A_734 : i32
      %and3A_736 = arith.andi %ne3A_732, %ne3A_735 : i1
      %sub3A_737 = arith.constant 1 : i32
      %sub3A_738 = arith.subi %div3A_717, %sub3A_737 : i32
      %select_n3A_739 = arith.select %and3A_736, %sub3A_738, %div3A_717 : i32
      %jit3A_740 = arith.constant 2 : i32
      %eq3A_741 = arith.constant 0 : i32
      %eq3A_742 = arith.cmpi eq, %jit3A_740, %eq3A_741 : i32
      %jit3A_743 = arith.constant 1 : i32
      %select_n3A_744 = arith.select %eq3A_742, %jit3A_743, %jit3A_740 : i32
      %rem3A_745 = arith.remsi %add3A_690, %select_n3A_744 : i32
      %ne3A_746 = arith.constant 0 : i32
      %ne3A_747 = arith.cmpi ne, %rem3A_745, %ne3A_746 : i32
      %lt3A_748 = arith.constant 0 : i32
      %lt3A_749 = arith.cmpi slt, %rem3A_745, %lt3A_748 : i32
      %lt3A_750 = arith.constant 0 : i32
      %lt3A_751 = arith.cmpi slt, %select_n3A_744, %lt3A_750 : i32
      %ne3A_752 = arith.xori %lt3A_749, %lt3A_751 : i1
      %and3A_753 = arith.andi %ne3A_752, %ne3A_747 : i1
      %add3A_754 = arith.addi %rem3A_745, %select_n3A_744 : i32
      %select_n3A_755 = arith.select %and3A_753, %add3A_754, %rem3A_745 : i32
      %mul3A_756 = arith.constant 2 : i32
      %mul3A_757 = arith.muli %select_n3A_755, %mul3A_756 : i32
      %add3A_758 = arith.addi %select_n3A_739, %mul3A_757 : i32
      %jit3A_759 = arith.constant 2 : i32
      %div3A_760 = arith.divsi %add3A_690, %jit3A_759 : i32
      %sign3A_761 = arith.constant 0 : i32
      %sign3A_762 = arith.cmpi sgt, %add3A_690, %sign3A_761 : i32
      %sign3A_763 = arith.extui %sign3A_762 : i1 to i32
      %sign3A_764 = arith.constant 0 : i32
      %sign3A_765 = arith.cmpi slt, %add3A_690, %sign3A_764 : i32
      %sign3A_766 = arith.extui %sign3A_765 : i1 to i32
      %sign3A_767 = arith.subi %sign3A_763, %sign3A_766 : i32
      %sign3A_768 = arith.constant 0 : i32
      %sign3A_769 = arith.cmpi sgt, %jit3A_759, %sign3A_768 : i32
      %sign3A_770 = arith.extui %sign3A_769 : i1 to i32
      %sign3A_771 = arith.constant 0 : i32
      %sign3A_772 = arith.cmpi slt, %jit3A_759, %sign3A_771 : i32
      %sign3A_773 = arith.extui %sign3A_772 : i1 to i32
      %sign3A_774 = arith.subi %sign3A_770, %sign3A_773 : i32
      %ne3A_775 = arith.cmpi ne, %sign3A_767, %sign3A_774 : i32
      %rem3A_776 = arith.remsi %add3A_690, %jit3A_759 : i32
      %ne3A_777 = arith.constant 0 : i32
      %ne3A_778 = arith.cmpi ne, %rem3A_776, %ne3A_777 : i32
      %and3A_779 = arith.andi %ne3A_775, %ne3A_778 : i1
      %sub3A_780 = arith.constant 1 : i32
      %sub3A_781 = arith.subi %div3A_760, %sub3A_780 : i32
      %select_n3A_782 = arith.select %and3A_779, %sub3A_781, %div3A_760 : i32
      %dma_start3A_783 = arith.constant 1 : i32
      %dma_start3A_784 = arith.constant 1 : i32
      %dma_start3A_785 = arith.constant 0 : i32
      %dma_start3A_786 = arith.constant 0 : i32
      %dma_start3A_787 = arith.constant 0 : i32
      %dma_start3A_788 = arith.constant 0 : i32
      %dma_start3A_789 = tpu.memref_slice %arg7[%dma_start3A_783, %dma_start3A_785, %dma_start3A_786, %dma_start3A_787, %dma_start3A_788] : memref<2x8x2x8x129xf32, #tpu.memory_space<vmem>> -> memref<1x8x2x8x128xf32, #tpu.memory_space<vmem>>
      %dma_start3A_790 = tpu.memref_squeeze %dma_start3A_789 : memref<1x8x2x8x128xf32, #tpu.memory_space<vmem>> -> memref<8x2x8x128xf32, #tpu.memory_space<vmem>>
      %dma_start3A_791 = arith.constant 0 : i32
      %dma_start3A_792 = arith.constant 0 : i32
      %dma_start3A_793 = arith.constant 0 : i32
      %dma_start3A_794 = tpu.memref_slice %arg4[%select_n3A_782, %dma_start3A_791, %add3A_758, %dma_start3A_792, %dma_start3A_793] : memref<50x8x128x8x128xf32, #tpu.memory_space<hbm>> -> memref<1x8x2x8x128xf32, #tpu.memory_space<hbm>>
      %dma_start3A_795 = tpu.memref_squeeze %dma_start3A_794 : memref<1x8x2x8x128xf32, #tpu.memory_space<hbm>> -> memref<8x2x8x128xf32, #tpu.memory_space<hbm>>
      %dma_start3A_796 = tpu.memref_slice %arg10[%dma_start3A_784] : memref<2x!tpu.dma_semaphore, #tpu.memory_space<semaphore_mem>> -> memref<1x!tpu.dma_semaphore, #tpu.memory_space<semaphore_mem>>
      %dma_start3A_797 = tpu.memref_squeeze %dma_start3A_796 : memref<1x!tpu.dma_semaphore, #tpu.memory_space<semaphore_mem>> -> memref<!tpu.dma_semaphore, #tpu.memory_space<semaphore_mem>>
      %dma_start3A_798 = arith.constant 0 : i32
      %dma_start3A_799 = arith.constant 0 : i32
      %dma_start3A_800 = arith.constant 0 : i32
      %dma_start3A_801 = tpu.memref_slice %arg4[%select_n3A_782, %dma_start3A_798, %add3A_758, %dma_start3A_799, %dma_start3A_800] : memref<50x8x128x8x128xf32, #tpu.memory_space<hbm>> -> memref<1x8x2x8x128xf32, #tpu.memory_space<hbm>>
      %dma_start3A_802 = tpu.memref_squeeze %dma_start3A_801 : memref<1x8x2x8x128xf32, #tpu.memory_space<hbm>> -> memref<8x2x8x128xf32, #tpu.memory_space<hbm>>
      %dma_start3A_803 = arith.constant 0 : i32
      %dma_start3A_804 = arith.constant 0 : i32
      %dma_start3A_805 = arith.constant 0 : i32
      %dma_start3A_806 = arith.constant 0 : i32
      %dma_start3A_807 = tpu.memref_slice %arg7[%dma_start3A_783, %dma_start3A_803, %dma_start3A_804, %dma_start3A_805, %dma_start3A_806] : memref<2x8x2x8x129xf32, #tpu.memory_space<vmem>> -> memref<1x8x2x8x128xf32, #tpu.memory_space<vmem>>
      %dma_start3A_808 = tpu.memref_squeeze %dma_start3A_807 : memref<1x8x2x8x128xf32, #tpu.memory_space<vmem>> -> memref<8x2x8x128xf32, #tpu.memory_space<vmem>>
      tpu.enqueue_dma source(%dma_start3A_808 : memref<8x2x8x128xf32, #tpu.memory_space<vmem>>) target(%dma_start3A_802 : memref<8x2x8x128xf32, #tpu.memory_space<hbm>>) target_semaphore(%dma_start3A_797 : memref<!tpu.dma_semaphore, #tpu.memory_space<semaphore_mem>>)
      %add3A_809 = arith.constant 2 : i32
      %add3A_810 = arith.addi %add3A_690, %add3A_809 : i32
      %lt3A_811 = arith.constant 100 : i32
      %lt3A_812 = arith.cmpi slt, %add3A_810, %lt3A_811 : i32
      %convert_element_type3A_813 = arith.extui %lt3A_812 : i1 to i32
      %cond3A_814 = arith.constant 0 : i32
      %cond3A_815 = arith.cmpi ne, %convert_element_type3A_813, %cond3A_814 : i32
      scf.if %cond3A_815 {
        %add3A_823 = arith.constant 0 : i32
        %add3A_824 = arith.addi %mul3A_2, %add3A_823 : i32
        %dma_wait3A_825 = arith.constant 0 : i32
        %dma_wait3A_826 = arith.constant 1 : i32
        %dma_wait3A_827 = arith.constant 1 : i32
        %dma_wait3A_828 = arith.constant 0 : i32
        %dma_wait3A_829 = tpu.memref_slice %arg5[%dma_wait3A_826, %dma_wait3A_828] : memref<4x256xi32, #tpu.memory_space<vmem>> -> memref<1x256xi32, #tpu.memory_space<vmem>>
        %dma_wait3A_830 = tpu.memref_squeeze %dma_wait3A_829 : memref<1x256xi32, #tpu.memory_space<vmem>> -> memref<256xi32, #tpu.memory_space<vmem>>
        %dma_wait3A_831 = tpu.memref_slice %arg2[%dma_wait3A_825, %add3A_824] : memref<50x16384xi32, #tpu.memory_space<hbm>> -> memref<1x256xi32, #tpu.memory_space<hbm>>
        %dma_wait3A_832 = tpu.memref_squeeze %dma_wait3A_831 : memref<1x256xi32, #tpu.memory_space<hbm>> -> memref<256xi32, #tpu.memory_space<hbm>>
        %dma_wait3A_833 = tpu.memref_slice %arg8[%dma_wait3A_827] : memref<4x!tpu.dma_semaphore, #tpu.memory_space<semaphore_mem>> -> memref<1x!tpu.dma_semaphore, #tpu.memory_space<semaphore_mem>>
        %dma_wait3A_834 = tpu.memref_squeeze %dma_wait3A_833 : memref<1x!tpu.dma_semaphore, #tpu.memory_space<semaphore_mem>> -> memref<!tpu.dma_semaphore, #tpu.memory_space<semaphore_mem>>
        %dma_wait3A_835 = arith.constant 0 : i32
        %dma_wait3A_836 = tpu.memref_slice %arg5[%dma_wait3A_826, %dma_wait3A_835] : memref<4x256xi32, #tpu.memory_space<vmem>> -> memref<1x256xi32, #tpu.memory_space<vmem>>
        %dma_wait3A_837 = tpu.memref_squeeze %dma_wait3A_836 : memref<1x256xi32, #tpu.memory_space<vmem>> -> memref<256xi32, #tpu.memory_space<vmem>>
        %dma_wait3A_838 = tpu.memref_slice %arg2[%dma_wait3A_825, %add3A_824] : memref<50x16384xi32, #tpu.memory_space<hbm>> -> memref<1x256xi32, #tpu.memory_space<hbm>>
        %dma_wait3A_839 = tpu.memref_squeeze %dma_wait3A_838 : memref<1x256xi32, #tpu.memory_space<hbm>> -> memref<256xi32, #tpu.memory_space<hbm>>
        tpu.wait_dma2 semaphore(%dma_wait3A_834 : memref<!tpu.dma_semaphore, #tpu.memory_space<semaphore_mem>>) src(%dma_wait3A_839 : memref<256xi32, #tpu.memory_space<hbm>>) dst(%dma_wait3A_837 : memref<256xi32, #tpu.memory_space<vmem>>)
        %dma_start3A_840 = arith.constant 1 : i32
        %dma_start3A_841 = arith.constant 1 : i32
        %dma_start3A_842 = arith.constant 1 : i32
        %dma_start3A_843 = arith.constant 0 : i32
        %dma_start3A_844 = arith.constant 0 : i32
        %dma_start3A_845 = tpu.memref_slice %arg6[%dma_start3A_841, %dma_start3A_843, %dma_start3A_844] : memref<2x256x64xf32, #tpu.memory_space<vmem>> -> memref<1x256x64xf32, #tpu.memory_space<vmem>>
        %dma_start3A_846 = tpu.memref_squeeze %dma_start3A_845 : memref<1x256x64xf32, #tpu.memory_space<vmem>> -> memref<256x64xf32, #tpu.memory_space<vmem>>
        %dma_start3A_847 = arith.constant 0 : i32
        %dma_start3A_848 = tpu.memref_slice %arg5[%dma_start3A_840, %dma_start3A_847] : memref<4x256xi32, #tpu.memory_space<vmem>> -> memref<1x256xi32, #tpu.memory_space<vmem>>
        %dma_start3A_849 = tpu.memref_squeeze %dma_start3A_848 : memref<1x256xi32, #tpu.memory_space<vmem>> -> memref<256xi32, #tpu.memory_space<vmem>>
        %dma_start3A_850 = arith.constant 0 : i32
        %dma_start3A_851 = arith.constant 0 : i32
        %dma_start3A_852 = tpu.memref_slice %arg3[%dma_start3A_850, %dma_start3A_851] : memref<2000000x64xf32, #tpu.memory_space<hbm>> -> memref<2000000x64xf32, #tpu.memory_space<hbm>>
        %dma_start3A_853 = tpu.memref_slice %arg9[%dma_start3A_842] : memref<2x!tpu.dma_semaphore, #tpu.memory_space<semaphore_mem>> -> memref<1x!tpu.dma_semaphore, #tpu.memory_space<semaphore_mem>>
        %dma_start3A_854 = tpu.memref_squeeze %dma_start3A_853 : memref<1x!tpu.dma_semaphore, #tpu.memory_space<semaphore_mem>> -> memref<!tpu.dma_semaphore, #tpu.memory_space<semaphore_mem>>
        tpu.enqueue_indirect_dma source(%dma_start3A_852 : memref<2000000x64xf32, #tpu.memory_space<hbm>>) target(%dma_start3A_846 : memref<256x64xf32, #tpu.memory_space<vmem>>) offsets(%dma_start3A_849 : memref<256xi32, #tpu.memory_space<vmem>>) semaphore(%dma_start3A_854 : memref<!tpu.dma_semaphore, #tpu.memory_space<semaphore_mem>>)
      } else {
      }
      %add3A_816 = arith.constant 4 : i32
      %add3A_817 = arith.addi %add3A_690, %add3A_816 : i32
      %lt3A_818 = arith.constant 100 : i32
      %lt3A_819 = arith.cmpi slt, %add3A_817, %lt3A_818 : i32
      %convert_element_type3A_820 = arith.extui %lt3A_819 : i1 to i32
      %cond3A_821 = arith.constant 0 : i32
      %cond3A_822 = arith.cmpi ne, %convert_element_type3A_820, %cond3A_821 : i32
      scf.if %cond3A_822 {
        %add3A_823 = arith.constant 4 : i32
        %add3A_824 = arith.addi %add3A_690, %add3A_823 : i32
        %jit3A_825 = arith.constant 2 : i32
        %div3A_826 = arith.divsi %add3A_824, %jit3A_825 : i32
        %sign3A_827 = arith.constant 0 : i32
        %sign3A_828 = arith.cmpi sgt, %add3A_824, %sign3A_827 : i32
        %sign3A_829 = arith.extui %sign3A_828 : i1 to i32
        %sign3A_830 = arith.constant 0 : i32
        %sign3A_831 = arith.cmpi slt, %add3A_824, %sign3A_830 : i32
        %sign3A_832 = arith.extui %sign3A_831 : i1 to i32
        %sign3A_833 = arith.subi %sign3A_829, %sign3A_832 : i32
        %sign3A_834 = arith.constant 0 : i32
        %sign3A_835 = arith.cmpi sgt, %jit3A_825, %sign3A_834 : i32
        %sign3A_836 = arith.extui %sign3A_835 : i1 to i32
        %sign3A_837 = arith.constant 0 : i32
        %sign3A_838 = arith.cmpi slt, %jit3A_825, %sign3A_837 : i32
        %sign3A_839 = arith.extui %sign3A_838 : i1 to i32
        %sign3A_840 = arith.subi %sign3A_836, %sign3A_839 : i32
        %ne3A_841 = arith.cmpi ne, %sign3A_833, %sign3A_840 : i32
        %rem3A_842 = arith.remsi %add3A_824, %jit3A_825 : i32
        %ne3A_843 = arith.constant 0 : i32
        %ne3A_844 = arith.cmpi ne, %rem3A_842, %ne3A_843 : i32
        %and3A_845 = arith.andi %ne3A_841, %ne3A_844 : i1
        %sub3A_846 = arith.constant 1 : i32
        %sub3A_847 = arith.subi %div3A_826, %sub3A_846 : i32
        %select_n3A_848 = arith.select %and3A_845, %sub3A_847, %div3A_826 : i32
        %jit3A_849 = arith.constant 2 : i32
        %eq3A_850 = arith.constant 0 : i32
        %eq3A_851 = arith.cmpi eq, %jit3A_849, %eq3A_850 : i32
        %jit3A_852 = arith.constant 1 : i32
        %select_n3A_853 = arith.select %eq3A_851, %jit3A_852, %jit3A_849 : i32
        %rem3A_854 = arith.remsi %add3A_824, %select_n3A_853 : i32
        %ne3A_855 = arith.constant 0 : i32
        %ne3A_856 = arith.cmpi ne, %rem3A_854, %ne3A_855 : i32
        %lt3A_857 = arith.constant 0 : i32
        %lt3A_858 = arith.cmpi slt, %rem3A_854, %lt3A_857 : i32
        %lt3A_859 = arith.constant 0 : i32
        %lt3A_860 = arith.cmpi slt, %select_n3A_853, %lt3A_859 : i32
        %ne3A_861 = arith.xori %lt3A_858, %lt3A_860 : i1
        %and3A_862 = arith.andi %ne3A_861, %ne3A_856 : i1
        %add3A_863 = arith.addi %rem3A_854, %select_n3A_853 : i32
        %select_n3A_864 = arith.select %and3A_862, %add3A_863, %rem3A_854 : i32
        %mul3A_865 = arith.constant 256 : i32
        %mul3A_866 = arith.muli %select_n3A_864, %mul3A_865 : i32
        %add3A_867 = arith.addi %mul3A_2, %mul3A_866 : i32
        %dma_start3A_868 = arith.constant 3 : i32
        %dma_start3A_869 = arith.constant 3 : i32
        %dma_start3A_870 = arith.constant 0 : i32
        %dma_start3A_871 = tpu.memref_slice %arg5[%dma_start3A_868, %dma_start3A_870] : memref<4x256xi32, #tpu.memory_space<vmem>> -> memref<1x256xi32, #tpu.memory_space<vmem>>
        %dma_start3A_872 = tpu.memref_squeeze %dma_start3A_871 : memref<1x256xi32, #tpu.memory_space<vmem>> -> memref<256xi32, #tpu.memory_space<vmem>>
        %dma_start3A_873 = tpu.memref_slice %arg2[%select_n3A_848, %add3A_867] : memref<50x16384xi32, #tpu.memory_space<hbm>> -> memref<1x256xi32, #tpu.memory_space<hbm>>
        %dma_start3A_874 = tpu.memref_squeeze %dma_start3A_873 : memref<1x256xi32, #tpu.memory_space<hbm>> -> memref<256xi32, #tpu.memory_space<hbm>>
        %dma_start3A_875 = tpu.memref_slice %arg8[%dma_start3A_869] : memref<4x!tpu.dma_semaphore, #tpu.memory_space<semaphore_mem>> -> memref<1x!tpu.dma_semaphore, #tpu.memory_space<semaphore_mem>>
        %dma_start3A_876 = tpu.memref_squeeze %dma_start3A_875 : memref<1x!tpu.dma_semaphore, #tpu.memory_space<semaphore_mem>> -> memref<!tpu.dma_semaphore, #tpu.memory_space<semaphore_mem>>
        %dma_start3A_877 = arith.constant 0 : i32
        %dma_start3A_878 = tpu.memref_slice %arg5[%dma_start3A_868, %dma_start3A_877] : memref<4x256xi32, #tpu.memory_space<vmem>> -> memref<1x256xi32, #tpu.memory_space<vmem>>
        %dma_start3A_879 = tpu.memref_squeeze %dma_start3A_878 : memref<1x256xi32, #tpu.memory_space<vmem>> -> memref<256xi32, #tpu.memory_space<vmem>>
        %dma_start3A_880 = tpu.memref_slice %arg2[%select_n3A_848, %add3A_867] : memref<50x16384xi32, #tpu.memory_space<hbm>> -> memref<1x256xi32, #tpu.memory_space<hbm>>
        %dma_start3A_881 = tpu.memref_squeeze %dma_start3A_880 : memref<1x256xi32, #tpu.memory_space<hbm>> -> memref<256xi32, #tpu.memory_space<hbm>>
        tpu.enqueue_dma source(%dma_start3A_881 : memref<256xi32, #tpu.memory_space<hbm>>) target(%dma_start3A_879 : memref<256xi32, #tpu.memory_space<vmem>>) target_semaphore(%dma_start3A_876 : memref<!tpu.dma_semaphore, #tpu.memory_space<semaphore_mem>>)
      } else {
      }
    }
    %scan3A_179 = arith.constant 25 : i32
    %jit3A_180 = arith.constant 128 : i32
    %div3A_181 = arith.divsi %mul3A_2, %jit3A_180 : i32
    %sign3A_182 = arith.constant 0 : i32
    %sign3A_183 = arith.cmpi sgt, %mul3A_2, %sign3A_182 : i32
    %sign3A_184 = arith.extui %sign3A_183 : i1 to i32
    %sign3A_185 = arith.constant 0 : i32
    %sign3A_186 = arith.cmpi slt, %mul3A_2, %sign3A_185 : i32
    %sign3A_187 = arith.extui %sign3A_186 : i1 to i32
    %sign3A_188 = arith.subi %sign3A_184, %sign3A_187 : i32
    %sign3A_189 = arith.constant 0 : i32
    %sign3A_190 = arith.cmpi sgt, %jit3A_180, %sign3A_189 : i32
    %sign3A_191 = arith.extui %sign3A_190 : i1 to i32
    %sign3A_192 = arith.constant 0 : i32
    %sign3A_193 = arith.cmpi slt, %jit3A_180, %sign3A_192 : i32
    %sign3A_194 = arith.extui %sign3A_193 : i1 to i32
    %sign3A_195 = arith.subi %sign3A_191, %sign3A_194 : i32
    %ne3A_196 = arith.cmpi ne, %sign3A_188, %sign3A_195 : i32
    %rem3A_197 = arith.remsi %mul3A_2, %jit3A_180 : i32
    %ne3A_198 = arith.constant 0 : i32
    %ne3A_199 = arith.cmpi ne, %rem3A_197, %ne3A_198 : i32
    %and3A_200 = arith.andi %ne3A_196, %ne3A_199 : i1
    %sub3A_201 = arith.constant 1 : i32
    %sub3A_202 = arith.subi %div3A_181, %sub3A_201 : i32
    %select_n3A_203 = arith.select %and3A_200, %sub3A_202, %div3A_181 : i32
    %add3A_204 = arith.constant 0 : i32
    %add3A_205 = arith.addi %select_n3A_203, %add3A_204 : i32
    %dma_wait3A_206 = arith.constant 0 : i32
    %dma_wait3A_207 = arith.constant 49 : i32
    %dma_wait3A_208 = arith.constant 0 : i32
    %dma_wait3A_209 = arith.constant 0 : i32
    %dma_wait3A_210 = arith.constant 0 : i32
    %dma_wait3A_211 = arith.constant 0 : i32
    %dma_wait3A_212 = arith.constant 0 : i32
    %dma_wait3A_213 = tpu.memref_slice %arg7[%dma_wait3A_206, %dma_wait3A_209, %dma_wait3A_210, %dma_wait3A_211, %dma_wait3A_212] : memref<2x8x2x8x129xf32, #tpu.memory_space<vmem>> -> memref<1x8x2x8x128xf32, #tpu.memory_space<vmem>>
    %dma_wait3A_214 = tpu.memref_squeeze %dma_wait3A_213 : memref<1x8x2x8x128xf32, #tpu.memory_space<vmem>> -> memref<8x2x8x128xf32, #tpu.memory_space<vmem>>
    %dma_wait3A_215 = arith.constant 0 : i32
    %dma_wait3A_216 = arith.constant 0 : i32
    %dma_wait3A_217 = arith.constant 0 : i32
    %dma_wait3A_218 = tpu.memref_slice %arg4[%dma_wait3A_207, %dma_wait3A_215, %add3A_205, %dma_wait3A_216, %dma_wait3A_217] : memref<50x8x128x8x128xf32, #tpu.memory_space<hbm>> -> memref<1x8x2x8x128xf32, #tpu.memory_space<hbm>>
    %dma_wait3A_219 = tpu.memref_squeeze %dma_wait3A_218 : memref<1x8x2x8x128xf32, #tpu.memory_space<hbm>> -> memref<8x2x8x128xf32, #tpu.memory_space<hbm>>
    %dma_wait3A_220 = tpu.memref_slice %arg10[%dma_wait3A_208] : memref<2x!tpu.dma_semaphore, #tpu.memory_space<semaphore_mem>> -> memref<1x!tpu.dma_semaphore, #tpu.memory_space<semaphore_mem>>
    %dma_wait3A_221 = tpu.memref_squeeze %dma_wait3A_220 : memref<1x!tpu.dma_semaphore, #tpu.memory_space<semaphore_mem>> -> memref<!tpu.dma_semaphore, #tpu.memory_space<semaphore_mem>>
    %dma_wait3A_222 = arith.constant 0 : i32
    %dma_wait3A_223 = arith.constant 0 : i32
    %dma_wait3A_224 = arith.constant 0 : i32
    %dma_wait3A_225 = tpu.memref_slice %arg4[%dma_wait3A_207, %dma_wait3A_222, %add3A_205, %dma_wait3A_223, %dma_wait3A_224] : memref<50x8x128x8x128xf32, #tpu.memory_space<hbm>> -> memref<1x8x2x8x128xf32, #tpu.memory_space<hbm>>
    %dma_wait3A_226 = tpu.memref_squeeze %dma_wait3A_225 : memref<1x8x2x8x128xf32, #tpu.memory_space<hbm>> -> memref<8x2x8x128xf32, #tpu.memory_space<hbm>>
    %dma_wait3A_227 = arith.constant 0 : i32
    %dma_wait3A_228 = arith.constant 0 : i32
    %dma_wait3A_229 = arith.constant 0 : i32
    %dma_wait3A_230 = arith.constant 0 : i32
    %dma_wait3A_231 = tpu.memref_slice %arg7[%dma_wait3A_206, %dma_wait3A_227, %dma_wait3A_228, %dma_wait3A_229, %dma_wait3A_230] : memref<2x8x2x8x129xf32, #tpu.memory_space<vmem>> -> memref<1x8x2x8x128xf32, #tpu.memory_space<vmem>>
    %dma_wait3A_232 = tpu.memref_squeeze %dma_wait3A_231 : memref<1x8x2x8x128xf32, #tpu.memory_space<vmem>> -> memref<8x2x8x128xf32, #tpu.memory_space<vmem>>
    tpu.wait_dma2 semaphore(%dma_wait3A_221 : memref<!tpu.dma_semaphore, #tpu.memory_space<semaphore_mem>>) src(%dma_wait3A_232 : memref<8x2x8x128xf32, #tpu.memory_space<vmem>>) dst(%dma_wait3A_226 : memref<8x2x8x128xf32, #tpu.memory_space<hbm>>)
    %jit3A_233 = arith.constant 128 : i32
    %div3A_234 = arith.divsi %mul3A_2, %jit3A_233 : i32
    %sign3A_235 = arith.constant 0 : i32
    %sign3A_236 = arith.cmpi sgt, %mul3A_2, %sign3A_235 : i32
    %sign3A_237 = arith.extui %sign3A_236 : i1 to i32
    %sign3A_238 = arith.constant 0 : i32
    %sign3A_239 = arith.cmpi slt, %mul3A_2, %sign3A_238 : i32
    %sign3A_240 = arith.extui %sign3A_239 : i1 to i32
    %sign3A_241 = arith.subi %sign3A_237, %sign3A_240 : i32
    %sign3A_242 = arith.constant 0 : i32
    %sign3A_243 = arith.cmpi sgt, %jit3A_233, %sign3A_242 : i32
    %sign3A_244 = arith.extui %sign3A_243 : i1 to i32
    %sign3A_245 = arith.constant 0 : i32
    %sign3A_246 = arith.cmpi slt, %jit3A_233, %sign3A_245 : i32
    %sign3A_247 = arith.extui %sign3A_246 : i1 to i32
    %sign3A_248 = arith.subi %sign3A_244, %sign3A_247 : i32
    %ne3A_249 = arith.cmpi ne, %sign3A_241, %sign3A_248 : i32
    %rem3A_250 = arith.remsi %mul3A_2, %jit3A_233 : i32
    %ne3A_251 = arith.constant 0 : i32
    %ne3A_252 = arith.cmpi ne, %rem3A_250, %ne3A_251 : i32
    %and3A_253 = arith.andi %ne3A_249, %ne3A_252 : i1
    %sub3A_254 = arith.constant 1 : i32
    %sub3A_255 = arith.subi %div3A_234, %sub3A_254 : i32
    %select_n3A_256 = arith.select %and3A_253, %sub3A_255, %div3A_234 : i32
    %add3A_257 = arith.constant 2 : i32
    %add3A_258 = arith.addi %select_n3A_256, %add3A_257 : i32
    %dma_wait3A_259 = arith.constant 1 : i32
    %dma_wait3A_260 = arith.constant 49 : i32
    %dma_wait3A_261 = arith.constant 1 : i32
    %dma_wait3A_262 = arith.constant 0 : i32
    %dma_wait3A_263 = arith.constant 0 : i32
    %dma_wait3A_264 = arith.constant 0 : i32
    %dma_wait3A_265 = arith.constant 0 : i32
    %dma_wait3A_266 = tpu.memref_slice %arg7[%dma_wait3A_259, %dma_wait3A_262, %dma_wait3A_263, %dma_wait3A_264, %dma_wait3A_265] : memref<2x8x2x8x129xf32, #tpu.memory_space<vmem>> -> memref<1x8x2x8x128xf32, #tpu.memory_space<vmem>>
    %dma_wait3A_267 = tpu.memref_squeeze %dma_wait3A_266 : memref<1x8x2x8x128xf32, #tpu.memory_space<vmem>> -> memref<8x2x8x128xf32, #tpu.memory_space<vmem>>
    %dma_wait3A_268 = arith.constant 0 : i32
    %dma_wait3A_269 = arith.constant 0 : i32
    %dma_wait3A_270 = arith.constant 0 : i32
    %dma_wait3A_271 = tpu.memref_slice %arg4[%dma_wait3A_260, %dma_wait3A_268, %add3A_258, %dma_wait3A_269, %dma_wait3A_270] : memref<50x8x128x8x128xf32, #tpu.memory_space<hbm>> -> memref<1x8x2x8x128xf32, #tpu.memory_space<hbm>>
    %dma_wait3A_272 = tpu.memref_squeeze %dma_wait3A_271 : memref<1x8x2x8x128xf32, #tpu.memory_space<hbm>> -> memref<8x2x8x128xf32, #tpu.memory_space<hbm>>
    %dma_wait3A_273 = tpu.memref_slice %arg10[%dma_wait3A_261] : memref<2x!tpu.dma_semaphore, #tpu.memory_space<semaphore_mem>> -> memref<1x!tpu.dma_semaphore, #tpu.memory_space<semaphore_mem>>
    %dma_wait3A_274 = tpu.memref_squeeze %dma_wait3A_273 : memref<1x!tpu.dma_semaphore, #tpu.memory_space<semaphore_mem>> -> memref<!tpu.dma_semaphore, #tpu.memory_space<semaphore_mem>>
    %dma_wait3A_275 = arith.constant 0 : i32
    %dma_wait3A_276 = arith.constant 0 : i32
    %dma_wait3A_277 = arith.constant 0 : i32
    %dma_wait3A_278 = tpu.memref_slice %arg4[%dma_wait3A_260, %dma_wait3A_275, %add3A_258, %dma_wait3A_276, %dma_wait3A_277] : memref<50x8x128x8x128xf32, #tpu.memory_space<hbm>> -> memref<1x8x2x8x128xf32, #tpu.memory_space<hbm>>
    %dma_wait3A_279 = tpu.memref_squeeze %dma_wait3A_278 : memref<1x8x2x8x128xf32, #tpu.memory_space<hbm>> -> memref<8x2x8x128xf32, #tpu.memory_space<hbm>>
    %dma_wait3A_280 = arith.constant 0 : i32
    %dma_wait3A_281 = arith.constant 0 : i32
    %dma_wait3A_282 = arith.constant 0 : i32
    %dma_wait3A_283 = arith.constant 0 : i32
    %dma_wait3A_284 = tpu.memref_slice %arg7[%dma_wait3A_259, %dma_wait3A_280, %dma_wait3A_281, %dma_wait3A_282, %dma_wait3A_283] : memref<2x8x2x8x129xf32, #tpu.memory_space<vmem>> -> memref<1x8x2x8x128xf32, #tpu.memory_space<vmem>>
    %dma_wait3A_285 = tpu.memref_squeeze %dma_wait3A_284 : memref<1x8x2x8x128xf32, #tpu.memory_space<vmem>> -> memref<8x2x8x128xf32, #tpu.memory_space<vmem>>
    tpu.wait_dma2 semaphore(%dma_wait3A_274 : memref<!tpu.dma_semaphore, #tpu.memory_space<semaphore_mem>>) src(%dma_wait3A_285 : memref<8x2x8x128xf32, #tpu.memory_space<vmem>>) dst(%dma_wait3A_279 : memref<8x2x8x128xf32, #tpu.memory_space<hbm>>)
    return
  }
}

</mosaic_0001>

<sc_bundles>
// kernel: kernel.3.cloned.1.call-start
scs
__scs_entry_jumppad:
0x0: {  	(pc) =	sbr.rel $0x88, $3  }
0x1: {  	(tag) =	ssettag $0x0;
	lr =	simm.s32 $0x1  }
0x2: {  	[smem:$0x3F9F] =	sst lr;
	_ =	strace $0xD0000000  }
0x3: {  	_ = 	snop  }
0x4: {  	_ = 	snop  }
0x5: {  	_ = 	snop  }
0x6: {  	_ = 	snop  }
0x7: {  	_ = 	snop  }
__scs_overlays_trampoline_lowered:
0x8: {  	[smem:$0x3FAE] =	sst s0  }
0x9: {  	[smem:$0x3FAF] =	sst s1  }
0xa: {  	[smem:$0x3FB0] =	sst s2  }
0xb: {  	[smem:$0x3FB1] =	sst s3  }
0xc: {  	[smem:$0x3FB2] =	sst s4  }
0xd: {  	[smem:$0x3FB3] =	sst s5  }
0xe: {  	[smem:$0x3FB4] =	sst s6  }
0xf: {  	[smem:$0x3FB5] =	sst s7  }
0x10: {  	[smem:$0x3FB6] =	sst s8  }
0x11: {  	[smem:$0x3FB7] =	sst s9;
	s0 =	simm.s32 @!p0 $0x0  }
0x12: {  	s1 =	sld [smem:$0x3F9D];
	s0 =	simm.s32 @p0 $0x1  }
0x13: {  	[smem:$0x3FB8] =	sst s0;
	s0 =	simm.s32 @!p1 $0x0  }
0x14: {  	s2 =	sld [smem:$0x3F9C];
	s0 =	simm.s32 @p1 $0x1  }
0x15: {  	[smem:$0x3FB9] =	sst s0;
	s0 =	simm.s32 @!p2 $0x0  }
0x16: {  	s3 =	sld [smem:$0x3FDB];
	s0 =	simm.s32 @p2 $0x1  }
0x17: {  	s4 =	simm.s32 $0x1BF5;
	[smem:$0x3FBB] =	sst s0  }
0x18: {  	s0 =	sld [smem:$0x3F9E];
	_ =	swait.ge [sflag:s4], $0x0  }
0x19: {  	s7 =	sld [smem:$0x3F9F]  }
0x1a: {  	s8 =	sadd.s32 $0xFFFFE003, lr  }
0x1b: {  	s9 =	sadd.s32 $0xFFFFFEF7, lr;
	s5 =	simm.s32 $0xFFFFFFFF;
	p2 =	slt.u32 s8, $0xFFFFF086  }
0x1c: {  	p1 =	slt.u32 s9, $0xF7A;
	s5 =	simm.s32 @!p2 $0x0  }
0x1d: {  	s5 =	simm.s32 @p1 $0x1;
	p0 =	seq.s32 s7, s2  }
0x1e: {  	s7 =	smul.u32 @!p0 $0xF7A, s2;
	p2 =	seq.s32 @!p0 s5, $0x0  }
0x1f: {  	s9 =	smul.u32 $0xF7A, s1;
	s8 =	simm.s32 @!p0 $0x1BF5;
	p2 =	por !p2, p0  }
0x20: {  	[sflag:s8] =	ssyncset.s32 @!p0 $0xFFFFF086;
	s6 =	sadd.s32 @!p0 s3, s7;
	s7 =	simm.s32 @!p0 $0x108  }
0x21: {  	s3 =	sadd.s32 s3, s9;
	s6 =	sadd.s32 @!p0 $0x88, s6;
	s7 =	simm.s32 @p2 $0x1082  }
0x22: {  	[simem:s7], [sflag:s8] =	dma.local @!p0 [hbm:s6], $0xF7A  }
0x23: {  	s9 =	sor.u32 $0xD0000000, s2;
	s6 =	simm.s32 $0x108;
	_ =	swait.ge @!p0 [sflag:s8], $0x0  }
0x24: {  	s3 =	sadd.s32 $0x88, s3;
	s6 =	simm.s32 @!p1 $0x1082;
	[sflag:s4] =	ssyncset.s32 $0xFFFFF086  }
0x25: {  	[simem:s6], [sflag:s4] =	dma.local [hbm:s3], $0xF7A  }
0x26: {  	[smem:$0x3F9F] =	sst s1;
	(tag) =	ssettag s2;
	_ =	strace s9  }
0x27: {  	s1 =	sld [smem:$0x3FAF]  }
0x28: {  	s2 =	sld [smem:$0x3FB0]  }
0x29: {  	s4 =	sld [smem:$0x3FB2]  }
0x2a: {  	p0 =	seq.s32 s5, $0x0;
	s5 =	sld [smem:$0x3FB3]  }
0x2b: {  	s6 =	sld [smem:$0x3FB4]  }
0x2c: {  	s7 =	sld [smem:$0x3FB5]  }
0x2d: {  	s3 =	simm.s32 $0x108;
	s8 =	sld [smem:$0x3FB6]  }
0x2e: {  	s3 =	simm.s32 @!p0 $0x1082;
	s9 =	sld [smem:$0x3FB7]  }
0x2f: {  	lr =	sadd.s32 s0, s3;
	s0 =	sld [smem:$0x3FAE]  }
0x30: {  	s3 =	sld [smem:$0x3FB1]  }
0x31: {  	[smem:$0x3FBA] =	sst s10  }
0x32: {  	s10 =	sld [smem:$0x3FB8];
	_ =	sdelay $0x3  }
0x33: {  	p0 =	seq.s32 s10, $0x1;
	s10 =	sld [smem:$0x3FBA];
	_ =	sdelay $0x3  }
0x34: {  	[smem:$0x3FBA] =	sst s10  }
0x35: {  	s10 =	sld [smem:$0x3FB9];
	_ =	sdelay $0x3  }
0x36: {  	p1 =	seq.s32 s10, $0x1;
	s10 =	sld [smem:$0x3FBA];
	_ =	sdelay $0x3  }
0x37: {  	[smem:$0x3FBA] =	sst s10  }
0x38: {  	s10 =	sld [smem:$0x3FBB]  }
0x39: {  	_ = 	snop;
	(pc) =	sbr.ind lr, $3  }
0x3a: {  	_ = 	snop  }
0x3b: {  	_ = 	snop  }
0x3c: {  	p2 =	seq.s32 s10, $0x1;
	s10 =	sld [smem:$0x3FBA]  }
0x3d: {  	_ =	shalt  }
0x3e: {  	_ =	shalt  }
0x3f: {  	_ =	shalt  }
0x40: {  	_ =	shalt  }
0x41: {  	_ =	shalt  }
0x42: {  	_ =	shalt  }
0x43: {  	_ =	shalt  }
0x44: {  	_ =	shalt  }
0x45: {  	_ =	shalt  }
0x46: {  	_ =	shalt  }
0x47: {  	_ =	shalt  }
0x48: {  	_ =	shalt  }
0x49: {  	_ =	shalt  }
0x4a: {  	_ =	shalt  }
0x4b: {  	_ =	shalt  }
0x4c: {  	_ =	shalt  }
0x4d: {  	_ =	shalt  }
0x4e: {  	_ =	shalt  }
0x4f: {  	_ =	shalt  }
0x50: {  	_ =	shalt  }
0x51: {  	_ =	shalt  }
0x52: {  	_ =	shalt  }
0x53: {  	_ =	shalt  }
0x54: {  	_ =	shalt  }
0x55: {  	_ =	shalt  }
0x56: {  	_ =	shalt  }
0x57: {  	_ =	shalt  }
0x58: {  	_ =	shalt  }
0x59: {  	_ =	shalt  }
0x5a: {  	_ =	shalt  }
0x5b: {  	_ =	shalt  }
0x5c: {  	_ =	shalt  }
0x5d: {  	_ =	shalt  }
0x5e: {  	_ =	shalt  }
0x5f: {  	_ =	shalt  }
0x60: {  	_ =	shalt  }
0x61: {  	_ =	shalt  }
0x62: {  	_ =	shalt  }
0x63: {  	_ =	shalt  }
0x64: {  	_ =	shalt  }
0x65: {  	_ =	shalt  }
0x66: {  	_ =	shalt  }
0x67: {  	_ =	shalt  }
0x68: {  	_ =	shalt  }
0x69: {  	_ =	shalt  }
0x6a: {  	_ =	shalt  }
0x6b: {  	_ =	shalt  }
0x6c: {  	_ =	shalt  }
0x6d: {  	_ =	shalt  }
0x6e: {  	_ =	shalt  }
0x6f: {  	_ =	shalt  }
0x70: {  	_ =	shalt  }
0x71: {  	_ =	shalt  }
0x72: {  	_ =	shalt  }
0x73: {  	_ =	shalt  }
0x74: {  	_ =	shalt  }
0x75: {  	_ =	shalt  }
0x76: {  	_ =	shalt  }
0x77: {  	_ =	shalt  }
0x78: {  	_ =	shalt  }
0x79: {  	_ =	shalt  }
0x7a: {  	_ =	shalt  }
0x7b: {  	_ =	shalt  }
0x7c: {  	_ =	shalt  }
0x7d: {  	_ =	shalt  }
0x7e: {  	_ =	shalt  }
0x7f: {  	_ =	shalt  }
0x80: {  	_ =	shalt  }
0x81: {  	_ =	shalt  }
0x82: {  	_ =	shalt  }
0x83: {  	_ =	shalt  }
0x84: {  	_ =	shalt  }
0x85: {  	_ =	shalt  }
0x86: {  	_ =	shalt  }
0x87: {  	_ =	shalt  }
.Lfunc_end0:
.L_simem_size_0:
called_computation.1_lowered:
.L_overlay_start_0:
0x88: {  	s2 =	sld [smem:$0x3FD9]  }
0x89: {  	s3 =	sld [smem:$0x3FFE];
	_ =	sdelay $0x1  }
0x8a: {  	s1 =	srdreg.scid  }
0x8b: {  	s0 =	sand.u32 $0x1, s1  }
0x8c: {  	s17 =	sshll.u32 s0, $0xA;
	s2 =	sadd.s32 s3, s2  }
0x8d: {  	s2 =	sadd.s32 s2, s17  }
0x8e: {  	[smem:$0x3FC6] =	sst s2  }
0x8f: {  	_ = 	snop  }
0x90: {  	s2 =	sld [smem:$0x3FD0];
	(tm) =	ssettm $0x1  }
0x91: {  	s18 =	sld [smem:$0x3FFB];
	_ =	sdelay $0x3  }
0x92: {  	_ =	strace s18  }
0x93: {  	s3 =	sld [smem:$0x3FFC];
	_ =	sdelay $0x3  }
0x94: {  	_ =	strace s3  }
0x95: {  	s3 =	sld [smem:$0x3FFD];
	_ =	sdelay $0x3  }
0x96: {  	_ =	strace s3  }
0x97: {  	_ =	strace $0x8FFFFFFF  }
0x98: {  	s19 =	sld [smem:$0x3FDB];
	_ =	sdelay $0x1  }
0x99: {  	s4 =	simm.s32 $_scs_section_size  }
0x9a: {  	s5 =	simm.s32 $_size__tile_overlayer_lowered;
	s6 =	simm.s32 $_tile_overlayer_lowered  }
0x9b: {  	s22 =	simm.s32 $0x1BFF;
	s21 =	sshll.u32 s6, $0x1;
	s3 =	sadd.s32 s4, s19  }
0x9c: {  	s7 =	simm.s32 $0x0;
	s20 =	sshll.u32 s5, $0x1;
	s5 =	sadd.s32 s21, s3  }
0x9d: {  	[timem:s7], [sflag:s22] =	dma.local [hbm:s5], s20  }
0x9e: {  	_ =	swait.ge [sflag:s22], s20  }
0x9f: {  	s4 =	ssub.s32 $0x0, s20;
	[sflag:s22] =	ssyncset.done $0x0  }
0xa0: {  	[sflag:s22] =	ssyncadd.s32 s4;
	_ =	sdelay $0x1  }
0xa1: {  	s23 =	simm.s32 $0x1B8B  }
0xa2: {  	_ =	swait.ge [sflag:s23], $0x1  }
0xa3: {  	[sflag:s23] =	ssyncset.done $0x0  }
0xa4: {  	s25 =	simm.s32 $0x1B8E;
	s24 =	sld [smem:$0x3FFE];
	[sflag:s23] =	ssyncadd.s32 $0xFFFFFFFF  }
0xa5: {  	s26 =	simm.s32 $execute0_lowered;
	[smem:$0x3FD2] =	sst s25  }
0xa6: {  	s5 =	sshll.u32 s26, $0x1;
	_ =	strace $0x80000049;
	[dreg:$0x1] =	wrdreg $0xFFFFFFFF  }
0xa7: {  	s28 =	simm.s32 $_size_execute0_lowered;
	s3 =	sadd.s32 s3, s5;
	[dreg:$0x0] =	wrdreg $0x0  }
0xa8: {  	s5 =	sshll.u32 s28, $0x1;
	[dreg:$0x2] =	wrdreg s3  }
0xa9: {  	[dreg:$0x3] =	wrdreg s5  }
0xaa: {  	[dreg:$0x4] =	wrdreg $0xC0  }
0xab: {  	_ =	task [dreg:s7], $0x5FFFF  }
0xac: {  	[dreg:$0x1] =	wrdreg $0xFFFFFFFF  }
0xad: {  	[dreg:$0x0] =	wrdreg $0x60  }
0xae: {  	[dreg:$0x2] =	wrdreg s24  }
0xaf: {  	[dreg:$0x3] =	wrdreg s2  }
0xb0: {  	[dreg:$0x4] =	wrdreg $0x9  }
0xb1: {  	_ =	task.clear_ibuf [dreg:s7], $0x5FFFF;
	_ =	strace $0x90000049  }
0xb2: {  	s29 =	simm.s32 $0x9;
	_ =	strace $0x8000004B  }
0xb3: {  	_ =	swait.ge [sflag:s29], $0x1  }
0xb4: {  	[sflag:s29] =	ssyncadd.s32 $0xFFFFFFFF  }
0xb5: {  	_ =	strace $0x9000004B  }
0xb6: {  	_ =	sfence  }
0xb7: {  	s30 =	sld [smem:$0x0];
	_ =	sdelay $0x2  }
0xb8: {  	s31 =	sshll.u32 s1, $0xD;
	s1 =	sshrl.u32 s1, $0x2  }
0xb9: {  	s3 =	sand.u32 $0x4000, s31;
	s1 =	sadd.s32 s1, s30  }
0xba: {  	s0 =	sor.u32 s3, s0;
	s1 =	sshll.u32 s1, $0x11  }
0xbb: {  	s0 =	sor.u32 s1, s0  }
0xbc: {  	s0 =	sadd.s32 $0x8F2B, s0  }
0xbd: {  	[sflag:s0] =	ssyncadd.remote.s32 $0x1  }
0xbe: {  	_ =	sfence.sel $0xFFFF  }
0xbf: {  	[dreg:$0x0] =	wrdreg $0xFFFFFFFF;
	(pc) =	sbr.abs _section_cstart, $3  }
0xc0: {  	[dreg:$0x1] =	wrdreg $0xFFFFFFFF  }
0xc1: {  	_ =	task.clear_ibuf [dreg:s7], $0x2FFFF;
	_ =	strace $0x9FFFFFFF  }
0xc2: {  	(tm) =	ssettm $0x7FFFFFFF  }
0xc3: {  	_ =	shalt  }
tec
execute0_lowered:
.L_overlay_start_1:
0x0: {  	(tag) =	ssettag $0x1  }
0x1: {  	v0 =	vimm.s32 $0xC38  }
0x2: {  	vm14 =	vcmask $0x300;
	vm13 =	vcmask $0x704;
	vm12 =	vcmask $0xB08  }
0x3: {  	vm11 =	vcmask $0xF0C;
	vm10 =	vcmask $0x1310;
	vm9 =	vcmask $0x1714  }
0x4: {  	vm8 =	vcmask $0x1B18;
	vm7 =	vcmask $0x1F1C;
	vm6 =	vcmask $0x2320  }
0x5: {  	vm5 =	vcmask $0x2724;
	vm4 =	vcmask $0x2B28;
	vm3 =	vcmask $0x2F2C  }
0x6: {  	vm2 =	vcmask $0x3330;
	vm1 =	vcmask $0x3734;
	vm0 =	vcmask $0x3B38  }
0x7: {  	v1 =	vimm.s32 $0x1D38;
	v2 =	vimm.s32 $0x2E38;
	v3 =	vimm.s32 $0x3F38  }
0x8: {  	v0 =	vsel vm14, $0x0, v0;
	v1 =	vsel vm14, $0x1100, v1;
	v2 =	vsel vm14, $0x2200, v2  }
0x9: {  	v3 =	vsel vm14, $0x3300, v3;
	v0 =	vsel vm13, $0x88, v0;
	v1 =	vsel vm13, $0x1188, v1  }
0xa: {  	s0 =	rddreg [dreg:$0x0];
	v2 =	vsel vm13, $0x2288, v2;
	v3 =	vsel vm13, $0x3388, v3;
	v0 =	vsel vm12, $0x110, v0  }
0xb: {  	s8 =	rddreg [dreg:$0x1];
	s1 =	srdreg.scid;
	v1 =	vsel vm12, $0x1210, v1;
	v2 =	vsel vm12, $0x2310, v2;
	v3 =	vsel vm12, $0x3410, v3  }
0xc: {  	s2 =	stileid.u32;
	s3 =	simm.s32 $0x0;
	s19 =	simm.s32 $0x100;
	v0 =	vsel vm11, $0x198, v0;
	v1 =	vsel vm11, $0x1298, v1;
	v2 =	vsel vm11, $0x2398, v2  }
0xd: {  	s28 =	simm.s32 $0x8400;
	s29 =	simm.s32 $0x3;
	s30 =	simm.s32 $0x6;
	v3 =	vsel vm11, $0x3498, v3;
	v0 =	vsel vm10, $0x220, v0;
	v1 =	vsel vm10, $0x1320, v1  }
0xe: {  	s31 =	simm.s32 $0x8;
	s2 =	sshll.u32 s2, $0xA;
	s5 =	sadd.s32 $0xF42E00, s0;
	v2 =	vsel vm10, $0x2420, v2;
	v3 =	vsel vm10, $0x3520, v3;
	v0 =	vsel vm9, $0x2A8, v0  }
0xf: {  	s1 =	sand.u32 $0x1, s1;
	[smem:$0x7FF] =	sst s3;
	s7 =	sadd.s32 $0xF5BE00, s0;
	v1 =	vsel vm9, $0x13A8, v1;
	v2 =	vsel vm9, $0x24A8, v2;
	v3 =	vsel vm9, $0x35A8, v3  }
0x10: {  	s15 =	sadd.s32 $0x20000, s8;
	s4 =	sshll.u32 s1, $0x9;
	s1 =	ssub.s32 $0x2, s1;
	v0 =	vsel vm8, $0x330, v0;
	v1 =	vsel vm8, $0x1430, v1;
	v2 =	vsel vm8, $0x2530, v2  }
0x11: {  	s16 =	sadd.s32 $0x20100, s8;
	s4 =	sor.u32 s4, s2;
	s6 =	sshrl.u32 s1, $0x1;
	v3 =	vsel vm8, $0x3630, v3;
	v0 =	vsel vm7, $0x3B8, v0;
	v1 =	vsel vm7, $0x14B8, v1  }
0x12: {  	_ =	strace $0x8000004A;
	s2 =	sshrl.u32 s4, $0x3;
	s20 =	ssub.s32 s1, s6;
	v2 =	vsel vm7, $0x25B8, v2;
	v3 =	vsel vm7, $0x36B8, v3;
	v0 =	vsel vm6, $0x880, v0  }
0x13: {  	s24 =	sadd.s32 s4, s8;
	s25 =	sor.u32 $0x8000, s4;
	s12 =	sor.u32 $0xC000, s4;
	v1 =	vsel vm6, $0x1980, v1;
	v2 =	vsel vm6, $0x2A80, v2;
	v3 =	vsel vm6, $0x3B80, v3  }
0x14: {  	s14 =	sor.u32 $0x8100, s4;
	s26 =	sor.u32 $0xC100, s4;
	s8 =	simm.s32 $0x7;
	v0 =	vsel vm5, $0x908, v0;
	v1 =	vsel vm5, $0x1A08, v1;
	v2 =	vsel vm5, $0x2B08, v2  }
0x15: {  	s6 =	simm.s32 $0x0;
	s2 =	sadd.s32 s5, s2;
	[dreg:$0x7] =	wrdreg s25;
	v3 =	vsel vm5, $0x3C08, v3;
	v0 =	vsel vm4, $0x990, v0;
	v1 =	vsel vm4, $0x1A90, v1  }
0x16: {  	s13 =	sadd.s32 $0x100, s24;
	[dreg:$0x8] =	wrdreg s26;
	s0 =	smax.u32 s20, $0x1;
	v2 =	vsel vm4, $0x2B90, v2;
	v3 =	vsel vm4, $0x3C90, v3;
	v0 =	vsel vm3, $0xA18, v0  }
.Ltmp0:
0x17: {  	s24 =	simm.s32 $0x2;
	[dreg:$0x3] =	wrdreg s2;
	v1 =	vsel vm3, $0x1B18, v1;
	v2 =	vsel vm3, $0x2C18, v2;
	v3 =	vsel vm3, $0x3D18, v3;
	(pc) =	sbr.rel .LBB2_1-.Ltmp0, $4  }
0x18: {  	s25 =	simm.s32 $0x4400;
	s21 =	sadd.s32 $0x20, s2;
	[dreg:$0x9] =	wrdreg s0;
	v0 =	vsel vm2, $0xAA0, v0;
	v1 =	vsel vm2, $0x1BA0, v1;
	v2 =	vsel vm2, $0x2CA0, v2  }
0x19: {  	s26 =	simm.s32 $0x5;
	s22 =	sadd.s32 $0x800, s2;
	[dreg:$0x4] =	wrdreg s21;
	v3 =	vsel vm2, $0x3DA0, v3;
	v0 =	vsel vm1, $0xB28, v0;
	v1 =	vsel vm1, $0x1C28, v1  }
0x1a: {  	s23 =	sadd.s32 $0x820, s2;
	s0 =	simm.s32 $0xC800;
	[dreg:$0x5] =	wrdreg s22;
	v2 =	vsel vm1, $0x2D28, v2;
	v3 =	vsel vm1, $0x3E28, v3;
	v0 =	vsel vm0, $0xBB0, v0  }
0x1b: {  	s2 =	simm.s32 $0x4;
	[dreg:$0x6] =	wrdreg s23;
	s21 =	simm.s32 $0x300;
	v1 =	vsel vm0, $0x1CB0, v1;
	v2 =	vsel vm0, $0x2DB0, v2;
	v3 =	vsel vm0, $0x3EB0, v3  }
.LBB2_24:
0x1c: {  	_ =	swait.ge [sflag:s8], $0x4000  }
0x1d: {  	[sflag:s8] =	ssyncset.done $0x0  }
0x1e: {  	[sflag:s8] =	ssyncadd.s32 $0xFFFFC000  }
0x1f: {  	_ =	swait.ge [sflag:s31], $0x4000  }
0x20: {  	s6 =	rddreg [dreg:$0xa]  }
0x21: {  	s1 =	rddreg [dreg:$0x9];
	s6 =	sadd.s32 $0x1, s6  }
0x22: {  	p0 =	sne.s32 s6, s1  }
.Ltmp1:
0x23: {  	_ = 	snop;
	(pc) =	sbr.rel @!p0 .LBB2_25-.Ltmp1, $3  }
0x24: {  	_ =	sdelay $0x1  }
0x25: {  	[sflag:s31] =	ssyncset.done $0x0  }
0x26: {  	[sflag:s31] =	ssyncadd.s32 $0xFFFFC000  }
.LBB2_1:
0x27: {  	[dreg:$0xa] =	wrdreg s6  }
0x28: {  	s1 =	rddreg [dreg:$0x3]  }
0x29: {  	[tilespmem:s3], [sflag:$0x1] =	stream.linear.gather [hbm4b:s1+s3], $0x100, $0x38;
	[tilespmem:$0x10C00] =	vst v63  }
0x2a: {  	s11 =	rddreg [dreg:$0x4]  }
0x2b: {  	[tilespmem:s19], [sflag:$0x2] =	stream.linear.gather [hbm4b:s11+s3], $0x100, $0x38;
	[tilespmem:$0x10C00] =	vst v63  }
0x2c: {  	s17 =	rddreg [dreg:$0x5];
	s18 =	simm.s32 $0x200  }
0x2d: {  	[tilespmem:s18], [sflag:$0x3] =	stream.linear.gather [hbm4b:s17+s3], $0x100, $0x38;
	[tilespmem:$0x10C00] =	vst v63  }
0x2e: {  	s20 =	rddreg [dreg:$0x6];
	s22 =	simm.s32 $0x1  }
0x2f: {  	[tilespmem:s21], [sflag:$0x4] =	stream.linear.gather [hbm4b:s20+s3], $0x100, $0x38;
	[tilespmem:$0x10C00] =	vst v63  }
0x30: {  	_ =	swait.ge [sflag:s22], $0x100  }
0x31: {  	[sflag:s22] =	ssyncset.done $0x0  }
0x32: {  	s23 =	simm.s32 $0x400;
	[sflag:s22] =	ssyncadd.s32 $0xFFFFFF00  }
0x33: {  	[tilespmem:s23], [sflag:$0x5] =	stream.indirect.gather [hbm4b:s7+s19], $0x40, s3, s19, $0xb8;
	[tilespmem:$0x10C00] =	vst v63  }
0x34: {  	_ =	swait.ge [sflag:s24], $0x100  }
0x35: {  	[sflag:s24] =	ssyncset.done $0x0  }
0x36: {  	s10 =	simm.s32 $0x0;
	[sflag:s24] =	ssyncadd.s32 $0xFFFFFF00  }
0x37: {  	[tilespmem:s25], [sflag:$0x6] =	stream.indirect.gather [hbm4b:s7+s19], $0x40, s19, s19, $0xb8;
	[tilespmem:$0x10C00] =	vst v63  }
.LBB2_2:
0x38: {  	s1 =	simm.s32 $0x0  }
0x39: {  	v4 =	vmov s1  }
0x3a: {  	_ =	swait.ge [sflag:s26], $0x4000;
	v4 =	vmul.u32 $0x440, v4  }
0x3b: {  	p0 =	seq.s32 s10, $0x0;
	s9 =	simm.s32 $0x3;
	[sflag:s26] =	ssyncset.done $0x0  }
0x3c: {  	s1 =	simm.s32 @!p0 $0x7;
	v5 =	vmov s9;
	[sflag:s26] =	ssyncadd.s32 $0xFFFFC000;
	v7 =	vbroadcast v4, $0x0  }
0x3d: {  	s6 =	simm.s32 $0x0;
	v11 =	vand.u32 $0x78, v5;
	_ =	swait.ge @!p0 [sflag:s1], $0x4000  }
0x3e: {  	s22 =	simm.s32 $0x1;
	v16 =	vand.u32 $0x7, v5;
	[sflag:s1] =	ssyncset.done @!p0 $0x0;
	v4 =	vmov s6;
	v6 =	vadd.s32 v0, v7  }
0x3f: {  	s23 =	simm.s32 $0x2;
	s9 =	simm.s32 $0x480;
	[sflag:s1] =	ssyncadd.s32 @!p0 $0xFFFFC000;
	v9 =	vand.u32 $0x4, v4;
	v12 =	vand.u32 $0x78, v4;
	v4 =	vadd.s32 v11, v6  }
0x40: {  	v8 =	vmov s23;
	v5 =	vmov s22;
	v10 =	vld [tilespmem:s9+$0x40];
	v4 =	vor.u32 v16, v4  }
0x41: {  	v19 =	vand.u32 $0x5, v5;
	v17 =	vand.u32 $0x78, v5;
	v5 =	vadd.s32 v12, v6  }
0x42: {  	v18 =	vand.u32 $0x78, v8;
	v14 =	vld [tilespmem:s9+$0xFFFFFF80];
	v13 =	vadd.s32 v17, v6;
	v15 =	vor.u32 v9, v5  }
0x43: {  	v22 =	vand.u32 $0x6, v8;
	v8 =	vor.u32 v19, v13;
	v5 =	vadd.s32 v18, v6;
	v6 =	vld [tilespmem:s9+$0xFFFFFFC0]  }
0x44: {  	v20 =	vld [tilespmem:s9+$0x0];
	v21 =	vadd.s32 v1, v7;
	v13 =	vor.u32 v22, v5  }
0x45: {  	v27 =	vadd.s32 v2, v7;
	[tilespmem:v4+s28+$0x0] =	vst.idx.msk $0xffff, v10;
	v4 =	vadd.s32 v11, v21  }
0x46: {  	s18 =	simm.s32 $0x6;
	v23 =	vadd.s32 v12, v21;
	v28 =	vadd.s32 v12, v27;
	v24 =	vld [tilespmem:s9+$0x50];
	v4 =	vor.u32 v16, v4  }
0x47: {  	s11 =	simm.s32 $0x4;
	v25 =	vmov s18;
	v29 =	vadd.s32 v17, v27;
	v23 =	vor.u32 v9, v23;
	[tilespmem:v15+s28+$0x0] =	vst.idx.msk $0xffff, v14  }
0x48: {  	s17 =	simm.s32 $0x5;
	s20 =	simm.s32 $0x0;
	v10 =	vmov s11;
	v14 =	vadd.s32 v17, v21;
	[tilespmem:v8+s28+$0x0] =	vst.idx.msk $0xffff, v6;
	v6 =	vadd.s32 v18, v21;
	v15 =	vld [tilespmem:s9+$0xFFFFFF90]  }
0x49: {  	v8 =	vmov s17;
	v21 =	vld [tilespmem:s9+$0xFFFFFFD0];
	v14 =	vor.u32 v19, v14;
	[tilespmem:v13+s28+$0x0] =	vst.idx.msk $0xffff, v20;
	v13 =	vmov s20  }
0x4a: {  	v5 =	vand.u32 $0x4, v10;
	v20 =	vor.u32 v22, v6;
	v26 =	vld [tilespmem:s9+$0x10];
	v13 =	vmul.u32 $0x440, v13  }
0x4b: {  	v10 =	vand.u32 $0x78, v10;
	v6 =	vand.u32 $0x5, v8;
	[tilespmem:v4+s28+$0x0] =	vst.idx.msk $0xffff, v24;
	v24 =	vadd.s32 v11, v27  }
0x4c: {  	v8 =	vand.u32 $0x78, v8;
	v13 =	vbroadcast v13, $0x0;
	v30 =	vld [tilespmem:s9+$0x60];
	v24 =	vor.u32 v16, v24  }
0x4d: {  	s22 =	simm.s32 $0x7;
	v4 =	vand.u32 $0x6, v25;
	[tilespmem:v23+s28+$0x0] =	vst.idx.msk $0xffff, v15;
	v23 =	vor.u32 v9, v28;
	v15 =	vadd.s32 v18, v27  }
0x4e: {  	[tilespmem:v14+s28+$0x0] =	vst.idx.msk $0xffff, v21;
	v14 =	vmov s22;
	v21 =	vor.u32 v19, v29;
	v29 =	vadd.s32 v3, v7;
	v27 =	vld [tilespmem:s9+$0xFFFFFFA0]  }
0x4f: {  	v31 =	vor.u32 v22, v15;
	v28 =	vld [tilespmem:s9+$0xFFFFFFE0];
	[tilespmem:v20+s28+$0x0] =	vst.idx.msk $0xffff, v26;
	v20 =	vadd.s32 v0, v13;
	v15 =	vand.u32 $0x78, v14  }
0x50: {  	s6 =	simm.s32 $0x580;
	v14 =	vand.u32 $0x7, v14;
	v11 =	vadd.s32 v11, v29;
	v32 =	vld [tilespmem:s9+$0x20];
	v26 =	vadd.s32 v15, v20  }
0x51: {  	v7 =	vand.u32 $0x78, v25;
	v25 =	vld [tilespmem:s6+$0x40];
	v12 =	vadd.s32 v12, v29;
	v26 =	vor.u32 v14, v26;
	[tilespmem:v24+s28+$0x0] =	vst.idx.msk $0xffff, v30  }
0x52: {  	v37 =	vadd.s32 v17, v29;
	v11 =	vor.u32 v16, v11;
	v24 =	vadd.s32 v10, v20;
	v33 =	vld [tilespmem:s9+$0x70]  }
0x53: {  	v34 =	vld [tilespmem:s6+$0xFFFFFF80];
	v30 =	vadd.s32 v8, v20;
	[tilespmem:v23+s28+$0x0] =	vst.idx.msk $0xffff, v27;
	v24 =	vor.u32 v5, v24  }
0x54: {  	v16 =	vadd.s32 v7, v20;
	v20 =	vld [tilespmem:s6+$0xFFFFFFC0];
	[tilespmem:v21+s28+$0x0] =	vst.idx.msk $0xffff, v28;
	v30 =	vor.u32 v6, v30  }
0x55: {  	v36 =	vld [tilespmem:s6+$0x0];
	v38 =	vadd.s32 v18, v29;
	v35 =	vor.u32 v4, v16;
	[tilespmem:v31+s28+$0x0] =	vst.idx.msk $0xffff, v32  }
0x56: {  	s1 =	simm.s32 $0x8;
	v17 =	vadd.s32 v1, v13;
	v40 =	vor.u32 v9, v12;
	v39 =	vld [tilespmem:s9+$0xFFFFFFB0];
	[tilespmem:v26+s28+$0x0] =	vst.idx.msk $0xffff, v25  }
0x57: {  	v12 =	vmov s1;
	v18 =	vadd.s32 v10, v17;
	v21 =	vadd.s32 v15, v17;
	v16 =	vld [tilespmem:s9+$0xFFFFFFF0];
	[tilespmem:v11+s28+$0x0] =	vst.idx.msk $0xffff, v33  }
0x58: {  	s11 =	simm.s32 $0x9;
	v9 =	vand.u32 $0x4, v12;
	v12 =	vand.u32 $0x78, v12;
	v28 =	vor.u32 v14, v21;
	[tilespmem:v24+s28+$0x0] =	vst.idx.msk $0xffff, v34;
	v24 =	vld [tilespmem:s6+$0x50]  }
0x59: {  	s17 =	simm.s32 $0x0;
	v29 =	vor.u32 v5, v18;
	v18 =	vmov s11;
	v11 =	vadd.s32 v8, v17;
	[tilespmem:v30+s28+$0x0] =	vst.idx.msk $0xffff, v20;
	v25 =	vld [tilespmem:s6+$0xFFFFFF90]  }
0x5a: {  	v31 =	vmov s17;
	[tilespmem:v35+s28+$0x0] =	vst.idx.msk $0xffff, v36;
	v17 =	vadd.s32 v7, v17;
	v23 =	vld [tilespmem:s6+$0xFFFFFFD0];
	v27 =	vor.u32 v6, v11  }
0x5b: {  	s23 =	simm.s32 $0xA;
	v26 =	vld [tilespmem:s6+$0x10];
	v20 =	vor.u32 v19, v37;
	v19 =	vor.u32 v22, v38;
	v21 =	vor.u32 v4, v17  }
0x5c: {  	s18 =	sshll.u32 s10, $0xF;
	s11 =	simm.s32 $0xC;
	v30 =	vadd.s32 v2, v13;
	[tilespmem:v40+s28+$0x0] =	vst.idx.msk $0xffff, v39;
	v22 =	vld [tilespmem:s9+$0x30];
	s9 =	simm.s32 $0x580;
	v17 =	vmov s23;
	v11 =	vand.u32 $0x5, v18  }
.LBB2_3:
0x5d: {  	p1 =	slt.u32 s11, $0xFC;
	v31 =	vmul.u32 $0x440, v31;
	v32 =	vadd.s32 v10, v30;
	[tilespmem:v28+s28+$0x0] =	vst.idx.msk $0xffff, v24;
	v24 =	vadd.s32 v15, v30  }
0x5e: {  	v33 =	vand.u32 $0x6, v17;
	[tilespmem:v29+s28+$0x0] =	vst.idx.msk $0xffff, v25;
	v25 =	vadd.s32 v8, v30;
	v28 =	vld [tilespmem:s6+$0x60];
	v24 =	vor.u32 v14, v24  }
0x5f: {  	s17 =	sadd.s32 $0x3, s1;
	s1 =	smov.u32 s11;
	v32 =	vor.u32 v5, v32;
	v29 =	vbroadcast v31, $0x0;
	v31 =	vld [tilespmem:s6+$0xFFFFFFA0];
	[tilespmem:v27+s28+$0x0] =	vst.idx.msk $0xffff, v23;
	v23 =	vadd.s32 v7, v30  }
0x60: {  	v27 =	vmov s17;
	v25 =	vor.u32 v6, v25;
	v30 =	vld [tilespmem:s6+$0xFFFFFFE0];
	[tilespmem:v21+s28+$0x0] =	vst.idx.msk $0xffff, v26;
	v34 =	vor.u32 v4, v23  }
0x61: {  	v18 =	vand.u32 $0x78, v18;
	v23 =	vand.u32 $0x78, v27;
	v21 =	vadd.s32 v0, v29;
	v35 =	vld [tilespmem:s6+$0x20];
	[tilespmem:v20+s28+$0x0] =	vst.idx.msk $0xffff, v16  }
0x62: {  	v26 =	vadd.s32 v3, v13;
	v16 =	vand.u32 $0x7, v27;
	s6 =	sadd.s32 $0x100, s6;
	v20 =	vadd.s32 v23, v21;
	[tilespmem:v19+s28+$0x0] =	vst.idx.msk $0xffff, v22  }
0x63: {  	v17 =	vand.u32 $0x78, v17;
	v19 =	vld [tilespmem:s6+$0x40];
	v20 =	vor.u32 v16, v20;
	[tilespmem:v24+s28+$0x0] =	vst.idx.msk $0xffff, v28;
	v28 =	vadd.s32 v15, v26  }
0x64: {  	v13 =	vmovc v29;
	v36 =	vadd.s32 v12, v21;
	v22 =	vadd.s32 v18, v21;
	v24 =	vld [tilespmem:s9+$0x70];
	v27 =	vor.u32 v14, v28  }
0x65: {  	v37 =	vadd.s32 v17, v21;
	v29 =	vor.u32 v9, v36;
	v22 =	vor.u32 v11, v22;
	v15 =	vmovc v23;
	v28 =	vld [tilespmem:s6+$0xFFFFFF80]  }
0x66: {  	v10 =	vadd.s32 v10, v26;
	v36 =	vor.u32 v33, v37;
	v14 =	vmov v16;
	v21 =	vld [tilespmem:s6+$0xFFFFFFC0];
	[tilespmem:v32+s28+$0x0] =	vst.idx.msk $0xffff, v31  }
0x67: {  	v32 =	vadd.s32 v7, v26;
	v31 =	vld [tilespmem:s6+$0x0];
	[tilespmem:v25+s28+$0x0] =	vst.idx.msk $0xffff, v30;
	v30 =	vadd.s32 v8, v26;
	v8 =	vmov v18  }
0x68: {  	v38 =	vor.u32 v5, v10;
	v7 =	vmov v17;
	v18 =	vadd.s32 v1, v13;
	[tilespmem:v20+s28+$0x0] =	vst.idx.msk $0xffff, v19;
	v37 =	vld [tilespmem:s9+$0xFFFFFFB0]  }
0x69: {  	v10 =	vmov s11;
	v5 =	vmovc v9;
	v17 =	vadd.s32 v12, v18;
	v19 =	vadd.s32 v15, v18;
	v16 =	vld [tilespmem:s9+$0xFFFFFFF0];
	[tilespmem:v27+s28+$0x0] =	vst.idx.msk $0xffff, v24  }
.Ltmp2:
0x6a: {  	v9 =	vand.u32 $0x4, v10;
	v20 =	vadd.s32 v8, v18;
	[tilespmem:v29+s28+$0x0] =	vst.idx.msk $0xffff, v28;
	v24 =	vld [tilespmem:s6+$0x50];
	v28 =	vor.u32 v14, v19;
	(pc) =	sbr.rel @p1 .LBB2_3-.Ltmp2, $4  }
0x6b: {  	s17 =	sadd.s32 $0x1, s11;
	v39 =	vand.u32 $0x78, v10;
	v29 =	vor.u32 v5, v17;
	v17 =	vadd.s32 v7, v18;
	v25 =	vld [tilespmem:s6+$0xFFFFFF90];
	[tilespmem:v22+s28+$0x0] =	vst.idx.msk $0xffff, v21  }
0x6c: {  	v10 =	vmovc v12;
	v27 =	vor.u32 v11, v20;
	v18 =	vmov s17;
	s17 =	sadd.s32 $0x2, s11;
	v21 =	vor.u32 v33, v17;
	v23 =	vld [tilespmem:s6+$0xFFFFFFD0];
	[tilespmem:v36+s28+$0x0] =	vst.idx.msk $0xffff, v31  }
0x6d: {  	s20 =	sshrl.u32 s11, $0x7;
	v20 =	vor.u32 v6, v30;
	v19 =	vor.u32 v4, v32;
	v4 =	vmovc v33;
	v17 =	vmov s17;
	v26 =	vld [tilespmem:s6+$0x10];
	[tilespmem:v34+s28+$0x0] =	vst.idx.msk $0xffff, v35  }
0x6e: {  	v12 =	vmovc v39;
	v30 =	vadd.s32 v2, v13;
	v6 =	vmovc v11;
	s11 =	sadd.s32 $0x4, s11;
	v11 =	vand.u32 $0x5, v18;
	v31 =	vmov s20;
	[tilespmem:v38+s28+$0x0] =	vst.idx.msk $0xffff, v37;
	v22 =	vld [tilespmem:s9+$0x30];
	s9 =	smov.u32 s6  }
0x6f: {  	_ =	sdelay $0x2  }
0x70: {  	v31 =	vmul.u32 $0x440, v31  }
0x71: {  	v32 =	vadd.s32 v10, v30;
	v33 =	vadd.s32 v15, v30;
	[tilespmem:v28+s28+$0x0] =	vst.idx.msk $0xffff, v24;
	v24 =	vand.u32 $0x6, v17  }
0x72: {  	v44 =	vadd.s32 v8, v30;
	s1 =	sadd.s32 $0x3, s1;
	v49 =	vadd.s32 v7, v30;
	v31 =	vbroadcast v31, $0x0  }
0x73: {  	v18 =	vand.u32 $0x78, v18;
	[tilespmem:v20+s28+$0x0] =	vst.idx.msk $0xffff, v16;
	v13 =	vadd.s32 v3, v13;
	v47 =	vmov s1  }
0x74: {  	[tilespmem:v29+s28+$0x0] =	vst.idx.msk $0xffff, v25;
	v45 =	vor.u32 v14, v33;
	v48 =	vld [tilespmem:s6+$0x60];
	v30 =	vand.u32 $0x78, v47;
	v50 =	vadd.s32 v0, v31  }
0x75: {  	s23 =	sadd.s32 $0x100, s6;
	v46 =	vor.u32 v5, v32;
	v34 =	vld [tilespmem:s6+$0xFFFFFFA0];
	[tilespmem:v21+s28+$0x0] =	vst.idx.msk $0xffff, v26;
	v21 =	vand.u32 $0x7, v47;
	v51 =	vadd.s32 v30, v50  }
0x76: {  	v28 =	vor.u32 v6, v44;
	v52 =	vld [tilespmem:s23+$0x40];
	v54 =	vadd.s32 v12, v50;
	v53 =	vor.u32 v21, v51  }
0x77: {  	v17 =	vand.u32 $0x78, v17;
	v56 =	vld [tilespmem:s23+$0xFFFFFF80];
	[tilespmem:v27+s28+$0x0] =	vst.idx.msk $0xffff, v23;
	v55 =	vadd.s32 v18, v50;
	v26 =	vor.u32 v9, v54  }
0x78: {  	v57 =	vld [tilespmem:s23+$0xFFFFFFC0];
	[tilespmem:v19+s28+$0x0] =	vst.idx.msk $0xffff, v22;
	v27 =	vadd.s32 v17, v50;
	v19 =	vor.u32 v11, v55  }
0x79: {  	v59 =	vld [tilespmem:s23+$0x0];
	v61 =	vadd.s32 v15, v13;
	[tilespmem:v45+s28+$0x0] =	vst.idx.msk $0xffff, v48;
	v58 =	vor.u32 v24, v27  }
0x7a: {  	v41 =	vadd.s32 v10, v13;
	v60 =	vld [tilespmem:s6+$0xFFFFFFE0];
	v62 =	vadd.s32 v1, v31;
	[tilespmem:v46+s28+$0x0] =	vst.idx.msk $0xffff, v34  }
0x7b: {  	v23 =	vor.u32 v4, v49;
	v42 =	vld [tilespmem:s6+$0x20];
	v36 =	vadd.s32 v30, v62;
	[tilespmem:v53+s28+$0x0] =	vst.idx.msk $0xffff, v52  }
0x7c: {  	v37 =	vadd.s32 v12, v62;
	v15 =	vor.u32 v21, v36;
	[tilespmem:v26+s28+$0x0] =	vst.idx.msk $0xffff, v56;
	v20 =	vld [tilespmem:s23+$0x50]  }
0x7d: {  	v38 =	vadd.s32 v18, v62;
	v16 =	vor.u32 v9, v37;
	[tilespmem:v19+s28+$0x0] =	vst.idx.msk $0xffff, v57;
	v26 =	vld [tilespmem:s23+$0xFFFFFF90]  }
0x7e: {  	v39 =	vadd.s32 v17, v62;
	v22 =	vor.u32 v11, v38;
	[tilespmem:v58+s28+$0x0] =	vst.idx.msk $0xffff, v59;
	v40 =	vld [tilespmem:s23+$0xFFFFFFD0]  }
0x7f: {  	v43 =	vadd.s32 v8, v13;
	[tilespmem:v28+s28+$0x0] =	vst.idx.msk $0xffff, v60;
	v19 =	vor.u32 v24, v39;
	v25 =	vld [tilespmem:s23+$0x10]  }
0x80: {  	v35 =	vor.u32 v14, v61;
	v44 =	vadd.s32 v2, v31;
	v63 =	vld [tilespmem:s9+$0x70];
	[tilespmem:v23+s28+$0x0] =	vst.idx.msk $0xffff, v42  }
0x81: {  	v5 =	vor.u32 v5, v41;
	v46 =	vadd.s32 v30, v44;
	v45 =	vld [tilespmem:s9+$0xFFFFFFB0];
	[tilespmem:v15+s28+$0x0] =	vst.idx.msk $0xffff, v20  }
0x82: {  	v47 =	vadd.s32 v12, v44;
	v10 =	vor.u32 v21, v46;
	[tilespmem:v16+s28+$0x0] =	vst.idx.msk $0xffff, v26;
	v48 =	vld [tilespmem:s23+$0x60]  }
0x83: {  	v49 =	vadd.s32 v18, v44;
	v15 =	vor.u32 v9, v47;
	[tilespmem:v22+s28+$0x0] =	vst.idx.msk $0xffff, v40;
	v26 =	vld [tilespmem:s23+$0xFFFFFFA0]  }
0x84: {  	v14 =	vadd.s32 v17, v44;
	v20 =	vor.u32 v11, v49;
	[tilespmem:v19+s28+$0x0] =	vst.idx.msk $0xffff, v25;
	v22 =	vld [tilespmem:s23+$0xFFFFFFE0]  }
0x85: {  	v50 =	vadd.s32 v7, v13;
	v51 =	vor.u32 v24, v14;
	[tilespmem:v35+s28+$0x0] =	vst.idx.msk $0xffff, v63;
	v52 =	vld [tilespmem:s23+$0x20]  }
0x86: {  	v4 =	vor.u32 v4, v50;
	v55 =	vld [tilespmem:s9+$0x30];
	[tilespmem:v5+s28+$0x0] =	vst.idx.msk $0xffff, v45;
	v5 =	vadd.s32 v3, v31  }
0x87: {  	v54 =	vor.u32 v6, v43;
	v53 =	vld [tilespmem:s9+$0xFFFFFFF0];
	v56 =	vadd.s32 v30, v5;
	[tilespmem:v10+s28+$0x0] =	vst.idx.msk $0xffff, v48  }
0x88: {  	v57 =	vadd.s32 v12, v5;
	v8 =	vor.u32 v21, v56;
	[tilespmem:v15+s28+$0x0] =	vst.idx.msk $0xffff, v26;
	v10 =	vld [tilespmem:s23+$0x70]  }
0x89: {  	v58 =	vadd.s32 v18, v5;
	v60 =	vor.u32 v9, v57;
	[tilespmem:v20+s28+$0x0] =	vst.idx.msk $0xffff, v22;
	v59 =	vld [tilespmem:s23+$0xFFFFFFB0]  }
0x8a: {  	v5 =	vadd.s32 v17, v5;
	v62 =	vor.u32 v11, v58;
	[tilespmem:v51+s28+$0x0] =	vst.idx.msk $0xffff, v52;
	v61 =	vld [tilespmem:s23+$0xFFFFFFF0]  }
0x8b: {  	v5 =	vor.u32 v24, v5;
	[tilespmem:v4+s28+$0x0] =	vst.idx.msk $0xffff, v55;
	v63 =	vld [tilespmem:s23+$0x30]  }
0x8c: {  	[tilespmem:v54+s28+$0x0] =	vst.idx.msk $0xffff, v53  }
0x8d: {  	[tilespmem:v8+s28+$0x0] =	vst.idx.msk $0xffff, v10  }
0x8e: {  	s22 =	sshll.u32 s10, $0x12;
	[tilespmem:v60+s28+$0x0] =	vst.idx.msk $0xffff, v59  }
0x8f: {  	s6 =	sor.u32 s4, s22;
	s9 =	rddreg [dreg:$0x1];
	[tilespmem:v62+s28+$0x0] =	vst.idx.msk $0xffff, v61  }
0x90: {  	s11 =	simm.s32 $0x8400;
	s9 =	sadd.s32 s9, s6;
	[tilespmem:v5+s28+$0x0] =	vst.idx.msk $0xffff, v63  }
0x91: {  	[hbm4b:s9+s3] =	stream.linear.scatter [tilespmem:s11], [sflag:$0x7], $0x80, $0x38;
	[tilespmem:$0x10C00] =	vst v63  }
0x92: {  	s17 =	simm.s32 $0x8488;
	s11 =	sadd.s32 $0x10, s9  }
0x93: {  	[hbm4b:s11+s3] =	stream.linear.scatter [tilespmem:s17], [sflag:$0x7], $0x80, $0x38;
	[tilespmem:$0x10C00] =	vst v63  }
0x94: {  	s20 =	simm.s32 $0x8510;
	s23 =	sadd.s32 $0x20, s9  }
0x95: {  	[hbm4b:s23+s3] =	stream.linear.scatter [tilespmem:s20], [sflag:$0x7], $0x80, $0x38;
	[tilespmem:$0x10C00] =	vst v63  }
0x96: {  	s11 =	simm.s32 $0x8598;
	s17 =	sadd.s32 $0x30, s9  }
0x97: {  	[hbm4b:s17+s3] =	stream.linear.scatter [tilespmem:s11], [sflag:$0x7], $0x80, $0x38;
	[tilespmem:$0x10C00] =	vst v63  }
0x98: {  	s20 =	simm.s32 $0x8620;
	s23 =	sadd.s32 $0x40, s9  }
0x99: {  	[hbm4b:s23+s3] =	stream.linear.scatter [tilespmem:s20], [sflag:$0x7], $0x80, $0x38;
	[tilespmem:$0x10C00] =	vst v63  }
0x9a: {  	s11 =	simm.s32 $0x86A8;
	s17 =	sadd.s32 $0x50, s9  }
0x9b: {  	[hbm4b:s17+s3] =	stream.linear.scatter [tilespmem:s11], [sflag:$0x7], $0x80, $0x38;
	[tilespmem:$0x10C00] =	vst v63  }
0x9c: {  	s20 =	simm.s32 $0x8730;
	s23 =	sadd.s32 $0x60, s9  }
0x9d: {  	[hbm4b:s23+s3] =	stream.linear.scatter [tilespmem:s20], [sflag:$0x7], $0x80, $0x38;
	[tilespmem:$0x10C00] =	vst v63  }
0x9e: {  	s11 =	simm.s32 $0x87B8;
	s17 =	sadd.s32 $0x70, s9  }
0x9f: {  	[hbm4b:s17+s3] =	stream.linear.scatter [tilespmem:s11], [sflag:$0x7], $0x80, $0x38;
	[tilespmem:$0x10C00] =	vst v63  }
0xa0: {  	s20 =	simm.s32 $0x8840;
	s23 =	sadd.s32 $0x80, s9  }
0xa1: {  	[hbm4b:s23+s3] =	stream.linear.scatter [tilespmem:s20], [sflag:$0x7], $0x80, $0x38;
	[tilespmem:$0x10C00] =	vst v63  }
0xa2: {  	s11 =	simm.s32 $0x88C8;
	s17 =	sadd.s32 $0x90, s9  }
0xa3: {  	[hbm4b:s17+s3] =	stream.linear.scatter [tilespmem:s11], [sflag:$0x7], $0x80, $0x38;
	[tilespmem:$0x10C00] =	vst v63  }
0xa4: {  	s20 =	simm.s32 $0x8950;
	s23 =	sadd.s32 $0xA0, s9  }
0xa5: {  	[hbm4b:s23+s3] =	stream.linear.scatter [tilespmem:s20], [sflag:$0x7], $0x80, $0x38;
	[tilespmem:$0x10C00] =	vst v63  }
0xa6: {  	s11 =	simm.s32 $0x89D8;
	s17 =	sadd.s32 $0xB0, s9  }
0xa7: {  	[hbm4b:s17+s3] =	stream.linear.scatter [tilespmem:s11], [sflag:$0x7], $0x80, $0x38;
	[tilespmem:$0x10C00] =	vst v63  }
0xa8: {  	s20 =	simm.s32 $0x8A60;
	s23 =	sadd.s32 $0xC0, s9  }
0xa9: {  	[hbm4b:s23+s3] =	stream.linear.scatter [tilespmem:s20], [sflag:$0x7], $0x80, $0x38;
	[tilespmem:$0x10C00] =	vst v63  }
0xaa: {  	s1 =	simm.s32 $0x880;
	s11 =	simm.s32 $0x8AE8;
	s17 =	sadd.s32 $0xD0, s9  }
0xab: {  	[hbm4b:s17+s3] =	stream.linear.scatter [tilespmem:s11], [sflag:$0x7], $0x80, $0x38;
	[tilespmem:$0x10C00] =	vst v63  }
0xac: {  	s20 =	simm.s32 $0x8B70;
	s23 =	sadd.s32 $0xE0, s9;
	s11 =	simm.s32 $0x8BF8  }
0xad: {  	[hbm4b:s23+s3] =	stream.linear.scatter [tilespmem:s20], [sflag:$0x7], $0x80, $0x38;
	[tilespmem:$0x10C00] =	vst v63  }
0xae: {  	s17 =	sadd.s32 $0xF0, s9;
	s9 =	sadd.s32 $0x4000, s9;
	s20 =	simm.s32 $0x4400  }
.LBB2_5:
0xaf: {  	[hbm4b:s17+s3] =	stream.linear.scatter [tilespmem:s11], [sflag:$0x7], $0x80, $0x38;
	[tilespmem:$0x10C00] =	vst v63  }
0xb0: {  	s11 =	smov.u32 s1;
	s1 =	smov.u32 s20  }
0xb1: {  	s23 =	sadd.s32 $0x2200, s20;
	s1 =	sshra.s32 s1, $0x2;
	s17 =	sadd.s32 $0x8400, s11  }
0xb2: {  	[hbm4b:s9+s3] =	stream.linear.scatter [tilespmem:s17], [sflag:$0x7], $0x80, $0x38;
	[tilespmem:$0x10C00] =	vst v63  }
0xb3: {  	p1 =	sne.s32 s20, $0xEE00;
	s20 =	sadd.s32 $0x10, s9;
	s17 =	sadd.s32 $0x8488, s11  }
0xb4: {  	[hbm4b:s20+s3] =	stream.linear.scatter [tilespmem:s17], [sflag:$0x7], $0x80, $0x38;
	[tilespmem:$0x10C00] =	vst v63  }
0xb5: {  	s17 =	sadd.s32 $0x8510, s11;
	s20 =	sadd.s32 $0x20, s9  }
0xb6: {  	[hbm4b:s20+s3] =	stream.linear.scatter [tilespmem:s17], [sflag:$0x7], $0x80, $0x38;
	[tilespmem:$0x10C00] =	vst v63  }
0xb7: {  	s17 =	sadd.s32 $0x8598, s11;
	s20 =	sadd.s32 $0x30, s9  }
0xb8: {  	[hbm4b:s20+s3] =	stream.linear.scatter [tilespmem:s17], [sflag:$0x7], $0x80, $0x38;
	[tilespmem:$0x10C00] =	vst v63  }
0xb9: {  	s17 =	sadd.s32 $0x8620, s11;
	s20 =	sadd.s32 $0x40, s9  }
0xba: {  	[hbm4b:s20+s3] =	stream.linear.scatter [tilespmem:s17], [sflag:$0x7], $0x80, $0x38;
	[tilespmem:$0x10C00] =	vst v63  }
0xbb: {  	s17 =	sadd.s32 $0x86A8, s11;
	s20 =	sadd.s32 $0x50, s9  }
0xbc: {  	[hbm4b:s20+s3] =	stream.linear.scatter [tilespmem:s17], [sflag:$0x7], $0x80, $0x38;
	[tilespmem:$0x10C00] =	vst v63  }
0xbd: {  	s17 =	sadd.s32 $0x8730, s11;
	s20 =	sadd.s32 $0x60, s9  }
0xbe: {  	[hbm4b:s20+s3] =	stream.linear.scatter [tilespmem:s17], [sflag:$0x7], $0x80, $0x38;
	[tilespmem:$0x10C00] =	vst v63  }
0xbf: {  	s17 =	sadd.s32 $0x87B8, s11;
	s20 =	sadd.s32 $0x70, s9  }
0xc0: {  	[hbm4b:s20+s3] =	stream.linear.scatter [tilespmem:s17], [sflag:$0x7], $0x80, $0x38;
	[tilespmem:$0x10C00] =	vst v63  }
0xc1: {  	s17 =	sadd.s32 $0x8840, s11;
	s20 =	sadd.s32 $0x80, s9  }
0xc2: {  	[hbm4b:s20+s3] =	stream.linear.scatter [tilespmem:s17], [sflag:$0x7], $0x80, $0x38;
	[tilespmem:$0x10C00] =	vst v63  }
0xc3: {  	s17 =	sadd.s32 $0x88C8, s11;
	s20 =	sadd.s32 $0x90, s9  }
0xc4: {  	[hbm4b:s20+s3] =	stream.linear.scatter [tilespmem:s17], [sflag:$0x7], $0x80, $0x38;
	[tilespmem:$0x10C00] =	vst v63  }
0xc5: {  	s17 =	sadd.s32 $0x8950, s11;
	s20 =	sadd.s32 $0xA0, s9  }
0xc6: {  	[hbm4b:s20+s3] =	stream.linear.scatter [tilespmem:s17], [sflag:$0x7], $0x80, $0x38;
	[tilespmem:$0x10C00] =	vst v63  }
0xc7: {  	s17 =	sadd.s32 $0x89D8, s11;
	s20 =	sadd.s32 $0xB0, s9  }
0xc8: {  	[hbm4b:s20+s3] =	stream.linear.scatter [tilespmem:s17], [sflag:$0x7], $0x80, $0x38;
	[tilespmem:$0x10C00] =	vst v63  }
0xc9: {  	s17 =	sadd.s32 $0x8A60, s11;
	s20 =	sadd.s32 $0xC0, s9  }
0xca: {  	[hbm4b:s20+s3] =	stream.linear.scatter [tilespmem:s17], [sflag:$0x7], $0x80, $0x38;
	[tilespmem:$0x10C00] =	vst v63  }
.Ltmp3:
0xcb: {  	s17 =	sadd.s32 $0x8AE8, s11;
	s20 =	sadd.s32 $0xD0, s9;
	(pc) =	sbr.rel @p1 .LBB2_5-.Ltmp3, $4  }
0xcc: {  	[hbm4b:s20+s3] =	stream.linear.scatter [tilespmem:s17], [sflag:$0x7], $0x80, $0x38;
	[tilespmem:$0x10C00] =	vst v63  }
0xcd: {  	s17 =	sadd.s32 $0x8B70, s11;
	s20 =	sadd.s32 $0xE0, s9;
	s11 =	sadd.s32 $0x8BF8, s11  }
0xce: {  	[hbm4b:s20+s3] =	stream.linear.scatter [tilespmem:s17], [sflag:$0x7], $0x80, $0x38;
	[tilespmem:$0x10C00] =	vst v63  }
0xcf: {  	s17 =	sadd.s32 $0xF0, s9;
	s9 =	sadd.s32 $0x4000, s9;
	s20 =	smov.u32 s23  }
0xd0: {  	[hbm4b:s17+s3] =	stream.linear.scatter [tilespmem:s11], [sflag:$0x7], $0x80, $0x38;
	[tilespmem:$0x10C00] =	vst v63  }
0xd1: {  	s17 =	sadd.s32 $0x8400, s1  }
0xd2: {  	[hbm4b:s9+s3] =	stream.linear.scatter [tilespmem:s17], [sflag:$0x7], $0x80, $0x38;
	[tilespmem:$0x10C00] =	vst v63  }
0xd3: {  	s20 =	sadd.s32 $0x8488, s1;
	s23 =	sadd.s32 $0x10, s9  }
0xd4: {  	[hbm4b:s23+s3] =	stream.linear.scatter [tilespmem:s20], [sflag:$0x7], $0x80, $0x38;
	[tilespmem:$0x10C00] =	vst v63  }
0xd5: {  	s20 =	sadd.s32 $0x8510, s1;
	s23 =	sadd.s32 $0x20, s9  }
0xd6: {  	[hbm4b:s23+s3] =	stream.linear.scatter [tilespmem:s20], [sflag:$0x7], $0x80, $0x38;
	[tilespmem:$0x10C00] =	vst v63  }
0xd7: {  	s20 =	sadd.s32 $0x8598, s1;
	s23 =	sadd.s32 $0x30, s9  }
0xd8: {  	[hbm4b:s23+s3] =	stream.linear.scatter [tilespmem:s20], [sflag:$0x7], $0x80, $0x38;
	[tilespmem:$0x10C00] =	vst v63  }
0xd9: {  	s20 =	sadd.s32 $0x8620, s1;
	s23 =	sadd.s32 $0x40, s9  }
0xda: {  	[hbm4b:s23+s3] =	stream.linear.scatter [tilespmem:s20], [sflag:$0x7], $0x80, $0x38;
	[tilespmem:$0x10C00] =	vst v63  }
0xdb: {  	s20 =	sadd.s32 $0x86A8, s1;
	s23 =	sadd.s32 $0x50, s9  }
0xdc: {  	[hbm4b:s23+s3] =	stream.linear.scatter [tilespmem:s20], [sflag:$0x7], $0x80, $0x38;
	[tilespmem:$0x10C00] =	vst v63  }
0xdd: {  	s20 =	sadd.s32 $0x8730, s1;
	s23 =	sadd.s32 $0x60, s9  }
0xde: {  	[hbm4b:s23+s3] =	stream.linear.scatter [tilespmem:s20], [sflag:$0x7], $0x80, $0x38;
	[tilespmem:$0x10C00] =	vst v63  }
0xdf: {  	s20 =	sadd.s32 $0x87B8, s1;
	s23 =	sadd.s32 $0x70, s9  }
0xe0: {  	[hbm4b:s23+s3] =	stream.linear.scatter [tilespmem:s20], [sflag:$0x7], $0x80, $0x38;
	[tilespmem:$0x10C00] =	vst v63  }
0xe1: {  	s20 =	sadd.s32 $0x8840, s1;
	s23 =	sadd.s32 $0x80, s9  }
0xe2: {  	[hbm4b:s23+s3] =	stream.linear.scatter [tilespmem:s20], [sflag:$0x7], $0x80, $0x38;
	[tilespmem:$0x10C00] =	vst v63  }
0xe3: {  	s20 =	sadd.s32 $0x88C8, s1;
	s23 =	sadd.s32 $0x90, s9  }
0xe4: {  	[hbm4b:s23+s3] =	stream.linear.scatter [tilespmem:s20], [sflag:$0x7], $0x80, $0x38;
	[tilespmem:$0x10C00] =	vst v63  }
0xe5: {  	s20 =	sadd.s32 $0x8950, s1;
	s23 =	sadd.s32 $0xA0, s9  }
0xe6: {  	[hbm4b:s23+s3] =	stream.linear.scatter [tilespmem:s20], [sflag:$0x7], $0x80, $0x38;
	[tilespmem:$0x10C00] =	vst v63  }
0xe7: {  	s20 =	sadd.s32 $0x89D8, s1;
	s23 =	sadd.s32 $0xB0, s9  }
0xe8: {  	[hbm4b:s23+s3] =	stream.linear.scatter [tilespmem:s20], [sflag:$0x7], $0x80, $0x38;
	[tilespmem:$0x10C00] =	vst v63  }
0xe9: {  	s20 =	sadd.s32 $0x8A60, s1;
	s23 =	sadd.s32 $0xC0, s9  }
0xea: {  	[hbm4b:s23+s3] =	stream.linear.scatter [tilespmem:s20], [sflag:$0x7], $0x80, $0x38;
	[tilespmem:$0x10C00] =	vst v63  }
0xeb: {  	s20 =	sadd.s32 $0x8AE8, s1;
	s23 =	sadd.s32 $0xD0, s9  }
0xec: {  	[hbm4b:s23+s3] =	stream.linear.scatter [tilespmem:s20], [sflag:$0x7], $0x80, $0x38;
	[tilespmem:$0x10C00] =	vst v63  }
0xed: {  	s20 =	sadd.s32 $0x8B70, s1;
	s23 =	sadd.s32 $0xE0, s9  }
0xee: {  	[hbm4b:s23+s3] =	stream.linear.scatter [tilespmem:s20], [sflag:$0x7], $0x80, $0x38;
	[tilespmem:$0x10C00] =	vst v63  }
0xef: {  	s11 =	sadd.s32 $0x8BF8, s1;
	p1 =	sne.s32 s10, $0x18;
	s17 =	sadd.s32 $0xF0, s9  }
0xf0: {  	[hbm4b:s17+s3] =	stream.linear.scatter [tilespmem:s11], [sflag:$0x7], $0x80, $0x38;
	[tilespmem:$0x10C00] =	vst v63  }
.Ltmp4:
0xf1: {  	_ = 	snop;
	(pc) =	sbr.rel @p1 .LBB2_8-.Ltmp4, $4  }
0xf2: {  	_ =	swait.ge [sflag:s29], $0x100  }
0xf3: {  	[sflag:s29] =	ssyncset.done $0x0  }
0xf4: {  	s20 =	simm.s32 $0x200;
	s23 =	simm.s32 $0x400;
	[sflag:s29] =	ssyncadd.s32 $0xFFFFFF00  }
0xf5: {  	[tilespmem:s23], [sflag:$0x5] =	stream.indirect.gather [hbm4b:s7+s19], $0x40, s20, s19, $0xb8;
	[tilespmem:$0x10C00] =	vst v63  }
.Ltmp5:
0xf6: {  	(pc) =	sbr.rel .LBB2_9-.Ltmp5, $4  }
0xf7: {  	_ = 	snop  }
0xf8: {  	_ =	swait.ge [sflag:s30], $0x4000  }
0xf9: {  	[sflag:s30] =	ssyncset.done $0x0  }
0xfa: {  	[sflag:s30] =	ssyncadd.s32 $0xFFFFC000  }
.LBB2_8:
0xfb: {  	s1 =	rddreg [dreg:$0x7]  }
0xfc: {  	s1 =	sadd.s32 s1, s18  }
0xfd: {  	s1 =	sshrl.u32 s1, $0x3  }
.Ltmp6:
0xfe: {  	s1 =	sadd.s32 s5, s1;
	(pc) =	sbr.rel @p0 .LBB2_10-.Ltmp6, $4  }
0xff: {  	[tilespmem:s3], [sflag:$0x1] =	stream.linear.gather [hbm4b:s1+s3], $0x100, $0x38;
	[tilespmem:$0x10C00] =	vst v63  }
0x100: {  	_ =	swait.ge [sflag:s30], $0x4000  }
0x101: {  	[sflag:s30] =	ssyncset.done $0x0  }
0x102: {  	[sflag:s30] =	ssyncadd.s32 $0xFFFFC000  }
.LBB2_9:
0x103: {  	_ =	swait.ge [sflag:s31], $0x4000  }
0x104: {  	[sflag:s31] =	ssyncset.done $0x0  }
0x105: {  	[sflag:s31] =	ssyncadd.s32 $0xFFFFC000  }
.LBB2_10:
0x106: {  	s1 =	simm.s32 $0x0  }
0x107: {  	v4 =	vmov s1  }
0x108: {  	v4 =	vmul.u32 $0x440, v4  }
0x109: {  	s9 =	simm.s32 $0x3  }
0x10a: {  	v5 =	vmov s9;
	v7 =	vbroadcast v4, $0x0  }
0x10b: {  	s11 =	simm.s32 $0x0;
	s17 =	simm.s32 $0x1;
	v11 =	vand.u32 $0x78, v5;
	v16 =	vand.u32 $0x7, v5  }
0x10c: {  	v5 =	vmov s17;
	v4 =	vmov s11;
	v6 =	vadd.s32 v0, v7  }
0x10d: {  	s1 =	simm.s32 $0x44F0;
	v9 =	vand.u32 $0x4, v4;
	v12 =	vand.u32 $0x78, v4;
	v4 =	vadd.s32 v11, v6  }
0x10e: {  	v10 =	vld [tilespmem:s1+$0xFFFFFFD0];
	v19 =	vand.u32 $0x5, v5;
	s11 =	simm.s32 $0x2;
	v4 =	vor.u32 v16, v4  }
0x10f: {  	v17 =	vand.u32 $0x78, v5;
	v8 =	vmov s11;
	v5 =	vadd.s32 v12, v6  }
0x110: {  	v14 =	vld [tilespmem:s1+$0xFFFFFF10];
	v18 =	vand.u32 $0x78, v8;
	v13 =	vadd.s32 v17, v6;
	v15 =	vor.u32 v9, v5  }
0x111: {  	v22 =	vand.u32 $0x6, v8;
	v8 =	vor.u32 v19, v13;
	v5 =	vadd.s32 v18, v6;
	v6 =	vld [tilespmem:s1+$0xFFFFFF50]  }
0x112: {  	v20 =	vld [tilespmem:s1+$0xFFFFFF90];
	v21 =	vadd.s32 v1, v7;
	v13 =	vor.u32 v22, v5  }
0x113: {  	v27 =	vadd.s32 v2, v7;
	[tilespmem:v4+s0+$0x0] =	vst.idx.msk $0xffff, v10;
	v4 =	vadd.s32 v11, v21  }
0x114: {  	s11 =	simm.s32 $0x6;
	v23 =	vadd.s32 v12, v21;
	v28 =	vadd.s32 v12, v27;
	v24 =	vld [tilespmem:s1+$0xFFFFFFE0];
	v4 =	vor.u32 v16, v4  }
0x115: {  	s20 =	simm.s32 $0x4;
	v25 =	vmov s11;
	v29 =	vadd.s32 v17, v27;
	v23 =	vor.u32 v9, v23;
	[tilespmem:v15+s0+$0x0] =	vst.idx.msk $0xffff, v14  }
0x116: {  	s23 =	simm.s32 $0x5;
	s17 =	simm.s32 $0x0;
	v10 =	vmov s20;
	v14 =	vadd.s32 v17, v21;
	[tilespmem:v8+s0+$0x0] =	vst.idx.msk $0xffff, v6;
	v6 =	vadd.s32 v18, v21;
	v15 =	vld [tilespmem:s1+$0xFFFFFF20]  }
0x117: {  	v8 =	vmov s23;
	v21 =	vld [tilespmem:s1+$0xFFFFFF60];
	v14 =	vor.u32 v19, v14;
	[tilespmem:v13+s0+$0x0] =	vst.idx.msk $0xffff, v20;
	v13 =	vmov s17  }
0x118: {  	v5 =	vand.u32 $0x4, v10;
	v20 =	vor.u32 v22, v6;
	v26 =	vld [tilespmem:s1+$0xFFFFFFA0];
	v13 =	vmul.u32 $0x440, v13  }
0x119: {  	v10 =	vand.u32 $0x78, v10;
	v6 =	vand.u32 $0x5, v8;
	[tilespmem:v4+s0+$0x0] =	vst.idx.msk $0xffff, v24;
	v24 =	vadd.s32 v11, v27  }
0x11a: {  	v8 =	vand.u32 $0x78, v8;
	v13 =	vbroadcast v13, $0x0;
	v30 =	vld [tilespmem:s1+$0xFFFFFFF0];
	v24 =	vor.u32 v16, v24  }
0x11b: {  	s20 =	simm.s32 $0x7;
	v4 =	vand.u32 $0x6, v25;
	[tilespmem:v23+s0+$0x0] =	vst.idx.msk $0xffff, v15;
	v23 =	vor.u32 v9, v28;
	v15 =	vadd.s32 v18, v27  }
0x11c: {  	[tilespmem:v14+s0+$0x0] =	vst.idx.msk $0xffff, v21;
	v14 =	vmov s20;
	v21 =	vor.u32 v19, v29;
	v29 =	vadd.s32 v3, v7;
	v27 =	vld [tilespmem:s1+$0xFFFFFF30]  }
0x11d: {  	v31 =	vor.u32 v22, v15;
	v28 =	vld [tilespmem:s1+$0xFFFFFF70];
	[tilespmem:v20+s0+$0x0] =	vst.idx.msk $0xffff, v26;
	v20 =	vadd.s32 v0, v13;
	v15 =	vand.u32 $0x78, v14  }
0x11e: {  	s9 =	simm.s32 $0x45F0;
	v14 =	vand.u32 $0x7, v14;
	v11 =	vadd.s32 v11, v29;
	v32 =	vld [tilespmem:s1+$0xFFFFFFB0];
	v26 =	vadd.s32 v15, v20  }
0x11f: {  	v7 =	vand.u32 $0x78, v25;
	v25 =	vld [tilespmem:s9+$0xFFFFFFD0];
	v12 =	vadd.s32 v12, v29;
	v26 =	vor.u32 v14, v26;
	[tilespmem:v24+s0+$0x0] =	vst.idx.msk $0xffff, v30  }
0x120: {  	v37 =	vadd.s32 v17, v29;
	v11 =	vor.u32 v16, v11;
	v24 =	vadd.s32 v10, v20;
	v33 =	vld [tilespmem:s1+$0x0]  }
0x121: {  	v34 =	vld [tilespmem:s9+$0xFFFFFF10];
	v30 =	vadd.s32 v8, v20;
	[tilespmem:v23+s0+$0x0] =	vst.idx.msk $0xffff, v27;
	v24 =	vor.u32 v5, v24  }
0x122: {  	v16 =	vadd.s32 v7, v20;
	v20 =	vld [tilespmem:s9+$0xFFFFFF50];
	[tilespmem:v21+s0+$0x0] =	vst.idx.msk $0xffff, v28;
	v30 =	vor.u32 v6, v30  }
0x123: {  	v36 =	vld [tilespmem:s9+$0xFFFFFF90];
	v38 =	vadd.s32 v18, v29;
	v35 =	vor.u32 v4, v16;
	[tilespmem:v31+s0+$0x0] =	vst.idx.msk $0xffff, v32  }
0x124: {  	s11 =	simm.s32 $0x8;
	v17 =	vadd.s32 v1, v13;
	v40 =	vor.u32 v9, v12;
	v39 =	vld [tilespmem:s1+$0xFFFFFF40];
	[tilespmem:v26+s0+$0x0] =	vst.idx.msk $0xffff, v25  }
0x125: {  	v12 =	vmov s11;
	v18 =	vadd.s32 v10, v17;
	v21 =	vadd.s32 v15, v17;
	v16 =	vld [tilespmem:s1+$0xFFFFFF80];
	[tilespmem:v11+s0+$0x0] =	vst.idx.msk $0xffff, v33  }
0x126: {  	s17 =	simm.s32 $0x9;
	v9 =	vand.u32 $0x4, v12;
	v12 =	vand.u32 $0x78, v12;
	v28 =	vor.u32 v14, v21;
	[tilespmem:v24+s0+$0x0] =	vst.idx.msk $0xffff, v34;
	v24 =	vld [tilespmem:s9+$0xFFFFFFE0]  }
0x127: {  	s20 =	simm.s32 $0x0;
	v29 =	vor.u32 v5, v18;
	v18 =	vmov s17;
	v11 =	vadd.s32 v8, v17;
	[tilespmem:v30+s0+$0x0] =	vst.idx.msk $0xffff, v20;
	v25 =	vld [tilespmem:s9+$0xFFFFFF20]  }
0x128: {  	v31 =	vmov s20;
	[tilespmem:v35+s0+$0x0] =	vst.idx.msk $0xffff, v36;
	v17 =	vadd.s32 v7, v17;
	v23 =	vld [tilespmem:s9+$0xFFFFFF60];
	v27 =	vor.u32 v6, v11  }
0x129: {  	s23 =	simm.s32 $0xA;
	v26 =	vld [tilespmem:s9+$0xFFFFFFA0];
	v20 =	vor.u32 v19, v37;
	v19 =	vor.u32 v22, v38;
	v21 =	vor.u32 v4, v17  }
0x12a: {  	s20 =	simm.s32 $0xC;
	v30 =	vadd.s32 v2, v13;
	[tilespmem:v40+s0+$0x0] =	vst.idx.msk $0xffff, v39;
	v22 =	vld [tilespmem:s1+$0xFFFFFFC0];
	s1 =	simm.s32 $0x45F0;
	v17 =	vmov s23;
	v11 =	vand.u32 $0x5, v18  }
.LBB2_11:
0x12b: {  	p0 =	slt.u32 s20, $0xFC;
	v31 =	vmul.u32 $0x440, v31;
	v32 =	vadd.s32 v10, v30;
	[tilespmem:v28+s0+$0x0] =	vst.idx.msk $0xffff, v24;
	v24 =	vadd.s32 v15, v30  }
0x12c: {  	v33 =	vand.u32 $0x6, v17;
	[tilespmem:v29+s0+$0x0] =	vst.idx.msk $0xffff, v25;
	v25 =	vadd.s32 v8, v30;
	v28 =	vld [tilespmem:s9+$0xFFFFFFF0];
	v24 =	vor.u32 v14, v24  }
0x12d: {  	s17 =	sadd.s32 $0x3, s11;
	s11 =	smov.u32 s20;
	v32 =	vor.u32 v5, v32;
	v29 =	vbroadcast v31, $0x0;
	v31 =	vld [tilespmem:s9+$0xFFFFFF30];
	[tilespmem:v27+s0+$0x0] =	vst.idx.msk $0xffff, v23;
	v23 =	vadd.s32 v7, v30  }
0x12e: {  	v27 =	vmov s17;
	v25 =	vor.u32 v6, v25;
	v30 =	vld [tilespmem:s9+$0xFFFFFF70];
	[tilespmem:v21+s0+$0x0] =	vst.idx.msk $0xffff, v26;
	v34 =	vor.u32 v4, v23  }
0x12f: {  	v18 =	vand.u32 $0x78, v18;
	v23 =	vand.u32 $0x78, v27;
	v21 =	vadd.s32 v0, v29;
	v35 =	vld [tilespmem:s9+$0xFFFFFFB0];
	[tilespmem:v20+s0+$0x0] =	vst.idx.msk $0xffff, v16  }
0x130: {  	v26 =	vadd.s32 v3, v13;
	v16 =	vand.u32 $0x7, v27;
	s9 =	sadd.s32 $0x100, s9;
	v20 =	vadd.s32 v23, v21;
	[tilespmem:v19+s0+$0x0] =	vst.idx.msk $0xffff, v22  }
0x131: {  	v17 =	vand.u32 $0x78, v17;
	v19 =	vld [tilespmem:s9+$0xFFFFFFD0];
	v20 =	vor.u32 v16, v20;
	[tilespmem:v24+s0+$0x0] =	vst.idx.msk $0xffff, v28;
	v28 =	vadd.s32 v15, v26  }
0x132: {  	v13 =	vmovc v29;
	v36 =	vadd.s32 v12, v21;
	v22 =	vadd.s32 v18, v21;
	v24 =	vld [tilespmem:s1+$0x0];
	v27 =	vor.u32 v14, v28  }
0x133: {  	v37 =	vadd.s32 v17, v21;
	v29 =	vor.u32 v9, v36;
	v22 =	vor.u32 v11, v22;
	v15 =	vmovc v23;
	v28 =	vld [tilespmem:s9+$0xFFFFFF10]  }
0x134: {  	v10 =	vadd.s32 v10, v26;
	v36 =	vor.u32 v33, v37;
	v14 =	vmov v16;
	v21 =	vld [tilespmem:s9+$0xFFFFFF50];
	[tilespmem:v32+s0+$0x0] =	vst.idx.msk $0xffff, v31  }
0x135: {  	v32 =	vadd.s32 v7, v26;
	v31 =	vld [tilespmem:s9+$0xFFFFFF90];
	[tilespmem:v25+s0+$0x0] =	vst.idx.msk $0xffff, v30;
	v30 =	vadd.s32 v8, v26;
	v8 =	vmov v18  }
0x136: {  	v38 =	vor.u32 v5, v10;
	v7 =	vmov v17;
	v18 =	vadd.s32 v1, v13;
	[tilespmem:v20+s0+$0x0] =	vst.idx.msk $0xffff, v19;
	v37 =	vld [tilespmem:s1+$0xFFFFFF40]  }
0x137: {  	v10 =	vmov s20;
	v5 =	vmovc v9;
	v17 =	vadd.s32 v12, v18;
	v19 =	vadd.s32 v15, v18;
	v16 =	vld [tilespmem:s1+$0xFFFFFF80];
	[tilespmem:v27+s0+$0x0] =	vst.idx.msk $0xffff, v24  }
.Ltmp7:
0x138: {  	v9 =	vand.u32 $0x4, v10;
	v20 =	vadd.s32 v8, v18;
	[tilespmem:v29+s0+$0x0] =	vst.idx.msk $0xffff, v28;
	v24 =	vld [tilespmem:s9+$0xFFFFFFE0];
	v28 =	vor.u32 v14, v19;
	(pc) =	sbr.rel @p0 .LBB2_11-.Ltmp7, $4  }
0x139: {  	s17 =	sadd.s32 $0x1, s20;
	v39 =	vand.u32 $0x78, v10;
	v29 =	vor.u32 v5, v17;
	v17 =	vadd.s32 v7, v18;
	v25 =	vld [tilespmem:s9+$0xFFFFFF20];
	[tilespmem:v22+s0+$0x0] =	vst.idx.msk $0xffff, v21  }
0x13a: {  	v10 =	vmovc v12;
	v27 =	vor.u32 v11, v20;
	v18 =	vmov s17;
	s17 =	sadd.s32 $0x2, s20;
	v21 =	vor.u32 v33, v17;
	v23 =	vld [tilespmem:s9+$0xFFFFFF60];
	[tilespmem:v36+s0+$0x0] =	vst.idx.msk $0xffff, v31  }
0x13b: {  	s23 =	sshrl.u32 s20, $0x7;
	v20 =	vor.u32 v6, v30;
	v19 =	vor.u32 v4, v32;
	v4 =	vmovc v33;
	v17 =	vmov s17;
	v26 =	vld [tilespmem:s9+$0xFFFFFFA0];
	[tilespmem:v34+s0+$0x0] =	vst.idx.msk $0xffff, v35  }
0x13c: {  	v12 =	vmovc v39;
	v30 =	vadd.s32 v2, v13;
	v6 =	vmovc v11;
	s20 =	sadd.s32 $0x4, s20;
	v11 =	vand.u32 $0x5, v18;
	v31 =	vmov s23;
	[tilespmem:v38+s0+$0x0] =	vst.idx.msk $0xffff, v37;
	v22 =	vld [tilespmem:s1+$0xFFFFFFC0];
	s1 =	smov.u32 s9  }
0x13d: {  	_ =	sdelay $0x2  }
0x13e: {  	v31 =	vmul.u32 $0x440, v31  }
0x13f: {  	v32 =	vadd.s32 v10, v30;
	v33 =	vadd.s32 v15, v30;
	[tilespmem:v28+s0+$0x0] =	vst.idx.msk $0xffff, v24;
	v24 =	vand.u32 $0x6, v17  }
0x140: {  	v44 =	vadd.s32 v8, v30;
	s11 =	sadd.s32 $0x3, s11;
	v49 =	vadd.s32 v7, v30;
	v31 =	vbroadcast v31, $0x0  }
0x141: {  	v18 =	vand.u32 $0x78, v18;
	[tilespmem:v20+s0+$0x0] =	vst.idx.msk $0xffff, v16;
	v13 =	vadd.s32 v3, v13;
	v47 =	vmov s11  }
0x142: {  	[tilespmem:v29+s0+$0x0] =	vst.idx.msk $0xffff, v25;
	v45 =	vor.u32 v14, v33;
	v48 =	vld [tilespmem:s9+$0xFFFFFFF0];
	v30 =	vand.u32 $0x78, v47;
	v50 =	vadd.s32 v0, v31  }
0x143: {  	s23 =	sadd.s32 $0x100, s9;
	v46 =	vor.u32 v5, v32;
	v34 =	vld [tilespmem:s9+$0xFFFFFF30];
	[tilespmem:v21+s0+$0x0] =	vst.idx.msk $0xffff, v26;
	v21 =	vand.u32 $0x7, v47;
	v51 =	vadd.s32 v30, v50  }
0x144: {  	v28 =	vor.u32 v6, v44;
	v52 =	vld [tilespmem:s23+$0xFFFFFFD0];
	v54 =	vadd.s32 v12, v50;
	v53 =	vor.u32 v21, v51  }
0x145: {  	v17 =	vand.u32 $0x78, v17;
	v56 =	vld [tilespmem:s23+$0xFFFFFF10];
	[tilespmem:v27+s0+$0x0] =	vst.idx.msk $0xffff, v23;
	v55 =	vadd.s32 v18, v50;
	v26 =	vor.u32 v9, v54  }
0x146: {  	v57 =	vld [tilespmem:s23+$0xFFFFFF50];
	[tilespmem:v19+s0+$0x0] =	vst.idx.msk $0xffff, v22;
	v27 =	vadd.s32 v17, v50;
	v19 =	vor.u32 v11, v55  }
0x147: {  	v59 =	vld [tilespmem:s23+$0xFFFFFF90];
	v61 =	vadd.s32 v15, v13;
	[tilespmem:v45+s0+$0x0] =	vst.idx.msk $0xffff, v48;
	v58 =	vor.u32 v24, v27  }
0x148: {  	v41 =	vadd.s32 v10, v13;
	v60 =	vld [tilespmem:s9+$0xFFFFFF70];
	v62 =	vadd.s32 v1, v31;
	[tilespmem:v46+s0+$0x0] =	vst.idx.msk $0xffff, v34  }
0x149: {  	v23 =	vor.u32 v4, v49;
	v42 =	vld [tilespmem:s9+$0xFFFFFFB0];
	v36 =	vadd.s32 v30, v62;
	[tilespmem:v53+s0+$0x0] =	vst.idx.msk $0xffff, v52  }
0x14a: {  	v37 =	vadd.s32 v12, v62;
	v15 =	vor.u32 v21, v36;
	[tilespmem:v26+s0+$0x0] =	vst.idx.msk $0xffff, v56;
	v20 =	vld [tilespmem:s23+$0xFFFFFFE0]  }
0x14b: {  	v38 =	vadd.s32 v18, v62;
	v16 =	vor.u32 v9, v37;
	[tilespmem:v19+s0+$0x0] =	vst.idx.msk $0xffff, v57;
	v26 =	vld [tilespmem:s23+$0xFFFFFF20]  }
0x14c: {  	v39 =	vadd.s32 v17, v62;
	v22 =	vor.u32 v11, v38;
	[tilespmem:v58+s0+$0x0] =	vst.idx.msk $0xffff, v59;
	v40 =	vld [tilespmem:s23+$0xFFFFFF60]  }
0x14d: {  	v43 =	vadd.s32 v8, v13;
	[tilespmem:v28+s0+$0x0] =	vst.idx.msk $0xffff, v60;
	v19 =	vor.u32 v24, v39;
	v25 =	vld [tilespmem:s23+$0xFFFFFFA0]  }
0x14e: {  	v35 =	vor.u32 v14, v61;
	v44 =	vadd.s32 v2, v31;
	v63 =	vld [tilespmem:s1+$0x0];
	[tilespmem:v23+s0+$0x0] =	vst.idx.msk $0xffff, v42  }
0x14f: {  	v5 =	vor.u32 v5, v41;
	v46 =	vadd.s32 v30, v44;
	v45 =	vld [tilespmem:s1+$0xFFFFFF40];
	[tilespmem:v15+s0+$0x0] =	vst.idx.msk $0xffff, v20  }
0x150: {  	v47 =	vadd.s32 v12, v44;
	v10 =	vor.u32 v21, v46;
	[tilespmem:v16+s0+$0x0] =	vst.idx.msk $0xffff, v26;
	v48 =	vld [tilespmem:s23+$0xFFFFFFF0]  }
0x151: {  	v49 =	vadd.s32 v18, v44;
	v15 =	vor.u32 v9, v47;
	[tilespmem:v22+s0+$0x0] =	vst.idx.msk $0xffff, v40;
	v26 =	vld [tilespmem:s23+$0xFFFFFF30]  }
0x152: {  	v14 =	vadd.s32 v17, v44;
	v20 =	vor.u32 v11, v49;
	[tilespmem:v19+s0+$0x0] =	vst.idx.msk $0xffff, v25;
	v22 =	vld [tilespmem:s23+$0xFFFFFF70]  }
0x153: {  	v50 =	vadd.s32 v7, v13;
	v51 =	vor.u32 v24, v14;
	[tilespmem:v35+s0+$0x0] =	vst.idx.msk $0xffff, v63;
	v52 =	vld [tilespmem:s23+$0xFFFFFFB0]  }
0x154: {  	v4 =	vor.u32 v4, v50;
	v55 =	vld [tilespmem:s1+$0xFFFFFFC0];
	[tilespmem:v5+s0+$0x0] =	vst.idx.msk $0xffff, v45;
	v5 =	vadd.s32 v3, v31  }
0x155: {  	v54 =	vor.u32 v6, v43;
	v53 =	vld [tilespmem:s1+$0xFFFFFF80];
	v56 =	vadd.s32 v30, v5;
	[tilespmem:v10+s0+$0x0] =	vst.idx.msk $0xffff, v48  }
0x156: {  	v57 =	vadd.s32 v12, v5;
	v8 =	vor.u32 v21, v56;
	[tilespmem:v15+s0+$0x0] =	vst.idx.msk $0xffff, v26;
	v10 =	vld [tilespmem:s23+$0x0]  }
0x157: {  	v58 =	vadd.s32 v18, v5;
	v60 =	vor.u32 v9, v57;
	[tilespmem:v20+s0+$0x0] =	vst.idx.msk $0xffff, v22;
	v59 =	vld [tilespmem:s23+$0xFFFFFF40]  }
0x158: {  	v5 =	vadd.s32 v17, v5;
	v62 =	vor.u32 v11, v58;
	[tilespmem:v51+s0+$0x0] =	vst.idx.msk $0xffff, v52;
	v61 =	vld [tilespmem:s23+$0xFFFFFF80]  }
0x159: {  	v5 =	vor.u32 v24, v5;
	[tilespmem:v4+s0+$0x0] =	vst.idx.msk $0xffff, v55;
	v63 =	vld [tilespmem:s23+$0xFFFFFFC0]  }
0x15a: {  	[tilespmem:v54+s0+$0x0] =	vst.idx.msk $0xffff, v53  }
0x15b: {  	[tilespmem:v8+s0+$0x0] =	vst.idx.msk $0xffff, v10  }
0x15c: {  	[tilespmem:v60+s0+$0x0] =	vst.idx.msk $0xffff, v59  }
0x15d: {  	[tilespmem:v62+s0+$0x0] =	vst.idx.msk $0xffff, v61  }
0x15e: {  	s11 =	simm.s32 $0xC800;
	s9 =	sadd.s32 s22, s13;
	[tilespmem:v5+s0+$0x0] =	vst.idx.msk $0xffff, v63  }
0x15f: {  	[hbm4b:s9+s3] =	stream.linear.scatter [tilespmem:s11], [sflag:$0x8], $0x80, $0x38;
	[tilespmem:$0x10C00] =	vst v63  }
0x160: {  	s17 =	simm.s32 $0xC888;
	s20 =	sadd.s32 $0x10, s9  }
0x161: {  	[hbm4b:s20+s3] =	stream.linear.scatter [tilespmem:s17], [sflag:$0x8], $0x80, $0x38;
	[tilespmem:$0x10C00] =	vst v63  }
0x162: {  	s22 =	simm.s32 $0xC910;
	s23 =	sadd.s32 $0x20, s9  }
0x163: {  	[hbm4b:s23+s3] =	stream.linear.scatter [tilespmem:s22], [sflag:$0x8], $0x80, $0x38;
	[tilespmem:$0x10C00] =	vst v63  }
0x164: {  	s17 =	simm.s32 $0xC998;
	s20 =	sadd.s32 $0x30, s9  }
0x165: {  	[hbm4b:s20+s3] =	stream.linear.scatter [tilespmem:s17], [sflag:$0x8], $0x80, $0x38;
	[tilespmem:$0x10C00] =	vst v63  }
0x166: {  	s22 =	simm.s32 $0xCA20;
	s23 =	sadd.s32 $0x40, s9  }
0x167: {  	[hbm4b:s23+s3] =	stream.linear.scatter [tilespmem:s22], [sflag:$0x8], $0x80, $0x38;
	[tilespmem:$0x10C00] =	vst v63  }
0x168: {  	s17 =	simm.s32 $0xCAA8;
	s20 =	sadd.s32 $0x50, s9  }
0x169: {  	[hbm4b:s20+s3] =	stream.linear.scatter [tilespmem:s17], [sflag:$0x8], $0x80, $0x38;
	[tilespmem:$0x10C00] =	vst v63  }
0x16a: {  	s22 =	simm.s32 $0xCB30;
	s23 =	sadd.s32 $0x60, s9  }
0x16b: {  	[hbm4b:s23+s3] =	stream.linear.scatter [tilespmem:s22], [sflag:$0x8], $0x80, $0x38;
	[tilespmem:$0x10C00] =	vst v63  }
0x16c: {  	s17 =	simm.s32 $0xCBB8;
	s20 =	sadd.s32 $0x70, s9  }
0x16d: {  	[hbm4b:s20+s3] =	stream.linear.scatter [tilespmem:s17], [sflag:$0x8], $0x80, $0x38;
	[tilespmem:$0x10C00] =	vst v63  }
0x16e: {  	s22 =	simm.s32 $0xCC40;
	s23 =	sadd.s32 $0x80, s9  }
0x16f: {  	[hbm4b:s23+s3] =	stream.linear.scatter [tilespmem:s22], [sflag:$0x8], $0x80, $0x38;
	[tilespmem:$0x10C00] =	vst v63  }
0x170: {  	s17 =	simm.s32 $0xCCC8;
	s20 =	sadd.s32 $0x90, s9  }
0x171: {  	[hbm4b:s20+s3] =	stream.linear.scatter [tilespmem:s17], [sflag:$0x8], $0x80, $0x38;
	[tilespmem:$0x10C00] =	vst v63  }
0x172: {  	s22 =	simm.s32 $0xCD50;
	s23 =	sadd.s32 $0xA0, s9  }
0x173: {  	[hbm4b:s23+s3] =	stream.linear.scatter [tilespmem:s22], [sflag:$0x8], $0x80, $0x38;
	[tilespmem:$0x10C00] =	vst v63  }
0x174: {  	s17 =	simm.s32 $0xCDD8;
	s20 =	sadd.s32 $0xB0, s9  }
0x175: {  	[hbm4b:s20+s3] =	stream.linear.scatter [tilespmem:s17], [sflag:$0x8], $0x80, $0x38;
	[tilespmem:$0x10C00] =	vst v63  }
0x176: {  	s22 =	simm.s32 $0xCE60;
	s23 =	sadd.s32 $0xC0, s9  }
0x177: {  	[hbm4b:s23+s3] =	stream.linear.scatter [tilespmem:s22], [sflag:$0x8], $0x80, $0x38;
	[tilespmem:$0x10C00] =	vst v63  }
0x178: {  	s1 =	simm.s32 $0x880;
	s17 =	simm.s32 $0xCEE8;
	s20 =	sadd.s32 $0xD0, s9  }
0x179: {  	[hbm4b:s20+s3] =	stream.linear.scatter [tilespmem:s17], [sflag:$0x8], $0x80, $0x38;
	[tilespmem:$0x10C00] =	vst v63  }
0x17a: {  	s11 =	simm.s32 $0xCFF8;
	s22 =	simm.s32 $0xCF70;
	s23 =	sadd.s32 $0xE0, s9  }
0x17b: {  	[hbm4b:s23+s3] =	stream.linear.scatter [tilespmem:s22], [sflag:$0x8], $0x80, $0x38;
	[tilespmem:$0x10C00] =	vst v63  }
0x17c: {  	s17 =	sadd.s32 $0xF0, s9;
	s9 =	sadd.s32 $0x4000, s9;
	s22 =	simm.s32 $0x4400  }
.LBB2_13:
0x17d: {  	[hbm4b:s17+s3] =	stream.linear.scatter [tilespmem:s11], [sflag:$0x8], $0x80, $0x38;
	[tilespmem:$0x10C00] =	vst v63  }
0x17e: {  	s11 =	smov.u32 s1;
	s1 =	smov.u32 s22  }
0x17f: {  	s20 =	sadd.s32 $0x2200, s22;
	s1 =	sshra.s32 s1, $0x2;
	s17 =	sadd.s32 $0xC800, s11  }
0x180: {  	[hbm4b:s9+s3] =	stream.linear.scatter [tilespmem:s17], [sflag:$0x8], $0x80, $0x38;
	[tilespmem:$0x10C00] =	vst v63  }
0x181: {  	p0 =	sne.s32 s22, $0xEE00;
	s22 =	sadd.s32 $0x10, s9;
	s17 =	sadd.s32 $0xC888, s11  }
0x182: {  	[hbm4b:s22+s3] =	stream.linear.scatter [tilespmem:s17], [sflag:$0x8], $0x80, $0x38;
	[tilespmem:$0x10C00] =	vst v63  }
0x183: {  	s17 =	sadd.s32 $0xC910, s11;
	s22 =	sadd.s32 $0x20, s9  }
0x184: {  	[hbm4b:s22+s3] =	stream.linear.scatter [tilespmem:s17], [sflag:$0x8], $0x80, $0x38;
	[tilespmem:$0x10C00] =	vst v63  }
0x185: {  	s17 =	sadd.s32 $0xC998, s11;
	s22 =	sadd.s32 $0x30, s9  }
0x186: {  	[hbm4b:s22+s3] =	stream.linear.scatter [tilespmem:s17], [sflag:$0x8], $0x80, $0x38;
	[tilespmem:$0x10C00] =	vst v63  }
0x187: {  	s17 =	sadd.s32 $0xCA20, s11;
	s22 =	sadd.s32 $0x40, s9  }
0x188: {  	[hbm4b:s22+s3] =	stream.linear.scatter [tilespmem:s17], [sflag:$0x8], $0x80, $0x38;
	[tilespmem:$0x10C00] =	vst v63  }
0x189: {  	s17 =	sadd.s32 $0xCAA8, s11;
	s22 =	sadd.s32 $0x50, s9  }
0x18a: {  	[hbm4b:s22+s3] =	stream.linear.scatter [tilespmem:s17], [sflag:$0x8], $0x80, $0x38;
	[tilespmem:$0x10C00] =	vst v63  }
0x18b: {  	s17 =	sadd.s32 $0xCB30, s11;
	s22 =	sadd.s32 $0x60, s9  }
0x18c: {  	[hbm4b:s22+s3] =	stream.linear.scatter [tilespmem:s17], [sflag:$0x8], $0x80, $0x38;
	[tilespmem:$0x10C00] =	vst v63  }
0x18d: {  	s17 =	sadd.s32 $0xCBB8, s11;
	s22 =	sadd.s32 $0x70, s9  }
0x18e: {  	[hbm4b:s22+s3] =	stream.linear.scatter [tilespmem:s17], [sflag:$0x8], $0x80, $0x38;
	[tilespmem:$0x10C00] =	vst v63  }
0x18f: {  	s17 =	sadd.s32 $0xCC40, s11;
	s22 =	sadd.s32 $0x80, s9  }
0x190: {  	[hbm4b:s22+s3] =	stream.linear.scatter [tilespmem:s17], [sflag:$0x8], $0x80, $0x38;
	[tilespmem:$0x10C00] =	vst v63  }
0x191: {  	s17 =	sadd.s32 $0xCCC8, s11;
	s22 =	sadd.s32 $0x90, s9  }
0x192: {  	[hbm4b:s22+s3] =	stream.linear.scatter [tilespmem:s17], [sflag:$0x8], $0x80, $0x38;
	[tilespmem:$0x10C00] =	vst v63  }
0x193: {  	s17 =	sadd.s32 $0xCD50, s11;
	s22 =	sadd.s32 $0xA0, s9  }
0x194: {  	[hbm4b:s22+s3] =	stream.linear.scatter [tilespmem:s17], [sflag:$0x8], $0x80, $0x38;
	[tilespmem:$0x10C00] =	vst v63  }
0x195: {  	s17 =	sadd.s32 $0xCDD8, s11;
	s22 =	sadd.s32 $0xB0, s9  }
0x196: {  	[hbm4b:s22+s3] =	stream.linear.scatter [tilespmem:s17], [sflag:$0x8], $0x80, $0x38;
	[tilespmem:$0x10C00] =	vst v63  }
0x197: {  	s17 =	sadd.s32 $0xCE60, s11;
	s22 =	sadd.s32 $0xC0, s9  }
0x198: {  	[hbm4b:s22+s3] =	stream.linear.scatter [tilespmem:s17], [sflag:$0x8], $0x80, $0x38;
	[tilespmem:$0x10C00] =	vst v63  }
.Ltmp8:
0x199: {  	s17 =	sadd.s32 $0xCEE8, s11;
	s22 =	sadd.s32 $0xD0, s9;
	(pc) =	sbr.rel @p0 .LBB2_13-.Ltmp8, $4  }
0x19a: {  	[hbm4b:s22+s3] =	stream.linear.scatter [tilespmem:s17], [sflag:$0x8], $0x80, $0x38;
	[tilespmem:$0x10C00] =	vst v63  }
0x19b: {  	s17 =	sadd.s32 $0xCF70, s11;
	s22 =	sadd.s32 $0xE0, s9;
	s11 =	sadd.s32 $0xCFF8, s11  }
0x19c: {  	[hbm4b:s22+s3] =	stream.linear.scatter [tilespmem:s17], [sflag:$0x8], $0x80, $0x38;
	[tilespmem:$0x10C00] =	vst v63  }
0x19d: {  	s17 =	sadd.s32 $0xF0, s9;
	s9 =	sadd.s32 $0x4000, s9;
	s22 =	smov.u32 s20  }
0x19e: {  	[hbm4b:s17+s3] =	stream.linear.scatter [tilespmem:s11], [sflag:$0x8], $0x80, $0x38;
	[tilespmem:$0x10C00] =	vst v63  }
0x19f: {  	s23 =	sadd.s32 $0xC800, s1  }
0x1a0: {  	[hbm4b:s9+s3] =	stream.linear.scatter [tilespmem:s23], [sflag:$0x8], $0x80, $0x38;
	[tilespmem:$0x10C00] =	vst v63  }
0x1a1: {  	s17 =	sadd.s32 $0xC888, s1;
	s20 =	sadd.s32 $0x10, s9  }
0x1a2: {  	[hbm4b:s20+s3] =	stream.linear.scatter [tilespmem:s17], [sflag:$0x8], $0x80, $0x38;
	[tilespmem:$0x10C00] =	vst v63  }
0x1a3: {  	s22 =	sadd.s32 $0xC910, s1;
	s23 =	sadd.s32 $0x20, s9  }
0x1a4: {  	[hbm4b:s23+s3] =	stream.linear.scatter [tilespmem:s22], [sflag:$0x8], $0x80, $0x38;
	[tilespmem:$0x10C00] =	vst v63  }
0x1a5: {  	s17 =	sadd.s32 $0xC998, s1;
	s20 =	sadd.s32 $0x30, s9  }
0x1a6: {  	[hbm4b:s20+s3] =	stream.linear.scatter [tilespmem:s17], [sflag:$0x8], $0x80, $0x38;
	[tilespmem:$0x10C00] =	vst v63  }
0x1a7: {  	s22 =	sadd.s32 $0xCA20, s1;
	s23 =	sadd.s32 $0x40, s9  }
0x1a8: {  	[hbm4b:s23+s3] =	stream.linear.scatter [tilespmem:s22], [sflag:$0x8], $0x80, $0x38;
	[tilespmem:$0x10C00] =	vst v63  }
0x1a9: {  	s17 =	sadd.s32 $0xCAA8, s1;
	s20 =	sadd.s32 $0x50, s9  }
0x1aa: {  	[hbm4b:s20+s3] =	stream.linear.scatter [tilespmem:s17], [sflag:$0x8], $0x80, $0x38;
	[tilespmem:$0x10C00] =	vst v63  }
0x1ab: {  	s22 =	sadd.s32 $0xCB30, s1;
	s23 =	sadd.s32 $0x60, s9  }
0x1ac: {  	[hbm4b:s23+s3] =	stream.linear.scatter [tilespmem:s22], [sflag:$0x8], $0x80, $0x38;
	[tilespmem:$0x10C00] =	vst v63  }
0x1ad: {  	s17 =	sadd.s32 $0xCBB8, s1;
	s20 =	sadd.s32 $0x70, s9  }
0x1ae: {  	[hbm4b:s20+s3] =	stream.linear.scatter [tilespmem:s17], [sflag:$0x8], $0x80, $0x38;
	[tilespmem:$0x10C00] =	vst v63  }
0x1af: {  	s22 =	sadd.s32 $0xCC40, s1;
	s23 =	sadd.s32 $0x80, s9  }
0x1b0: {  	[hbm4b:s23+s3] =	stream.linear.scatter [tilespmem:s22], [sflag:$0x8], $0x80, $0x38;
	[tilespmem:$0x10C00] =	vst v63  }
0x1b1: {  	s17 =	sadd.s32 $0xCCC8, s1;
	s20 =	sadd.s32 $0x90, s9  }
0x1b2: {  	[hbm4b:s20+s3] =	stream.linear.scatter [tilespmem:s17], [sflag:$0x8], $0x80, $0x38;
	[tilespmem:$0x10C00] =	vst v63  }
0x1b3: {  	s22 =	sadd.s32 $0xCD50, s1;
	s23 =	sadd.s32 $0xA0, s9  }
0x1b4: {  	[hbm4b:s23+s3] =	stream.linear.scatter [tilespmem:s22], [sflag:$0x8], $0x80, $0x38;
	[tilespmem:$0x10C00] =	vst v63  }
0x1b5: {  	s17 =	sadd.s32 $0xCDD8, s1;
	s20 =	sadd.s32 $0xB0, s9  }
0x1b6: {  	[hbm4b:s20+s3] =	stream.linear.scatter [tilespmem:s17], [sflag:$0x8], $0x80, $0x38;
	[tilespmem:$0x10C00] =	vst v63  }
0x1b7: {  	s22 =	sadd.s32 $0xCE60, s1;
	s23 =	sadd.s32 $0xC0, s9  }
0x1b8: {  	[hbm4b:s23+s3] =	stream.linear.scatter [tilespmem:s22], [sflag:$0x8], $0x80, $0x38;
	[tilespmem:$0x10C00] =	vst v63  }
0x1b9: {  	s17 =	sadd.s32 $0xCEE8, s1;
	s20 =	sadd.s32 $0xD0, s9  }
0x1ba: {  	[hbm4b:s20+s3] =	stream.linear.scatter [tilespmem:s17], [sflag:$0x8], $0x80, $0x38;
	[tilespmem:$0x10C00] =	vst v63  }
0x1bb: {  	s22 =	sadd.s32 $0xCF70, s1;
	s23 =	sadd.s32 $0xE0, s9  }
0x1bc: {  	[hbm4b:s23+s3] =	stream.linear.scatter [tilespmem:s22], [sflag:$0x8], $0x80, $0x38;
	[tilespmem:$0x10C00] =	vst v63  }
0x1bd: {  	s20 =	sadd.s32 $0xCFF8, s1;
	s22 =	sadd.s32 $0xF0, s9  }
0x1be: {  	[hbm4b:s22+s3] =	stream.linear.scatter [tilespmem:s20], [sflag:$0x8], $0x80, $0x38;
	[tilespmem:$0x10C00] =	vst v63  }
0x1bf: {  	p0 =	seq.s32 s10, $0x18;
	_ =	swait.ge [sflag:s2], $0x100  }
0x1c0: {  	s1 =	sadd.s32 @!p0 s14, s18;
	[sflag:s2] =	ssyncset.done $0x0  }
0x1c1: {  	s1 =	sshrl.u32 @!p0 s1, $0x3;
	s23 =	simm.s32 $0x0;
	[sflag:s2] =	ssyncadd.s32 $0xFFFFFF00  }
0x1c2: {  	[tilespmem:s25], [sflag:$0x6] =	stream.indirect.gather [hbm4b:s7+s19], $0x40, s21, s19, $0xb8;
	[tilespmem:$0x10C00] =	vst v63  }
0x1c3: {  	s11 =	simm.s32 @!p0 $0x100;
	s1 =	sadd.s32 @!p0 s5, s1;
	s9 =	simm.s32 @!p0 $0x0;
	v4 =	vmov s23  }
0x1c4: {  	v4 =	vmul.u32 $0x440, v4;
	[tilespmem:s11], [sflag:$0x2] =	stream.linear.gather @!p0 [hbm4b:s1+s9], $0x100, $0x38;
	[tilespmem:$0x10C00] =	vst v63  }
0x1c5: {  	_ =	swait.ge [sflag:s26], $0x4000  }
0x1c6: {  	s20 =	simm.s32 $0x2;
	v7 =	vbroadcast v4, $0x0;
	s9 =	simm.s32 $0x0;
	[sflag:s26] =	ssyncset.done $0x0  }
0x1c7: {  	v8 =	vmov s20;
	s11 =	simm.s32 $0x3;
	v4 =	vmov s9;
	[sflag:s26] =	ssyncadd.s32 $0xFFFFC000  }
0x1c8: {  	s17 =	simm.s32 $0x1;
	v6 =	vadd.s32 v0, v7;
	v5 =	vmov s11;
	v9 =	vand.u32 $0x4, v4;
	_ =	swait.ge [sflag:s8], $0x4000  }
0x1c9: {  	v11 =	vand.u32 $0x78, v5;
	v16 =	vand.u32 $0x7, v5;
	v5 =	vmov s17;
	[sflag:s8] =	ssyncset.done $0x0  }
0x1ca: {  	s1 =	simm.s32 $0x480;
	v12 =	vand.u32 $0x78, v4;
	v4 =	vadd.s32 v11, v6;
	v19 =	vand.u32 $0x5, v5;
	[sflag:s8] =	ssyncadd.s32 $0xFFFFC000  }
0x1cb: {  	v17 =	vand.u32 $0x78, v5;
	v5 =	vadd.s32 v12, v6;
	v4 =	vor.u32 v16, v4;
	v10 =	vld [tilespmem:s1+$0x40]  }
0x1cc: {  	v18 =	vand.u32 $0x78, v8;
	v13 =	vadd.s32 v17, v6;
	v15 =	vor.u32 v9, v5;
	v14 =	vld [tilespmem:s1+$0xFFFFFF80]  }
0x1cd: {  	v22 =	vand.u32 $0x6, v8;
	v5 =	vadd.s32 v18, v6;
	v8 =	vor.u32 v19, v13;
	v6 =	vld [tilespmem:s1+$0xFFFFFFC0]  }
0x1ce: {  	v21 =	vadd.s32 v1, v7;
	v13 =	vor.u32 v22, v5;
	v20 =	vld [tilespmem:s1+$0x0]  }
0x1cf: {  	v27 =	vadd.s32 v2, v7;
	v23 =	vadd.s32 v12, v21  }
0x1d0: {  	v28 =	vadd.s32 v12, v27;
	[tilespmem:v4+s28+$0x0] =	vst.idx.msk $0xffff, v10;
	v4 =	vadd.s32 v11, v21  }
0x1d1: {  	v23 =	vor.u32 v9, v23;
	[tilespmem:v15+s28+$0x0] =	vst.idx.msk $0xffff, v14;
	v24 =	vld [tilespmem:s1+$0x50];
	v4 =	vor.u32 v16, v4  }
0x1d2: {  	s11 =	simm.s32 $0x6;
	v29 =	vadd.s32 v17, v27;
	v14 =	vadd.s32 v17, v21;
	[tilespmem:v8+s28+$0x0] =	vst.idx.msk $0xffff, v6;
	v15 =	vld [tilespmem:s1+$0xFFFFFF90]  }
0x1d3: {  	s22 =	simm.s32 $0x4;
	s17 =	simm.s32 $0x0;
	v25 =	vmov s11;
	v6 =	vadd.s32 v18, v21;
	[tilespmem:v13+s28+$0x0] =	vst.idx.msk $0xffff, v20;
	v21 =	vld [tilespmem:s1+$0xFFFFFFD0];
	v14 =	vor.u32 v19, v14  }
0x1d4: {  	s23 =	simm.s32 $0x5;
	v10 =	vmov s22;
	v13 =	vmov s17;
	v20 =	vor.u32 v22, v6;
	v26 =	vld [tilespmem:s1+$0x10]  }
0x1d5: {  	v8 =	vmov s23;
	v5 =	vand.u32 $0x4, v10;
	v13 =	vmul.u32 $0x440, v13  }
0x1d6: {  	v10 =	vand.u32 $0x78, v10;
	v6 =	vand.u32 $0x5, v8;
	[tilespmem:v4+s28+$0x0] =	vst.idx.msk $0xffff, v24;
	v24 =	vadd.s32 v11, v27  }
0x1d7: {  	v8 =	vand.u32 $0x78, v8;
	v13 =	vbroadcast v13, $0x0;
	[tilespmem:v23+s28+$0x0] =	vst.idx.msk $0xffff, v15;
	v30 =	vld [tilespmem:s1+$0x60];
	v24 =	vor.u32 v16, v24  }
0x1d8: {  	s20 =	simm.s32 $0x7;
	v4 =	vand.u32 $0x6, v25;
	v23 =	vor.u32 v9, v28;
	v15 =	vadd.s32 v18, v27;
	[tilespmem:v14+s28+$0x0] =	vst.idx.msk $0xffff, v21  }
0x1d9: {  	v14 =	vmov s20;
	v21 =	vor.u32 v19, v29;
	[tilespmem:v20+s28+$0x0] =	vst.idx.msk $0xffff, v26;
	v20 =	vadd.s32 v0, v13;
	v27 =	vld [tilespmem:s1+$0xFFFFFFA0]  }
0x1da: {  	v29 =	vadd.s32 v3, v7;
	v31 =	vor.u32 v22, v15;
	v28 =	vld [tilespmem:s1+$0xFFFFFFE0];
	v15 =	vand.u32 $0x78, v14  }
0x1db: {  	s9 =	simm.s32 $0x580;
	v32 =	vld [tilespmem:s1+$0x20];
	v14 =	vand.u32 $0x7, v14;
	v11 =	vadd.s32 v11, v29;
	v26 =	vadd.s32 v15, v20  }
0x1dc: {  	v7 =	vand.u32 $0x78, v25;
	v25 =	vld [tilespmem:s9+$0x40];
	v12 =	vadd.s32 v12, v29;
	v26 =	vor.u32 v14, v26;
	[tilespmem:v24+s28+$0x0] =	vst.idx.msk $0xffff, v30  }
0x1dd: {  	v37 =	vadd.s32 v17, v29;
	v11 =	vor.u32 v16, v11;
	v24 =	vadd.s32 v10, v20;
	v33 =	vld [tilespmem:s1+$0x70]  }
0x1de: {  	v34 =	vld [tilespmem:s9+$0xFFFFFF80];
	v30 =	vadd.s32 v8, v20;
	[tilespmem:v23+s28+$0x0] =	vst.idx.msk $0xffff, v27;
	v24 =	vor.u32 v5, v24  }
0x1df: {  	v16 =	vadd.s32 v7, v20;
	v20 =	vld [tilespmem:s9+$0xFFFFFFC0];
	[tilespmem:v21+s28+$0x0] =	vst.idx.msk $0xffff, v28;
	v30 =	vor.u32 v6, v30  }
0x1e0: {  	v36 =	vld [tilespmem:s9+$0x0];
	v38 =	vadd.s32 v18, v29;
	v35 =	vor.u32 v4, v16;
	[tilespmem:v31+s28+$0x0] =	vst.idx.msk $0xffff, v32  }
0x1e1: {  	s11 =	simm.s32 $0x8;
	v17 =	vadd.s32 v1, v13;
	v40 =	vor.u32 v9, v12;
	v39 =	vld [tilespmem:s1+$0xFFFFFFB0];
	[tilespmem:v26+s28+$0x0] =	vst.idx.msk $0xffff, v25  }
0x1e2: {  	v12 =	vmov s11;
	v18 =	vadd.s32 v10, v17;
	v21 =	vadd.s32 v15, v17;
	v16 =	vld [tilespmem:s1+$0xFFFFFFF0];
	[tilespmem:v11+s28+$0x0] =	vst.idx.msk $0xffff, v33  }
0x1e3: {  	s22 =	simm.s32 $0x9;
	v9 =	vand.u32 $0x4, v12;
	v12 =	vand.u32 $0x78, v12;
	v28 =	vor.u32 v14, v21;
	[tilespmem:v24+s28+$0x0] =	vst.idx.msk $0xffff, v34;
	v24 =	vld [tilespmem:s9+$0x50]  }
0x1e4: {  	s20 =	simm.s32 $0x0;
	v29 =	vor.u32 v5, v18;
	v18 =	vmov s22;
	v11 =	vadd.s32 v8, v17;
	[tilespmem:v30+s28+$0x0] =	vst.idx.msk $0xffff, v20;
	v25 =	vld [tilespmem:s9+$0xFFFFFF90]  }
0x1e5: {  	v31 =	vmov s20;
	[tilespmem:v35+s28+$0x0] =	vst.idx.msk $0xffff, v36;
	v17 =	vadd.s32 v7, v17;
	v23 =	vld [tilespmem:s9+$0xFFFFFFD0];
	v27 =	vor.u32 v6, v11  }
0x1e6: {  	s23 =	simm.s32 $0xA;
	v26 =	vld [tilespmem:s9+$0x10];
	v20 =	vor.u32 v19, v37;
	v19 =	vor.u32 v22, v38;
	v21 =	vor.u32 v4, v17  }
0x1e7: {  	s20 =	simm.s32 $0xC;
	v30 =	vadd.s32 v2, v13;
	[tilespmem:v40+s28+$0x0] =	vst.idx.msk $0xffff, v39;
	v22 =	vld [tilespmem:s1+$0x30];
	s1 =	simm.s32 $0x580;
	v17 =	vmov s23;
	v11 =	vand.u32 $0x5, v18  }
.LBB2_15:
0x1e8: {  	p1 =	slt.u32 s20, $0xFC;
	v31 =	vmul.u32 $0x440, v31;
	v32 =	vadd.s32 v10, v30;
	[tilespmem:v28+s28+$0x0] =	vst.idx.msk $0xffff, v24;
	v24 =	vadd.s32 v15, v30  }
0x1e9: {  	v33 =	vand.u32 $0x6, v17;
	[tilespmem:v29+s28+$0x0] =	vst.idx.msk $0xffff, v25;
	v25 =	vadd.s32 v8, v30;
	v28 =	vld [tilespmem:s9+$0x60];
	v24 =	vor.u32 v14, v24  }
0x1ea: {  	s17 =	sadd.s32 $0x3, s11;
	s11 =	smov.u32 s20;
	v32 =	vor.u32 v5, v32;
	v29 =	vbroadcast v31, $0x0;
	v31 =	vld [tilespmem:s9+$0xFFFFFFA0];
	[tilespmem:v27+s28+$0x0] =	vst.idx.msk $0xffff, v23;
	v23 =	vadd.s32 v7, v30  }
0x1eb: {  	v27 =	vmov s17;
	v25 =	vor.u32 v6, v25;
	v30 =	vld [tilespmem:s9+$0xFFFFFFE0];
	[tilespmem:v21+s28+$0x0] =	vst.idx.msk $0xffff, v26;
	v34 =	vor.u32 v4, v23  }
0x1ec: {  	v18 =	vand.u32 $0x78, v18;
	v23 =	vand.u32 $0x78, v27;
	v21 =	vadd.s32 v0, v29;
	v35 =	vld [tilespmem:s9+$0x20];
	[tilespmem:v20+s28+$0x0] =	vst.idx.msk $0xffff, v16  }
0x1ed: {  	v26 =	vadd.s32 v3, v13;
	v16 =	vand.u32 $0x7, v27;
	s9 =	sadd.s32 $0x100, s9;
	v20 =	vadd.s32 v23, v21;
	[tilespmem:v19+s28+$0x0] =	vst.idx.msk $0xffff, v22  }
0x1ee: {  	v17 =	vand.u32 $0x78, v17;
	v19 =	vld [tilespmem:s9+$0x40];
	v20 =	vor.u32 v16, v20;
	[tilespmem:v24+s28+$0x0] =	vst.idx.msk $0xffff, v28;
	v28 =	vadd.s32 v15, v26  }
0x1ef: {  	v13 =	vmovc v29;
	v36 =	vadd.s32 v12, v21;
	v22 =	vadd.s32 v18, v21;
	v24 =	vld [tilespmem:s1+$0x70];
	v27 =	vor.u32 v14, v28  }
0x1f0: {  	v37 =	vadd.s32 v17, v21;
	v29 =	vor.u32 v9, v36;
	v22 =	vor.u32 v11, v22;
	v15 =	vmovc v23;
	v28 =	vld [tilespmem:s9+$0xFFFFFF80]  }
0x1f1: {  	v10 =	vadd.s32 v10, v26;
	v36 =	vor.u32 v33, v37;
	v14 =	vmov v16;
	v21 =	vld [tilespmem:s9+$0xFFFFFFC0];
	[tilespmem:v32+s28+$0x0] =	vst.idx.msk $0xffff, v31  }
0x1f2: {  	v32 =	vadd.s32 v7, v26;
	v31 =	vld [tilespmem:s9+$0x0];
	[tilespmem:v25+s28+$0x0] =	vst.idx.msk $0xffff, v30;
	v30 =	vadd.s32 v8, v26;
	v8 =	vmov v18  }
0x1f3: {  	v38 =	vor.u32 v5, v10;
	v7 =	vmov v17;
	v18 =	vadd.s32 v1, v13;
	[tilespmem:v20+s28+$0x0] =	vst.idx.msk $0xffff, v19;
	v37 =	vld [tilespmem:s1+$0xFFFFFFB0]  }
0x1f4: {  	v10 =	vmov s20;
	v5 =	vmovc v9;
	v17 =	vadd.s32 v12, v18;
	v19 =	vadd.s32 v15, v18;
	v16 =	vld [tilespmem:s1+$0xFFFFFFF0];
	[tilespmem:v27+s28+$0x0] =	vst.idx.msk $0xffff, v24  }
.Ltmp9:
0x1f5: {  	v9 =	vand.u32 $0x4, v10;
	v20 =	vadd.s32 v8, v18;
	[tilespmem:v29+s28+$0x0] =	vst.idx.msk $0xffff, v28;
	v24 =	vld [tilespmem:s9+$0x50];
	v28 =	vor.u32 v14, v19;
	(pc) =	sbr.rel @p1 .LBB2_15-.Ltmp9, $4  }
0x1f6: {  	s17 =	sadd.s32 $0x1, s20;
	v39 =	vand.u32 $0x78, v10;
	v29 =	vor.u32 v5, v17;
	v17 =	vadd.s32 v7, v18;
	v25 =	vld [tilespmem:s9+$0xFFFFFF90];
	[tilespmem:v22+s28+$0x0] =	vst.idx.msk $0xffff, v21  }
0x1f7: {  	v10 =	vmovc v12;
	v27 =	vor.u32 v11, v20;
	v18 =	vmov s17;
	s17 =	sadd.s32 $0x2, s20;
	v21 =	vor.u32 v33, v17;
	v23 =	vld [tilespmem:s9+$0xFFFFFFD0];
	[tilespmem:v36+s28+$0x0] =	vst.idx.msk $0xffff, v31  }
0x1f8: {  	s22 =	sshrl.u32 s20, $0x7;
	v20 =	vor.u32 v6, v30;
	v19 =	vor.u32 v4, v32;
	v4 =	vmovc v33;
	v17 =	vmov s17;
	v26 =	vld [tilespmem:s9+$0x10];
	[tilespmem:v34+s28+$0x0] =	vst.idx.msk $0xffff, v35  }
0x1f9: {  	v12 =	vmovc v39;
	v30 =	vadd.s32 v2, v13;
	v6 =	vmovc v11;
	s20 =	sadd.s32 $0x4, s20;
	v11 =	vand.u32 $0x5, v18;
	v31 =	vmov s22;
	[tilespmem:v38+s28+$0x0] =	vst.idx.msk $0xffff, v37;
	v22 =	vld [tilespmem:s1+$0x30];
	s1 =	smov.u32 s9  }
0x1fa: {  	_ =	sdelay $0x2  }
0x1fb: {  	v31 =	vmul.u32 $0x440, v31  }
0x1fc: {  	v32 =	vadd.s32 v10, v30;
	v33 =	vadd.s32 v15, v30;
	[tilespmem:v28+s28+$0x0] =	vst.idx.msk $0xffff, v24;
	v24 =	vand.u32 $0x6, v17  }
0x1fd: {  	v44 =	vadd.s32 v8, v30;
	s11 =	sadd.s32 $0x3, s11;
	v49 =	vadd.s32 v7, v30;
	v31 =	vbroadcast v31, $0x0  }
0x1fe: {  	v18 =	vand.u32 $0x78, v18;
	[tilespmem:v20+s28+$0x0] =	vst.idx.msk $0xffff, v16;
	v13 =	vadd.s32 v3, v13;
	v47 =	vmov s11  }
0x1ff: {  	[tilespmem:v29+s28+$0x0] =	vst.idx.msk $0xffff, v25;
	v45 =	vor.u32 v14, v33;
	v48 =	vld [tilespmem:s9+$0x60];
	v30 =	vand.u32 $0x78, v47;
	v50 =	vadd.s32 v0, v31  }
0x200: {  	s23 =	sadd.s32 $0x100, s9;
	v46 =	vor.u32 v5, v32;
	v34 =	vld [tilespmem:s9+$0xFFFFFFA0];
	[tilespmem:v21+s28+$0x0] =	vst.idx.msk $0xffff, v26;
	v21 =	vand.u32 $0x7, v47;
	v51 =	vadd.s32 v30, v50  }
0x201: {  	v28 =	vor.u32 v6, v44;
	v52 =	vld [tilespmem:s23+$0x40];
	v54 =	vadd.s32 v12, v50;
	v53 =	vor.u32 v21, v51  }
0x202: {  	v17 =	vand.u32 $0x78, v17;
	v56 =	vld [tilespmem:s23+$0xFFFFFF80];
	[tilespmem:v27+s28+$0x0] =	vst.idx.msk $0xffff, v23;
	v55 =	vadd.s32 v18, v50;
	v26 =	vor.u32 v9, v54  }
0x203: {  	v57 =	vld [tilespmem:s23+$0xFFFFFFC0];
	[tilespmem:v19+s28+$0x0] =	vst.idx.msk $0xffff, v22;
	v27 =	vadd.s32 v17, v50;
	v19 =	vor.u32 v11, v55  }
0x204: {  	v59 =	vld [tilespmem:s23+$0x0];
	v61 =	vadd.s32 v15, v13;
	[tilespmem:v45+s28+$0x0] =	vst.idx.msk $0xffff, v48;
	v58 =	vor.u32 v24, v27  }
0x205: {  	v41 =	vadd.s32 v10, v13;
	v60 =	vld [tilespmem:s9+$0xFFFFFFE0];
	v62 =	vadd.s32 v1, v31;
	[tilespmem:v46+s28+$0x0] =	vst.idx.msk $0xffff, v34  }
0x206: {  	v23 =	vor.u32 v4, v49;
	v42 =	vld [tilespmem:s9+$0x20];
	v36 =	vadd.s32 v30, v62;
	[tilespmem:v53+s28+$0x0] =	vst.idx.msk $0xffff, v52  }
0x207: {  	v37 =	vadd.s32 v12, v62;
	v15 =	vor.u32 v21, v36;
	[tilespmem:v26+s28+$0x0] =	vst.idx.msk $0xffff, v56;
	v20 =	vld [tilespmem:s23+$0x50]  }
0x208: {  	v38 =	vadd.s32 v18, v62;
	v16 =	vor.u32 v9, v37;
	[tilespmem:v19+s28+$0x0] =	vst.idx.msk $0xffff, v57;
	v26 =	vld [tilespmem:s23+$0xFFFFFF90]  }
0x209: {  	v39 =	vadd.s32 v17, v62;
	v22 =	vor.u32 v11, v38;
	[tilespmem:v58+s28+$0x0] =	vst.idx.msk $0xffff, v59;
	v40 =	vld [tilespmem:s23+$0xFFFFFFD0]  }
0x20a: {  	v43 =	vadd.s32 v8, v13;
	[tilespmem:v28+s28+$0x0] =	vst.idx.msk $0xffff, v60;
	v19 =	vor.u32 v24, v39;
	v25 =	vld [tilespmem:s23+$0x10]  }
0x20b: {  	v35 =	vor.u32 v14, v61;
	v44 =	vadd.s32 v2, v31;
	v63 =	vld [tilespmem:s1+$0x70];
	[tilespmem:v23+s28+$0x0] =	vst.idx.msk $0xffff, v42  }
0x20c: {  	v5 =	vor.u32 v5, v41;
	v46 =	vadd.s32 v30, v44;
	v45 =	vld [tilespmem:s1+$0xFFFFFFB0];
	[tilespmem:v15+s28+$0x0] =	vst.idx.msk $0xffff, v20  }
0x20d: {  	v47 =	vadd.s32 v12, v44;
	v10 =	vor.u32 v21, v46;
	[tilespmem:v16+s28+$0x0] =	vst.idx.msk $0xffff, v26;
	v48 =	vld [tilespmem:s23+$0x60]  }
0x20e: {  	v49 =	vadd.s32 v18, v44;
	v15 =	vor.u32 v9, v47;
	[tilespmem:v22+s28+$0x0] =	vst.idx.msk $0xffff, v40;
	v26 =	vld [tilespmem:s23+$0xFFFFFFA0]  }
0x20f: {  	v14 =	vadd.s32 v17, v44;
	v20 =	vor.u32 v11, v49;
	[tilespmem:v19+s28+$0x0] =	vst.idx.msk $0xffff, v25;
	v22 =	vld [tilespmem:s23+$0xFFFFFFE0]  }
0x210: {  	v50 =	vadd.s32 v7, v13;
	v51 =	vor.u32 v24, v14;
	[tilespmem:v35+s28+$0x0] =	vst.idx.msk $0xffff, v63;
	v52 =	vld [tilespmem:s23+$0x20]  }
0x211: {  	v4 =	vor.u32 v4, v50;
	v55 =	vld [tilespmem:s1+$0x30];
	[tilespmem:v5+s28+$0x0] =	vst.idx.msk $0xffff, v45;
	v5 =	vadd.s32 v3, v31  }
0x212: {  	v54 =	vor.u32 v6, v43;
	v53 =	vld [tilespmem:s1+$0xFFFFFFF0];
	v56 =	vadd.s32 v30, v5;
	[tilespmem:v10+s28+$0x0] =	vst.idx.msk $0xffff, v48  }
0x213: {  	v57 =	vadd.s32 v12, v5;
	v8 =	vor.u32 v21, v56;
	[tilespmem:v15+s28+$0x0] =	vst.idx.msk $0xffff, v26;
	v10 =	vld [tilespmem:s23+$0x70]  }
0x214: {  	v58 =	vadd.s32 v18, v5;
	v60 =	vor.u32 v9, v57;
	[tilespmem:v20+s28+$0x0] =	vst.idx.msk $0xffff, v22;
	v59 =	vld [tilespmem:s23+$0xFFFFFFB0]  }
0x215: {  	v5 =	vadd.s32 v17, v5;
	v62 =	vor.u32 v11, v58;
	[tilespmem:v51+s28+$0x0] =	vst.idx.msk $0xffff, v52;
	v61 =	vld [tilespmem:s23+$0xFFFFFFF0]  }
0x216: {  	v5 =	vor.u32 v24, v5;
	[tilespmem:v4+s28+$0x0] =	vst.idx.msk $0xffff, v55;
	v63 =	vld [tilespmem:s23+$0x30]  }
0x217: {  	[tilespmem:v54+s28+$0x0] =	vst.idx.msk $0xffff, v53  }
0x218: {  	[tilespmem:v8+s28+$0x0] =	vst.idx.msk $0xffff, v10  }
0x219: {  	[tilespmem:v60+s28+$0x0] =	vst.idx.msk $0xffff, v59  }
0x21a: {  	[tilespmem:v62+s28+$0x0] =	vst.idx.msk $0xffff, v61  }
0x21b: {  	s11 =	simm.s32 $0x8400;
	s9 =	sadd.s32 s6, s15;
	[tilespmem:v5+s28+$0x0] =	vst.idx.msk $0xffff, v63  }
0x21c: {  	[hbm4b:s9+s3] =	stream.linear.scatter [tilespmem:s11], [sflag:$0x7], $0x80, $0x38;
	[tilespmem:$0x10C00] =	vst v63  }
0x21d: {  	s17 =	simm.s32 $0x8488;
	s20 =	sadd.s32 $0x10, s9  }
0x21e: {  	[hbm4b:s20+s3] =	stream.linear.scatter [tilespmem:s17], [sflag:$0x7], $0x80, $0x38;
	[tilespmem:$0x10C00] =	vst v63  }
0x21f: {  	s22 =	simm.s32 $0x8510;
	s23 =	sadd.s32 $0x20, s9  }
0x220: {  	[hbm4b:s23+s3] =	stream.linear.scatter [tilespmem:s22], [sflag:$0x7], $0x80, $0x38;
	[tilespmem:$0x10C00] =	vst v63  }
0x221: {  	s17 =	simm.s32 $0x8598;
	s20 =	sadd.s32 $0x30, s9  }
0x222: {  	[hbm4b:s20+s3] =	stream.linear.scatter [tilespmem:s17], [sflag:$0x7], $0x80, $0x38;
	[tilespmem:$0x10C00] =	vst v63  }
0x223: {  	s22 =	simm.s32 $0x8620;
	s23 =	sadd.s32 $0x40, s9  }
0x224: {  	[hbm4b:s23+s3] =	stream.linear.scatter [tilespmem:s22], [sflag:$0x7], $0x80, $0x38;
	[tilespmem:$0x10C00] =	vst v63  }
0x225: {  	s17 =	simm.s32 $0x86A8;
	s20 =	sadd.s32 $0x50, s9  }
0x226: {  	[hbm4b:s20+s3] =	stream.linear.scatter [tilespmem:s17], [sflag:$0x7], $0x80, $0x38;
	[tilespmem:$0x10C00] =	vst v63  }
0x227: {  	s22 =	simm.s32 $0x8730;
	s23 =	sadd.s32 $0x60, s9  }
0x228: {  	[hbm4b:s23+s3] =	stream.linear.scatter [tilespmem:s22], [sflag:$0x7], $0x80, $0x38;
	[tilespmem:$0x10C00] =	vst v63  }
0x229: {  	s17 =	simm.s32 $0x87B8;
	s20 =	sadd.s32 $0x70, s9  }
0x22a: {  	[hbm4b:s20+s3] =	stream.linear.scatter [tilespmem:s17], [sflag:$0x7], $0x80, $0x38;
	[tilespmem:$0x10C00] =	vst v63  }
0x22b: {  	s22 =	simm.s32 $0x8840;
	s23 =	sadd.s32 $0x80, s9  }
0x22c: {  	[hbm4b:s23+s3] =	stream.linear.scatter [tilespmem:s22], [sflag:$0x7], $0x80, $0x38;
	[tilespmem:$0x10C00] =	vst v63  }
0x22d: {  	s17 =	simm.s32 $0x88C8;
	s20 =	sadd.s32 $0x90, s9  }
0x22e: {  	[hbm4b:s20+s3] =	stream.linear.scatter [tilespmem:s17], [sflag:$0x7], $0x80, $0x38;
	[tilespmem:$0x10C00] =	vst v63  }
0x22f: {  	s22 =	simm.s32 $0x8950;
	s23 =	sadd.s32 $0xA0, s9  }
0x230: {  	[hbm4b:s23+s3] =	stream.linear.scatter [tilespmem:s22], [sflag:$0x7], $0x80, $0x38;
	[tilespmem:$0x10C00] =	vst v63  }
0x231: {  	s17 =	simm.s32 $0x89D8;
	s20 =	sadd.s32 $0xB0, s9  }
0x232: {  	[hbm4b:s20+s3] =	stream.linear.scatter [tilespmem:s17], [sflag:$0x7], $0x80, $0x38;
	[tilespmem:$0x10C00] =	vst v63  }
0x233: {  	s22 =	simm.s32 $0x8A60;
	s23 =	sadd.s32 $0xC0, s9  }
0x234: {  	[hbm4b:s23+s3] =	stream.linear.scatter [tilespmem:s22], [sflag:$0x7], $0x80, $0x38;
	[tilespmem:$0x10C00] =	vst v63  }
0x235: {  	s1 =	simm.s32 $0x880;
	s17 =	simm.s32 $0x8AE8;
	s20 =	sadd.s32 $0xD0, s9  }
0x236: {  	[hbm4b:s20+s3] =	stream.linear.scatter [tilespmem:s17], [sflag:$0x7], $0x80, $0x38;
	[tilespmem:$0x10C00] =	vst v63  }
0x237: {  	s11 =	simm.s32 $0x8BF8;
	s22 =	simm.s32 $0x8B70;
	s23 =	sadd.s32 $0xE0, s9  }
0x238: {  	[hbm4b:s23+s3] =	stream.linear.scatter [tilespmem:s22], [sflag:$0x7], $0x80, $0x38;
	[tilespmem:$0x10C00] =	vst v63  }
0x239: {  	s17 =	sadd.s32 $0xF0, s9;
	s9 =	sadd.s32 $0x4000, s9;
	s22 =	simm.s32 $0x4400  }
.LBB2_17:
0x23a: {  	[hbm4b:s17+s3] =	stream.linear.scatter [tilespmem:s11], [sflag:$0x7], $0x80, $0x38;
	[tilespmem:$0x10C00] =	vst v63  }
0x23b: {  	s11 =	smov.u32 s1;
	s1 =	smov.u32 s22  }
0x23c: {  	s20 =	sadd.s32 $0x2200, s22;
	s1 =	sshra.s32 s1, $0x2;
	s17 =	sadd.s32 $0x8400, s11  }
0x23d: {  	[hbm4b:s9+s3] =	stream.linear.scatter [tilespmem:s17], [sflag:$0x7], $0x80, $0x38;
	[tilespmem:$0x10C00] =	vst v63  }
0x23e: {  	p1 =	sne.s32 s22, $0xEE00;
	s22 =	sadd.s32 $0x10, s9;
	s17 =	sadd.s32 $0x8488, s11  }
0x23f: {  	[hbm4b:s22+s3] =	stream.linear.scatter [tilespmem:s17], [sflag:$0x7], $0x80, $0x38;
	[tilespmem:$0x10C00] =	vst v63  }
0x240: {  	s17 =	sadd.s32 $0x8510, s11;
	s22 =	sadd.s32 $0x20, s9  }
0x241: {  	[hbm4b:s22+s3] =	stream.linear.scatter [tilespmem:s17], [sflag:$0x7], $0x80, $0x38;
	[tilespmem:$0x10C00] =	vst v63  }
0x242: {  	s17 =	sadd.s32 $0x8598, s11;
	s22 =	sadd.s32 $0x30, s9  }
0x243: {  	[hbm4b:s22+s3] =	stream.linear.scatter [tilespmem:s17], [sflag:$0x7], $0x80, $0x38;
	[tilespmem:$0x10C00] =	vst v63  }
0x244: {  	s17 =	sadd.s32 $0x8620, s11;
	s22 =	sadd.s32 $0x40, s9  }
0x245: {  	[hbm4b:s22+s3] =	stream.linear.scatter [tilespmem:s17], [sflag:$0x7], $0x80, $0x38;
	[tilespmem:$0x10C00] =	vst v63  }
0x246: {  	s17 =	sadd.s32 $0x86A8, s11;
	s22 =	sadd.s32 $0x50, s9  }
0x247: {  	[hbm4b:s22+s3] =	stream.linear.scatter [tilespmem:s17], [sflag:$0x7], $0x80, $0x38;
	[tilespmem:$0x10C00] =	vst v63  }
0x248: {  	s17 =	sadd.s32 $0x8730, s11;
	s22 =	sadd.s32 $0x60, s9  }
0x249: {  	[hbm4b:s22+s3] =	stream.linear.scatter [tilespmem:s17], [sflag:$0x7], $0x80, $0x38;
	[tilespmem:$0x10C00] =	vst v63  }
0x24a: {  	s17 =	sadd.s32 $0x87B8, s11;
	s22 =	sadd.s32 $0x70, s9  }
0x24b: {  	[hbm4b:s22+s3] =	stream.linear.scatter [tilespmem:s17], [sflag:$0x7], $0x80, $0x38;
	[tilespmem:$0x10C00] =	vst v63  }
0x24c: {  	s17 =	sadd.s32 $0x8840, s11;
	s22 =	sadd.s32 $0x80, s9  }
0x24d: {  	[hbm4b:s22+s3] =	stream.linear.scatter [tilespmem:s17], [sflag:$0x7], $0x80, $0x38;
	[tilespmem:$0x10C00] =	vst v63  }
0x24e: {  	s17 =	sadd.s32 $0x88C8, s11;
	s22 =	sadd.s32 $0x90, s9  }
0x24f: {  	[hbm4b:s22+s3] =	stream.linear.scatter [tilespmem:s17], [sflag:$0x7], $0x80, $0x38;
	[tilespmem:$0x10C00] =	vst v63  }
0x250: {  	s17 =	sadd.s32 $0x8950, s11;
	s22 =	sadd.s32 $0xA0, s9  }
0x251: {  	[hbm4b:s22+s3] =	stream.linear.scatter [tilespmem:s17], [sflag:$0x7], $0x80, $0x38;
	[tilespmem:$0x10C00] =	vst v63  }
0x252: {  	s17 =	sadd.s32 $0x89D8, s11;
	s22 =	sadd.s32 $0xB0, s9  }
0x253: {  	[hbm4b:s22+s3] =	stream.linear.scatter [tilespmem:s17], [sflag:$0x7], $0x80, $0x38;
	[tilespmem:$0x10C00] =	vst v63  }
0x254: {  	s17 =	sadd.s32 $0x8A60, s11;
	s22 =	sadd.s32 $0xC0, s9  }
0x255: {  	[hbm4b:s22+s3] =	stream.linear.scatter [tilespmem:s17], [sflag:$0x7], $0x80, $0x38;
	[tilespmem:$0x10C00] =	vst v63  }
.Ltmp10:
0x256: {  	s17 =	sadd.s32 $0x8AE8, s11;
	s22 =	sadd.s32 $0xD0, s9;
	(pc) =	sbr.rel @p1 .LBB2_17-.Ltmp10, $4  }
0x257: {  	[hbm4b:s22+s3] =	stream.linear.scatter [tilespmem:s17], [sflag:$0x7], $0x80, $0x38;
	[tilespmem:$0x10C00] =	vst v63  }
0x258: {  	s17 =	sadd.s32 $0x8B70, s11;
	s22 =	sadd.s32 $0xE0, s9;
	s11 =	sadd.s32 $0x8BF8, s11  }
0x259: {  	[hbm4b:s22+s3] =	stream.linear.scatter [tilespmem:s17], [sflag:$0x7], $0x80, $0x38;
	[tilespmem:$0x10C00] =	vst v63  }
0x25a: {  	s17 =	sadd.s32 $0xF0, s9;
	s9 =	sadd.s32 $0x4000, s9;
	s22 =	smov.u32 s20  }
0x25b: {  	[hbm4b:s17+s3] =	stream.linear.scatter [tilespmem:s11], [sflag:$0x7], $0x80, $0x38;
	[tilespmem:$0x10C00] =	vst v63  }
0x25c: {  	s23 =	sadd.s32 $0x8400, s1  }
0x25d: {  	[hbm4b:s9+s3] =	stream.linear.scatter [tilespmem:s23], [sflag:$0x7], $0x80, $0x38;
	[tilespmem:$0x10C00] =	vst v63  }
0x25e: {  	s17 =	sadd.s32 $0x8488, s1;
	s20 =	sadd.s32 $0x10, s9  }
0x25f: {  	[hbm4b:s20+s3] =	stream.linear.scatter [tilespmem:s17], [sflag:$0x7], $0x80, $0x38;
	[tilespmem:$0x10C00] =	vst v63  }
0x260: {  	s22 =	sadd.s32 $0x8510, s1;
	s23 =	sadd.s32 $0x20, s9  }
0x261: {  	[hbm4b:s23+s3] =	stream.linear.scatter [tilespmem:s22], [sflag:$0x7], $0x80, $0x38;
	[tilespmem:$0x10C00] =	vst v63  }
0x262: {  	s17 =	sadd.s32 $0x8598, s1;
	s20 =	sadd.s32 $0x30, s9  }
0x263: {  	[hbm4b:s20+s3] =	stream.linear.scatter [tilespmem:s17], [sflag:$0x7], $0x80, $0x38;
	[tilespmem:$0x10C00] =	vst v63  }
0x264: {  	s22 =	sadd.s32 $0x8620, s1;
	s23 =	sadd.s32 $0x40, s9  }
0x265: {  	[hbm4b:s23+s3] =	stream.linear.scatter [tilespmem:s22], [sflag:$0x7], $0x80, $0x38;
	[tilespmem:$0x10C00] =	vst v63  }
0x266: {  	s17 =	sadd.s32 $0x86A8, s1;
	s20 =	sadd.s32 $0x50, s9  }
0x267: {  	[hbm4b:s20+s3] =	stream.linear.scatter [tilespmem:s17], [sflag:$0x7], $0x80, $0x38;
	[tilespmem:$0x10C00] =	vst v63  }
0x268: {  	s22 =	sadd.s32 $0x8730, s1;
	s23 =	sadd.s32 $0x60, s9  }
0x269: {  	[hbm4b:s23+s3] =	stream.linear.scatter [tilespmem:s22], [sflag:$0x7], $0x80, $0x38;
	[tilespmem:$0x10C00] =	vst v63  }
0x26a: {  	s17 =	sadd.s32 $0x87B8, s1;
	s20 =	sadd.s32 $0x70, s9  }
0x26b: {  	[hbm4b:s20+s3] =	stream.linear.scatter [tilespmem:s17], [sflag:$0x7], $0x80, $0x38;
	[tilespmem:$0x10C00] =	vst v63  }
0x26c: {  	s22 =	sadd.s32 $0x8840, s1;
	s23 =	sadd.s32 $0x80, s9  }
0x26d: {  	[hbm4b:s23+s3] =	stream.linear.scatter [tilespmem:s22], [sflag:$0x7], $0x80, $0x38;
	[tilespmem:$0x10C00] =	vst v63  }
0x26e: {  	s17 =	sadd.s32 $0x88C8, s1;
	s20 =	sadd.s32 $0x90, s9  }
0x26f: {  	[hbm4b:s20+s3] =	stream.linear.scatter [tilespmem:s17], [sflag:$0x7], $0x80, $0x38;
	[tilespmem:$0x10C00] =	vst v63  }
0x270: {  	s22 =	sadd.s32 $0x8950, s1;
	s23 =	sadd.s32 $0xA0, s9  }
0x271: {  	[hbm4b:s23+s3] =	stream.linear.scatter [tilespmem:s22], [sflag:$0x7], $0x80, $0x38;
	[tilespmem:$0x10C00] =	vst v63  }
0x272: {  	s17 =	sadd.s32 $0x89D8, s1;
	s20 =	sadd.s32 $0xB0, s9  }
0x273: {  	[hbm4b:s20+s3] =	stream.linear.scatter [tilespmem:s17], [sflag:$0x7], $0x80, $0x38;
	[tilespmem:$0x10C00] =	vst v63  }
0x274: {  	s22 =	sadd.s32 $0x8A60, s1;
	s23 =	sadd.s32 $0xC0, s9  }
0x275: {  	[hbm4b:s23+s3] =	stream.linear.scatter [tilespmem:s22], [sflag:$0x7], $0x80, $0x38;
	[tilespmem:$0x10C00] =	vst v63  }
0x276: {  	s17 =	sadd.s32 $0x8AE8, s1;
	s20 =	sadd.s32 $0xD0, s9  }
0x277: {  	[hbm4b:s20+s3] =	stream.linear.scatter [tilespmem:s17], [sflag:$0x7], $0x80, $0x38;
	[tilespmem:$0x10C00] =	vst v63  }
0x278: {  	s22 =	sadd.s32 $0x8B70, s1;
	s23 =	sadd.s32 $0xE0, s9  }
0x279: {  	[hbm4b:s23+s3] =	stream.linear.scatter [tilespmem:s22], [sflag:$0x7], $0x80, $0x38;
	[tilespmem:$0x10C00] =	vst v63  }
0x27a: {  	s20 =	sadd.s32 $0x8BF8, s1;
	s1 =	simm.s32 @!p0 $0x1;
	s22 =	sadd.s32 $0xF0, s9  }
0x27b: {  	[hbm4b:s22+s3] =	stream.linear.scatter [tilespmem:s20], [sflag:$0x7], $0x80, $0x38;
	[tilespmem:$0x10C00] =	vst v63  }
0x27c: {  	_ =	swait.ge @!p0 [sflag:s1], $0x100  }
0x27d: {  	s11 =	simm.s32 @!p0 $0x400;
	[sflag:s1] =	ssyncset.done @!p0 $0x0  }
0x27e: {  	s9 =	simm.s32 @!p0 $0x0;
	[sflag:s1] =	ssyncadd.s32 @!p0 $0xFFFFFF00;
	s1 =	simm.s32 @!p0 $0x100  }
0x27f: {  	[tilespmem:s11], [sflag:$0x5] =	stream.indirect.gather @!p0 [hbm4b:s7+s1], $0x40, s9, s1, $0xb8;
	[tilespmem:$0x10C00] =	vst v63  }
0x280: {  	s1 =	sadd.s32 @!p0 s12, s18  }
0x281: {  	s23 =	simm.s32 $0x0;
	s1 =	sshrl.u32 @!p0 s1, $0x3  }
0x282: {  	v4 =	vmov s23;
	s11 =	simm.s32 @!p0 $0x200;
	s1 =	sadd.s32 @!p0 s5, s1  }
0x283: {  	v4 =	vmul.u32 $0x440, v4;
	[tilespmem:s11], [sflag:$0x3] =	stream.linear.gather @!p0 [hbm4b:s1+s9], $0x100, $0x38;
	[tilespmem:$0x10C00] =	vst v63  }
0x284: {  	_ =	swait.ge [sflag:s30], $0x4000  }
0x285: {  	s20 =	simm.s32 $0x2;
	v7 =	vbroadcast v4, $0x0;
	s9 =	simm.s32 $0x0;
	[sflag:s30] =	ssyncset.done $0x0  }
0x286: {  	v8 =	vmov s20;
	s11 =	simm.s32 $0x3;
	v4 =	vmov s9;
	[sflag:s30] =	ssyncadd.s32 $0xFFFFC000  }
0x287: {  	s17 =	simm.s32 $0x1;
	v6 =	vadd.s32 v0, v7;
	v5 =	vmov s11;
	v9 =	vand.u32 $0x4, v4;
	_ =	swait.ge [sflag:s31], $0x4000  }
0x288: {  	v11 =	vand.u32 $0x78, v5;
	v16 =	vand.u32 $0x7, v5;
	v5 =	vmov s17;
	[sflag:s31] =	ssyncset.done $0x0  }
0x289: {  	s1 =	simm.s32 $0x44F0;
	v12 =	vand.u32 $0x78, v4;
	v4 =	vadd.s32 v11, v6;
	v19 =	vand.u32 $0x5, v5;
	[sflag:s31] =	ssyncadd.s32 $0xFFFFC000  }
0x28a: {  	v17 =	vand.u32 $0x78, v5;
	v5 =	vadd.s32 v12, v6;
	v4 =	vor.u32 v16, v4;
	v10 =	vld [tilespmem:s1+$0xFFFFFFD0]  }
0x28b: {  	v18 =	vand.u32 $0x78, v8;
	v13 =	vadd.s32 v17, v6;
	v15 =	vor.u32 v9, v5;
	v14 =	vld [tilespmem:s1+$0xFFFFFF10]  }
0x28c: {  	v22 =	vand.u32 $0x6, v8;
	v5 =	vadd.s32 v18, v6;
	v8 =	vor.u32 v19, v13;
	v6 =	vld [tilespmem:s1+$0xFFFFFF50]  }
0x28d: {  	v21 =	vadd.s32 v1, v7;
	v13 =	vor.u32 v22, v5;
	v20 =	vld [tilespmem:s1+$0xFFFFFF90]  }
0x28e: {  	v27 =	vadd.s32 v2, v7;
	v23 =	vadd.s32 v12, v21  }
0x28f: {  	v28 =	vadd.s32 v12, v27;
	[tilespmem:v4+s0+$0x0] =	vst.idx.msk $0xffff, v10;
	v4 =	vadd.s32 v11, v21  }
0x290: {  	v23 =	vor.u32 v9, v23;
	[tilespmem:v15+s0+$0x0] =	vst.idx.msk $0xffff, v14;
	v24 =	vld [tilespmem:s1+$0xFFFFFFE0];
	v4 =	vor.u32 v16, v4  }
0x291: {  	s11 =	simm.s32 $0x6;
	v29 =	vadd.s32 v17, v27;
	v14 =	vadd.s32 v17, v21;
	[tilespmem:v8+s0+$0x0] =	vst.idx.msk $0xffff, v6;
	v15 =	vld [tilespmem:s1+$0xFFFFFF20]  }
0x292: {  	s22 =	simm.s32 $0x4;
	s17 =	simm.s32 $0x0;
	v25 =	vmov s11;
	v6 =	vadd.s32 v18, v21;
	[tilespmem:v13+s0+$0x0] =	vst.idx.msk $0xffff, v20;
	v21 =	vld [tilespmem:s1+$0xFFFFFF60];
	v14 =	vor.u32 v19, v14  }
0x293: {  	s23 =	simm.s32 $0x5;
	v10 =	vmov s22;
	v13 =	vmov s17;
	v20 =	vor.u32 v22, v6;
	v26 =	vld [tilespmem:s1+$0xFFFFFFA0]  }
0x294: {  	v8 =	vmov s23;
	v5 =	vand.u32 $0x4, v10;
	v13 =	vmul.u32 $0x440, v13  }
0x295: {  	v10 =	vand.u32 $0x78, v10;
	v6 =	vand.u32 $0x5, v8;
	[tilespmem:v4+s0+$0x0] =	vst.idx.msk $0xffff, v24;
	v24 =	vadd.s32 v11, v27  }
0x296: {  	v8 =	vand.u32 $0x78, v8;
	v13 =	vbroadcast v13, $0x0;
	[tilespmem:v23+s0+$0x0] =	vst.idx.msk $0xffff, v15;
	v30 =	vld [tilespmem:s1+$0xFFFFFFF0];
	v24 =	vor.u32 v16, v24  }
0x297: {  	s20 =	simm.s32 $0x7;
	v4 =	vand.u32 $0x6, v25;
	v23 =	vor.u32 v9, v28;
	v15 =	vadd.s32 v18, v27;
	[tilespmem:v14+s0+$0x0] =	vst.idx.msk $0xffff, v21  }
0x298: {  	v14 =	vmov s20;
	v21 =	vor.u32 v19, v29;
	[tilespmem:v20+s0+$0x0] =	vst.idx.msk $0xffff, v26;
	v20 =	vadd.s32 v0, v13;
	v27 =	vld [tilespmem:s1+$0xFFFFFF30]  }
0x299: {  	v29 =	vadd.s32 v3, v7;
	v31 =	vor.u32 v22, v15;
	v28 =	vld [tilespmem:s1+$0xFFFFFF70];
	v15 =	vand.u32 $0x78, v14  }
0x29a: {  	s9 =	simm.s32 $0x45F0;
	v32 =	vld [tilespmem:s1+$0xFFFFFFB0];
	v14 =	vand.u32 $0x7, v14;
	v11 =	vadd.s32 v11, v29;
	v26 =	vadd.s32 v15, v20  }
0x29b: {  	v7 =	vand.u32 $0x78, v25;
	v25 =	vld [tilespmem:s9+$0xFFFFFFD0];
	v12 =	vadd.s32 v12, v29;
	v26 =	vor.u32 v14, v26;
	[tilespmem:v24+s0+$0x0] =	vst.idx.msk $0xffff, v30  }
0x29c: {  	v37 =	vadd.s32 v17, v29;
	v11 =	vor.u32 v16, v11;
	v24 =	vadd.s32 v10, v20;
	v33 =	vld [tilespmem:s1+$0x0]  }
0x29d: {  	v34 =	vld [tilespmem:s9+$0xFFFFFF10];
	v30 =	vadd.s32 v8, v20;
	[tilespmem:v23+s0+$0x0] =	vst.idx.msk $0xffff, v27;
	v24 =	vor.u32 v5, v24  }
0x29e: {  	v16 =	vadd.s32 v7, v20;
	v20 =	vld [tilespmem:s9+$0xFFFFFF50];
	[tilespmem:v21+s0+$0x0] =	vst.idx.msk $0xffff, v28;
	v30 =	vor.u32 v6, v30  }
0x29f: {  	v36 =	vld [tilespmem:s9+$0xFFFFFF90];
	v38 =	vadd.s32 v18, v29;
	v35 =	vor.u32 v4, v16;
	[tilespmem:v31+s0+$0x0] =	vst.idx.msk $0xffff, v32  }
0x2a0: {  	s11 =	simm.s32 $0x8;
	v17 =	vadd.s32 v1, v13;
	v40 =	vor.u32 v9, v12;
	v39 =	vld [tilespmem:s1+$0xFFFFFF40];
	[tilespmem:v26+s0+$0x0] =	vst.idx.msk $0xffff, v25  }
0x2a1: {  	v12 =	vmov s11;
	v18 =	vadd.s32 v10, v17;
	v21 =	vadd.s32 v15, v17;
	v16 =	vld [tilespmem:s1+$0xFFFFFF80];
	[tilespmem:v11+s0+$0x0] =	vst.idx.msk $0xffff, v33  }
0x2a2: {  	s22 =	simm.s32 $0x9;
	v9 =	vand.u32 $0x4, v12;
	v12 =	vand.u32 $0x78, v12;
	v28 =	vor.u32 v14, v21;
	[tilespmem:v24+s0+$0x0] =	vst.idx.msk $0xffff, v34;
	v24 =	vld [tilespmem:s9+$0xFFFFFFE0]  }
0x2a3: {  	s20 =	simm.s32 $0x0;
	v29 =	vor.u32 v5, v18;
	v18 =	vmov s22;
	v11 =	vadd.s32 v8, v17;
	[tilespmem:v30+s0+$0x0] =	vst.idx.msk $0xffff, v20;
	v25 =	vld [tilespmem:s9+$0xFFFFFF20]  }
0x2a4: {  	v31 =	vmov s20;
	[tilespmem:v35+s0+$0x0] =	vst.idx.msk $0xffff, v36;
	v17 =	vadd.s32 v7, v17;
	v23 =	vld [tilespmem:s9+$0xFFFFFF60];
	v27 =	vor.u32 v6, v11  }
0x2a5: {  	s23 =	simm.s32 $0xA;
	v26 =	vld [tilespmem:s9+$0xFFFFFFA0];
	v20 =	vor.u32 v19, v37;
	v19 =	vor.u32 v22, v38;
	v21 =	vor.u32 v4, v17  }
0x2a6: {  	s20 =	simm.s32 $0xC;
	v30 =	vadd.s32 v2, v13;
	[tilespmem:v40+s0+$0x0] =	vst.idx.msk $0xffff, v39;
	v22 =	vld [tilespmem:s1+$0xFFFFFFC0];
	s1 =	simm.s32 $0x45F0;
	v17 =	vmov s23;
	v11 =	vand.u32 $0x5, v18  }
.LBB2_19:
0x2a7: {  	p1 =	slt.u32 s20, $0xFC;
	v31 =	vmul.u32 $0x440, v31;
	v32 =	vadd.s32 v10, v30;
	[tilespmem:v28+s0+$0x0] =	vst.idx.msk $0xffff, v24;
	v24 =	vadd.s32 v15, v30  }
0x2a8: {  	v33 =	vand.u32 $0x6, v17;
	[tilespmem:v29+s0+$0x0] =	vst.idx.msk $0xffff, v25;
	v25 =	vadd.s32 v8, v30;
	v28 =	vld [tilespmem:s9+$0xFFFFFFF0];
	v24 =	vor.u32 v14, v24  }
0x2a9: {  	s17 =	sadd.s32 $0x3, s11;
	s11 =	smov.u32 s20;
	v32 =	vor.u32 v5, v32;
	v29 =	vbroadcast v31, $0x0;
	v31 =	vld [tilespmem:s9+$0xFFFFFF30];
	[tilespmem:v27+s0+$0x0] =	vst.idx.msk $0xffff, v23;
	v23 =	vadd.s32 v7, v30  }
0x2aa: {  	v27 =	vmov s17;
	v25 =	vor.u32 v6, v25;
	v30 =	vld [tilespmem:s9+$0xFFFFFF70];
	[tilespmem:v21+s0+$0x0] =	vst.idx.msk $0xffff, v26;
	v34 =	vor.u32 v4, v23  }
0x2ab: {  	v18 =	vand.u32 $0x78, v18;
	v23 =	vand.u32 $0x78, v27;
	v21 =	vadd.s32 v0, v29;
	v35 =	vld [tilespmem:s9+$0xFFFFFFB0];
	[tilespmem:v20+s0+$0x0] =	vst.idx.msk $0xffff, v16  }
0x2ac: {  	v26 =	vadd.s32 v3, v13;
	v16 =	vand.u32 $0x7, v27;
	s9 =	sadd.s32 $0x100, s9;
	v20 =	vadd.s32 v23, v21;
	[tilespmem:v19+s0+$0x0] =	vst.idx.msk $0xffff, v22  }
0x2ad: {  	v17 =	vand.u32 $0x78, v17;
	v19 =	vld [tilespmem:s9+$0xFFFFFFD0];
	v20 =	vor.u32 v16, v20;
	[tilespmem:v24+s0+$0x0] =	vst.idx.msk $0xffff, v28;
	v28 =	vadd.s32 v15, v26  }
0x2ae: {  	v13 =	vmovc v29;
	v36 =	vadd.s32 v12, v21;
	v22 =	vadd.s32 v18, v21;
	v24 =	vld [tilespmem:s1+$0x0];
	v27 =	vor.u32 v14, v28  }
0x2af: {  	v37 =	vadd.s32 v17, v21;
	v29 =	vor.u32 v9, v36;
	v22 =	vor.u32 v11, v22;
	v15 =	vmovc v23;
	v28 =	vld [tilespmem:s9+$0xFFFFFF10]  }
0x2b0: {  	v10 =	vadd.s32 v10, v26;
	v36 =	vor.u32 v33, v37;
	v14 =	vmov v16;
	v21 =	vld [tilespmem:s9+$0xFFFFFF50];
	[tilespmem:v32+s0+$0x0] =	vst.idx.msk $0xffff, v31  }
0x2b1: {  	v32 =	vadd.s32 v7, v26;
	v31 =	vld [tilespmem:s9+$0xFFFFFF90];
	[tilespmem:v25+s0+$0x0] =	vst.idx.msk $0xffff, v30;
	v30 =	vadd.s32 v8, v26;
	v8 =	vmov v18  }
0x2b2: {  	v38 =	vor.u32 v5, v10;
	v7 =	vmov v17;
	v18 =	vadd.s32 v1, v13;
	[tilespmem:v20+s0+$0x0] =	vst.idx.msk $0xffff, v19;
	v37 =	vld [tilespmem:s1+$0xFFFFFF40]  }
0x2b3: {  	v10 =	vmov s20;
	v5 =	vmovc v9;
	v17 =	vadd.s32 v12, v18;
	v19 =	vadd.s32 v15, v18;
	v16 =	vld [tilespmem:s1+$0xFFFFFF80];
	[tilespmem:v27+s0+$0x0] =	vst.idx.msk $0xffff, v24  }
.Ltmp11:
0x2b4: {  	v9 =	vand.u32 $0x4, v10;
	v20 =	vadd.s32 v8, v18;
	[tilespmem:v29+s0+$0x0] =	vst.idx.msk $0xffff, v28;
	v24 =	vld [tilespmem:s9+$0xFFFFFFE0];
	v28 =	vor.u32 v14, v19;
	(pc) =	sbr.rel @p1 .LBB2_19-.Ltmp11, $4  }
0x2b5: {  	s17 =	sadd.s32 $0x1, s20;
	v39 =	vand.u32 $0x78, v10;
	v29 =	vor.u32 v5, v17;
	v17 =	vadd.s32 v7, v18;
	v25 =	vld [tilespmem:s9+$0xFFFFFF20];
	[tilespmem:v22+s0+$0x0] =	vst.idx.msk $0xffff, v21  }
0x2b6: {  	v10 =	vmovc v12;
	v27 =	vor.u32 v11, v20;
	v18 =	vmov s17;
	s17 =	sadd.s32 $0x2, s20;
	v21 =	vor.u32 v33, v17;
	v23 =	vld [tilespmem:s9+$0xFFFFFF60];
	[tilespmem:v36+s0+$0x0] =	vst.idx.msk $0xffff, v31  }
0x2b7: {  	s22 =	sshrl.u32 s20, $0x7;
	v20 =	vor.u32 v6, v30;
	v19 =	vor.u32 v4, v32;
	v4 =	vmovc v33;
	v17 =	vmov s17;
	v26 =	vld [tilespmem:s9+$0xFFFFFFA0];
	[tilespmem:v34+s0+$0x0] =	vst.idx.msk $0xffff, v35  }
0x2b8: {  	v12 =	vmovc v39;
	v30 =	vadd.s32 v2, v13;
	v6 =	vmovc v11;
	s20 =	sadd.s32 $0x4, s20;
	v11 =	vand.u32 $0x5, v18;
	v31 =	vmov s22;
	[tilespmem:v38+s0+$0x0] =	vst.idx.msk $0xffff, v37;
	v22 =	vld [tilespmem:s1+$0xFFFFFFC0];
	s1 =	smov.u32 s9  }
0x2b9: {  	_ =	sdelay $0x2  }
0x2ba: {  	v31 =	vmul.u32 $0x440, v31  }
0x2bb: {  	v32 =	vadd.s32 v10, v30;
	v33 =	vadd.s32 v15, v30;
	[tilespmem:v28+s0+$0x0] =	vst.idx.msk $0xffff, v24;
	v24 =	vand.u32 $0x6, v17  }
0x2bc: {  	v44 =	vadd.s32 v8, v30;
	s11 =	sadd.s32 $0x3, s11;
	v49 =	vadd.s32 v7, v30;
	v31 =	vbroadcast v31, $0x0  }
0x2bd: {  	v18 =	vand.u32 $0x78, v18;
	[tilespmem:v20+s0+$0x0] =	vst.idx.msk $0xffff, v16;
	v13 =	vadd.s32 v3, v13;
	v47 =	vmov s11  }
0x2be: {  	[tilespmem:v29+s0+$0x0] =	vst.idx.msk $0xffff, v25;
	v45 =	vor.u32 v14, v33;
	v48 =	vld [tilespmem:s9+$0xFFFFFFF0];
	v30 =	vand.u32 $0x78, v47;
	v50 =	vadd.s32 v0, v31  }
0x2bf: {  	s23 =	sadd.s32 $0x100, s9;
	v46 =	vor.u32 v5, v32;
	v34 =	vld [tilespmem:s9+$0xFFFFFF30];
	[tilespmem:v21+s0+$0x0] =	vst.idx.msk $0xffff, v26;
	v21 =	vand.u32 $0x7, v47;
	v51 =	vadd.s32 v30, v50  }
0x2c0: {  	v28 =	vor.u32 v6, v44;
	v52 =	vld [tilespmem:s23+$0xFFFFFFD0];
	v54 =	vadd.s32 v12, v50;
	v53 =	vor.u32 v21, v51  }
0x2c1: {  	v17 =	vand.u32 $0x78, v17;
	v56 =	vld [tilespmem:s23+$0xFFFFFF10];
	[tilespmem:v27+s0+$0x0] =	vst.idx.msk $0xffff, v23;
	v55 =	vadd.s32 v18, v50;
	v26 =	vor.u32 v9, v54  }
0x2c2: {  	v57 =	vld [tilespmem:s23+$0xFFFFFF50];
	[tilespmem:v19+s0+$0x0] =	vst.idx.msk $0xffff, v22;
	v27 =	vadd.s32 v17, v50;
	v19 =	vor.u32 v11, v55  }
0x2c3: {  	v59 =	vld [tilespmem:s23+$0xFFFFFF90];
	v61 =	vadd.s32 v15, v13;
	[tilespmem:v45+s0+$0x0] =	vst.idx.msk $0xffff, v48;
	v58 =	vor.u32 v24, v27  }
0x2c4: {  	v41 =	vadd.s32 v10, v13;
	v60 =	vld [tilespmem:s9+$0xFFFFFF70];
	v62 =	vadd.s32 v1, v31;
	[tilespmem:v46+s0+$0x0] =	vst.idx.msk $0xffff, v34  }
0x2c5: {  	v23 =	vor.u32 v4, v49;
	v42 =	vld [tilespmem:s9+$0xFFFFFFB0];
	v36 =	vadd.s32 v30, v62;
	[tilespmem:v53+s0+$0x0] =	vst.idx.msk $0xffff, v52  }
0x2c6: {  	v37 =	vadd.s32 v12, v62;
	v15 =	vor.u32 v21, v36;
	[tilespmem:v26+s0+$0x0] =	vst.idx.msk $0xffff, v56;
	v20 =	vld [tilespmem:s23+$0xFFFFFFE0]  }
0x2c7: {  	v38 =	vadd.s32 v18, v62;
	v16 =	vor.u32 v9, v37;
	[tilespmem:v19+s0+$0x0] =	vst.idx.msk $0xffff, v57;
	v26 =	vld [tilespmem:s23+$0xFFFFFF20]  }
0x2c8: {  	v39 =	vadd.s32 v17, v62;
	v22 =	vor.u32 v11, v38;
	[tilespmem:v58+s0+$0x0] =	vst.idx.msk $0xffff, v59;
	v40 =	vld [tilespmem:s23+$0xFFFFFF60]  }
0x2c9: {  	v43 =	vadd.s32 v8, v13;
	[tilespmem:v28+s0+$0x0] =	vst.idx.msk $0xffff, v60;
	v19 =	vor.u32 v24, v39;
	v25 =	vld [tilespmem:s23+$0xFFFFFFA0]  }
0x2ca: {  	v35 =	vor.u32 v14, v61;
	v44 =	vadd.s32 v2, v31;
	v63 =	vld [tilespmem:s1+$0x0];
	[tilespmem:v23+s0+$0x0] =	vst.idx.msk $0xffff, v42  }
0x2cb: {  	v5 =	vor.u32 v5, v41;
	v46 =	vadd.s32 v30, v44;
	v45 =	vld [tilespmem:s1+$0xFFFFFF40];
	[tilespmem:v15+s0+$0x0] =	vst.idx.msk $0xffff, v20  }
0x2cc: {  	v47 =	vadd.s32 v12, v44;
	v10 =	vor.u32 v21, v46;
	[tilespmem:v16+s0+$0x0] =	vst.idx.msk $0xffff, v26;
	v48 =	vld [tilespmem:s23+$0xFFFFFFF0]  }
0x2cd: {  	v49 =	vadd.s32 v18, v44;
	v15 =	vor.u32 v9, v47;
	[tilespmem:v22+s0+$0x0] =	vst.idx.msk $0xffff, v40;
	v26 =	vld [tilespmem:s23+$0xFFFFFF30]  }
0x2ce: {  	v14 =	vadd.s32 v17, v44;
	v20 =	vor.u32 v11, v49;
	[tilespmem:v19+s0+$0x0] =	vst.idx.msk $0xffff, v25;
	v22 =	vld [tilespmem:s23+$0xFFFFFF70]  }
0x2cf: {  	v50 =	vadd.s32 v7, v13;
	v51 =	vor.u32 v24, v14;
	[tilespmem:v35+s0+$0x0] =	vst.idx.msk $0xffff, v63;
	v52 =	vld [tilespmem:s23+$0xFFFFFFB0]  }
0x2d0: {  	v4 =	vor.u32 v4, v50;
	v55 =	vld [tilespmem:s1+$0xFFFFFFC0];
	[tilespmem:v5+s0+$0x0] =	vst.idx.msk $0xffff, v45;
	v5 =	vadd.s32 v3, v31  }
0x2d1: {  	v54 =	vor.u32 v6, v43;
	v53 =	vld [tilespmem:s1+$0xFFFFFF80];
	v56 =	vadd.s32 v30, v5;
	[tilespmem:v10+s0+$0x0] =	vst.idx.msk $0xffff, v48  }
0x2d2: {  	v57 =	vadd.s32 v12, v5;
	v8 =	vor.u32 v21, v56;
	[tilespmem:v15+s0+$0x0] =	vst.idx.msk $0xffff, v26;
	v10 =	vld [tilespmem:s23+$0x0]  }
0x2d3: {  	v58 =	vadd.s32 v18, v5;
	v60 =	vor.u32 v9, v57;
	[tilespmem:v20+s0+$0x0] =	vst.idx.msk $0xffff, v22;
	v59 =	vld [tilespmem:s23+$0xFFFFFF40]  }
0x2d4: {  	v5 =	vadd.s32 v17, v5;
	v62 =	vor.u32 v11, v58;
	[tilespmem:v51+s0+$0x0] =	vst.idx.msk $0xffff, v52;
	v61 =	vld [tilespmem:s23+$0xFFFFFF80]  }
0x2d5: {  	v5 =	vor.u32 v24, v5;
	[tilespmem:v4+s0+$0x0] =	vst.idx.msk $0xffff, v55;
	v63 =	vld [tilespmem:s23+$0xFFFFFFC0]  }
0x2d6: {  	[tilespmem:v54+s0+$0x0] =	vst.idx.msk $0xffff, v53  }
0x2d7: {  	[tilespmem:v8+s0+$0x0] =	vst.idx.msk $0xffff, v10  }
0x2d8: {  	[tilespmem:v60+s0+$0x0] =	vst.idx.msk $0xffff, v59  }
0x2d9: {  	[tilespmem:v62+s0+$0x0] =	vst.idx.msk $0xffff, v61  }
0x2da: {  	s6 =	sadd.s32 s6, s16;
	s11 =	simm.s32 $0xC800;
	[tilespmem:v5+s0+$0x0] =	vst.idx.msk $0xffff, v63  }
0x2db: {  	[hbm4b:s6+s3] =	stream.linear.scatter [tilespmem:s11], [sflag:$0x8], $0x80, $0x38;
	[tilespmem:$0x10C00] =	vst v63  }
0x2dc: {  	s17 =	simm.s32 $0xC888;
	s20 =	sadd.s32 $0x10, s6  }
0x2dd: {  	[hbm4b:s20+s3] =	stream.linear.scatter [tilespmem:s17], [sflag:$0x8], $0x80, $0x38;
	[tilespmem:$0x10C00] =	vst v63  }
0x2de: {  	s22 =	simm.s32 $0xC910;
	s23 =	sadd.s32 $0x20, s6  }
0x2df: {  	[hbm4b:s23+s3] =	stream.linear.scatter [tilespmem:s22], [sflag:$0x8], $0x80, $0x38;
	[tilespmem:$0x10C00] =	vst v63  }
0x2e0: {  	s9 =	simm.s32 $0xC998;
	s11 =	sadd.s32 $0x30, s6  }
0x2e1: {  	[hbm4b:s11+s3] =	stream.linear.scatter [tilespmem:s9], [sflag:$0x8], $0x80, $0x38;
	[tilespmem:$0x10C00] =	vst v63  }
0x2e2: {  	s17 =	simm.s32 $0xCA20;
	s20 =	sadd.s32 $0x40, s6  }
0x2e3: {  	[hbm4b:s20+s3] =	stream.linear.scatter [tilespmem:s17], [sflag:$0x8], $0x80, $0x38;
	[tilespmem:$0x10C00] =	vst v63  }
0x2e4: {  	s22 =	simm.s32 $0xCAA8;
	s23 =	sadd.s32 $0x50, s6  }
0x2e5: {  	[hbm4b:s23+s3] =	stream.linear.scatter [tilespmem:s22], [sflag:$0x8], $0x80, $0x38;
	[tilespmem:$0x10C00] =	vst v63  }
0x2e6: {  	s9 =	simm.s32 $0xCB30;
	s11 =	sadd.s32 $0x60, s6  }
0x2e7: {  	[hbm4b:s11+s3] =	stream.linear.scatter [tilespmem:s9], [sflag:$0x8], $0x80, $0x38;
	[tilespmem:$0x10C00] =	vst v63  }
0x2e8: {  	s17 =	simm.s32 $0xCBB8;
	s20 =	sadd.s32 $0x70, s6  }
0x2e9: {  	[hbm4b:s20+s3] =	stream.linear.scatter [tilespmem:s17], [sflag:$0x8], $0x80, $0x38;
	[tilespmem:$0x10C00] =	vst v63  }
0x2ea: {  	s22 =	simm.s32 $0xCC40;
	s23 =	sadd.s32 $0x80, s6  }
0x2eb: {  	[hbm4b:s23+s3] =	stream.linear.scatter [tilespmem:s22], [sflag:$0x8], $0x80, $0x38;
	[tilespmem:$0x10C00] =	vst v63  }
0x2ec: {  	s9 =	simm.s32 $0xCCC8;
	s11 =	sadd.s32 $0x90, s6  }
0x2ed: {  	[hbm4b:s11+s3] =	stream.linear.scatter [tilespmem:s9], [sflag:$0x8], $0x80, $0x38;
	[tilespmem:$0x10C00] =	vst v63  }
0x2ee: {  	s1 =	simm.s32 $0x880;
	s17 =	simm.s32 $0xCD50;
	s20 =	sadd.s32 $0xA0, s6  }
0x2ef: {  	[hbm4b:s20+s3] =	stream.linear.scatter [tilespmem:s17], [sflag:$0x8], $0x80, $0x38;
	[tilespmem:$0x10C00] =	vst v63  }
0x2f0: {  	s22 =	simm.s32 $0xCDD8;
	s23 =	sadd.s32 $0xB0, s6;
	s9 =	simm.s32 $0xCE60  }
0x2f1: {  	[hbm4b:s23+s3] =	stream.linear.scatter [tilespmem:s22], [sflag:$0x8], $0x80, $0x38;
	[tilespmem:$0x10C00] =	vst v63  }
0x2f2: {  	s11 =	sadd.s32 $0xC0, s6;
	s17 =	simm.s32 $0xCEE8;
	s20 =	sadd.s32 $0xD0, s6  }
0x2f3: {  	[hbm4b:s11+s3] =	stream.linear.scatter [tilespmem:s9], [sflag:$0x8], $0x80, $0x38;
	[tilespmem:$0x10C00] =	vst v63  }
0x2f4: {  	s22 =	simm.s32 $0xCF70;
	s23 =	sadd.s32 $0xE0, s6;
	s9 =	simm.s32 $0xCFF8  }
0x2f5: {  	[hbm4b:s20+s3] =	stream.linear.scatter [tilespmem:s17], [sflag:$0x8], $0x80, $0x38;
	[tilespmem:$0x10C00] =	vst v63  }
0x2f6: {  	s20 =	simm.s32 $0x4400;
	s17 =	sadd.s32 $0xF0, s6;
	s6 =	sadd.s32 $0x4000, s6  }
0x2f7: {  	[hbm4b:s23+s3] =	stream.linear.scatter [tilespmem:s22], [sflag:$0x8], $0x80, $0x38;
	[tilespmem:$0x10C00] =	vst v63  }
.LBB2_21:
0x2f8: {  	[hbm4b:s17+s3] =	stream.linear.scatter [tilespmem:s9], [sflag:$0x8], $0x80, $0x38;
	[tilespmem:$0x10C00] =	vst v63  }
0x2f9: {  	s9 =	smov.u32 s1;
	s1 =	smov.u32 s20  }
0x2fa: {  	s11 =	sadd.s32 $0x2200, s20;
	s1 =	sshra.s32 s1, $0x2;
	s17 =	sadd.s32 $0xC800, s9  }
0x2fb: {  	[hbm4b:s6+s3] =	stream.linear.scatter [tilespmem:s17], [sflag:$0x8], $0x80, $0x38;
	[tilespmem:$0x10C00] =	vst v63  }
0x2fc: {  	p1 =	sne.s32 s20, $0xEE00;
	s20 =	sadd.s32 $0x10, s6;
	s17 =	sadd.s32 $0xC888, s9  }
0x2fd: {  	[hbm4b:s20+s3] =	stream.linear.scatter [tilespmem:s17], [sflag:$0x8], $0x80, $0x38;
	[tilespmem:$0x10C00] =	vst v63  }
0x2fe: {  	s17 =	sadd.s32 $0xC910, s9;
	s20 =	sadd.s32 $0x20, s6  }
0x2ff: {  	[hbm4b:s20+s3] =	stream.linear.scatter [tilespmem:s17], [sflag:$0x8], $0x80, $0x38;
	[tilespmem:$0x10C00] =	vst v63  }
0x300: {  	s17 =	sadd.s32 $0xC998, s9;
	s20 =	sadd.s32 $0x30, s6  }
0x301: {  	[hbm4b:s20+s3] =	stream.linear.scatter [tilespmem:s17], [sflag:$0x8], $0x80, $0x38;
	[tilespmem:$0x10C00] =	vst v63  }
0x302: {  	s17 =	sadd.s32 $0xCA20, s9;
	s20 =	sadd.s32 $0x40, s6  }
0x303: {  	[hbm4b:s20+s3] =	stream.linear.scatter [tilespmem:s17], [sflag:$0x8], $0x80, $0x38;
	[tilespmem:$0x10C00] =	vst v63  }
0x304: {  	s17 =	sadd.s32 $0xCAA8, s9;
	s20 =	sadd.s32 $0x50, s6  }
0x305: {  	[hbm4b:s20+s3] =	stream.linear.scatter [tilespmem:s17], [sflag:$0x8], $0x80, $0x38;
	[tilespmem:$0x10C00] =	vst v63  }
0x306: {  	s17 =	sadd.s32 $0xCB30, s9;
	s20 =	sadd.s32 $0x60, s6  }
0x307: {  	[hbm4b:s20+s3] =	stream.linear.scatter [tilespmem:s17], [sflag:$0x8], $0x80, $0x38;
	[tilespmem:$0x10C00] =	vst v63  }
0x308: {  	s17 =	sadd.s32 $0xCBB8, s9;
	s20 =	sadd.s32 $0x70, s6  }
0x309: {  	[hbm4b:s20+s3] =	stream.linear.scatter [tilespmem:s17], [sflag:$0x8], $0x80, $0x38;
	[tilespmem:$0x10C00] =	vst v63  }
0x30a: {  	s17 =	sadd.s32 $0xCC40, s9;
	s20 =	sadd.s32 $0x80, s6  }
0x30b: {  	[hbm4b:s20+s3] =	stream.linear.scatter [tilespmem:s17], [sflag:$0x8], $0x80, $0x38;
	[tilespmem:$0x10C00] =	vst v63  }
0x30c: {  	s17 =	sadd.s32 $0xCCC8, s9;
	s20 =	sadd.s32 $0x90, s6  }
0x30d: {  	[hbm4b:s20+s3] =	stream.linear.scatter [tilespmem:s17], [sflag:$0x8], $0x80, $0x38;
	[tilespmem:$0x10C00] =	vst v63  }
0x30e: {  	s17 =	sadd.s32 $0xCD50, s9;
	s20 =	sadd.s32 $0xA0, s6  }
0x30f: {  	[hbm4b:s20+s3] =	stream.linear.scatter [tilespmem:s17], [sflag:$0x8], $0x80, $0x38;
	[tilespmem:$0x10C00] =	vst v63  }
0x310: {  	s17 =	sadd.s32 $0xCDD8, s9;
	s20 =	sadd.s32 $0xB0, s6  }
0x311: {  	[hbm4b:s20+s3] =	stream.linear.scatter [tilespmem:s17], [sflag:$0x8], $0x80, $0x38;
	[tilespmem:$0x10C00] =	vst v63  }
0x312: {  	s17 =	sadd.s32 $0xCE60, s9;
	s20 =	sadd.s32 $0xC0, s6  }
0x313: {  	[hbm4b:s20+s3] =	stream.linear.scatter [tilespmem:s17], [sflag:$0x8], $0x80, $0x38;
	[tilespmem:$0x10C00] =	vst v63  }
.Ltmp12:
0x314: {  	s17 =	sadd.s32 $0xCEE8, s9;
	s20 =	sadd.s32 $0xD0, s6;
	(pc) =	sbr.rel @p1 .LBB2_21-.Ltmp12, $4  }
0x315: {  	[hbm4b:s20+s3] =	stream.linear.scatter [tilespmem:s17], [sflag:$0x8], $0x80, $0x38;
	[tilespmem:$0x10C00] =	vst v63  }
0x316: {  	s17 =	sadd.s32 $0xCF70, s9;
	s20 =	sadd.s32 $0xE0, s6;
	s9 =	sadd.s32 $0xCFF8, s9  }
0x317: {  	[hbm4b:s20+s3] =	stream.linear.scatter [tilespmem:s17], [sflag:$0x8], $0x80, $0x38;
	[tilespmem:$0x10C00] =	vst v63  }
0x318: {  	s17 =	sadd.s32 $0xF0, s6;
	s6 =	sadd.s32 $0x4000, s6;
	s20 =	smov.u32 s11  }
0x319: {  	[hbm4b:s17+s3] =	stream.linear.scatter [tilespmem:s9], [sflag:$0x8], $0x80, $0x38;
	[tilespmem:$0x10C00] =	vst v63  }
0x31a: {  	s22 =	sadd.s32 $0xC800, s1  }
0x31b: {  	[hbm4b:s6+s3] =	stream.linear.scatter [tilespmem:s22], [sflag:$0x8], $0x80, $0x38;
	[tilespmem:$0x10C00] =	vst v63  }
0x31c: {  	s23 =	sadd.s32 $0xC888, s1;
	s11 =	sadd.s32 $0x10, s6  }
0x31d: {  	[hbm4b:s11+s3] =	stream.linear.scatter [tilespmem:s23], [sflag:$0x8], $0x80, $0x38;
	[tilespmem:$0x10C00] =	vst v63  }
0x31e: {  	s17 =	sadd.s32 $0xC910, s1;
	s20 =	sadd.s32 $0x20, s6  }
0x31f: {  	[hbm4b:s20+s3] =	stream.linear.scatter [tilespmem:s17], [sflag:$0x8], $0x80, $0x38;
	[tilespmem:$0x10C00] =	vst v63  }
0x320: {  	s22 =	sadd.s32 $0xC998, s1;
	s23 =	sadd.s32 $0x30, s6  }
0x321: {  	[hbm4b:s23+s3] =	stream.linear.scatter [tilespmem:s22], [sflag:$0x8], $0x80, $0x38;
	[tilespmem:$0x10C00] =	vst v63  }
0x322: {  	s17 =	sadd.s32 $0xCA20, s1;
	s20 =	sadd.s32 $0x40, s6  }
0x323: {  	[hbm4b:s20+s3] =	stream.linear.scatter [tilespmem:s17], [sflag:$0x8], $0x80, $0x38;
	[tilespmem:$0x10C00] =	vst v63  }
0x324: {  	s22 =	sadd.s32 $0xCAA8, s1;
	s23 =	sadd.s32 $0x50, s6  }
0x325: {  	[hbm4b:s23+s3] =	stream.linear.scatter [tilespmem:s22], [sflag:$0x8], $0x80, $0x38;
	[tilespmem:$0x10C00] =	vst v63  }
0x326: {  	s17 =	sadd.s32 $0xCB30, s1;
	s20 =	sadd.s32 $0x60, s6  }
0x327: {  	[hbm4b:s20+s3] =	stream.linear.scatter [tilespmem:s17], [sflag:$0x8], $0x80, $0x38;
	[tilespmem:$0x10C00] =	vst v63  }
0x328: {  	s22 =	sadd.s32 $0xCBB8, s1;
	s23 =	sadd.s32 $0x70, s6  }
0x329: {  	[hbm4b:s23+s3] =	stream.linear.scatter [tilespmem:s22], [sflag:$0x8], $0x80, $0x38;
	[tilespmem:$0x10C00] =	vst v63  }
0x32a: {  	s17 =	sadd.s32 $0xCC40, s1;
	s20 =	sadd.s32 $0x80, s6  }
0x32b: {  	[hbm4b:s20+s3] =	stream.linear.scatter [tilespmem:s17], [sflag:$0x8], $0x80, $0x38;
	[tilespmem:$0x10C00] =	vst v63  }
0x32c: {  	s22 =	sadd.s32 $0xCCC8, s1;
	s23 =	sadd.s32 $0x90, s6  }
0x32d: {  	[hbm4b:s23+s3] =	stream.linear.scatter [tilespmem:s22], [sflag:$0x8], $0x80, $0x38;
	[tilespmem:$0x10C00] =	vst v63  }
0x32e: {  	s17 =	sadd.s32 $0xCD50, s1;
	s20 =	sadd.s32 $0xA0, s6  }
0x32f: {  	[hbm4b:s20+s3] =	stream.linear.scatter [tilespmem:s17], [sflag:$0x8], $0x80, $0x38;
	[tilespmem:$0x10C00] =	vst v63  }
0x330: {  	s22 =	sadd.s32 $0xCDD8, s1;
	s23 =	sadd.s32 $0xB0, s6  }
0x331: {  	[hbm4b:s23+s3] =	stream.linear.scatter [tilespmem:s22], [sflag:$0x8], $0x80, $0x38;
	[tilespmem:$0x10C00] =	vst v63  }
0x332: {  	s17 =	sadd.s32 $0xCE60, s1;
	s20 =	sadd.s32 $0xC0, s6  }
0x333: {  	[hbm4b:s20+s3] =	stream.linear.scatter [tilespmem:s17], [sflag:$0x8], $0x80, $0x38;
	[tilespmem:$0x10C00] =	vst v63  }
0x334: {  	s22 =	sadd.s32 $0xCEE8, s1;
	s23 =	sadd.s32 $0xD0, s6  }
0x335: {  	[hbm4b:s23+s3] =	stream.linear.scatter [tilespmem:s22], [sflag:$0x8], $0x80, $0x38;
	[tilespmem:$0x10C00] =	vst v63  }
.Ltmp13:
0x336: {  	_ = 	snop;
	(pc) =	sbr.rel @p0 .LBB2_24-.Ltmp13, $4  }
0x337: {  	s17 =	sadd.s32 $0xCF70, s1;
	s20 =	sadd.s32 $0xE0, s6  }
0x338: {  	[hbm4b:s20+s3] =	stream.linear.scatter [tilespmem:s17], [sflag:$0x8], $0x80, $0x38;
	[tilespmem:$0x10C00] =	vst v63  }
0x339: {  	s22 =	sadd.s32 $0xCFF8, s1;
	s23 =	sadd.s32 $0xF0, s6  }
0x33a: {  	[hbm4b:s23+s3] =	stream.linear.scatter [tilespmem:s22], [sflag:$0x8], $0x80, $0x38;
	[tilespmem:$0x10C00] =	vst v63  }
0x33b: {  	_ =	swait.ge [sflag:s24], $0x100  }
0x33c: {  	[sflag:s24] =	ssyncset.done $0x0;
	s1 =	rddreg [dreg:$0x8]  }
.Ltmp14:
0x33d: {  	[sflag:s24] =	ssyncadd.s32 $0xFFFFFF00;
	s1 =	sadd.s32 s1, s18;
	(pc) =	sbr.rel .LBB2_2-.Ltmp14, $4  }
0x33e: {  	[tilespmem:s25], [sflag:$0x6] =	stream.indirect.gather [hbm4b:s7+s19], $0x40, s19, s19, $0xb8;
	[tilespmem:$0x10C00] =	vst v63  }
0x33f: {  	s1 =	sshrl.u32 s1, $0x3  }
0x340: {  	s10 =	sadd.s32 $0x1, s10;
	s1 =	sadd.s32 s5, s1  }
0x341: {  	[tilespmem:s21], [sflag:$0x4] =	stream.linear.gather [hbm4b:s1+s3], $0x100, $0x38;
	[tilespmem:$0x10C00] =	vst v63  }
.LBB2_25:
0x342: {  	_ =	sfence.sel $0x180000  }
0x343: {  	[bflag:$0x0] =	sbarrier.arrive $0xFFFF  }
0x344: {  	_ =	strace $0x9000004A  }
0x345: {  	s0 =	stileid.u32;
	[bflag:$0x2] =	sbarrier.arrive $0xFFFF  }
0x346: {  	p0 =	sne.s32 s0, $0x0;
	s0 =	rddreg [dreg:$0x2]  }
0x347: {  	s0 =	sadd.s32 @!p0 $0x100000, s0  }
0x348: {  	[sflag:s0] =	ssyncadd.tile.s32 @!p0 $0x1;
	_ =	shalt  }
.Lfunc_end2:
_tile_overlayer_lowered:
.L_overlay_start_2:
0x349: {  	(tag) =	ssettag $0x2  }
0x34a: {  	s0 =	rddreg [dreg:$0x0];
	s2 =	stileid.u32  }
0x34b: {  	s1 =	rddreg [dreg:$0x1];
	p0 =	sne.s32 s2, $0x0  }
0x34c: {  	s3 =	rddreg [dreg:$0x2];
	[bflag:$0x3] =	sbarrier.arrive $0xFFFF;
	s2 =	simm.s32 @!p0 $0x1C09  }
0x34d: {  	[timem:s3], [sflag:s2] =	dma.local @!p0 [hbm:s0], s1  }
0x34e: {  	s0 =	simm.s32 @!p0 $0x9  }
0x34f: {  	_ =	swait.ge @!p0 [sflag:s0], s1  }
0x350: {  	s1 =	ssub.s32 @!p0 $0x0, s1;
	[sflag:s0] =	ssyncset.done @!p0 $0x0  }
0x351: {  	[sflag:s0] =	ssyncadd.s32 @!p0 s1  }
0x352: {  	[bflag:$0x3] =	sbarrier.arrive $0xFFFF  }
0x353: {  	_ =	shalt  }

// kernel: sparse-core-data-format-call.cloned.1.call-start
scs
called_computation_lowered:
.L_overlay_start_0:
0x0: {  	s2 =	sld [smem:$0x3FD9]  }
0x1: {  	s3 =	sld [smem:$0x3FFE];
	_ =	sdelay $0x1  }
0x2: {  	s1 =	srdreg.scid  }
0x3: {  	s0 =	sand.u32 $0x1, s1  }
0x4: {  	s18 =	sshll.u32 s0, $0xA;
	s2 =	sadd.s32 s3, s2  }
0x5: {  	s2 =	sadd.s32 s2, s18  }
0x6: {  	[smem:$0x3FC6] =	sst s2  }
0x7: {  	_ = 	snop  }
0x8: {  	s2 =	sld [smem:$0x3FC8];
	(tm) =	ssettm $0x1  }
0x9: {  	s19 =	sld [smem:$0x3FFB];
	_ =	sdelay $0x3  }
0xa: {  	_ =	strace s19  }
0xb: {  	s3 =	sld [smem:$0x3FFC];
	_ =	sdelay $0x3  }
0xc: {  	_ =	strace s3  }
0xd: {  	s3 =	sld [smem:$0x3FFD];
	_ =	sdelay $0x3  }
0xe: {  	_ =	strace s3  }
0xf: {  	_ =	strace $0x8FFFFFFF  }
0x10: {  	s20 =	sld [smem:$0x3FDB];
	_ =	sdelay $0x1  }
0x11: {  	s4 =	simm.s32 $_scs_section_size  }
0x12: {  	s5 =	simm.s32 $_size__tile_overlayer_lowered;
	s6 =	simm.s32 $_tile_overlayer_lowered  }
0x13: {  	s23 =	simm.s32 $0x1BFF;
	s22 =	sshll.u32 s6, $0x1;
	s3 =	sadd.s32 s4, s20  }
0x14: {  	s7 =	simm.s32 $0x0;
	s21 =	sshll.u32 s5, $0x1;
	s5 =	sadd.s32 s22, s3  }
0x15: {  	[timem:s7], [sflag:s23] =	dma.local [hbm:s5], s21  }
0x16: {  	_ =	swait.ge [sflag:s23], s21  }
0x17: {  	s4 =	ssub.s32 $0x0, s21;
	[sflag:s23] =	ssyncset.done $0x0  }
0x18: {  	[sflag:s23] =	ssyncadd.s32 s4;
	_ =	sdelay $0x1  }
0x19: {  	s24 =	simm.s32 $0x1B8B  }
0x1a: {  	_ =	swait.ge [sflag:s24], $0x1  }
0x1b: {  	[sflag:s24] =	ssyncset.done $0x0  }
0x1c: {  	s26 =	simm.s32 $0x1B8E;
	s25 =	sld [smem:$0x3FFE];
	[sflag:s24] =	ssyncadd.s32 $0xFFFFFFFF  }
0x1d: {  	s27 =	simm.s32 $execute0_lowered;
	[smem:$0x3FD2] =	sst s26  }
0x1e: {  	s5 =	sshll.u32 s27, $0x1;
	_ =	strace $0x80000046;
	[dreg:$0x1] =	wrdreg $0xFFFFFFFF  }
0x1f: {  	s28 =	simm.s32 $_size_execute0_lowered;
	s3 =	sadd.s32 s3, s5;
	[dreg:$0x0] =	wrdreg $0x0  }
0x20: {  	s5 =	sshll.u32 s28, $0x1;
	[dreg:$0x2] =	wrdreg s3  }
0x21: {  	[dreg:$0x3] =	wrdreg s5  }
0x22: {  	[dreg:$0x4] =	wrdreg $0xC0  }
0x23: {  	_ =	task [dreg:s7], $0x5FFFF  }
0x24: {  	[dreg:$0x1] =	wrdreg $0xFFFFFFFF  }
0x25: {  	[dreg:$0x0] =	wrdreg $0x60  }
0x26: {  	[dreg:$0x2] =	wrdreg s2  }
0x27: {  	[dreg:$0x3] =	wrdreg s25  }
0x28: {  	[dreg:$0x4] =	wrdreg $0x9  }
0x29: {  	_ =	task.clear_ibuf [dreg:s7], $0x5FFFF;
	_ =	strace $0x90000046  }
0x2a: {  	s29 =	simm.s32 $0x9;
	_ =	strace $0x80000048  }
0x2b: {  	_ =	swait.ge [sflag:s29], $0x1  }
0x2c: {  	[sflag:s29] =	ssyncadd.s32 $0xFFFFFFFF  }
0x2d: {  	_ =	strace $0x90000048  }
0x2e: {  	_ =	sfence  }
0x2f: {  	s30 =	sld [smem:$0x0];
	_ =	sdelay $0x2  }
0x30: {  	s31 =	sshll.u32 s1, $0xD;
	s1 =	sshrl.u32 s1, $0x2  }
0x31: {  	s3 =	sand.u32 $0x4000, s31;
	s1 =	sadd.s32 s1, s30  }
0x32: {  	s0 =	sor.u32 s3, s0;
	s1 =	sshll.u32 s1, $0x11  }
0x33: {  	s0 =	sor.u32 s1, s0  }
0x34: {  	s0 =	sadd.s32 $0x8F2B, s0  }
0x35: {  	[sflag:s0] =	ssyncadd.remote.s32 $0x1  }
0x36: {  	_ =	sfence.sel $0xFFFF  }
0x37: {  	[dreg:$0x0] =	wrdreg $0xFFFFFFFF;
	(pc) =	sbr.abs _section_cstart, $3  }
0x38: {  	[dreg:$0x1] =	wrdreg $0xFFFFFFFF  }
0x39: {  	_ =	task.clear_ibuf [dreg:s7], $0x2FFFF;
	_ =	strace $0x9FFFFFFF  }
0x3a: {  	(tm) =	ssettm $0x7FFFFFFF  }
0x3b: {  	_ =	shalt  }
tec
execute0_lowered:
.L_overlay_start_1:
0x0: {  	(tag) =	ssettag $0x1  }
0x1: {  	s0 =	srdreg.scid;
	s2 =	rddreg [dreg:$0x0]  }
0x2: {  	s5 =	rddreg [dreg:$0x1];
	s1 =	stileid.u32  }
0x3: {  	s4 =	simm.s32 $0x1;
	s6 =	simm.s32 $0x2;
	s15 =	simm.s32 $0x0  }
0x4: {  	p0 =	por $0x0, $0x0;
	s8 =	simm.s32 $0x80;
	s0 =	sshll.u32 s0, $0x4  }
0x5: {  	s14 =	simm.s32 $0x0;
	s9 =	simm.s32 $0x0;
	s3 =	sand.u32 $0x10, s0  }
.Ltmp0:
0x6: {  	s10 =	simm.s32 $0x0;
	s3 =	sor.u32 s1, s3;
	(pc) =	sbr.rel .LBB1_1-.Ltmp0, $4  }
0x7: {  	s0 =	rddreg [dreg:$0x2];
	_ =	strace $0x80000047;
	s3 =	sshll.u32 s3, $0x7  }
0x8: {  	s12 =	simm.s32 $0x0;
	[sflag:s4] =	ssyncpa.u1 $0x0;
	s7 =	ssub.s32 $0xF4200, s3  }
0x9: {  	s13 =	simm.s32 $0x0;
	[sflag:s6] =	ssyncpa.u1 $0x0;
	s6 =	sshrl.u32 s7, $0xC  }
0xa: {  	s5 =	sadd.s32 $0xA00, s5;
	s11 =	smov.u32 s3;
	s7 =	sadd.s32 $0x2, s6  }
.LBB1_5:
0xb: {  	p1 =	slt.u32 s13, $0x2  }
0xc: {  	s17 =	smov.u32 s15;
	p2 =	sgt.s32 @!p1 s15, $0xF41C0;
	s16 =	sshra.s32 @!p1 s15, $0x1F  }
0xd: {  	p3 =	sgt.s32 @!p1 s14, $0x40;
	s18 =	sshra.s32 @!p1 s14, $0x1F;
	p2 =	por !p2, p1  }
0xe: {  	s15 =	sand.u32 @!p1 s16, s15;
	p3 =	por !p3, p1;
	s16 =	smov.u32 s14  }
0xf: {  	s14 =	sand.u32 @!p1 s18, s14;
	s17 =	simm.s32 @p2 $0xF41C0;
	s16 =	simm.s32 @p3 $0x40  }
0x10: {  	s15 =	ssub.s32 @!p1 s17, s15;
	s14 =	ssub.s32 @!p1 s16, s14  }
0x11: {  	s18 =	smov.u32 s12;
	s16 =	sadd.s32 @!p1 $0xFFF0BE40, s15;
	s17 =	sadd.s32 @!p1 $0xFFFFFFC0, s14  }
0x12: {  	s15 =	ssub.s32 @!p1 $0xF4240, s15;
	p2 =	sgt.s32 @!p1 s16, $0x7F;
	p3 =	sgt.s32 @!p1 s17, $0x3F  }
0x13: {  	s14 =	ssub.s32 @!p1 $0x80, s14;
	p2 =	por !p2, p1;
	p3 =	por !p3, p1  }
0x14: {  	s16 =	sadd.s32 $0x1000, s11;
	s15 =	simm.s32 @!p2 $0x0;
	s14 =	simm.s32 @!p3 $0x0  }
0x15: {  	p2 =	sgt.s32 s16, $0xF423F;
	s14 =	smul.u32 @!p1 s14, s15;
	s15 =	sadd.s32 $0x40, s12  }
0x16: {  	s18 =	smov.u32 @p2 s15  }
0x17: {  	s16 =	smov.u32 @p2 s3;
	p2 =	sgt.s32 s18, $0x3F  }
0x18: {  	s18 =	simm.s32 @p2 $0x0;
	p2 =	sne.s32 s13, s7  }
.Ltmp1:
0x19: {  	p0 =	por !p0, !p0;
	s17 =	simm.s32 @!p1 $0x2;
	(pc) =	sbr.rel @!p2 .LBB1_6-.Ltmp1, $4  }
0x1a: {  	s15 =	smov.u32 s9;
	s9 =	smov.u32 s11;
	s14 =	sand.u32 @!p1 $0x3FFFFFFF, s14  }
0x1b: {  	s11 =	smov.u32 s16;
	_ =	swait.ge @!p1 [sflag:s17], s14;
	s19 =	ssub.s32 @!p1 $0x0, s14  }
0x1c: {  	s14 =	smov.u32 s10;
	s13 =	sadd.s32 $0x1, s13;
	[sflag:s17] =	ssyncset.done @!p1 $0x0  }
0x1d: {  	s10 =	smov.u32 s12;
	s12 =	smov.u32 s18;
	[sflag:s17] =	ssyncadd.s32 @!p1 s19  }
.LBB1_1:
0x1e: {  	p1 =	sgt.u32 s13, s6  }
0x1f: {  	s16 =	sshrl.u32 @!p1 s12, $0x3  }
0x20: {  	s17 =	sshll.u32 @!p1 s11, $0x3;
	s16 =	smul.u32 @!p1 $0x7A1400, s16  }
0x21: {  	s18 =	sshll.u32 @!p1 s12, $0x7;
	s17 =	sand.u32 @!p1 $0xFFFFFC00, s17  }
0x22: {  	s16 =	sadd.s32 @!p1 s16, s17;
	s17 =	sand.u32 @!p1 $0x380, s18  }
0x23: {  	s18 =	sand.u32 @!p1 $0x7F, s11;
	s16 =	sor.u32 @!p1 s17, s16  }
0x24: {  	s17 =	sor.u32 @!p1 s18, s16  }
0x25: {  	s18 =	smulhi.u32 @!p1 $0x218D6287, s17;
	_ =	sdelay $0x1  }
0x26: {  	s16 =	smulhi.u32 @!p1 $0x218D6287, s16;
	s18 =	sshrl.u32 @!p1 s18, $0x11  }
0x27: {  	s18 =	smul.u32 @!p1 $0xF4280, s18  }
0x28: {  	s19 =	sxor.u32 @!p1 $0xFFFFFFFF, s13;
	s16 =	sshrl.u32 @!p1 s16, $0x11  }
0x29: {  	s19 =	sshll.u32 @!p1 s19, $0xD;
	s16 =	sand.u32 @!p1 $0x3F, s16;
	s17 =	ssub.s32 @!p1 s17, s18  }
0x2a: {  	s16 =	smul.u32 @!p1 $0x1E850, s16;
	s18 =	sshrl.u32 @!p1 s17, $0x3;
	s17 =	sand.u32 @!p1 $0x7, s17  }
0x2b: {  	s19 =	sand.u32 @!p1 $0x2000, s19;
	s18 =	sadd.s32 @!p1 s2, s18;
	s17 =	sshll.u32 @!p1 s17, $0x12  }
0x2c: {  	s16 =	sadd.s32 @!p1 s16, s18;
	s17 =	sor.u32 @!p1 $0x400, s17;
	s18 =	simm.s32 @!p1 $0x7A1400  }
0x2d: {  	[tilespmem:s19], [sflag:$0x1] =	stream.strided.gather @!p1 [hbm4b:s16+s17], $0x2000, s18, s17, $0x38;
	[tilespmem:$0x8100] =	vst v63  }
0x2e: {  	p1 =	seq.s32 s13, $0x0  }
0x2f: {  	p2 =	sge.u32 @!p1 s13, s7  }
0x30: {  	p1 =	por p1, p2  }
.Ltmp2:
0x31: {  	_ = 	snop;
	(pc) =	sbr.rel @p1 .LBB1_5-.Ltmp2, $1  }
0x32: {  	_ =	sdelay $0x3  }
0x33: {  	s16 =	simm.s32 $0x1  }
0x34: {  	_ =	swait.ge [sflag:s4], $0x2000;
	s16 =	simm.s32 @!p0 $0x0  }
0x35: {  	[sflag:s4] =	ssyncset.done $0x0;
	s17 =	sshll.u32 s16, $0xD  }
0x36: {  	[sflag:s4] =	ssyncadd.s32 $0xFFFFE000;
	s17 =	sor.u32 $0x40, s17  }
0x37: {  	s16 =	smul.u32 $0x8200, s16;
	v0 =	vld [tilespmem:s17+$0x30]  }
0x38: {  	v1 =	vld [tilespmem:s17+$0xFFFFFFD0]  }
0x39: {  	s16 =	sshrl.u32 s16, $0x2;
	v5 =	vld [tilespmem:s17+$0xFFFFFFE0]  }
0x3a: {  	v6 =	vld [tilespmem:s17+$0xFFFFFFF0];
	s19 =	sor.u32 $0x4000, s16  }
0x3b: {  	s31 =	sand.u32 $0x1, s13;
	v4 =	vld [tilespmem:s17+$0x0];
	s18 =	sadd.s32 $0x0, s19  }
0x3c: {  	v3 =	vld [tilespmem:s17+$0x10];
	s16 =	smul.u32 $0x8200, s31;
	[tilespmem:s18+$0x1C70 ss:$0x41] =	vst.msk $0xffff, v0  }
0x3d: {  	v2 =	vld [tilespmem:s17+$0x20];
	[tilespmem:s18+$0x410 ss:$0x41] =	vst.msk $0xffff, v1  }
0x3e: {  	s16 =	sshrl.u32 s16, $0x2;
	v1 =	vld [tilespmem:s17+$0xFFFFFFC0];
	[tilespmem:s18+$0x820 ss:$0x41] =	vst.msk $0xffff, v5;
	s17 =	sadd.s32 $0x80, s17  }
0x3f: {  	s20 =	simm.s32 $0x4;
	s21 =	simm.s32 $0x8;
	s16 =	sor.u32 $0x4000, s16;
	[tilespmem:s18+$0xC30 ss:$0x41] =	vst.msk $0xffff, v6;
	v0 =	vld [tilespmem:s17+$0x30]  }
.LBB1_3:
0x40: {  	p1 =	sne.s32 s21, $0xFC;
	v5 =	vld [tilespmem:s17+$0xFFFFFFD0];
	[tilespmem:s18+$0x1040 ss:$0x41] =	vst.msk $0xffff, v4  }
0x41: {  	v6 =	vld [tilespmem:s17+$0xFFFFFFE0];
	[tilespmem:s18+$0x1450 ss:$0x41] =	vst.msk $0xffff, v3  }
0x42: {  	s22 =	sshra.s32 s20, $0x2;
	s20 =	smov.u32 s21;
	v7 =	vld [tilespmem:s17+$0xFFFFFFF0];
	[tilespmem:s18+$0x1860 ss:$0x41] =	vst.msk $0xffff, v2  }
.Ltmp3:
0x43: {  	v4 =	vld [tilespmem:s17+$0x0];
	[tilespmem:s18+$0x0 ss:$0x41] =	vst.msk $0xffff, v1;
	s18 =	sadd.s32 s22, s19;
	(pc) =	sbr.rel @p1 .LBB1_3-.Ltmp3, $4  }
0x44: {  	v3 =	vld [tilespmem:s17+$0x10];
	[tilespmem:s18+$0x1C70 ss:$0x41] =	vst.msk $0xffff, v0  }
0x45: {  	[tilespmem:s18+$0x410 ss:$0x41] =	vst.msk $0xffff, v5;
	v2 =	vld [tilespmem:s17+$0x20]  }
0x46: {  	v1 =	vld [tilespmem:s17+$0xFFFFFFC0];
	[tilespmem:s18+$0x820 ss:$0x41] =	vst.msk $0xffff, v6;
	s17 =	sadd.s32 $0x80, s17  }
0x47: {  	s21 =	sadd.s32 $0x4, s21;
	v0 =	vld [tilespmem:s17+$0x30];
	[tilespmem:s18+$0xC30 ss:$0x41] =	vst.msk $0xffff, v7  }
0x48: {  	s21 =	sshll.u32 s9, $0x7;
	s22 =	sshll.u32 s10, $0x3;
	s20 =	sshra.s32 s20, $0x2  }
0x49: {  	p1 =	sgt.s32 s9, $0xF41C0;
	s30 =	sshra.s32 s9, $0x1F;
	s25 =	sshra.s32 s10, $0x1F  }
0x4a: {  	v5 =	vld [tilespmem:s17+$0xFFFFFFD0];
	s28 =	sshrl.u32 s10, $0x3;
	s23 =	sand.u32 $0xFFFFFC00, s21;
	s22 =	sand.u32 $0xFFFFFC00, s22  }
0x4b: {  	[tilespmem:s18+$0x1040 ss:$0x41] =	vst.msk $0xffff, v4;
	v58 =	vld [tilespmem:s17+$0xFFFFFFE0];
	s21 =	sand.u32 $0x380, s21;
	s19 =	sadd.s32 s20, s19;
	s22 =	sadd.s32 s22, s23  }
0x4c: {  	v59 =	vld [tilespmem:s17+$0xFFFFFFF0];
	[tilespmem:s18+$0x1450 ss:$0x41] =	vst.msk $0xffff, v3;
	s29 =	sor.u32 s21, s22;
	s21 =	smov.u32 s9;
	s22 =	sand.u32 s30, s9  }
0x4d: {  	v60 =	vld [tilespmem:s17+$0x0];
	[tilespmem:s18+$0x1860 ss:$0x41] =	vst.msk $0xffff, v2;
	s30 =	sand.u32 $0x7, s10;
	s20 =	sshrl.u32 s29, $0x7;
	s21 =	simm.s32 @!p1 $0xF41C0  }
0x4e: {  	v61 =	vld [tilespmem:s17+$0x10];
	[tilespmem:s18+$0x0 ss:$0x41] =	vst.msk $0xffff, v1;
	p1 =	sgt.s32 s10, $0x40;
	s24 =	ssub.s32 s21, s22;
	s21 =	smov.u32 s10  }
0x4f: {  	v62 =	vld [tilespmem:s17+$0x20];
	[tilespmem:s19+$0x1C70 ss:$0x41] =	vst.msk $0xffff, v0;
	s31 =	smulhi.u32 $0x218DEF5, s20;
	s22 =	sand.u32 s25, s10;
	s21 =	simm.s32 @!p1 $0x40  }
0x50: {  	v63 =	vld [tilespmem:s17+$0xFFFFFFC0];
	[tilespmem:s19+$0x410 ss:$0x41] =	vst.msk $0xffff, v5;
	s26 =	sadd.s32 $0xFFF0BE40, s24;
	s17 =	ssub.s32 $0xF4240, s24;
	s21 =	ssub.s32 s21, s22  }
0x51: {  	[tilespmem:s19+$0x820 ss:$0x41] =	vst.msk $0xffff, v58;
	s23 =	sshrl.u32 s31, $0xD;
	p1 =	sgt.s32 s26, $0x7F;
	s27 =	sadd.s32 $0xFFFFFFC0, s21  }
0x52: {  	[tilespmem:s19+$0xC30 ss:$0x41] =	vst.msk $0xffff, v59;
	s23 =	smul.u32 $0xF4240, s23;
	s18 =	ssub.s32 $0x80, s21;
	p2 =	sgt.s32 s27, $0x3F  }
.Ltmp4:
0x53: {  	[tilespmem:s19+$0x1040 ss:$0x41] =	vst.msk $0xffff, v60;
	s17 =	simm.s32 @p1 $0x0;
	s18 =	simm.s32 @p2 $0x0;
	(pc) =	sbr.rel .LBB1_5-.Ltmp4, $4  }
0x54: {  	s29 =	sand.u32 $0xF, s28;
	[tilespmem:s19+$0x1450 ss:$0x41] =	vst.msk $0xffff, v61;
	s20 =	ssub.s32 s20, s23;
	s17 =	smul.u32 s18, s17  }
0x55: {  	[tilespmem:s19+$0x1860 ss:$0x41] =	vst.msk $0xffff, v62;
	s21 =	sshll.u32 s30, $0x12;
	s20 =	sshll.u32 s20, $0x4;
	s18 =	sadd.s32 s5, s29  }
0x56: {  	[tilespmem:s19+$0x0 ss:$0x41] =	vst.msk $0xffff, v63;
	s31 =	sor.u32 $0x40, s21;
	s18 =	sadd.s32 s20, s18;
	s17 =	sand.u32 $0x3FFFFFFF, s17  }
0x57: {  	[hbm4b:s18+s31] =	stream.strided.scatter [tilespmem:s16], [sflag:$0x2], s17, s8, s31, $0x18;
	[tilespmem:$0x8100] =	vst v63  }
.LBB1_6:
0x58: {  	_ =	sfence.sel $0x180000  }
0x59: {  	s2 =	simm.s32 $0x1;
	[bflag:$0x0] =	sbarrier.arrive $0xFFFF  }
0x5a: {  	s31 =	simm.s32 $0x2;
	[sflag:s2] =	ssyncpa.u1 $0x1  }
0x5b: {  	[sflag:s31] =	ssyncpa.u1 $0x1  }
0x5c: {  	p0 =	sne.s32 s1, $0x0;
	_ =	strace $0x90000047  }
0x5d: {  	s0 =	sadd.s32 @!p0 $0x100000, s0;
	[bflag:$0x2] =	sbarrier.arrive $0xFFFF  }
0x5e: {  	[sflag:s0] =	ssyncadd.tile.s32 @!p0 $0x1;
	_ =	shalt  }
.Lfunc_end1:
_tile_overlayer_lowered:
.L_overlay_start_2:
0x5f: {  	(tag) =	ssettag $0x2  }
0x60: {  	s0 =	rddreg [dreg:$0x0];
	s2 =	stileid.u32  }
0x61: {  	s1 =	rddreg [dreg:$0x1];
	p0 =	sne.s32 s2, $0x0  }
0x62: {  	s3 =	rddreg [dreg:$0x2];
	[bflag:$0x3] =	sbarrier.arrive $0xFFFF;
	s2 =	simm.s32 @!p0 $0x1C01  }
0x63: {  	[timem:s3], [sflag:s2] =	dma.local @!p0 [hbm:s0], s1  }
0x64: {  	s0 =	simm.s32 @!p0 $0x1  }
0x65: {  	_ =	swait.ge @!p0 [sflag:s0], s1  }
0x66: {  	s1 =	ssub.s32 @!p0 $0x0, s1;
	[sflag:s0] =	ssyncset.done @!p0 $0x0  }
0x67: {  	[sflag:s0] =	ssyncadd.s32 @!p0 s1  }
0x68: {  	[bflag:$0x3] =	sbarrier.arrive $0xFFFF  }
0x69: {  	_ =	shalt  }

</sc_bundles>
